<compile_context>
chip_gen: v7x
topology: tpu7x:2x2x1
jax: 0.10.2.dev20260603
libtpu: 0.0.44.dev20260713+nightly
codegen_flags: <defaults>
</compile_context>

<pallas_src>
import functools

import jax
import jax.numpy as jnp
from jax import lax
from jax.experimental import pallas as pl
from jax.experimental.pallas import tpu as pltpu
from jax.experimental.pallas import tpu_sc as plsc

_N = 10000
_E = 320000
_D = 128
_H = 128
_P = 1024
_G = 512
_K = 80
_NCHUNK = _E // _K
_NSUB = 16
_NIT = _NCHUNK // _NSUB
_GSZ = 10
_RPT = 624
_REM = _N - _NSUB * _RPT
_BN = 1000
_NB = _N // _BN

_ROWCHUNKS = []
_off = 0
while _off < _RPT:
    _sz = min(_K, _RPT - _off)
    _ROWCHUNKS.append((_off, _sz))
    _off += _sz


def _edge_agg_body(x_hbm, src_hbm, dst_hbm, zrows_hbm, ones_hbm,
                   acc_out, src_f, dst_v, rows_v, acc_sh,
                   g0, g1, s0, s1, i0, i1):
    cid = lax.axis_index("c")
    sid = lax.axis_index("s")
    r0 = pl.multiple_of(sid * _RPT, 8)
    w0 = pl.multiple_of(cid * _N + r0, 8)
    pltpu.sync_copy(zrows_hbm, rows_v.at[0])
    for off, sz in _ROWCHUNKS:
        pltpu.sync_copy(rows_v.at[0].at[pl.ds(0, sz)],
                        acc_sh.at[pl.ds(r0 + off, sz)])

    @pl.when(sid == _NSUB - 1)
    def _():
        pltpu.sync_copy(rows_v.at[0].at[pl.ds(0, _REM)],
                        acc_sh.at[pl.ds(_NSUB * _RPT, _REM)])

    plsc.subcore_barrier()

    gsem = (g0, g1)
    ssem = (s0, s1)
    isem = (i0, i1)

    def _base(m):
        return pl.multiple_of((sid * _NIT + m) * _K, _K)

    @pl.when(cid == 0)
    def _():
        def gfire(q, b):
            pltpu.async_copy(x_hbm.at[src_f.at[pl.ds(q * _K, _K)]],
                             rows_v.at[b], gsem[b])

        def gwait(q, b):
            pltpu.make_async_copy(x_hbm.at[src_f.at[pl.ds(q * _K, _K)]],
                                  rows_v.at[b], gsem[b]).wait()

        def dload(g, q, b):
            pltpu.async_copy(dst_hbm.at[pl.ds(_base(g * _GSZ + q), _K)],
                             dst_v.at[b], isem[b])

        def idrain(g, q, b):
            pltpu.make_async_copy(dst_hbm.at[pl.ds(_base(g * _GSZ + q), _K)],
                                  dst_v.at[b], isem[b]).wait()

        def sfire(b):
            pltpu.async_copy(rows_v.at[b], acc_sh.at[dst_v.at[b]], ssem[b],
                             add=True)

        def sdrain(b):
            pltpu.make_async_copy(rows_v.at[b], acc_sh.at[dst_v.at[b]],
                                  ssem[b]).wait()

        def group(g, carry):
            gb = pl.multiple_of((sid * _NIT + g * _GSZ) * _K, _K)
            pltpu.sync_copy(src_hbm.at[pl.ds(gb, _GSZ * _K)], src_f)
            dload(g, 0, 0)
            gfire(0, 0)
            for q in range(_GSZ):
                b = q & 1
                gwait(q, b)
                idrain(g, q, b)
                sfire(b)
                if q == 0:
                    @pl.when(g > 0)
                    def _():
                        sdrain(1 - b)
                else:
                    sdrain(1 - b)
                if q + 1 < _GSZ:
                    gfire(q + 1, 1 - b)
                    dload(g, q + 1, 1 - b)
            return carry

        lax.fori_loop(0, _NIT // _GSZ, group, 0)
        sdrain((_GSZ - 1) & 1)

    @pl.when(cid == 1)
    def _():
        pltpu.sync_copy(ones_hbm, rows_v.at[0])

        def dload(m, b):
            pltpu.sync_copy(dst_hbm.at[pl.ds(_base(m), _K)], dst_v.at[b])

        def sfire(b):
            pltpu.async_copy(rows_v.at[0], acc_sh.at[dst_v.at[b]], ssem[b],
                             add=True)

        def sdrain(b):
            pltpu.make_async_copy(rows_v.at[0], acc_sh.at[dst_v.at[b]],
                                  ssem[b]).wait()

        dload(0, 0)
        dload(1, 1)

        def outer(t, carry):
            m0 = 2 * t
            sfire(0)
            sfire(1)
            sdrain(0)

            @pl.when(m0 + 2 < _NIT)
            def _():
                dload(m0 + 2, 0)

            sdrain(1)

            @pl.when(m0 + 3 < _NIT)
            def _():
                dload(m0 + 3, 1)

            return carry

        lax.fori_loop(0, _NIT // 2, outer, 0)

    plsc.subcore_barrier()
    for off, sz in _ROWCHUNKS:
        pltpu.sync_copy(acc_sh.at[pl.ds(r0 + off, sz)],
                        rows_v.at[0].at[pl.ds(0, sz)])
        pltpu.sync_copy(rows_v.at[0].at[pl.ds(0, sz)],
                        acc_out.at[pl.ds(w0 + off, sz)])

    @pl.when(sid == _NSUB - 1)
    def _():
        w1 = pl.multiple_of(cid * _N + _NSUB * _RPT, 8)
        pltpu.sync_copy(acc_sh.at[pl.ds(_NSUB * _RPT, _REM)],
                        rows_v.at[0].at[pl.ds(0, _REM)])
        pltpu.sync_copy(rows_v.at[0].at[pl.ds(0, _REM)],
                        acc_out.at[pl.ds(w1, _REM)])


@functools.cache
def _edge_agg_kernel():
    return pl.kernel(
        _edge_agg_body,
        mesh=plsc.VectorSubcoreMesh(core_axis_name="c", subcore_axis_name="s"),
        out_type=jax.ShapeDtypeStruct((2 * _N, _D), jnp.float32),
        scratch_types=[
            pltpu.VMEM((_GSZ * _K,), jnp.int32),
            pltpu.VMEM((2, _K), jnp.int32),
            pltpu.VMEM((2, _K, _D), jnp.float32),
            pltpu.VMEM_SHARED((_N, _D), jnp.float32),
            pltpu.SemaphoreType.DMA,
            pltpu.SemaphoreType.DMA,
            pltpu.SemaphoreType.DMA,
            pltpu.SemaphoreType.DMA,
            pltpu.SemaphoreType.DMA,
            pltpu.SemaphoreType.DMA,
        ],
    )


def _tc_body(agg_ref, cnt_ref, x_ref, batch_ref,
             wn_ref, ws_ref, bs_ref, pe_ref, wp_ref, bp_ref,
             wi_ref, bi_ref, wo_ref, bo_ref, out_ref, acc_sum, acc_cnt):
    i = pl.program_id(0)

    @pl.when(i == 0)
    def _():
        acc_sum[...] = jnp.zeros_like(acc_sum)
        acc_cnt[...] = jnp.zeros_like(acc_cnt)

    agg = agg_ref[...]
    cnt = cnt_ref[...][:, :1]
    mean_agg = agg / jnp.maximum(cnt, 1.0)
    h = jnp.dot(mean_agg, wn_ref[...], preferred_element_type=jnp.float32)
    h = h + jnp.dot(x_ref[...], ws_ref[...], preferred_element_type=jnp.float32)
    h = jax.nn.relu(h + bs_ref[...])
    b = batch_ref[...].reshape(1, _BN)
    gids = lax.broadcasted_iota(jnp.int32, (_G, _BN), 0)
    onehot = (gids == b).astype(jnp.float32)
    acc_sum[...] += jnp.dot(onehot, h, preferred_element_type=jnp.float32)
    acc_cnt[...] += jnp.sum(onehot, axis=1, keepdims=True)

    @pl.when(i == _NB - 1)
    def _():
        pooled = acc_sum[...] / jnp.maximum(acc_cnt[...][:, :1], 1.0)
        prot = jnp.dot(pe_ref[...], wp_ref[...],
                       preferred_element_type=jnp.float32) + bp_ref[...]
        comb = jnp.concatenate([pooled, prot], axis=1)
        inter = jax.nn.relu(
            jnp.dot(comb, wi_ref[...], preferred_element_type=jnp.float32)
            + bi_ref[...])
        out_ref[...] = jnp.dot(inter, wo_ref[...],
                               preferred_element_type=jnp.float32) + bo_ref[...]


def _tc_fused(acc, x, batch3, W_neigh, W_self, b_sage2,
              pe, W_prot, b_prot2, W_inter, b_inter2, W_out, b_out2):
    return pl.pallas_call(
        _tc_body,
        grid=(_NB,),
        in_specs=[
            pl.BlockSpec((_BN, _D), lambda i: (i, 0)),
            pl.BlockSpec((_BN, _D), lambda i: (i + _NB, 0)),
            pl.BlockSpec((_BN, _D), lambda i: (i, 0)),
            pl.BlockSpec((1, 1, _BN), lambda i: (i, 0, 0)),
            pl.BlockSpec((_D, _H), lambda i: (0, 0)),
            pl.BlockSpec((_D, _H), lambda i: (0, 0)),
            pl.BlockSpec((1, _H), lambda i: (0, 0)),
            pl.BlockSpec((_G, _P), lambda i: (0, 0)),
            pl.BlockSpec((_P, _H), lambda i: (0, 0)),
            pl.BlockSpec((1, _H), lambda i: (0, 0)),
            pl.BlockSpec((2 * _H, _H), lambda i: (0, 0)),
            pl.BlockSpec((1, _H), lambda i: (0, 0)),
            pl.BlockSpec((_H, 1), lambda i: (0, 0)),
            pl.BlockSpec((1, 1), lambda i: (0, 0)),
        ],
        out_specs=pl.BlockSpec((_G, 1), lambda i: (0, 0)),
        out_shape=jax.ShapeDtypeStruct((_G, 1), jnp.float32),
        scratch_shapes=[
            pltpu.VMEM((_G, _H), jnp.float32),
            pltpu.VMEM((_G, _H), jnp.float32),
        ],
        compiler_params=pltpu.CompilerParams(
            dimension_semantics=("arbitrary",)),
    )(acc, acc, x, batch3, W_neigh, W_self,
      b_sage2, pe, W_prot, b_prot2, W_inter, b_inter2, W_out, b_out2)


def kernel(x, edge_index, batch, protein_embedding, W_neigh, W_self, b_sage,
           W_prot, b_prot, W_inter, b_inter, W_out, b_out):
    src = edge_index[0]
    dst = edge_index[1]
    zrows = jnp.zeros((_K, _D), jnp.float32)
    ones = jnp.ones((_K, _D), jnp.float32)
    acc = _edge_agg_kernel()(x, src, dst, zrows, ones)
    batch3 = batch.reshape(_NB, 1, _BN)
    return _tc_fused(acc, x, batch3, W_neigh, W_self,
                     b_sage.reshape(1, _H), protein_embedding, W_prot,
                     b_prot.reshape(1, _H), W_inter, b_inter.reshape(1, _H),
                     W_out, b_out.reshape(1, 1))

# --- scband reference (transcript-rebuilt; emitter-appended) ---
"""Pipeline reference for scband-drug-protein-model-12661563588711 (READ-ONLY COPY).

The authoritative reference and input builder live on the scoring server;
editing this copy changes nothing except your own understanding.
"""

import jax, jax.numpy as jnp
import numpy as np

N = 10000      # drug atoms (nodes)
E = 320000     # bonds (edges), avg_degree=32
D = 128        # drug_in_channels
H = 128        # hidden_channels
P = 1024       # protein_embedding_size
G = 512        # number of drug graphs / protein pairs in batch
OUT = 1        # out_channels


def setup_inputs(seed: int = 0) -> dict:
    key = jax.random.key(seed)
    ks = jax.random.split(key, 12)
    x = jax.random.normal(ks[0], (N, D), dtype=jnp.float32)
    edge_index = jax.random.randint(ks[1], (2, E), 0, N, dtype=jnp.int32)
    batch = jnp.sort(jax.random.randint(ks[2], (N,), 0, G, dtype=jnp.int32))
    protein_embedding = jax.random.normal(ks[3], (G, P), dtype=jnp.float32)
    # SAGEConv params: lin_l acts on aggregated neighbors (has bias), lin_r on self
    W_neigh = jax.random.normal(ks[4], (D, H), dtype=jnp.float32) / np.sqrt(D)
    W_self = jax.random.normal(ks[5], (D, H), dtype=jnp.float32) / np.sqrt(D)
    b_sage = jnp.zeros((H,), dtype=jnp.float32)
    # protein_lin
    W_prot = jax.random.normal(ks[6], (P, H), dtype=jnp.float32) / np.sqrt(P)
    b_prot = jnp.zeros((H,), dtype=jnp.float32)
    # interaction_lin
    W_inter = jax.random.normal(ks[7], (2 * H, H), dtype=jnp.float32) / np.sqrt(2 * H)
    b_inter = jnp.zeros((H,), dtype=jnp.float32)
    # final lin
    W_out = jax.random.normal(ks[8], (H, OUT), dtype=jnp.float32) / np.sqrt(H)
    b_out = jnp.zeros((OUT,), dtype=jnp.float32)
    return {
        "x": x, "edge_index": edge_index, "batch": batch,
        "protein_embedding": protein_embedding,
        "W_neigh": W_neigh, "W_self": W_self, "b_sage": b_sage,
        "W_prot": W_prot, "b_prot": b_prot,
        "W_inter": W_inter, "b_inter": b_inter,
        "W_out": W_out, "b_out": b_out,
    }


def reference(x, edge_index, batch, protein_embedding,
              W_neigh, W_self, b_sage, W_prot, b_prot,
              W_inter, b_inter, W_out, b_out):
    src = edge_index[0]
    dst = edge_index[1]
    # SAGEConv with mean aggregation: out = lin_l(mean_j x_j) + lin_r(x_i)
    msg = jnp.take(x, src, axis=0)                      # gather [E, D]
    agg = jax.ops.segment_sum(msg, dst, num_segments=N)  # scatter-add
    cnt = jax.ops.segment_sum(jnp.ones((E, 1), dtype=x.dtype), dst, num_segments=N)
    mean_agg = agg / jnp.maximum(cnt, 1.0)
    drug_x = mean_agg @ W_neigh + x @ W_self + b_sage
    drug_x = jax.nn.relu(drug_x)
    # global_mean_pool over graph ids
    pool_sum = jax.ops.segment_sum(drug_x, batch, num_segments=G)
    pool_cnt = jax.ops.segment_sum(jnp.ones((N, 1), dtype=x.dtype), batch, num_segments=G)
    drug_pooled = pool_sum / jnp.maximum(pool_cnt, 1.0)
    # protein branch
    protein_x = protein_embedding @ W_prot + b_prot
    combined = jnp.concatenate([drug_pooled, protein_x], axis=1)
    interaction = jax.nn.relu(combined @ W_inter + b_inter)
    return interaction @ W_out + b_out

if __name__ == "__main__":
    import jax
    _d = setup_inputs()
    print(jax.jit(kernel)(*tuple(_d.values())))

</pallas_src>

<mosaic_0001>
#map = affine_map<(d0, d1) -> (0, 0)>
#map1 = affine_map<(d0, d1) -> (0)>
module attributes {stable_mosaic.version = 14 : i64} {
  func.func @_edge_agg_body(%arg0: i32, %arg1: i32, %arg2: memref<10000x128xf32, #tpu.memory_space<hbm>>, %arg3: memref<320000xi32, #tpu.memory_space<hbm>>, %arg4: memref<320000xi32, #tpu.memory_space<hbm>>, %arg5: memref<80x128xf32, #tpu.memory_space<hbm>>, %arg6: memref<80x128xf32, #tpu.memory_space<hbm>>, %arg7: memref<20000x128xf32, #tpu.memory_space<hbm>>, %arg8: memref<800xi32, #tpu.memory_space<vmem>>, %arg9: memref<2x80xi32, #tpu.memory_space<vmem>>, %arg10: memref<2x80x128xf32, #tpu.memory_space<vmem>>, %arg11: memref<10000x128xf32, #tpu.memory_space<vmem_shared>>, %arg12: memref<!tpu.dma_semaphore, #tpu.memory_space<semaphore_mem>>, %arg13: memref<!tpu.dma_semaphore, #tpu.memory_space<semaphore_mem>>, %arg14: memref<!tpu.dma_semaphore, #tpu.memory_space<semaphore_mem>>, %arg15: memref<!tpu.dma_semaphore, #tpu.memory_space<semaphore_mem>>, %arg16: memref<!tpu.dma_semaphore, #tpu.memory_space<semaphore_mem>>, %arg17: memref<!tpu.dma_semaphore, #tpu.memory_space<semaphore_mem>>) attributes {dimension_semantics = [#tpu.dimension_semantics<core_parallel>, #tpu.dimension_semantics<subcore_parallel>], iteration_bounds = array<i64: 2, 16>, scalar_prefetch = 0 : i64, scratch_operands = 10 : i64, tpu.core_type = #tpu.core_type<sc_vector_subcore>, window_params = [{transform_indices = #map}, {transform_indices = #map1}, {transform_indices = #map1}, {transform_indices = #map}, {transform_indices = #map}, {transform_indices = #map}]} {
    %mul3A = arith.constant 624 : i32
    %mul3A_0 = arith.muli %arg1, %mul3A : i32
    %multiple_of3A = tpu.assume_multiple %mul3A_0, 8 : i32
    %mul3A_1 = arith.constant 10000 : i32
    %mul3A_2 = arith.muli %arg0, %mul3A_1 : i32
    %add3A = arith.addi %mul3A_2, %multiple_of3A : i32
    %multiple_of3A_3 = tpu.assume_multiple %add3A, 8 : i32
    %run_scoped3A = arith.constant 0 : i32
    "tpu.region"() ({
      %run_scoped3A_94 = tpu.sem_alloc : memref<!tpu.dma_semaphore, #tpu.memory_space<semaphore_mem>>
      %dma_start3A = arith.constant 0 : i32
      %dma_start3A_95 = arith.constant 0 : i32
      %dma_start3A_96 = tpu.memref_slice %arg10[%run_scoped3A, %dma_start3A, %dma_start3A_95] : memref<2x80x128xf32, #tpu.memory_space<vmem>> -> memref<1x80x128xf32, #tpu.memory_space<vmem>>
      %dma_start3A_97 = tpu.memref_squeeze %dma_start3A_96 : memref<1x80x128xf32, #tpu.memory_space<vmem>> -> memref<80x128xf32, #tpu.memory_space<vmem>>
      %dma_start3A_98 = arith.constant 0 : i32
      %dma_start3A_99 = arith.constant 0 : i32
      %dma_start3A_100 = tpu.memref_slice %arg10[%run_scoped3A, %dma_start3A_98, %dma_start3A_99] : memref<2x80x128xf32, #tpu.memory_space<vmem>> -> memref<1x80x128xf32, #tpu.memory_space<vmem>>
      %dma_start3A_101 = tpu.memref_squeeze %dma_start3A_100 : memref<1x80x128xf32, #tpu.memory_space<vmem>> -> memref<80x128xf32, #tpu.memory_space<vmem>>
      tpu.enqueue_dma source(%arg5 : memref<80x128xf32, #tpu.memory_space<hbm>>) target(%dma_start3A_101 : memref<80x128xf32, #tpu.memory_space<vmem>>) target_semaphore(%run_scoped3A_94 : memref<!tpu.dma_semaphore, #tpu.memory_space<semaphore_mem>>)
      %dma_wait3A = arith.constant 0 : i32
      %dma_wait3A_102 = arith.constant 0 : i32
      %dma_wait3A_103 = tpu.memref_slice %arg10[%run_scoped3A, %dma_wait3A, %dma_wait3A_102] : memref<2x80x128xf32, #tpu.memory_space<vmem>> -> memref<1x80x128xf32, #tpu.memory_space<vmem>>
      %dma_wait3A_104 = tpu.memref_squeeze %dma_wait3A_103 : memref<1x80x128xf32, #tpu.memory_space<vmem>> -> memref<80x128xf32, #tpu.memory_space<vmem>>
      %dma_wait3A_105 = arith.constant 0 : i32
      %dma_wait3A_106 = arith.constant 0 : i32
      %dma_wait3A_107 = tpu.memref_slice %arg10[%run_scoped3A, %dma_wait3A_105, %dma_wait3A_106] : memref<2x80x128xf32, #tpu.memory_space<vmem>> -> memref<1x80x128xf32, #tpu.memory_space<vmem>>
      %dma_wait3A_108 = tpu.memref_squeeze %dma_wait3A_107 : memref<1x80x128xf32, #tpu.memory_space<vmem>> -> memref<80x128xf32, #tpu.memory_space<vmem>>
      tpu.wait_dma2 semaphore(%run_scoped3A_94 : memref<!tpu.dma_semaphore, #tpu.memory_space<semaphore_mem>>) src(%arg5 : memref<80x128xf32, #tpu.memory_space<hbm>>) dst(%dma_wait3A_108 : memref<80x128xf32, #tpu.memory_space<vmem>>)
      tpu.yield
    }) : () -> ()
    %add3A_4 = arith.constant 0 : i32
    %add3A_5 = arith.addi %multiple_of3A, %add3A_4 : i32
    %run_scoped3A_6 = arith.constant 0 : i32
    "tpu.region"() ({
      %run_scoped3A_94 = tpu.sem_alloc : memref<!tpu.dma_semaphore, #tpu.memory_space<semaphore_mem>>
      %dma_start3A = arith.constant 0 : i32
      %dma_start3A_95 = arith.constant 0 : i32
      %dma_start3A_96 = tpu.memref_slice %arg10[%run_scoped3A_6, %dma_start3A, %dma_start3A_95] : memref<2x80x128xf32, #tpu.memory_space<vmem>> -> memref<1x80x128xf32, #tpu.memory_space<vmem>>
      %dma_start3A_97 = tpu.memref_squeeze %dma_start3A_96 : memref<1x80x128xf32, #tpu.memory_space<vmem>> -> memref<80x128xf32, #tpu.memory_space<vmem>>
      %dma_start3A_98 = arith.constant 0 : i32
      %dma_start3A_99 = arith.constant 0 : i32
      %dma_start3A_100 = tpu.memref_slice %dma_start3A_97[%dma_start3A_98, %dma_start3A_99] : memref<80x128xf32, #tpu.memory_space<vmem>> -> memref<80x128xf32, #tpu.memory_space<vmem>>
      %dma_start3A_101 = arith.constant 0 : i32
      %dma_start3A_102 = tpu.memref_slice %arg11[%add3A_5, %dma_start3A_101] : memref<10000x128xf32, #tpu.memory_space<vmem_shared>> -> memref<80x128xf32, #tpu.memory_space<vmem_shared>>
      %dma_start3A_103 = arith.constant 0 : i32
      %dma_start3A_104 = tpu.memref_slice %arg11[%add3A_5, %dma_start3A_103] : memref<10000x128xf32, #tpu.memory_space<vmem_shared>> -> memref<80x128xf32, #tpu.memory_space<vmem_shared>>
      %dma_start3A_105 = arith.constant 0 : i32
      %dma_start3A_106 = arith.constant 0 : i32
      %dma_start3A_107 = tpu.memref_slice %arg10[%run_scoped3A_6, %dma_start3A_105, %dma_start3A_106] : memref<2x80x128xf32, #tpu.memory_space<vmem>> -> memref<1x80x128xf32, #tpu.memory_space<vmem>>
      %dma_start3A_108 = tpu.memref_squeeze %dma_start3A_107 : memref<1x80x128xf32, #tpu.memory_space<vmem>> -> memref<80x128xf32, #tpu.memory_space<vmem>>
      %dma_start3A_109 = arith.constant 0 : i32
      %dma_start3A_110 = arith.constant 0 : i32
      %dma_start3A_111 = tpu.memref_slice %dma_start3A_108[%dma_start3A_109, %dma_start3A_110] : memref<80x128xf32, #tpu.memory_space<vmem>> -> memref<80x128xf32, #tpu.memory_space<vmem>>
      tpu.enqueue_dma source(%dma_start3A_111 : memref<80x128xf32, #tpu.memory_space<vmem>>) target(%dma_start3A_104 : memref<80x128xf32, #tpu.memory_space<vmem_shared>>) target_semaphore(%run_scoped3A_94 : memref<!tpu.dma_semaphore, #tpu.memory_space<semaphore_mem>>)
      %dma_wait3A = arith.constant 0 : i32
      %dma_wait3A_112 = arith.constant 0 : i32
      %dma_wait3A_113 = tpu.memref_slice %arg10[%run_scoped3A_6, %dma_wait3A, %dma_wait3A_112] : memref<2x80x128xf32, #tpu.memory_space<vmem>> -> memref<1x80x128xf32, #tpu.memory_space<vmem>>
      %dma_wait3A_114 = tpu.memref_squeeze %dma_wait3A_113 : memref<1x80x128xf32, #tpu.memory_space<vmem>> -> memref<80x128xf32, #tpu.memory_space<vmem>>
      %dma_wait3A_115 = arith.constant 0 : i32
      %dma_wait3A_116 = arith.constant 0 : i32
      %dma_wait3A_117 = tpu.memref_slice %dma_wait3A_114[%dma_wait3A_115, %dma_wait3A_116] : memref<80x128xf32, #tpu.memory_space<vmem>> -> memref<80x128xf32, #tpu.memory_space<vmem>>
      %dma_wait3A_118 = arith.constant 0 : i32
      %dma_wait3A_119 = tpu.memref_slice %arg11[%add3A_5, %dma_wait3A_118] : memref<10000x128xf32, #tpu.memory_space<vmem_shared>> -> memref<80x128xf32, #tpu.memory_space<vmem_shared>>
      %dma_wait3A_120 = arith.constant 0 : i32
      %dma_wait3A_121 = tpu.memref_slice %arg11[%add3A_5, %dma_wait3A_120] : memref<10000x128xf32, #tpu.memory_space<vmem_shared>> -> memref<80x128xf32, #tpu.memory_space<vmem_shared>>
      %dma_wait3A_122 = arith.constant 0 : i32
      %dma_wait3A_123 = arith.constant 0 : i32
      %dma_wait3A_124 = tpu.memref_slice %arg10[%run_scoped3A_6, %dma_wait3A_122, %dma_wait3A_123] : memref<2x80x128xf32, #tpu.memory_space<vmem>> -> memref<1x80x128xf32, #tpu.memory_space<vmem>>
      %dma_wait3A_125 = tpu.memref_squeeze %dma_wait3A_124 : memref<1x80x128xf32, #tpu.memory_space<vmem>> -> memref<80x128xf32, #tpu.memory_space<vmem>>
      %dma_wait3A_126 = arith.constant 0 : i32
      %dma_wait3A_127 = arith.constant 0 : i32
      %dma_wait3A_128 = tpu.memref_slice %dma_wait3A_125[%dma_wait3A_126, %dma_wait3A_127] : memref<80x128xf32, #tpu.memory_space<vmem>> -> memref<80x128xf32, #tpu.memory_space<vmem>>
      tpu.wait_dma2 semaphore(%run_scoped3A_94 : memref<!tpu.dma_semaphore, #tpu.memory_space<semaphore_mem>>) src(%dma_wait3A_128 : memref<80x128xf32, #tpu.memory_space<vmem>>) dst(%dma_wait3A_121 : memref<80x128xf32, #tpu.memory_space<vmem_shared>>)
      tpu.yield
    }) : () -> ()
    %add3A_7 = arith.constant 80 : i32
    %add3A_8 = arith.addi %multiple_of3A, %add3A_7 : i32
    %run_scoped3A_9 = arith.constant 0 : i32
    "tpu.region"() ({
      %run_scoped3A_94 = tpu.sem_alloc : memref<!tpu.dma_semaphore, #tpu.memory_space<semaphore_mem>>
      %dma_start3A = arith.constant 0 : i32
      %dma_start3A_95 = arith.constant 0 : i32
      %dma_start3A_96 = tpu.memref_slice %arg10[%run_scoped3A_9, %dma_start3A, %dma_start3A_95] : memref<2x80x128xf32, #tpu.memory_space<vmem>> -> memref<1x80x128xf32, #tpu.memory_space<vmem>>
      %dma_start3A_97 = tpu.memref_squeeze %dma_start3A_96 : memref<1x80x128xf32, #tpu.memory_space<vmem>> -> memref<80x128xf32, #tpu.memory_space<vmem>>
      %dma_start3A_98 = arith.constant 0 : i32
      %dma_start3A_99 = arith.constant 0 : i32
      %dma_start3A_100 = tpu.memref_slice %dma_start3A_97[%dma_start3A_98, %dma_start3A_99] : memref<80x128xf32, #tpu.memory_space<vmem>> -> memref<80x128xf32, #tpu.memory_space<vmem>>
      %dma_start3A_101 = arith.constant 0 : i32
      %dma_start3A_102 = tpu.memref_slice %arg11[%add3A_8, %dma_start3A_101] : memref<10000x128xf32, #tpu.memory_space<vmem_shared>> -> memref<80x128xf32, #tpu.memory_space<vmem_shared>>
      %dma_start3A_103 = arith.constant 0 : i32
      %dma_start3A_104 = tpu.memref_slice %arg11[%add3A_8, %dma_start3A_103] : memref<10000x128xf32, #tpu.memory_space<vmem_shared>> -> memref<80x128xf32, #tpu.memory_space<vmem_shared>>
      %dma_start3A_105 = arith.constant 0 : i32
      %dma_start3A_106 = arith.constant 0 : i32
      %dma_start3A_107 = tpu.memref_slice %arg10[%run_scoped3A_9, %dma_start3A_105, %dma_start3A_106] : memref<2x80x128xf32, #tpu.memory_space<vmem>> -> memref<1x80x128xf32, #tpu.memory_space<vmem>>
      %dma_start3A_108 = tpu.memref_squeeze %dma_start3A_107 : memref<1x80x128xf32, #tpu.memory_space<vmem>> -> memref<80x128xf32, #tpu.memory_space<vmem>>
      %dma_start3A_109 = arith.constant 0 : i32
      %dma_start3A_110 = arith.constant 0 : i32
      %dma_start3A_111 = tpu.memref_slice %dma_start3A_108[%dma_start3A_109, %dma_start3A_110] : memref<80x128xf32, #tpu.memory_space<vmem>> -> memref<80x128xf32, #tpu.memory_space<vmem>>
      tpu.enqueue_dma source(%dma_start3A_111 : memref<80x128xf32, #tpu.memory_space<vmem>>) target(%dma_start3A_104 : memref<80x128xf32, #tpu.memory_space<vmem_shared>>) target_semaphore(%run_scoped3A_94 : memref<!tpu.dma_semaphore, #tpu.memory_space<semaphore_mem>>)
      %dma_wait3A = arith.constant 0 : i32
      %dma_wait3A_112 = arith.constant 0 : i32
      %dma_wait3A_113 = tpu.memref_slice %arg10[%run_scoped3A_9, %dma_wait3A, %dma_wait3A_112] : memref<2x80x128xf32, #tpu.memory_space<vmem>> -> memref<1x80x128xf32, #tpu.memory_space<vmem>>
      %dma_wait3A_114 = tpu.memref_squeeze %dma_wait3A_113 : memref<1x80x128xf32, #tpu.memory_space<vmem>> -> memref<80x128xf32, #tpu.memory_space<vmem>>
      %dma_wait3A_115 = arith.constant 0 : i32
      %dma_wait3A_116 = arith.constant 0 : i32
      %dma_wait3A_117 = tpu.memref_slice %dma_wait3A_114[%dma_wait3A_115, %dma_wait3A_116] : memref<80x128xf32, #tpu.memory_space<vmem>> -> memref<80x128xf32, #tpu.memory_space<vmem>>
      %dma_wait3A_118 = arith.constant 0 : i32
      %dma_wait3A_119 = tpu.memref_slice %arg11[%add3A_8, %dma_wait3A_118] : memref<10000x128xf32, #tpu.memory_space<vmem_shared>> -> memref<80x128xf32, #tpu.memory_space<vmem_shared>>
      %dma_wait3A_120 = arith.constant 0 : i32
      %dma_wait3A_121 = tpu.memref_slice %arg11[%add3A_8, %dma_wait3A_120] : memref<10000x128xf32, #tpu.memory_space<vmem_shared>> -> memref<80x128xf32, #tpu.memory_space<vmem_shared>>
      %dma_wait3A_122 = arith.constant 0 : i32
      %dma_wait3A_123 = arith.constant 0 : i32
      %dma_wait3A_124 = tpu.memref_slice %arg10[%run_scoped3A_9, %dma_wait3A_122, %dma_wait3A_123] : memref<2x80x128xf32, #tpu.memory_space<vmem>> -> memref<1x80x128xf32, #tpu.memory_space<vmem>>
      %dma_wait3A_125 = tpu.memref_squeeze %dma_wait3A_124 : memref<1x80x128xf32, #tpu.memory_space<vmem>> -> memref<80x128xf32, #tpu.memory_space<vmem>>
      %dma_wait3A_126 = arith.constant 0 : i32
      %dma_wait3A_127 = arith.constant 0 : i32
      %dma_wait3A_128 = tpu.memref_slice %dma_wait3A_125[%dma_wait3A_126, %dma_wait3A_127] : memref<80x128xf32, #tpu.memory_space<vmem>> -> memref<80x128xf32, #tpu.memory_space<vmem>>
      tpu.wait_dma2 semaphore(%run_scoped3A_94 : memref<!tpu.dma_semaphore, #tpu.memory_space<semaphore_mem>>) src(%dma_wait3A_128 : memref<80x128xf32, #tpu.memory_space<vmem>>) dst(%dma_wait3A_121 : memref<80x128xf32, #tpu.memory_space<vmem_shared>>)
      tpu.yield
    }) : () -> ()
    %add3A_10 = arith.constant 160 : i32
    %add3A_11 = arith.addi %multiple_of3A, %add3A_10 : i32
    %run_scoped3A_12 = arith.constant 0 : i32
    "tpu.region"() ({
      %run_scoped3A_94 = tpu.sem_alloc : memref<!tpu.dma_semaphore, #tpu.memory_space<semaphore_mem>>
      %dma_start3A = arith.constant 0 : i32
      %dma_start3A_95 = arith.constant 0 : i32
      %dma_start3A_96 = tpu.memref_slice %arg10[%run_scoped3A_12, %dma_start3A, %dma_start3A_95] : memref<2x80x128xf32, #tpu.memory_space<vmem>> -> memref<1x80x128xf32, #tpu.memory_space<vmem>>
      %dma_start3A_97 = tpu.memref_squeeze %dma_start3A_96 : memref<1x80x128xf32, #tpu.memory_space<vmem>> -> memref<80x128xf32, #tpu.memory_space<vmem>>
      %dma_start3A_98 = arith.constant 0 : i32
      %dma_start3A_99 = arith.constant 0 : i32
      %dma_start3A_100 = tpu.memref_slice %dma_start3A_97[%dma_start3A_98, %dma_start3A_99] : memref<80x128xf32, #tpu.memory_space<vmem>> -> memref<80x128xf32, #tpu.memory_space<vmem>>
      %dma_start3A_101 = arith.constant 0 : i32
      %dma_start3A_102 = tpu.memref_slice %arg11[%add3A_11, %dma_start3A_101] : memref<10000x128xf32, #tpu.memory_space<vmem_shared>> -> memref<80x128xf32, #tpu.memory_space<vmem_shared>>
      %dma_start3A_103 = arith.constant 0 : i32
      %dma_start3A_104 = tpu.memref_slice %arg11[%add3A_11, %dma_start3A_103] : memref<10000x128xf32, #tpu.memory_space<vmem_shared>> -> memref<80x128xf32, #tpu.memory_space<vmem_shared>>
      %dma_start3A_105 = arith.constant 0 : i32
      %dma_start3A_106 = arith.constant 0 : i32
      %dma_start3A_107 = tpu.memref_slice %arg10[%run_scoped3A_12, %dma_start3A_105, %dma_start3A_106] : memref<2x80x128xf32, #tpu.memory_space<vmem>> -> memref<1x80x128xf32, #tpu.memory_space<vmem>>
      %dma_start3A_108 = tpu.memref_squeeze %dma_start3A_107 : memref<1x80x128xf32, #tpu.memory_space<vmem>> -> memref<80x128xf32, #tpu.memory_space<vmem>>
      %dma_start3A_109 = arith.constant 0 : i32
      %dma_start3A_110 = arith.constant 0 : i32
      %dma_start3A_111 = tpu.memref_slice %dma_start3A_108[%dma_start3A_109, %dma_start3A_110] : memref<80x128xf32, #tpu.memory_space<vmem>> -> memref<80x128xf32, #tpu.memory_space<vmem>>
      tpu.enqueue_dma source(%dma_start3A_111 : memref<80x128xf32, #tpu.memory_space<vmem>>) target(%dma_start3A_104 : memref<80x128xf32, #tpu.memory_space<vmem_shared>>) target_semaphore(%run_scoped3A_94 : memref<!tpu.dma_semaphore, #tpu.memory_space<semaphore_mem>>)
      %dma_wait3A = arith.constant 0 : i32
      %dma_wait3A_112 = arith.constant 0 : i32
      %dma_wait3A_113 = tpu.memref_slice %arg10[%run_scoped3A_12, %dma_wait3A, %dma_wait3A_112] : memref<2x80x128xf32, #tpu.memory_space<vmem>> -> memref<1x80x128xf32, #tpu.memory_space<vmem>>
      %dma_wait3A_114 = tpu.memref_squeeze %dma_wait3A_113 : memref<1x80x128xf32, #tpu.memory_space<vmem>> -> memref<80x128xf32, #tpu.memory_space<vmem>>
      %dma_wait3A_115 = arith.constant 0 : i32
      %dma_wait3A_116 = arith.constant 0 : i32
      %dma_wait3A_117 = tpu.memref_slice %dma_wait3A_114[%dma_wait3A_115, %dma_wait3A_116] : memref<80x128xf32, #tpu.memory_space<vmem>> -> memref<80x128xf32, #tpu.memory_space<vmem>>
      %dma_wait3A_118 = arith.constant 0 : i32
      %dma_wait3A_119 = tpu.memref_slice %arg11[%add3A_11, %dma_wait3A_118] : memref<10000x128xf32, #tpu.memory_space<vmem_shared>> -> memref<80x128xf32, #tpu.memory_space<vmem_shared>>
      %dma_wait3A_120 = arith.constant 0 : i32
      %dma_wait3A_121 = tpu.memref_slice %arg11[%add3A_11, %dma_wait3A_120] : memref<10000x128xf32, #tpu.memory_space<vmem_shared>> -> memref<80x128xf32, #tpu.memory_space<vmem_shared>>
      %dma_wait3A_122 = arith.constant 0 : i32
      %dma_wait3A_123 = arith.constant 0 : i32
      %dma_wait3A_124 = tpu.memref_slice %arg10[%run_scoped3A_12, %dma_wait3A_122, %dma_wait3A_123] : memref<2x80x128xf32, #tpu.memory_space<vmem>> -> memref<1x80x128xf32, #tpu.memory_space<vmem>>
      %dma_wait3A_125 = tpu.memref_squeeze %dma_wait3A_124 : memref<1x80x128xf32, #tpu.memory_space<vmem>> -> memref<80x128xf32, #tpu.memory_space<vmem>>
      %dma_wait3A_126 = arith.constant 0 : i32
      %dma_wait3A_127 = arith.constant 0 : i32
      %dma_wait3A_128 = tpu.memref_slice %dma_wait3A_125[%dma_wait3A_126, %dma_wait3A_127] : memref<80x128xf32, #tpu.memory_space<vmem>> -> memref<80x128xf32, #tpu.memory_space<vmem>>
      tpu.wait_dma2 semaphore(%run_scoped3A_94 : memref<!tpu.dma_semaphore, #tpu.memory_space<semaphore_mem>>) src(%dma_wait3A_128 : memref<80x128xf32, #tpu.memory_space<vmem>>) dst(%dma_wait3A_121 : memref<80x128xf32, #tpu.memory_space<vmem_shared>>)
      tpu.yield
    }) : () -> ()
    %add3A_13 = arith.constant 240 : i32
    %add3A_14 = arith.addi %multiple_of3A, %add3A_13 : i32
    %run_scoped3A_15 = arith.constant 0 : i32
    "tpu.region"() ({
      %run_scoped3A_94 = tpu.sem_alloc : memref<!tpu.dma_semaphore, #tpu.memory_space<semaphore_mem>>
      %dma_start3A = arith.constant 0 : i32
      %dma_start3A_95 = arith.constant 0 : i32
      %dma_start3A_96 = tpu.memref_slice %arg10[%run_scoped3A_15, %dma_start3A, %dma_start3A_95] : memref<2x80x128xf32, #tpu.memory_space<vmem>> -> memref<1x80x128xf32, #tpu.memory_space<vmem>>
      %dma_start3A_97 = tpu.memref_squeeze %dma_start3A_96 : memref<1x80x128xf32, #tpu.memory_space<vmem>> -> memref<80x128xf32, #tpu.memory_space<vmem>>
      %dma_start3A_98 = arith.constant 0 : i32
      %dma_start3A_99 = arith.constant 0 : i32
      %dma_start3A_100 = tpu.memref_slice %dma_start3A_97[%dma_start3A_98, %dma_start3A_99] : memref<80x128xf32, #tpu.memory_space<vmem>> -> memref<80x128xf32, #tpu.memory_space<vmem>>
      %dma_start3A_101 = arith.constant 0 : i32
      %dma_start3A_102 = tpu.memref_slice %arg11[%add3A_14, %dma_start3A_101] : memref<10000x128xf32, #tpu.memory_space<vmem_shared>> -> memref<80x128xf32, #tpu.memory_space<vmem_shared>>
      %dma_start3A_103 = arith.constant 0 : i32
      %dma_start3A_104 = tpu.memref_slice %arg11[%add3A_14, %dma_start3A_103] : memref<10000x128xf32, #tpu.memory_space<vmem_shared>> -> memref<80x128xf32, #tpu.memory_space<vmem_shared>>
      %dma_start3A_105 = arith.constant 0 : i32
      %dma_start3A_106 = arith.constant 0 : i32
      %dma_start3A_107 = tpu.memref_slice %arg10[%run_scoped3A_15, %dma_start3A_105, %dma_start3A_106] : memref<2x80x128xf32, #tpu.memory_space<vmem>> -> memref<1x80x128xf32, #tpu.memory_space<vmem>>
      %dma_start3A_108 = tpu.memref_squeeze %dma_start3A_107 : memref<1x80x128xf32, #tpu.memory_space<vmem>> -> memref<80x128xf32, #tpu.memory_space<vmem>>
      %dma_start3A_109 = arith.constant 0 : i32
      %dma_start3A_110 = arith.constant 0 : i32
      %dma_start3A_111 = tpu.memref_slice %dma_start3A_108[%dma_start3A_109, %dma_start3A_110] : memref<80x128xf32, #tpu.memory_space<vmem>> -> memref<80x128xf32, #tpu.memory_space<vmem>>
      tpu.enqueue_dma source(%dma_start3A_111 : memref<80x128xf32, #tpu.memory_space<vmem>>) target(%dma_start3A_104 : memref<80x128xf32, #tpu.memory_space<vmem_shared>>) target_semaphore(%run_scoped3A_94 : memref<!tpu.dma_semaphore, #tpu.memory_space<semaphore_mem>>)
      %dma_wait3A = arith.constant 0 : i32
      %dma_wait3A_112 = arith.constant 0 : i32
      %dma_wait3A_113 = tpu.memref_slice %arg10[%run_scoped3A_15, %dma_wait3A, %dma_wait3A_112] : memref<2x80x128xf32, #tpu.memory_space<vmem>> -> memref<1x80x128xf32, #tpu.memory_space<vmem>>
      %dma_wait3A_114 = tpu.memref_squeeze %dma_wait3A_113 : memref<1x80x128xf32, #tpu.memory_space<vmem>> -> memref<80x128xf32, #tpu.memory_space<vmem>>
      %dma_wait3A_115 = arith.constant 0 : i32
      %dma_wait3A_116 = arith.constant 0 : i32
      %dma_wait3A_117 = tpu.memref_slice %dma_wait3A_114[%dma_wait3A_115, %dma_wait3A_116] : memref<80x128xf32, #tpu.memory_space<vmem>> -> memref<80x128xf32, #tpu.memory_space<vmem>>
      %dma_wait3A_118 = arith.constant 0 : i32
      %dma_wait3A_119 = tpu.memref_slice %arg11[%add3A_14, %dma_wait3A_118] : memref<10000x128xf32, #tpu.memory_space<vmem_shared>> -> memref<80x128xf32, #tpu.memory_space<vmem_shared>>
      %dma_wait3A_120 = arith.constant 0 : i32
      %dma_wait3A_121 = tpu.memref_slice %arg11[%add3A_14, %dma_wait3A_120] : memref<10000x128xf32, #tpu.memory_space<vmem_shared>> -> memref<80x128xf32, #tpu.memory_space<vmem_shared>>
      %dma_wait3A_122 = arith.constant 0 : i32
      %dma_wait3A_123 = arith.constant 0 : i32
      %dma_wait3A_124 = tpu.memref_slice %arg10[%run_scoped3A_15, %dma_wait3A_122, %dma_wait3A_123] : memref<2x80x128xf32, #tpu.memory_space<vmem>> -> memref<1x80x128xf32, #tpu.memory_space<vmem>>
      %dma_wait3A_125 = tpu.memref_squeeze %dma_wait3A_124 : memref<1x80x128xf32, #tpu.memory_space<vmem>> -> memref<80x128xf32, #tpu.memory_space<vmem>>
      %dma_wait3A_126 = arith.constant 0 : i32
      %dma_wait3A_127 = arith.constant 0 : i32
      %dma_wait3A_128 = tpu.memref_slice %dma_wait3A_125[%dma_wait3A_126, %dma_wait3A_127] : memref<80x128xf32, #tpu.memory_space<vmem>> -> memref<80x128xf32, #tpu.memory_space<vmem>>
      tpu.wait_dma2 semaphore(%run_scoped3A_94 : memref<!tpu.dma_semaphore, #tpu.memory_space<semaphore_mem>>) src(%dma_wait3A_128 : memref<80x128xf32, #tpu.memory_space<vmem>>) dst(%dma_wait3A_121 : memref<80x128xf32, #tpu.memory_space<vmem_shared>>)
      tpu.yield
    }) : () -> ()
    %add3A_16 = arith.constant 320 : i32
    %add3A_17 = arith.addi %multiple_of3A, %add3A_16 : i32
    %run_scoped3A_18 = arith.constant 0 : i32
    "tpu.region"() ({
      %run_scoped3A_94 = tpu.sem_alloc : memref<!tpu.dma_semaphore, #tpu.memory_space<semaphore_mem>>
      %dma_start3A = arith.constant 0 : i32
      %dma_start3A_95 = arith.constant 0 : i32
      %dma_start3A_96 = tpu.memref_slice %arg10[%run_scoped3A_18, %dma_start3A, %dma_start3A_95] : memref<2x80x128xf32, #tpu.memory_space<vmem>> -> memref<1x80x128xf32, #tpu.memory_space<vmem>>
      %dma_start3A_97 = tpu.memref_squeeze %dma_start3A_96 : memref<1x80x128xf32, #tpu.memory_space<vmem>> -> memref<80x128xf32, #tpu.memory_space<vmem>>
      %dma_start3A_98 = arith.constant 0 : i32
      %dma_start3A_99 = arith.constant 0 : i32
      %dma_start3A_100 = tpu.memref_slice %dma_start3A_97[%dma_start3A_98, %dma_start3A_99] : memref<80x128xf32, #tpu.memory_space<vmem>> -> memref<80x128xf32, #tpu.memory_space<vmem>>
      %dma_start3A_101 = arith.constant 0 : i32
      %dma_start3A_102 = tpu.memref_slice %arg11[%add3A_17, %dma_start3A_101] : memref<10000x128xf32, #tpu.memory_space<vmem_shared>> -> memref<80x128xf32, #tpu.memory_space<vmem_shared>>
      %dma_start3A_103 = arith.constant 0 : i32
      %dma_start3A_104 = tpu.memref_slice %arg11[%add3A_17, %dma_start3A_103] : memref<10000x128xf32, #tpu.memory_space<vmem_shared>> -> memref<80x128xf32, #tpu.memory_space<vmem_shared>>
      %dma_start3A_105 = arith.constant 0 : i32
      %dma_start3A_106 = arith.constant 0 : i32
      %dma_start3A_107 = tpu.memref_slice %arg10[%run_scoped3A_18, %dma_start3A_105, %dma_start3A_106] : memref<2x80x128xf32, #tpu.memory_space<vmem>> -> memref<1x80x128xf32, #tpu.memory_space<vmem>>
      %dma_start3A_108 = tpu.memref_squeeze %dma_start3A_107 : memref<1x80x128xf32, #tpu.memory_space<vmem>> -> memref<80x128xf32, #tpu.memory_space<vmem>>
      %dma_start3A_109 = arith.constant 0 : i32
      %dma_start3A_110 = arith.constant 0 : i32
      %dma_start3A_111 = tpu.memref_slice %dma_start3A_108[%dma_start3A_109, %dma_start3A_110] : memref<80x128xf32, #tpu.memory_space<vmem>> -> memref<80x128xf32, #tpu.memory_space<vmem>>
      tpu.enqueue_dma source(%dma_start3A_111 : memref<80x128xf32, #tpu.memory_space<vmem>>) target(%dma_start3A_104 : memref<80x128xf32, #tpu.memory_space<vmem_shared>>) target_semaphore(%run_scoped3A_94 : memref<!tpu.dma_semaphore, #tpu.memory_space<semaphore_mem>>)
      %dma_wait3A = arith.constant 0 : i32
      %dma_wait3A_112 = arith.constant 0 : i32
      %dma_wait3A_113 = tpu.memref_slice %arg10[%run_scoped3A_18, %dma_wait3A, %dma_wait3A_112] : memref<2x80x128xf32, #tpu.memory_space<vmem>> -> memref<1x80x128xf32, #tpu.memory_space<vmem>>
      %dma_wait3A_114 = tpu.memref_squeeze %dma_wait3A_113 : memref<1x80x128xf32, #tpu.memory_space<vmem>> -> memref<80x128xf32, #tpu.memory_space<vmem>>
      %dma_wait3A_115 = arith.constant 0 : i32
      %dma_wait3A_116 = arith.constant 0 : i32
      %dma_wait3A_117 = tpu.memref_slice %dma_wait3A_114[%dma_wait3A_115, %dma_wait3A_116] : memref<80x128xf32, #tpu.memory_space<vmem>> -> memref<80x128xf32, #tpu.memory_space<vmem>>
      %dma_wait3A_118 = arith.constant 0 : i32
      %dma_wait3A_119 = tpu.memref_slice %arg11[%add3A_17, %dma_wait3A_118] : memref<10000x128xf32, #tpu.memory_space<vmem_shared>> -> memref<80x128xf32, #tpu.memory_space<vmem_shared>>
      %dma_wait3A_120 = arith.constant 0 : i32
      %dma_wait3A_121 = tpu.memref_slice %arg11[%add3A_17, %dma_wait3A_120] : memref<10000x128xf32, #tpu.memory_space<vmem_shared>> -> memref<80x128xf32, #tpu.memory_space<vmem_shared>>
      %dma_wait3A_122 = arith.constant 0 : i32
      %dma_wait3A_123 = arith.constant 0 : i32
      %dma_wait3A_124 = tpu.memref_slice %arg10[%run_scoped3A_18, %dma_wait3A_122, %dma_wait3A_123] : memref<2x80x128xf32, #tpu.memory_space<vmem>> -> memref<1x80x128xf32, #tpu.memory_space<vmem>>
      %dma_wait3A_125 = tpu.memref_squeeze %dma_wait3A_124 : memref<1x80x128xf32, #tpu.memory_space<vmem>> -> memref<80x128xf32, #tpu.memory_space<vmem>>
      %dma_wait3A_126 = arith.constant 0 : i32
      %dma_wait3A_127 = arith.constant 0 : i32
      %dma_wait3A_128 = tpu.memref_slice %dma_wait3A_125[%dma_wait3A_126, %dma_wait3A_127] : memref<80x128xf32, #tpu.memory_space<vmem>> -> memref<80x128xf32, #tpu.memory_space<vmem>>
      tpu.wait_dma2 semaphore(%run_scoped3A_94 : memref<!tpu.dma_semaphore, #tpu.memory_space<semaphore_mem>>) src(%dma_wait3A_128 : memref<80x128xf32, #tpu.memory_space<vmem>>) dst(%dma_wait3A_121 : memref<80x128xf32, #tpu.memory_space<vmem_shared>>)
      tpu.yield
    }) : () -> ()
    %add3A_19 = arith.constant 400 : i32
    %add3A_20 = arith.addi %multiple_of3A, %add3A_19 : i32
    %run_scoped3A_21 = arith.constant 0 : i32
    "tpu.region"() ({
      %run_scoped3A_94 = tpu.sem_alloc : memref<!tpu.dma_semaphore, #tpu.memory_space<semaphore_mem>>
      %dma_start3A = arith.constant 0 : i32
      %dma_start3A_95 = arith.constant 0 : i32
      %dma_start3A_96 = tpu.memref_slice %arg10[%run_scoped3A_21, %dma_start3A, %dma_start3A_95] : memref<2x80x128xf32, #tpu.memory_space<vmem>> -> memref<1x80x128xf32, #tpu.memory_space<vmem>>
      %dma_start3A_97 = tpu.memref_squeeze %dma_start3A_96 : memref<1x80x128xf32, #tpu.memory_space<vmem>> -> memref<80x128xf32, #tpu.memory_space<vmem>>
      %dma_start3A_98 = arith.constant 0 : i32
      %dma_start3A_99 = arith.constant 0 : i32
      %dma_start3A_100 = tpu.memref_slice %dma_start3A_97[%dma_start3A_98, %dma_start3A_99] : memref<80x128xf32, #tpu.memory_space<vmem>> -> memref<80x128xf32, #tpu.memory_space<vmem>>
      %dma_start3A_101 = arith.constant 0 : i32
      %dma_start3A_102 = tpu.memref_slice %arg11[%add3A_20, %dma_start3A_101] : memref<10000x128xf32, #tpu.memory_space<vmem_shared>> -> memref<80x128xf32, #tpu.memory_space<vmem_shared>>
      %dma_start3A_103 = arith.constant 0 : i32
      %dma_start3A_104 = tpu.memref_slice %arg11[%add3A_20, %dma_start3A_103] : memref<10000x128xf32, #tpu.memory_space<vmem_shared>> -> memref<80x128xf32, #tpu.memory_space<vmem_shared>>
      %dma_start3A_105 = arith.constant 0 : i32
      %dma_start3A_106 = arith.constant 0 : i32
      %dma_start3A_107 = tpu.memref_slice %arg10[%run_scoped3A_21, %dma_start3A_105, %dma_start3A_106] : memref<2x80x128xf32, #tpu.memory_space<vmem>> -> memref<1x80x128xf32, #tpu.memory_space<vmem>>
      %dma_start3A_108 = tpu.memref_squeeze %dma_start3A_107 : memref<1x80x128xf32, #tpu.memory_space<vmem>> -> memref<80x128xf32, #tpu.memory_space<vmem>>
      %dma_start3A_109 = arith.constant 0 : i32
      %dma_start3A_110 = arith.constant 0 : i32
      %dma_start3A_111 = tpu.memref_slice %dma_start3A_108[%dma_start3A_109, %dma_start3A_110] : memref<80x128xf32, #tpu.memory_space<vmem>> -> memref<80x128xf32, #tpu.memory_space<vmem>>
      tpu.enqueue_dma source(%dma_start3A_111 : memref<80x128xf32, #tpu.memory_space<vmem>>) target(%dma_start3A_104 : memref<80x128xf32, #tpu.memory_space<vmem_shared>>) target_semaphore(%run_scoped3A_94 : memref<!tpu.dma_semaphore, #tpu.memory_space<semaphore_mem>>)
      %dma_wait3A = arith.constant 0 : i32
      %dma_wait3A_112 = arith.constant 0 : i32
      %dma_wait3A_113 = tpu.memref_slice %arg10[%run_scoped3A_21, %dma_wait3A, %dma_wait3A_112] : memref<2x80x128xf32, #tpu.memory_space<vmem>> -> memref<1x80x128xf32, #tpu.memory_space<vmem>>
      %dma_wait3A_114 = tpu.memref_squeeze %dma_wait3A_113 : memref<1x80x128xf32, #tpu.memory_space<vmem>> -> memref<80x128xf32, #tpu.memory_space<vmem>>
      %dma_wait3A_115 = arith.constant 0 : i32
      %dma_wait3A_116 = arith.constant 0 : i32
      %dma_wait3A_117 = tpu.memref_slice %dma_wait3A_114[%dma_wait3A_115, %dma_wait3A_116] : memref<80x128xf32, #tpu.memory_space<vmem>> -> memref<80x128xf32, #tpu.memory_space<vmem>>
      %dma_wait3A_118 = arith.constant 0 : i32
      %dma_wait3A_119 = tpu.memref_slice %arg11[%add3A_20, %dma_wait3A_118] : memref<10000x128xf32, #tpu.memory_space<vmem_shared>> -> memref<80x128xf32, #tpu.memory_space<vmem_shared>>
      %dma_wait3A_120 = arith.constant 0 : i32
      %dma_wait3A_121 = tpu.memref_slice %arg11[%add3A_20, %dma_wait3A_120] : memref<10000x128xf32, #tpu.memory_space<vmem_shared>> -> memref<80x128xf32, #tpu.memory_space<vmem_shared>>
      %dma_wait3A_122 = arith.constant 0 : i32
      %dma_wait3A_123 = arith.constant 0 : i32
      %dma_wait3A_124 = tpu.memref_slice %arg10[%run_scoped3A_21, %dma_wait3A_122, %dma_wait3A_123] : memref<2x80x128xf32, #tpu.memory_space<vmem>> -> memref<1x80x128xf32, #tpu.memory_space<vmem>>
      %dma_wait3A_125 = tpu.memref_squeeze %dma_wait3A_124 : memref<1x80x128xf32, #tpu.memory_space<vmem>> -> memref<80x128xf32, #tpu.memory_space<vmem>>
      %dma_wait3A_126 = arith.constant 0 : i32
      %dma_wait3A_127 = arith.constant 0 : i32
      %dma_wait3A_128 = tpu.memref_slice %dma_wait3A_125[%dma_wait3A_126, %dma_wait3A_127] : memref<80x128xf32, #tpu.memory_space<vmem>> -> memref<80x128xf32, #tpu.memory_space<vmem>>
      tpu.wait_dma2 semaphore(%run_scoped3A_94 : memref<!tpu.dma_semaphore, #tpu.memory_space<semaphore_mem>>) src(%dma_wait3A_128 : memref<80x128xf32, #tpu.memory_space<vmem>>) dst(%dma_wait3A_121 : memref<80x128xf32, #tpu.memory_space<vmem_shared>>)
      tpu.yield
    }) : () -> ()
    %add3A_22 = arith.constant 480 : i32
    %add3A_23 = arith.addi %multiple_of3A, %add3A_22 : i32
    %run_scoped3A_24 = arith.constant 0 : i32
    "tpu.region"() ({
      %run_scoped3A_94 = tpu.sem_alloc : memref<!tpu.dma_semaphore, #tpu.memory_space<semaphore_mem>>
      %dma_start3A = arith.constant 0 : i32
      %dma_start3A_95 = arith.constant 0 : i32
      %dma_start3A_96 = tpu.memref_slice %arg10[%run_scoped3A_24, %dma_start3A, %dma_start3A_95] : memref<2x80x128xf32, #tpu.memory_space<vmem>> -> memref<1x80x128xf32, #tpu.memory_space<vmem>>
      %dma_start3A_97 = tpu.memref_squeeze %dma_start3A_96 : memref<1x80x128xf32, #tpu.memory_space<vmem>> -> memref<80x128xf32, #tpu.memory_space<vmem>>
      %dma_start3A_98 = arith.constant 0 : i32
      %dma_start3A_99 = arith.constant 0 : i32
      %dma_start3A_100 = tpu.memref_slice %dma_start3A_97[%dma_start3A_98, %dma_start3A_99] : memref<80x128xf32, #tpu.memory_space<vmem>> -> memref<80x128xf32, #tpu.memory_space<vmem>>
      %dma_start3A_101 = arith.constant 0 : i32
      %dma_start3A_102 = tpu.memref_slice %arg11[%add3A_23, %dma_start3A_101] : memref<10000x128xf32, #tpu.memory_space<vmem_shared>> -> memref<80x128xf32, #tpu.memory_space<vmem_shared>>
      %dma_start3A_103 = arith.constant 0 : i32
      %dma_start3A_104 = tpu.memref_slice %arg11[%add3A_23, %dma_start3A_103] : memref<10000x128xf32, #tpu.memory_space<vmem_shared>> -> memref<80x128xf32, #tpu.memory_space<vmem_shared>>
      %dma_start3A_105 = arith.constant 0 : i32
      %dma_start3A_106 = arith.constant 0 : i32
      %dma_start3A_107 = tpu.memref_slice %arg10[%run_scoped3A_24, %dma_start3A_105, %dma_start3A_106] : memref<2x80x128xf32, #tpu.memory_space<vmem>> -> memref<1x80x128xf32, #tpu.memory_space<vmem>>
      %dma_start3A_108 = tpu.memref_squeeze %dma_start3A_107 : memref<1x80x128xf32, #tpu.memory_space<vmem>> -> memref<80x128xf32, #tpu.memory_space<vmem>>
      %dma_start3A_109 = arith.constant 0 : i32
      %dma_start3A_110 = arith.constant 0 : i32
      %dma_start3A_111 = tpu.memref_slice %dma_start3A_108[%dma_start3A_109, %dma_start3A_110] : memref<80x128xf32, #tpu.memory_space<vmem>> -> memref<80x128xf32, #tpu.memory_space<vmem>>
      tpu.enqueue_dma source(%dma_start3A_111 : memref<80x128xf32, #tpu.memory_space<vmem>>) target(%dma_start3A_104 : memref<80x128xf32, #tpu.memory_space<vmem_shared>>) target_semaphore(%run_scoped3A_94 : memref<!tpu.dma_semaphore, #tpu.memory_space<semaphore_mem>>)
      %dma_wait3A = arith.constant 0 : i32
      %dma_wait3A_112 = arith.constant 0 : i32
      %dma_wait3A_113 = tpu.memref_slice %arg10[%run_scoped3A_24, %dma_wait3A, %dma_wait3A_112] : memref<2x80x128xf32, #tpu.memory_space<vmem>> -> memref<1x80x128xf32, #tpu.memory_space<vmem>>
      %dma_wait3A_114 = tpu.memref_squeeze %dma_wait3A_113 : memref<1x80x128xf32, #tpu.memory_space<vmem>> -> memref<80x128xf32, #tpu.memory_space<vmem>>
      %dma_wait3A_115 = arith.constant 0 : i32
      %dma_wait3A_116 = arith.constant 0 : i32
      %dma_wait3A_117 = tpu.memref_slice %dma_wait3A_114[%dma_wait3A_115, %dma_wait3A_116] : memref<80x128xf32, #tpu.memory_space<vmem>> -> memref<80x128xf32, #tpu.memory_space<vmem>>
      %dma_wait3A_118 = arith.constant 0 : i32
      %dma_wait3A_119 = tpu.memref_slice %arg11[%add3A_23, %dma_wait3A_118] : memref<10000x128xf32, #tpu.memory_space<vmem_shared>> -> memref<80x128xf32, #tpu.memory_space<vmem_shared>>
      %dma_wait3A_120 = arith.constant 0 : i32
      %dma_wait3A_121 = tpu.memref_slice %arg11[%add3A_23, %dma_wait3A_120] : memref<10000x128xf32, #tpu.memory_space<vmem_shared>> -> memref<80x128xf32, #tpu.memory_space<vmem_shared>>
      %dma_wait3A_122 = arith.constant 0 : i32
      %dma_wait3A_123 = arith.constant 0 : i32
      %dma_wait3A_124 = tpu.memref_slice %arg10[%run_scoped3A_24, %dma_wait3A_122, %dma_wait3A_123] : memref<2x80x128xf32, #tpu.memory_space<vmem>> -> memref<1x80x128xf32, #tpu.memory_space<vmem>>
      %dma_wait3A_125 = tpu.memref_squeeze %dma_wait3A_124 : memref<1x80x128xf32, #tpu.memory_space<vmem>> -> memref<80x128xf32, #tpu.memory_space<vmem>>
      %dma_wait3A_126 = arith.constant 0 : i32
      %dma_wait3A_127 = arith.constant 0 : i32
      %dma_wait3A_128 = tpu.memref_slice %dma_wait3A_125[%dma_wait3A_126, %dma_wait3A_127] : memref<80x128xf32, #tpu.memory_space<vmem>> -> memref<80x128xf32, #tpu.memory_space<vmem>>
      tpu.wait_dma2 semaphore(%run_scoped3A_94 : memref<!tpu.dma_semaphore, #tpu.memory_space<semaphore_mem>>) src(%dma_wait3A_128 : memref<80x128xf32, #tpu.memory_space<vmem>>) dst(%dma_wait3A_121 : memref<80x128xf32, #tpu.memory_space<vmem_shared>>)
      tpu.yield
    }) : () -> ()
    %add3A_25 = arith.constant 560 : i32
    %add3A_26 = arith.addi %multiple_of3A, %add3A_25 : i32
    %run_scoped3A_27 = arith.constant 0 : i32
    "tpu.region"() ({
      %run_scoped3A_94 = tpu.sem_alloc : memref<!tpu.dma_semaphore, #tpu.memory_space<semaphore_mem>>
      %dma_start3A = arith.constant 0 : i32
      %dma_start3A_95 = arith.constant 0 : i32
      %dma_start3A_96 = tpu.memref_slice %arg10[%run_scoped3A_27, %dma_start3A, %dma_start3A_95] : memref<2x80x128xf32, #tpu.memory_space<vmem>> -> memref<1x80x128xf32, #tpu.memory_space<vmem>>
      %dma_start3A_97 = tpu.memref_squeeze %dma_start3A_96 : memref<1x80x128xf32, #tpu.memory_space<vmem>> -> memref<80x128xf32, #tpu.memory_space<vmem>>
      %dma_start3A_98 = arith.constant 0 : i32
      %dma_start3A_99 = arith.constant 0 : i32
      %dma_start3A_100 = tpu.memref_slice %dma_start3A_97[%dma_start3A_98, %dma_start3A_99] : memref<80x128xf32, #tpu.memory_space<vmem>> -> memref<64x128xf32, #tpu.memory_space<vmem>>
      %dma_start3A_101 = arith.constant 0 : i32
      %dma_start3A_102 = tpu.memref_slice %arg11[%add3A_26, %dma_start3A_101] : memref<10000x128xf32, #tpu.memory_space<vmem_shared>> -> memref<64x128xf32, #tpu.memory_space<vmem_shared>>
      %dma_start3A_103 = arith.constant 0 : i32
      %dma_start3A_104 = tpu.memref_slice %arg11[%add3A_26, %dma_start3A_103] : memref<10000x128xf32, #tpu.memory_space<vmem_shared>> -> memref<64x128xf32, #tpu.memory_space<vmem_shared>>
      %dma_start3A_105 = arith.constant 0 : i32
      %dma_start3A_106 = arith.constant 0 : i32
      %dma_start3A_107 = tpu.memref_slice %arg10[%run_scoped3A_27, %dma_start3A_105, %dma_start3A_106] : memref<2x80x128xf32, #tpu.memory_space<vmem>> -> memref<1x80x128xf32, #tpu.memory_space<vmem>>
      %dma_start3A_108 = tpu.memref_squeeze %dma_start3A_107 : memref<1x80x128xf32, #tpu.memory_space<vmem>> -> memref<80x128xf32, #tpu.memory_space<vmem>>
      %dma_start3A_109 = arith.constant 0 : i32
      %dma_start3A_110 = arith.constant 0 : i32
      %dma_start3A_111 = tpu.memref_slice %dma_start3A_108[%dma_start3A_109, %dma_start3A_110] : memref<80x128xf32, #tpu.memory_space<vmem>> -> memref<64x128xf32, #tpu.memory_space<vmem>>
      tpu.enqueue_dma source(%dma_start3A_111 : memref<64x128xf32, #tpu.memory_space<vmem>>) target(%dma_start3A_104 : memref<64x128xf32, #tpu.memory_space<vmem_shared>>) target_semaphore(%run_scoped3A_94 : memref<!tpu.dma_semaphore, #tpu.memory_space<semaphore_mem>>)
      %dma_wait3A = arith.constant 0 : i32
      %dma_wait3A_112 = arith.constant 0 : i32
      %dma_wait3A_113 = tpu.memref_slice %arg10[%run_scoped3A_27, %dma_wait3A, %dma_wait3A_112] : memref<2x80x128xf32, #tpu.memory_space<vmem>> -> memref<1x80x128xf32, #tpu.memory_space<vmem>>
      %dma_wait3A_114 = tpu.memref_squeeze %dma_wait3A_113 : memref<1x80x128xf32, #tpu.memory_space<vmem>> -> memref<80x128xf32, #tpu.memory_space<vmem>>
      %dma_wait3A_115 = arith.constant 0 : i32
      %dma_wait3A_116 = arith.constant 0 : i32
      %dma_wait3A_117 = tpu.memref_slice %dma_wait3A_114[%dma_wait3A_115, %dma_wait3A_116] : memref<80x128xf32, #tpu.memory_space<vmem>> -> memref<64x128xf32, #tpu.memory_space<vmem>>
      %dma_wait3A_118 = arith.constant 0 : i32
      %dma_wait3A_119 = tpu.memref_slice %arg11[%add3A_26, %dma_wait3A_118] : memref<10000x128xf32, #tpu.memory_space<vmem_shared>> -> memref<64x128xf32, #tpu.memory_space<vmem_shared>>
      %dma_wait3A_120 = arith.constant 0 : i32
      %dma_wait3A_121 = tpu.memref_slice %arg11[%add3A_26, %dma_wait3A_120] : memref<10000x128xf32, #tpu.memory_space<vmem_shared>> -> memref<64x128xf32, #tpu.memory_space<vmem_shared>>
      %dma_wait3A_122 = arith.constant 0 : i32
      %dma_wait3A_123 = arith.constant 0 : i32
      %dma_wait3A_124 = tpu.memref_slice %arg10[%run_scoped3A_27, %dma_wait3A_122, %dma_wait3A_123] : memref<2x80x128xf32, #tpu.memory_space<vmem>> -> memref<1x80x128xf32, #tpu.memory_space<vmem>>
      %dma_wait3A_125 = tpu.memref_squeeze %dma_wait3A_124 : memref<1x80x128xf32, #tpu.memory_space<vmem>> -> memref<80x128xf32, #tpu.memory_space<vmem>>
      %dma_wait3A_126 = arith.constant 0 : i32
      %dma_wait3A_127 = arith.constant 0 : i32
      %dma_wait3A_128 = tpu.memref_slice %dma_wait3A_125[%dma_wait3A_126, %dma_wait3A_127] : memref<80x128xf32, #tpu.memory_space<vmem>> -> memref<64x128xf32, #tpu.memory_space<vmem>>
      tpu.wait_dma2 semaphore(%run_scoped3A_94 : memref<!tpu.dma_semaphore, #tpu.memory_space<semaphore_mem>>) src(%dma_wait3A_128 : memref<64x128xf32, #tpu.memory_space<vmem>>) dst(%dma_wait3A_121 : memref<64x128xf32, #tpu.memory_space<vmem_shared>>)
      tpu.yield
    }) : () -> ()
    %eq3A = arith.constant 15 : i32
    %eq3A_28 = arith.cmpi eq, %arg1, %eq3A : i32
    %convert_element_type3A = arith.extui %eq3A_28 : i1 to i32
    %cond3A = arith.constant 0 : i32
    %cond3A_29 = arith.cmpi ne, %convert_element_type3A, %cond3A : i32
    scf.if %cond3A_29 {
      %run_scoped3A_94 = arith.constant 0 : i32
      "tpu.region"() ({
        %run_scoped3A_95 = tpu.sem_alloc : memref<!tpu.dma_semaphore, #tpu.memory_space<semaphore_mem>>
        %dma_start3A = arith.constant 0 : i32
        %dma_start3A_96 = arith.constant 0 : i32
        %dma_start3A_97 = tpu.memref_slice %arg10[%run_scoped3A_94, %dma_start3A, %dma_start3A_96] : memref<2x80x128xf32, #tpu.memory_space<vmem>> -> memref<1x80x128xf32, #tpu.memory_space<vmem>>
        %dma_start3A_98 = tpu.memref_squeeze %dma_start3A_97 : memref<1x80x128xf32, #tpu.memory_space<vmem>> -> memref<80x128xf32, #tpu.memory_space<vmem>>
        %dma_start3A_99 = arith.constant 0 : i32
        %dma_start3A_100 = arith.constant 0 : i32
        %dma_start3A_101 = tpu.memref_slice %dma_start3A_98[%dma_start3A_99, %dma_start3A_100] : memref<80x128xf32, #tpu.memory_space<vmem>> -> memref<16x128xf32, #tpu.memory_space<vmem>>
        %dma_start3A_102 = arith.constant 9984 : i32
        %dma_start3A_103 = arith.constant 0 : i32
        %dma_start3A_104 = tpu.memref_slice %arg11[%dma_start3A_102, %dma_start3A_103] : memref<10000x128xf32, #tpu.memory_space<vmem_shared>> -> memref<16x128xf32, #tpu.memory_space<vmem_shared>>
        %dma_start3A_105 = arith.constant 9984 : i32
        %dma_start3A_106 = arith.constant 0 : i32
        %dma_start3A_107 = tpu.memref_slice %arg11[%dma_start3A_105, %dma_start3A_106] : memref<10000x128xf32, #tpu.memory_space<vmem_shared>> -> memref<16x128xf32, #tpu.memory_space<vmem_shared>>
        %dma_start3A_108 = arith.constant 0 : i32
        %dma_start3A_109 = arith.constant 0 : i32
        %dma_start3A_110 = tpu.memref_slice %arg10[%run_scoped3A_94, %dma_start3A_108, %dma_start3A_109] : memref<2x80x128xf32, #tpu.memory_space<vmem>> -> memref<1x80x128xf32, #tpu.memory_space<vmem>>
        %dma_start3A_111 = tpu.memref_squeeze %dma_start3A_110 : memref<1x80x128xf32, #tpu.memory_space<vmem>> -> memref<80x128xf32, #tpu.memory_space<vmem>>
        %dma_start3A_112 = arith.constant 0 : i32
        %dma_start3A_113 = arith.constant 0 : i32
        %dma_start3A_114 = tpu.memref_slice %dma_start3A_111[%dma_start3A_112, %dma_start3A_113] : memref<80x128xf32, #tpu.memory_space<vmem>> -> memref<16x128xf32, #tpu.memory_space<vmem>>
        tpu.enqueue_dma source(%dma_start3A_114 : memref<16x128xf32, #tpu.memory_space<vmem>>) target(%dma_start3A_107 : memref<16x128xf32, #tpu.memory_space<vmem_shared>>) target_semaphore(%run_scoped3A_95 : memref<!tpu.dma_semaphore, #tpu.memory_space<semaphore_mem>>)
        %dma_wait3A = arith.constant 0 : i32
        %dma_wait3A_115 = arith.constant 0 : i32
        %dma_wait3A_116 = tpu.memref_slice %arg10[%run_scoped3A_94, %dma_wait3A, %dma_wait3A_115] : memref<2x80x128xf32, #tpu.memory_space<vmem>> -> memref<1x80x128xf32, #tpu.memory_space<vmem>>
        %dma_wait3A_117 = tpu.memref_squeeze %dma_wait3A_116 : memref<1x80x128xf32, #tpu.memory_space<vmem>> -> memref<80x128xf32, #tpu.memory_space<vmem>>
        %dma_wait3A_118 = arith.constant 0 : i32
        %dma_wait3A_119 = arith.constant 0 : i32
        %dma_wait3A_120 = tpu.memref_slice %dma_wait3A_117[%dma_wait3A_118, %dma_wait3A_119] : memref<80x128xf32, #tpu.memory_space<vmem>> -> memref<16x128xf32, #tpu.memory_space<vmem>>
        %dma_wait3A_121 = arith.constant 9984 : i32
        %dma_wait3A_122 = arith.constant 0 : i32
        %dma_wait3A_123 = tpu.memref_slice %arg11[%dma_wait3A_121, %dma_wait3A_122] : memref<10000x128xf32, #tpu.memory_space<vmem_shared>> -> memref<16x128xf32, #tpu.memory_space<vmem_shared>>
        %dma_wait3A_124 = arith.constant 9984 : i32
        %dma_wait3A_125 = arith.constant 0 : i32
        %dma_wait3A_126 = tpu.memref_slice %arg11[%dma_wait3A_124, %dma_wait3A_125] : memref<10000x128xf32, #tpu.memory_space<vmem_shared>> -> memref<16x128xf32, #tpu.memory_space<vmem_shared>>
        %dma_wait3A_127 = arith.constant 0 : i32
        %dma_wait3A_128 = arith.constant 0 : i32
        %dma_wait3A_129 = tpu.memref_slice %arg10[%run_scoped3A_94, %dma_wait3A_127, %dma_wait3A_128] : memref<2x80x128xf32, #tpu.memory_space<vmem>> -> memref<1x80x128xf32, #tpu.memory_space<vmem>>
        %dma_wait3A_130 = tpu.memref_squeeze %dma_wait3A_129 : memref<1x80x128xf32, #tpu.memory_space<vmem>> -> memref<80x128xf32, #tpu.memory_space<vmem>>
        %dma_wait3A_131 = arith.constant 0 : i32
        %dma_wait3A_132 = arith.constant 0 : i32
        %dma_wait3A_133 = tpu.memref_slice %dma_wait3A_130[%dma_wait3A_131, %dma_wait3A_132] : memref<80x128xf32, #tpu.memory_space<vmem>> -> memref<16x128xf32, #tpu.memory_space<vmem>>
        tpu.wait_dma2 semaphore(%run_scoped3A_95 : memref<!tpu.dma_semaphore, #tpu.memory_space<semaphore_mem>>) src(%dma_wait3A_133 : memref<16x128xf32, #tpu.memory_space<vmem>>) dst(%dma_wait3A_126 : memref<16x128xf32, #tpu.memory_space<vmem_shared>>)
        tpu.yield
      }) : () -> ()
    } else {
    }
    %barrier3A = arith.constant 0 : index
    tpu.barrier barrier_id(%barrier3A)
    %eq3A_30 = arith.constant 0 : i32
    %eq3A_31 = arith.cmpi eq, %arg0, %eq3A_30 : i32
    %convert_element_type3A_32 = arith.extui %eq3A_31 : i1 to i32
    %cond3A_33 = arith.constant 0 : i32
    %cond3A_34 = arith.cmpi ne, %convert_element_type3A_32, %cond3A_33 : i32
    scf.if %cond3A_34 {
      %scan3A = arith.constant 0 : i32
      %scan3A_94 = arith.constant 0 : i32
      %scan3A_95 = arith.constant 25 : i32
      %scan3A_96 = arith.addi %scan3A_94, %scan3A_95 : i32
      %scan3A_97 = arith.constant 1 : i32
      scf.for %scan3A_110 = %scan3A_94 to %scan3A_96 step %scan3A_97  : i32 {
        %mul3A_111 = arith.constant 250 : i32
        %mul3A_112 = arith.muli %arg1, %mul3A_111 : i32
        %mul3A_113 = arith.constant 10 : i32
        %mul3A_114 = arith.muli %scan3A_110, %mul3A_113 : i32
        %add3A_115 = arith.addi %mul3A_112, %mul3A_114 : i32
        %mul3A_116 = arith.constant 80 : i32
        %mul3A_117 = arith.muli %add3A_115, %mul3A_116 : i32
        %multiple_of3A_118 = tpu.assume_multiple %mul3A_117, 80 : i32
        "tpu.region"() ({
          %run_scoped3A_930 = tpu.sem_alloc : memref<!tpu.dma_semaphore, #tpu.memory_space<semaphore_mem>>
          %dma_start3A_931 = tpu.memref_slice %arg3[%multiple_of3A_118] : memref<320000xi32, #tpu.memory_space<hbm>> -> memref<800xi32, #tpu.memory_space<hbm>>
          %dma_start3A_932 = tpu.memref_slice %arg3[%multiple_of3A_118] : memref<320000xi32, #tpu.memory_space<hbm>> -> memref<800xi32, #tpu.memory_space<hbm>>
          tpu.enqueue_dma source(%dma_start3A_932 : memref<800xi32, #tpu.memory_space<hbm>>) target(%arg8 : memref<800xi32, #tpu.memory_space<vmem>>) target_semaphore(%run_scoped3A_930 : memref<!tpu.dma_semaphore, #tpu.memory_space<semaphore_mem>>)
          %dma_wait3A_933 = tpu.memref_slice %arg3[%multiple_of3A_118] : memref<320000xi32, #tpu.memory_space<hbm>> -> memref<800xi32, #tpu.memory_space<hbm>>
          %dma_wait3A_934 = tpu.memref_slice %arg3[%multiple_of3A_118] : memref<320000xi32, #tpu.memory_space<hbm>> -> memref<800xi32, #tpu.memory_space<hbm>>
          tpu.wait_dma2 semaphore(%run_scoped3A_930 : memref<!tpu.dma_semaphore, #tpu.memory_space<semaphore_mem>>) src(%dma_wait3A_934 : memref<800xi32, #tpu.memory_space<hbm>>) dst(%arg8 : memref<800xi32, #tpu.memory_space<vmem>>)
          tpu.yield
        }) : () -> ()
        %mul3A_119 = arith.constant 10 : i32
        %mul3A_120 = arith.muli %scan3A_110, %mul3A_119 : i32
        %add3A_121 = arith.constant 0 : i32
        %add3A_122 = arith.addi %mul3A_120, %add3A_121 : i32
        %mul3A_123 = arith.constant 250 : i32
        %mul3A_124 = arith.muli %arg1, %mul3A_123 : i32
        %add3A_125 = arith.addi %mul3A_124, %add3A_122 : i32
        %mul3A_126 = arith.constant 80 : i32
        %mul3A_127 = arith.muli %add3A_125, %mul3A_126 : i32
        %multiple_of3A_128 = tpu.assume_multiple %mul3A_127, 80 : i32
        %dma_start3A = arith.constant 0 : i32
        %dma_start3A_129 = arith.constant 0 : i32
        %dma_start3A_130 = tpu.memref_slice %arg9[%dma_start3A, %dma_start3A_129] : memref<2x80xi32, #tpu.memory_space<vmem>> -> memref<1x80xi32, #tpu.memory_space<vmem>>
        %dma_start3A_131 = tpu.memref_squeeze %dma_start3A_130 : memref<1x80xi32, #tpu.memory_space<vmem>> -> memref<80xi32, #tpu.memory_space<vmem>>
        %dma_start3A_132 = tpu.memref_slice %arg4[%multiple_of3A_128] : memref<320000xi32, #tpu.memory_space<hbm>> -> memref<80xi32, #tpu.memory_space<hbm>>
        %dma_start3A_133 = arith.constant 0 : i32
        %dma_start3A_134 = tpu.memref_slice %arg9[%dma_start3A, %dma_start3A_133] : memref<2x80xi32, #tpu.memory_space<vmem>> -> memref<1x80xi32, #tpu.memory_space<vmem>>
        %dma_start3A_135 = tpu.memref_squeeze %dma_start3A_134 : memref<1x80xi32, #tpu.memory_space<vmem>> -> memref<80xi32, #tpu.memory_space<vmem>>
        %dma_start3A_136 = tpu.memref_slice %arg4[%multiple_of3A_128] : memref<320000xi32, #tpu.memory_space<hbm>> -> memref<80xi32, #tpu.memory_space<hbm>>
        tpu.enqueue_dma source(%dma_start3A_136 : memref<80xi32, #tpu.memory_space<hbm>>) target(%dma_start3A_135 : memref<80xi32, #tpu.memory_space<vmem>>) target_semaphore(%arg16 : memref<!tpu.dma_semaphore, #tpu.memory_space<semaphore_mem>>)
        %dma_start3A_137 = arith.constant 0 : i32
        %dma_start3A_138 = arith.constant 0 : i32
        %dma_start3A_139 = arith.constant 0 : i32
        %dma_start3A_140 = tpu.memref_slice %arg10[%dma_start3A_137, %dma_start3A_138, %dma_start3A_139] : memref<2x80x128xf32, #tpu.memory_space<vmem>> -> memref<1x80x128xf32, #tpu.memory_space<vmem>>
        %dma_start3A_141 = tpu.memref_squeeze %dma_start3A_140 : memref<1x80x128xf32, #tpu.memory_space<vmem>> -> memref<80x128xf32, #tpu.memory_space<vmem>>
        %dma_start3A_142 = arith.constant 0 : i32
        %dma_start3A_143 = tpu.memref_slice %arg8[%dma_start3A_142] : memref<800xi32, #tpu.memory_space<vmem>> -> memref<80xi32, #tpu.memory_space<vmem>>
        %dma_start3A_144 = arith.constant 0 : i32
        %dma_start3A_145 = arith.constant 0 : i32
        %dma_start3A_146 = tpu.memref_slice %arg2[%dma_start3A_144, %dma_start3A_145] : memref<10000x128xf32, #tpu.memory_space<hbm>> -> memref<10000x128xf32, #tpu.memory_space<hbm>>
        tpu.enqueue_indirect_dma source(%dma_start3A_146 : memref<10000x128xf32, #tpu.memory_space<hbm>>) target(%dma_start3A_141 : memref<80x128xf32, #tpu.memory_space<vmem>>) offsets(%dma_start3A_143 : memref<80xi32, #tpu.memory_space<vmem>>) semaphore(%arg12 : memref<!tpu.dma_semaphore, #tpu.memory_space<semaphore_mem>>)
        %dma_wait3A_147 = arith.constant 0 : i32
        %dma_wait3A_148 = arith.constant 0 : i32
        %dma_wait3A_149 = arith.constant 0 : i32
        %dma_wait3A_150 = tpu.memref_slice %arg10[%dma_wait3A_147, %dma_wait3A_148, %dma_wait3A_149] : memref<2x80x128xf32, #tpu.memory_space<vmem>> -> memref<1x80x128xf32, #tpu.memory_space<vmem>>
        %dma_wait3A_151 = tpu.memref_squeeze %dma_wait3A_150 : memref<1x80x128xf32, #tpu.memory_space<vmem>> -> memref<80x128xf32, #tpu.memory_space<vmem>>
        %dma_wait3A_152 = arith.constant 0 : i32
        %dma_wait3A_153 = tpu.memref_slice %arg8[%dma_wait3A_152] : memref<800xi32, #tpu.memory_space<vmem>> -> memref<80xi32, #tpu.memory_space<vmem>>
        %dma_wait3A_154 = arith.constant 0 : i32
        %dma_wait3A_155 = arith.constant 0 : i32
        %dma_wait3A_156 = tpu.memref_slice %arg2[%dma_wait3A_154, %dma_wait3A_155] : memref<10000x128xf32, #tpu.memory_space<hbm>> -> memref<10000x128xf32, #tpu.memory_space<hbm>>
        tpu.wait_indirect_dma semaphore(%arg12 : memref<!tpu.dma_semaphore, #tpu.memory_space<semaphore_mem>>) src(%dma_wait3A_156 : memref<10000x128xf32, #tpu.memory_space<hbm>>) dst(%dma_wait3A_151 : memref<80x128xf32, #tpu.memory_space<vmem>>)
        %mul3A_157 = arith.constant 10 : i32
        %mul3A_158 = arith.muli %scan3A_110, %mul3A_157 : i32
        %add3A_159 = arith.constant 0 : i32
        %add3A_160 = arith.addi %mul3A_158, %add3A_159 : i32
        %mul3A_161 = arith.constant 250 : i32
        %mul3A_162 = arith.muli %arg1, %mul3A_161 : i32
        %add3A_163 = arith.addi %mul3A_162, %add3A_160 : i32
        %mul3A_164 = arith.constant 80 : i32
        %mul3A_165 = arith.muli %add3A_163, %mul3A_164 : i32
        %multiple_of3A_166 = tpu.assume_multiple %mul3A_165, 80 : i32
        %dma_wait3A_167 = arith.constant 0 : i32
        %dma_wait3A_168 = arith.constant 0 : i32
        %dma_wait3A_169 = tpu.memref_slice %arg9[%dma_wait3A_167, %dma_wait3A_168] : memref<2x80xi32, #tpu.memory_space<vmem>> -> memref<1x80xi32, #tpu.memory_space<vmem>>
        %dma_wait3A_170 = tpu.memref_squeeze %dma_wait3A_169 : memref<1x80xi32, #tpu.memory_space<vmem>> -> memref<80xi32, #tpu.memory_space<vmem>>
        %dma_wait3A_171 = tpu.memref_slice %arg4[%multiple_of3A_166] : memref<320000xi32, #tpu.memory_space<hbm>> -> memref<80xi32, #tpu.memory_space<hbm>>
        %dma_wait3A_172 = arith.constant 0 : i32
        %dma_wait3A_173 = tpu.memref_slice %arg9[%dma_wait3A_167, %dma_wait3A_172] : memref<2x80xi32, #tpu.memory_space<vmem>> -> memref<1x80xi32, #tpu.memory_space<vmem>>
        %dma_wait3A_174 = tpu.memref_squeeze %dma_wait3A_173 : memref<1x80xi32, #tpu.memory_space<vmem>> -> memref<80xi32, #tpu.memory_space<vmem>>
        %dma_wait3A_175 = tpu.memref_slice %arg4[%multiple_of3A_166] : memref<320000xi32, #tpu.memory_space<hbm>> -> memref<80xi32, #tpu.memory_space<hbm>>
        tpu.wait_dma2 semaphore(%arg16 : memref<!tpu.dma_semaphore, #tpu.memory_space<semaphore_mem>>) src(%dma_wait3A_175 : memref<80xi32, #tpu.memory_space<hbm>>) dst(%dma_wait3A_174 : memref<80xi32, #tpu.memory_space<vmem>>)
        %dma_start3A_176 = arith.constant 0 : i32
        %dma_start3A_177 = arith.constant 0 : i32
        %dma_start3A_178 = arith.constant 0 : i32
        %dma_start3A_179 = arith.constant 0 : i32
        %dma_start3A_180 = tpu.memref_slice %arg10[%dma_start3A_176, %dma_start3A_178, %dma_start3A_179] : memref<2x80x128xf32, #tpu.memory_space<vmem>> -> memref<1x80x128xf32, #tpu.memory_space<vmem>>
        %dma_start3A_181 = tpu.memref_squeeze %dma_start3A_180 : memref<1x80x128xf32, #tpu.memory_space<vmem>> -> memref<80x128xf32, #tpu.memory_space<vmem>>
        %dma_start3A_182 = arith.constant 0 : i32
        %dma_start3A_183 = tpu.memref_slice %arg9[%dma_start3A_177, %dma_start3A_182] : memref<2x80xi32, #tpu.memory_space<vmem>> -> memref<1x80xi32, #tpu.memory_space<vmem>>
        %dma_start3A_184 = tpu.memref_squeeze %dma_start3A_183 : memref<1x80xi32, #tpu.memory_space<vmem>> -> memref<80xi32, #tpu.memory_space<vmem>>
        %dma_start3A_185 = arith.constant 0 : i32
        %dma_start3A_186 = arith.constant 0 : i32
        %dma_start3A_187 = tpu.memref_slice %arg11[%dma_start3A_185, %dma_start3A_186] : memref<10000x128xf32, #tpu.memory_space<vmem_shared>> -> memref<10000x128xf32, #tpu.memory_space<vmem_shared>>
        tpu.enqueue_indirect_dma source(%dma_start3A_181 : memref<80x128xf32, #tpu.memory_space<vmem>>) target(%dma_start3A_187 : memref<10000x128xf32, #tpu.memory_space<vmem_shared>>) offsets(%dma_start3A_184 : memref<80xi32, #tpu.memory_space<vmem>>) semaphore(%arg14 : memref<!tpu.dma_semaphore, #tpu.memory_space<semaphore_mem>>) {add = true}
        %gt3A = arith.constant 0 : i32
        %gt3A_188 = arith.cmpi sgt, %scan3A_110, %gt3A : i32
        %convert_element_type3A_189 = arith.extui %gt3A_188 : i1 to i32
        %cond3A_190 = arith.constant 0 : i32
        %cond3A_191 = arith.cmpi ne, %convert_element_type3A_189, %cond3A_190 : i32
        scf.if %cond3A_191 {
          %dma_wait3A_930 = arith.constant 1 : i32
          %dma_wait3A_931 = arith.constant 1 : i32
          %dma_wait3A_932 = arith.constant 0 : i32
          %dma_wait3A_933 = arith.constant 0 : i32
          %dma_wait3A_934 = tpu.memref_slice %arg10[%dma_wait3A_930, %dma_wait3A_932, %dma_wait3A_933] : memref<2x80x128xf32, #tpu.memory_space<vmem>> -> memref<1x80x128xf32, #tpu.memory_space<vmem>>
          %dma_wait3A_935 = tpu.memref_squeeze %dma_wait3A_934 : memref<1x80x128xf32, #tpu.memory_space<vmem>> -> memref<80x128xf32, #tpu.memory_space<vmem>>
          %dma_wait3A_936 = arith.constant 0 : i32
          %dma_wait3A_937 = tpu.memref_slice %arg9[%dma_wait3A_931, %dma_wait3A_936] : memref<2x80xi32, #tpu.memory_space<vmem>> -> memref<1x80xi32, #tpu.memory_space<vmem>>
          %dma_wait3A_938 = tpu.memref_squeeze %dma_wait3A_937 : memref<1x80xi32, #tpu.memory_space<vmem>> -> memref<80xi32, #tpu.memory_space<vmem>>
          %dma_wait3A_939 = arith.constant 0 : i32
          %dma_wait3A_940 = arith.constant 0 : i32
          %dma_wait3A_941 = tpu.memref_slice %arg11[%dma_wait3A_939, %dma_wait3A_940] : memref<10000x128xf32, #tpu.memory_space<vmem_shared>> -> memref<10000x128xf32, #tpu.memory_space<vmem_shared>>
          tpu.wait_indirect_dma semaphore(%arg15 : memref<!tpu.dma_semaphore, #tpu.memory_space<semaphore_mem>>) src(%dma_wait3A_935 : memref<80x128xf32, #tpu.memory_space<vmem>>) dst(%dma_wait3A_941 : memref<10000x128xf32, #tpu.memory_space<vmem_shared>>)
        } else {
        }
        %dma_start3A_192 = arith.constant 1 : i32
        %dma_start3A_193 = arith.constant 0 : i32
        %dma_start3A_194 = arith.constant 0 : i32
        %dma_start3A_195 = tpu.memref_slice %arg10[%dma_start3A_192, %dma_start3A_193, %dma_start3A_194] : memref<2x80x128xf32, #tpu.memory_space<vmem>> -> memref<1x80x128xf32, #tpu.memory_space<vmem>>
        %dma_start3A_196 = tpu.memref_squeeze %dma_start3A_195 : memref<1x80x128xf32, #tpu.memory_space<vmem>> -> memref<80x128xf32, #tpu.memory_space<vmem>>
        %dma_start3A_197 = arith.constant 80 : i32
        %dma_start3A_198 = tpu.memref_slice %arg8[%dma_start3A_197] : memref<800xi32, #tpu.memory_space<vmem>> -> memref<80xi32, #tpu.memory_space<vmem>>
        %dma_start3A_199 = arith.constant 0 : i32
        %dma_start3A_200 = arith.constant 0 : i32
        %dma_start3A_201 = tpu.memref_slice %arg2[%dma_start3A_199, %dma_start3A_200] : memref<10000x128xf32, #tpu.memory_space<hbm>> -> memref<10000x128xf32, #tpu.memory_space<hbm>>
        tpu.enqueue_indirect_dma source(%dma_start3A_201 : memref<10000x128xf32, #tpu.memory_space<hbm>>) target(%dma_start3A_196 : memref<80x128xf32, #tpu.memory_space<vmem>>) offsets(%dma_start3A_198 : memref<80xi32, #tpu.memory_space<vmem>>) semaphore(%arg13 : memref<!tpu.dma_semaphore, #tpu.memory_space<semaphore_mem>>)
        %mul3A_202 = arith.constant 10 : i32
        %mul3A_203 = arith.muli %scan3A_110, %mul3A_202 : i32
        %add3A_204 = arith.constant 1 : i32
        %add3A_205 = arith.addi %mul3A_203, %add3A_204 : i32
        %mul3A_206 = arith.constant 250 : i32
        %mul3A_207 = arith.muli %arg1, %mul3A_206 : i32
        %add3A_208 = arith.addi %mul3A_207, %add3A_205 : i32
        %mul3A_209 = arith.constant 80 : i32
        %mul3A_210 = arith.muli %add3A_208, %mul3A_209 : i32
        %multiple_of3A_211 = tpu.assume_multiple %mul3A_210, 80 : i32
        %dma_start3A_212 = arith.constant 1 : i32
        %dma_start3A_213 = arith.constant 0 : i32
        %dma_start3A_214 = tpu.memref_slice %arg9[%dma_start3A_212, %dma_start3A_213] : memref<2x80xi32, #tpu.memory_space<vmem>> -> memref<1x80xi32, #tpu.memory_space<vmem>>
        %dma_start3A_215 = tpu.memref_squeeze %dma_start3A_214 : memref<1x80xi32, #tpu.memory_space<vmem>> -> memref<80xi32, #tpu.memory_space<vmem>>
        %dma_start3A_216 = tpu.memref_slice %arg4[%multiple_of3A_211] : memref<320000xi32, #tpu.memory_space<hbm>> -> memref<80xi32, #tpu.memory_space<hbm>>
        %dma_start3A_217 = arith.constant 0 : i32
        %dma_start3A_218 = tpu.memref_slice %arg9[%dma_start3A_212, %dma_start3A_217] : memref<2x80xi32, #tpu.memory_space<vmem>> -> memref<1x80xi32, #tpu.memory_space<vmem>>
        %dma_start3A_219 = tpu.memref_squeeze %dma_start3A_218 : memref<1x80xi32, #tpu.memory_space<vmem>> -> memref<80xi32, #tpu.memory_space<vmem>>
        %dma_start3A_220 = tpu.memref_slice %arg4[%multiple_of3A_211] : memref<320000xi32, #tpu.memory_space<hbm>> -> memref<80xi32, #tpu.memory_space<hbm>>
        tpu.enqueue_dma source(%dma_start3A_220 : memref<80xi32, #tpu.memory_space<hbm>>) target(%dma_start3A_219 : memref<80xi32, #tpu.memory_space<vmem>>) target_semaphore(%arg17 : memref<!tpu.dma_semaphore, #tpu.memory_space<semaphore_mem>>)
        %dma_wait3A_221 = arith.constant 1 : i32
        %dma_wait3A_222 = arith.constant 0 : i32
        %dma_wait3A_223 = arith.constant 0 : i32
        %dma_wait3A_224 = tpu.memref_slice %arg10[%dma_wait3A_221, %dma_wait3A_222, %dma_wait3A_223] : memref<2x80x128xf32, #tpu.memory_space<vmem>> -> memref<1x80x128xf32, #tpu.memory_space<vmem>>
        %dma_wait3A_225 = tpu.memref_squeeze %dma_wait3A_224 : memref<1x80x128xf32, #tpu.memory_space<vmem>> -> memref<80x128xf32, #tpu.memory_space<vmem>>
        %dma_wait3A_226 = arith.constant 80 : i32
        %dma_wait3A_227 = tpu.memref_slice %arg8[%dma_wait3A_226] : memref<800xi32, #tpu.memory_space<vmem>> -> memref<80xi32, #tpu.memory_space<vmem>>
        %dma_wait3A_228 = arith.constant 0 : i32
        %dma_wait3A_229 = arith.constant 0 : i32
        %dma_wait3A_230 = tpu.memref_slice %arg2[%dma_wait3A_228, %dma_wait3A_229] : memref<10000x128xf32, #tpu.memory_space<hbm>> -> memref<10000x128xf32, #tpu.memory_space<hbm>>
        tpu.wait_indirect_dma semaphore(%arg13 : memref<!tpu.dma_semaphore, #tpu.memory_space<semaphore_mem>>) src(%dma_wait3A_230 : memref<10000x128xf32, #tpu.memory_space<hbm>>) dst(%dma_wait3A_225 : memref<80x128xf32, #tpu.memory_space<vmem>>)
        %mul3A_231 = arith.constant 10 : i32
        %mul3A_232 = arith.muli %scan3A_110, %mul3A_231 : i32
        %add3A_233 = arith.constant 1 : i32
        %add3A_234 = arith.addi %mul3A_232, %add3A_233 : i32
        %mul3A_235 = arith.constant 250 : i32
        %mul3A_236 = arith.muli %arg1, %mul3A_235 : i32
        %add3A_237 = arith.addi %mul3A_236, %add3A_234 : i32
        %mul3A_238 = arith.constant 80 : i32
        %mul3A_239 = arith.muli %add3A_237, %mul3A_238 : i32
        %multiple_of3A_240 = tpu.assume_multiple %mul3A_239, 80 : i32
        %dma_wait3A_241 = arith.constant 1 : i32
        %dma_wait3A_242 = arith.constant 0 : i32
        %dma_wait3A_243 = tpu.memref_slice %arg9[%dma_wait3A_241, %dma_wait3A_242] : memref<2x80xi32, #tpu.memory_space<vmem>> -> memref<1x80xi32, #tpu.memory_space<vmem>>
        %dma_wait3A_244 = tpu.memref_squeeze %dma_wait3A_243 : memref<1x80xi32, #tpu.memory_space<vmem>> -> memref<80xi32, #tpu.memory_space<vmem>>
        %dma_wait3A_245 = tpu.memref_slice %arg4[%multiple_of3A_240] : memref<320000xi32, #tpu.memory_space<hbm>> -> memref<80xi32, #tpu.memory_space<hbm>>
        %dma_wait3A_246 = arith.constant 0 : i32
        %dma_wait3A_247 = tpu.memref_slice %arg9[%dma_wait3A_241, %dma_wait3A_246] : memref<2x80xi32, #tpu.memory_space<vmem>> -> memref<1x80xi32, #tpu.memory_space<vmem>>
        %dma_wait3A_248 = tpu.memref_squeeze %dma_wait3A_247 : memref<1x80xi32, #tpu.memory_space<vmem>> -> memref<80xi32, #tpu.memory_space<vmem>>
        %dma_wait3A_249 = tpu.memref_slice %arg4[%multiple_of3A_240] : memref<320000xi32, #tpu.memory_space<hbm>> -> memref<80xi32, #tpu.memory_space<hbm>>
        tpu.wait_dma2 semaphore(%arg17 : memref<!tpu.dma_semaphore, #tpu.memory_space<semaphore_mem>>) src(%dma_wait3A_249 : memref<80xi32, #tpu.memory_space<hbm>>) dst(%dma_wait3A_248 : memref<80xi32, #tpu.memory_space<vmem>>)
        %dma_start3A_250 = arith.constant 1 : i32
        %dma_start3A_251 = arith.constant 1 : i32
        %dma_start3A_252 = arith.constant 0 : i32
        %dma_start3A_253 = arith.constant 0 : i32
        %dma_start3A_254 = tpu.memref_slice %arg10[%dma_start3A_250, %dma_start3A_252, %dma_start3A_253] : memref<2x80x128xf32, #tpu.memory_space<vmem>> -> memref<1x80x128xf32, #tpu.memory_space<vmem>>
        %dma_start3A_255 = tpu.memref_squeeze %dma_start3A_254 : memref<1x80x128xf32, #tpu.memory_space<vmem>> -> memref<80x128xf32, #tpu.memory_space<vmem>>
        %dma_start3A_256 = arith.constant 0 : i32
        %dma_start3A_257 = tpu.memref_slice %arg9[%dma_start3A_251, %dma_start3A_256] : memref<2x80xi32, #tpu.memory_space<vmem>> -> memref<1x80xi32, #tpu.memory_space<vmem>>
        %dma_start3A_258 = tpu.memref_squeeze %dma_start3A_257 : memref<1x80xi32, #tpu.memory_space<vmem>> -> memref<80xi32, #tpu.memory_space<vmem>>
        %dma_start3A_259 = arith.constant 0 : i32
        %dma_start3A_260 = arith.constant 0 : i32
        %dma_start3A_261 = tpu.memref_slice %arg11[%dma_start3A_259, %dma_start3A_260] : memref<10000x128xf32, #tpu.memory_space<vmem_shared>> -> memref<10000x128xf32, #tpu.memory_space<vmem_shared>>
        tpu.enqueue_indirect_dma source(%dma_start3A_255 : memref<80x128xf32, #tpu.memory_space<vmem>>) target(%dma_start3A_261 : memref<10000x128xf32, #tpu.memory_space<vmem_shared>>) offsets(%dma_start3A_258 : memref<80xi32, #tpu.memory_space<vmem>>) semaphore(%arg15 : memref<!tpu.dma_semaphore, #tpu.memory_space<semaphore_mem>>) {add = true}
        %dma_wait3A_262 = arith.constant 0 : i32
        %dma_wait3A_263 = arith.constant 0 : i32
        %dma_wait3A_264 = arith.constant 0 : i32
        %dma_wait3A_265 = arith.constant 0 : i32
        %dma_wait3A_266 = tpu.memref_slice %arg10[%dma_wait3A_262, %dma_wait3A_264, %dma_wait3A_265] : memref<2x80x128xf32, #tpu.memory_space<vmem>> -> memref<1x80x128xf32, #tpu.memory_space<vmem>>
        %dma_wait3A_267 = tpu.memref_squeeze %dma_wait3A_266 : memref<1x80x128xf32, #tpu.memory_space<vmem>> -> memref<80x128xf32, #tpu.memory_space<vmem>>
        %dma_wait3A_268 = arith.constant 0 : i32
        %dma_wait3A_269 = tpu.memref_slice %arg9[%dma_wait3A_263, %dma_wait3A_268] : memref<2x80xi32, #tpu.memory_space<vmem>> -> memref<1x80xi32, #tpu.memory_space<vmem>>
        %dma_wait3A_270 = tpu.memref_squeeze %dma_wait3A_269 : memref<1x80xi32, #tpu.memory_space<vmem>> -> memref<80xi32, #tpu.memory_space<vmem>>
        %dma_wait3A_271 = arith.constant 0 : i32
        %dma_wait3A_272 = arith.constant 0 : i32
        %dma_wait3A_273 = tpu.memref_slice %arg11[%dma_wait3A_271, %dma_wait3A_272] : memref<10000x128xf32, #tpu.memory_space<vmem_shared>> -> memref<10000x128xf32, #tpu.memory_space<vmem_shared>>
        tpu.wait_indirect_dma semaphore(%arg14 : memref<!tpu.dma_semaphore, #tpu.memory_space<semaphore_mem>>) src(%dma_wait3A_267 : memref<80x128xf32, #tpu.memory_space<vmem>>) dst(%dma_wait3A_273 : memref<10000x128xf32, #tpu.memory_space<vmem_shared>>)
        %dma_start3A_274 = arith.constant 0 : i32
        %dma_start3A_275 = arith.constant 0 : i32
        %dma_start3A_276 = arith.constant 0 : i32
        %dma_start3A_277 = tpu.memref_slice %arg10[%dma_start3A_274, %dma_start3A_275, %dma_start3A_276] : memref<2x80x128xf32, #tpu.memory_space<vmem>> -> memref<1x80x128xf32, #tpu.memory_space<vmem>>
        %dma_start3A_278 = tpu.memref_squeeze %dma_start3A_277 : memref<1x80x128xf32, #tpu.memory_space<vmem>> -> memref<80x128xf32, #tpu.memory_space<vmem>>
        %dma_start3A_279 = arith.constant 160 : i32
        %dma_start3A_280 = tpu.memref_slice %arg8[%dma_start3A_279] : memref<800xi32, #tpu.memory_space<vmem>> -> memref<80xi32, #tpu.memory_space<vmem>>
        %dma_start3A_281 = arith.constant 0 : i32
        %dma_start3A_282 = arith.constant 0 : i32
        %dma_start3A_283 = tpu.memref_slice %arg2[%dma_start3A_281, %dma_start3A_282] : memref<10000x128xf32, #tpu.memory_space<hbm>> -> memref<10000x128xf32, #tpu.memory_space<hbm>>
        tpu.enqueue_indirect_dma source(%dma_start3A_283 : memref<10000x128xf32, #tpu.memory_space<hbm>>) target(%dma_start3A_278 : memref<80x128xf32, #tpu.memory_space<vmem>>) offsets(%dma_start3A_280 : memref<80xi32, #tpu.memory_space<vmem>>) semaphore(%arg12 : memref<!tpu.dma_semaphore, #tpu.memory_space<semaphore_mem>>)
        %mul3A_284 = arith.constant 10 : i32
        %mul3A_285 = arith.muli %scan3A_110, %mul3A_284 : i32
        %add3A_286 = arith.constant 2 : i32
        %add3A_287 = arith.addi %mul3A_285, %add3A_286 : i32
        %mul3A_288 = arith.constant 250 : i32
        %mul3A_289 = arith.muli %arg1, %mul3A_288 : i32
        %add3A_290 = arith.addi %mul3A_289, %add3A_287 : i32
        %mul3A_291 = arith.constant 80 : i32
        %mul3A_292 = arith.muli %add3A_290, %mul3A_291 : i32
        %multiple_of3A_293 = tpu.assume_multiple %mul3A_292, 80 : i32
        %dma_start3A_294 = arith.constant 0 : i32
        %dma_start3A_295 = arith.constant 0 : i32
        %dma_start3A_296 = tpu.memref_slice %arg9[%dma_start3A_294, %dma_start3A_295] : memref<2x80xi32, #tpu.memory_space<vmem>> -> memref<1x80xi32, #tpu.memory_space<vmem>>
        %dma_start3A_297 = tpu.memref_squeeze %dma_start3A_296 : memref<1x80xi32, #tpu.memory_space<vmem>> -> memref<80xi32, #tpu.memory_space<vmem>>
        %dma_start3A_298 = tpu.memref_slice %arg4[%multiple_of3A_293] : memref<320000xi32, #tpu.memory_space<hbm>> -> memref<80xi32, #tpu.memory_space<hbm>>
        %dma_start3A_299 = arith.constant 0 : i32
        %dma_start3A_300 = tpu.memref_slice %arg9[%dma_start3A_294, %dma_start3A_299] : memref<2x80xi32, #tpu.memory_space<vmem>> -> memref<1x80xi32, #tpu.memory_space<vmem>>
        %dma_start3A_301 = tpu.memref_squeeze %dma_start3A_300 : memref<1x80xi32, #tpu.memory_space<vmem>> -> memref<80xi32, #tpu.memory_space<vmem>>
        %dma_start3A_302 = tpu.memref_slice %arg4[%multiple_of3A_293] : memref<320000xi32, #tpu.memory_space<hbm>> -> memref<80xi32, #tpu.memory_space<hbm>>
        tpu.enqueue_dma source(%dma_start3A_302 : memref<80xi32, #tpu.memory_space<hbm>>) target(%dma_start3A_301 : memref<80xi32, #tpu.memory_space<vmem>>) target_semaphore(%arg16 : memref<!tpu.dma_semaphore, #tpu.memory_space<semaphore_mem>>)
        %dma_wait3A_303 = arith.constant 0 : i32
        %dma_wait3A_304 = arith.constant 0 : i32
        %dma_wait3A_305 = arith.constant 0 : i32
        %dma_wait3A_306 = tpu.memref_slice %arg10[%dma_wait3A_303, %dma_wait3A_304, %dma_wait3A_305] : memref<2x80x128xf32, #tpu.memory_space<vmem>> -> memref<1x80x128xf32, #tpu.memory_space<vmem>>
        %dma_wait3A_307 = tpu.memref_squeeze %dma_wait3A_306 : memref<1x80x128xf32, #tpu.memory_space<vmem>> -> memref<80x128xf32, #tpu.memory_space<vmem>>
        %dma_wait3A_308 = arith.constant 160 : i32
        %dma_wait3A_309 = tpu.memref_slice %arg8[%dma_wait3A_308] : memref<800xi32, #tpu.memory_space<vmem>> -> memref<80xi32, #tpu.memory_space<vmem>>
        %dma_wait3A_310 = arith.constant 0 : i32
        %dma_wait3A_311 = arith.constant 0 : i32
        %dma_wait3A_312 = tpu.memref_slice %arg2[%dma_wait3A_310, %dma_wait3A_311] : memref<10000x128xf32, #tpu.memory_space<hbm>> -> memref<10000x128xf32, #tpu.memory_space<hbm>>
        tpu.wait_indirect_dma semaphore(%arg12 : memref<!tpu.dma_semaphore, #tpu.memory_space<semaphore_mem>>) src(%dma_wait3A_312 : memref<10000x128xf32, #tpu.memory_space<hbm>>) dst(%dma_wait3A_307 : memref<80x128xf32, #tpu.memory_space<vmem>>)
        %mul3A_313 = arith.constant 10 : i32
        %mul3A_314 = arith.muli %scan3A_110, %mul3A_313 : i32
        %add3A_315 = arith.constant 2 : i32
        %add3A_316 = arith.addi %mul3A_314, %add3A_315 : i32
        %mul3A_317 = arith.constant 250 : i32
        %mul3A_318 = arith.muli %arg1, %mul3A_317 : i32
        %add3A_319 = arith.addi %mul3A_318, %add3A_316 : i32
        %mul3A_320 = arith.constant 80 : i32
        %mul3A_321 = arith.muli %add3A_319, %mul3A_320 : i32
        %multiple_of3A_322 = tpu.assume_multiple %mul3A_321, 80 : i32
        %dma_wait3A_323 = arith.constant 0 : i32
        %dma_wait3A_324 = arith.constant 0 : i32
        %dma_wait3A_325 = tpu.memref_slice %arg9[%dma_wait3A_323, %dma_wait3A_324] : memref<2x80xi32, #tpu.memory_space<vmem>> -> memref<1x80xi32, #tpu.memory_space<vmem>>
        %dma_wait3A_326 = tpu.memref_squeeze %dma_wait3A_325 : memref<1x80xi32, #tpu.memory_space<vmem>> -> memref<80xi32, #tpu.memory_space<vmem>>
        %dma_wait3A_327 = tpu.memref_slice %arg4[%multiple_of3A_322] : memref<320000xi32, #tpu.memory_space<hbm>> -> memref<80xi32, #tpu.memory_space<hbm>>
        %dma_wait3A_328 = arith.constant 0 : i32
        %dma_wait3A_329 = tpu.memref_slice %arg9[%dma_wait3A_323, %dma_wait3A_328] : memref<2x80xi32, #tpu.memory_space<vmem>> -> memref<1x80xi32, #tpu.memory_space<vmem>>
        %dma_wait3A_330 = tpu.memref_squeeze %dma_wait3A_329 : memref<1x80xi32, #tpu.memory_space<vmem>> -> memref<80xi32, #tpu.memory_space<vmem>>
        %dma_wait3A_331 = tpu.memref_slice %arg4[%multiple_of3A_322] : memref<320000xi32, #tpu.memory_space<hbm>> -> memref<80xi32, #tpu.memory_space<hbm>>
        tpu.wait_dma2 semaphore(%arg16 : memref<!tpu.dma_semaphore, #tpu.memory_space<semaphore_mem>>) src(%dma_wait3A_331 : memref<80xi32, #tpu.memory_space<hbm>>) dst(%dma_wait3A_330 : memref<80xi32, #tpu.memory_space<vmem>>)
        %dma_start3A_332 = arith.constant 0 : i32
        %dma_start3A_333 = arith.constant 0 : i32
        %dma_start3A_334 = arith.constant 0 : i32
        %dma_start3A_335 = arith.constant 0 : i32
        %dma_start3A_336 = tpu.memref_slice %arg10[%dma_start3A_332, %dma_start3A_334, %dma_start3A_335] : memref<2x80x128xf32, #tpu.memory_space<vmem>> -> memref<1x80x128xf32, #tpu.memory_space<vmem>>
        %dma_start3A_337 = tpu.memref_squeeze %dma_start3A_336 : memref<1x80x128xf32, #tpu.memory_space<vmem>> -> memref<80x128xf32, #tpu.memory_space<vmem>>
        %dma_start3A_338 = arith.constant 0 : i32
        %dma_start3A_339 = tpu.memref_slice %arg9[%dma_start3A_333, %dma_start3A_338] : memref<2x80xi32, #tpu.memory_space<vmem>> -> memref<1x80xi32, #tpu.memory_space<vmem>>
        %dma_start3A_340 = tpu.memref_squeeze %dma_start3A_339 : memref<1x80xi32, #tpu.memory_space<vmem>> -> memref<80xi32, #tpu.memory_space<vmem>>
        %dma_start3A_341 = arith.constant 0 : i32
        %dma_start3A_342 = arith.constant 0 : i32
        %dma_start3A_343 = tpu.memref_slice %arg11[%dma_start3A_341, %dma_start3A_342] : memref<10000x128xf32, #tpu.memory_space<vmem_shared>> -> memref<10000x128xf32, #tpu.memory_space<vmem_shared>>
        tpu.enqueue_indirect_dma source(%dma_start3A_337 : memref<80x128xf32, #tpu.memory_space<vmem>>) target(%dma_start3A_343 : memref<10000x128xf32, #tpu.memory_space<vmem_shared>>) offsets(%dma_start3A_340 : memref<80xi32, #tpu.memory_space<vmem>>) semaphore(%arg14 : memref<!tpu.dma_semaphore, #tpu.memory_space<semaphore_mem>>) {add = true}
        %dma_wait3A_344 = arith.constant 1 : i32
        %dma_wait3A_345 = arith.constant 1 : i32
        %dma_wait3A_346 = arith.constant 0 : i32
        %dma_wait3A_347 = arith.constant 0 : i32
        %dma_wait3A_348 = tpu.memref_slice %arg10[%dma_wait3A_344, %dma_wait3A_346, %dma_wait3A_347] : memref<2x80x128xf32, #tpu.memory_space<vmem>> -> memref<1x80x128xf32, #tpu.memory_space<vmem>>
        %dma_wait3A_349 = tpu.memref_squeeze %dma_wait3A_348 : memref<1x80x128xf32, #tpu.memory_space<vmem>> -> memref<80x128xf32, #tpu.memory_space<vmem>>
        %dma_wait3A_350 = arith.constant 0 : i32
        %dma_wait3A_351 = tpu.memref_slice %arg9[%dma_wait3A_345, %dma_wait3A_350] : memref<2x80xi32, #tpu.memory_space<vmem>> -> memref<1x80xi32, #tpu.memory_space<vmem>>
        %dma_wait3A_352 = tpu.memref_squeeze %dma_wait3A_351 : memref<1x80xi32, #tpu.memory_space<vmem>> -> memref<80xi32, #tpu.memory_space<vmem>>
        %dma_wait3A_353 = arith.constant 0 : i32
        %dma_wait3A_354 = arith.constant 0 : i32
        %dma_wait3A_355 = tpu.memref_slice %arg11[%dma_wait3A_353, %dma_wait3A_354] : memref<10000x128xf32, #tpu.memory_space<vmem_shared>> -> memref<10000x128xf32, #tpu.memory_space<vmem_shared>>
        tpu.wait_indirect_dma semaphore(%arg15 : memref<!tpu.dma_semaphore, #tpu.memory_space<semaphore_mem>>) src(%dma_wait3A_349 : memref<80x128xf32, #tpu.memory_space<vmem>>) dst(%dma_wait3A_355 : memref<10000x128xf32, #tpu.memory_space<vmem_shared>>)
        %dma_start3A_356 = arith.constant 1 : i32
        %dma_start3A_357 = arith.constant 0 : i32
        %dma_start3A_358 = arith.constant 0 : i32
        %dma_start3A_359 = tpu.memref_slice %arg10[%dma_start3A_356, %dma_start3A_357, %dma_start3A_358] : memref<2x80x128xf32, #tpu.memory_space<vmem>> -> memref<1x80x128xf32, #tpu.memory_space<vmem>>
        %dma_start3A_360 = tpu.memref_squeeze %dma_start3A_359 : memref<1x80x128xf32, #tpu.memory_space<vmem>> -> memref<80x128xf32, #tpu.memory_space<vmem>>
        %dma_start3A_361 = arith.constant 240 : i32
        %dma_start3A_362 = tpu.memref_slice %arg8[%dma_start3A_361] : memref<800xi32, #tpu.memory_space<vmem>> -> memref<80xi32, #tpu.memory_space<vmem>>
        %dma_start3A_363 = arith.constant 0 : i32
        %dma_start3A_364 = arith.constant 0 : i32
        %dma_start3A_365 = tpu.memref_slice %arg2[%dma_start3A_363, %dma_start3A_364] : memref<10000x128xf32, #tpu.memory_space<hbm>> -> memref<10000x128xf32, #tpu.memory_space<hbm>>
        tpu.enqueue_indirect_dma source(%dma_start3A_365 : memref<10000x128xf32, #tpu.memory_space<hbm>>) target(%dma_start3A_360 : memref<80x128xf32, #tpu.memory_space<vmem>>) offsets(%dma_start3A_362 : memref<80xi32, #tpu.memory_space<vmem>>) semaphore(%arg13 : memref<!tpu.dma_semaphore, #tpu.memory_space<semaphore_mem>>)
        %mul3A_366 = arith.constant 10 : i32
        %mul3A_367 = arith.muli %scan3A_110, %mul3A_366 : i32
        %add3A_368 = arith.constant 3 : i32
        %add3A_369 = arith.addi %mul3A_367, %add3A_368 : i32
        %mul3A_370 = arith.constant 250 : i32
        %mul3A_371 = arith.muli %arg1, %mul3A_370 : i32
        %add3A_372 = arith.addi %mul3A_371, %add3A_369 : i32
        %mul3A_373 = arith.constant 80 : i32
        %mul3A_374 = arith.muli %add3A_372, %mul3A_373 : i32
        %multiple_of3A_375 = tpu.assume_multiple %mul3A_374, 80 : i32
        %dma_start3A_376 = arith.constant 1 : i32
        %dma_start3A_377 = arith.constant 0 : i32
        %dma_start3A_378 = tpu.memref_slice %arg9[%dma_start3A_376, %dma_start3A_377] : memref<2x80xi32, #tpu.memory_space<vmem>> -> memref<1x80xi32, #tpu.memory_space<vmem>>
        %dma_start3A_379 = tpu.memref_squeeze %dma_start3A_378 : memref<1x80xi32, #tpu.memory_space<vmem>> -> memref<80xi32, #tpu.memory_space<vmem>>
        %dma_start3A_380 = tpu.memref_slice %arg4[%multiple_of3A_375] : memref<320000xi32, #tpu.memory_space<hbm>> -> memref<80xi32, #tpu.memory_space<hbm>>
        %dma_start3A_381 = arith.constant 0 : i32
        %dma_start3A_382 = tpu.memref_slice %arg9[%dma_start3A_376, %dma_start3A_381] : memref<2x80xi32, #tpu.memory_space<vmem>> -> memref<1x80xi32, #tpu.memory_space<vmem>>
        %dma_start3A_383 = tpu.memref_squeeze %dma_start3A_382 : memref<1x80xi32, #tpu.memory_space<vmem>> -> memref<80xi32, #tpu.memory_space<vmem>>
        %dma_start3A_384 = tpu.memref_slice %arg4[%multiple_of3A_375] : memref<320000xi32, #tpu.memory_space<hbm>> -> memref<80xi32, #tpu.memory_space<hbm>>
        tpu.enqueue_dma source(%dma_start3A_384 : memref<80xi32, #tpu.memory_space<hbm>>) target(%dma_start3A_383 : memref<80xi32, #tpu.memory_space<vmem>>) target_semaphore(%arg17 : memref<!tpu.dma_semaphore, #tpu.memory_space<semaphore_mem>>)
        %dma_wait3A_385 = arith.constant 1 : i32
        %dma_wait3A_386 = arith.constant 0 : i32
        %dma_wait3A_387 = arith.constant 0 : i32
        %dma_wait3A_388 = tpu.memref_slice %arg10[%dma_wait3A_385, %dma_wait3A_386, %dma_wait3A_387] : memref<2x80x128xf32, #tpu.memory_space<vmem>> -> memref<1x80x128xf32, #tpu.memory_space<vmem>>
        %dma_wait3A_389 = tpu.memref_squeeze %dma_wait3A_388 : memref<1x80x128xf32, #tpu.memory_space<vmem>> -> memref<80x128xf32, #tpu.memory_space<vmem>>
        %dma_wait3A_390 = arith.constant 240 : i32
        %dma_wait3A_391 = tpu.memref_slice %arg8[%dma_wait3A_390] : memref<800xi32, #tpu.memory_space<vmem>> -> memref<80xi32, #tpu.memory_space<vmem>>
        %dma_wait3A_392 = arith.constant 0 : i32
        %dma_wait3A_393 = arith.constant 0 : i32
        %dma_wait3A_394 = tpu.memref_slice %arg2[%dma_wait3A_392, %dma_wait3A_393] : memref<10000x128xf32, #tpu.memory_space<hbm>> -> memref<10000x128xf32, #tpu.memory_space<hbm>>
        tpu.wait_indirect_dma semaphore(%arg13 : memref<!tpu.dma_semaphore, #tpu.memory_space<semaphore_mem>>) src(%dma_wait3A_394 : memref<10000x128xf32, #tpu.memory_space<hbm>>) dst(%dma_wait3A_389 : memref<80x128xf32, #tpu.memory_space<vmem>>)
        %mul3A_395 = arith.constant 10 : i32
        %mul3A_396 = arith.muli %scan3A_110, %mul3A_395 : i32
        %add3A_397 = arith.constant 3 : i32
        %add3A_398 = arith.addi %mul3A_396, %add3A_397 : i32
        %mul3A_399 = arith.constant 250 : i32
        %mul3A_400 = arith.muli %arg1, %mul3A_399 : i32
        %add3A_401 = arith.addi %mul3A_400, %add3A_398 : i32
        %mul3A_402 = arith.constant 80 : i32
        %mul3A_403 = arith.muli %add3A_401, %mul3A_402 : i32
        %multiple_of3A_404 = tpu.assume_multiple %mul3A_403, 80 : i32
        %dma_wait3A_405 = arith.constant 1 : i32
        %dma_wait3A_406 = arith.constant 0 : i32
        %dma_wait3A_407 = tpu.memref_slice %arg9[%dma_wait3A_405, %dma_wait3A_406] : memref<2x80xi32, #tpu.memory_space<vmem>> -> memref<1x80xi32, #tpu.memory_space<vmem>>
        %dma_wait3A_408 = tpu.memref_squeeze %dma_wait3A_407 : memref<1x80xi32, #tpu.memory_space<vmem>> -> memref<80xi32, #tpu.memory_space<vmem>>
        %dma_wait3A_409 = tpu.memref_slice %arg4[%multiple_of3A_404] : memref<320000xi32, #tpu.memory_space<hbm>> -> memref<80xi32, #tpu.memory_space<hbm>>
        %dma_wait3A_410 = arith.constant 0 : i32
        %dma_wait3A_411 = tpu.memref_slice %arg9[%dma_wait3A_405, %dma_wait3A_410] : memref<2x80xi32, #tpu.memory_space<vmem>> -> memref<1x80xi32, #tpu.memory_space<vmem>>
        %dma_wait3A_412 = tpu.memref_squeeze %dma_wait3A_411 : memref<1x80xi32, #tpu.memory_space<vmem>> -> memref<80xi32, #tpu.memory_space<vmem>>
        %dma_wait3A_413 = tpu.memref_slice %arg4[%multiple_of3A_404] : memref<320000xi32, #tpu.memory_space<hbm>> -> memref<80xi32, #tpu.memory_space<hbm>>
        tpu.wait_dma2 semaphore(%arg17 : memref<!tpu.dma_semaphore, #tpu.memory_space<semaphore_mem>>) src(%dma_wait3A_413 : memref<80xi32, #tpu.memory_space<hbm>>) dst(%dma_wait3A_412 : memref<80xi32, #tpu.memory_space<vmem>>)
        %dma_start3A_414 = arith.constant 1 : i32
        %dma_start3A_415 = arith.constant 1 : i32
        %dma_start3A_416 = arith.constant 0 : i32
        %dma_start3A_417 = arith.constant 0 : i32
        %dma_start3A_418 = tpu.memref_slice %arg10[%dma_start3A_414, %dma_start3A_416, %dma_start3A_417] : memref<2x80x128xf32, #tpu.memory_space<vmem>> -> memref<1x80x128xf32, #tpu.memory_space<vmem>>
        %dma_start3A_419 = tpu.memref_squeeze %dma_start3A_418 : memref<1x80x128xf32, #tpu.memory_space<vmem>> -> memref<80x128xf32, #tpu.memory_space<vmem>>
        %dma_start3A_420 = arith.constant 0 : i32
        %dma_start3A_421 = tpu.memref_slice %arg9[%dma_start3A_415, %dma_start3A_420] : memref<2x80xi32, #tpu.memory_space<vmem>> -> memref<1x80xi32, #tpu.memory_space<vmem>>
        %dma_start3A_422 = tpu.memref_squeeze %dma_start3A_421 : memref<1x80xi32, #tpu.memory_space<vmem>> -> memref<80xi32, #tpu.memory_space<vmem>>
        %dma_start3A_423 = arith.constant 0 : i32
        %dma_start3A_424 = arith.constant 0 : i32
        %dma_start3A_425 = tpu.memref_slice %arg11[%dma_start3A_423, %dma_start3A_424] : memref<10000x128xf32, #tpu.memory_space<vmem_shared>> -> memref<10000x128xf32, #tpu.memory_space<vmem_shared>>
        tpu.enqueue_indirect_dma source(%dma_start3A_419 : memref<80x128xf32, #tpu.memory_space<vmem>>) target(%dma_start3A_425 : memref<10000x128xf32, #tpu.memory_space<vmem_shared>>) offsets(%dma_start3A_422 : memref<80xi32, #tpu.memory_space<vmem>>) semaphore(%arg15 : memref<!tpu.dma_semaphore, #tpu.memory_space<semaphore_mem>>) {add = true}
        %dma_wait3A_426 = arith.constant 0 : i32
        %dma_wait3A_427 = arith.constant 0 : i32
        %dma_wait3A_428 = arith.constant 0 : i32
        %dma_wait3A_429 = arith.constant 0 : i32
        %dma_wait3A_430 = tpu.memref_slice %arg10[%dma_wait3A_426, %dma_wait3A_428, %dma_wait3A_429] : memref<2x80x128xf32, #tpu.memory_space<vmem>> -> memref<1x80x128xf32, #tpu.memory_space<vmem>>
        %dma_wait3A_431 = tpu.memref_squeeze %dma_wait3A_430 : memref<1x80x128xf32, #tpu.memory_space<vmem>> -> memref<80x128xf32, #tpu.memory_space<vmem>>
        %dma_wait3A_432 = arith.constant 0 : i32
        %dma_wait3A_433 = tpu.memref_slice %arg9[%dma_wait3A_427, %dma_wait3A_432] : memref<2x80xi32, #tpu.memory_space<vmem>> -> memref<1x80xi32, #tpu.memory_space<vmem>>
        %dma_wait3A_434 = tpu.memref_squeeze %dma_wait3A_433 : memref<1x80xi32, #tpu.memory_space<vmem>> -> memref<80xi32, #tpu.memory_space<vmem>>
        %dma_wait3A_435 = arith.constant 0 : i32
        %dma_wait3A_436 = arith.constant 0 : i32
        %dma_wait3A_437 = tpu.memref_slice %arg11[%dma_wait3A_435, %dma_wait3A_436] : memref<10000x128xf32, #tpu.memory_space<vmem_shared>> -> memref<10000x128xf32, #tpu.memory_space<vmem_shared>>
        tpu.wait_indirect_dma semaphore(%arg14 : memref<!tpu.dma_semaphore, #tpu.memory_space<semaphore_mem>>) src(%dma_wait3A_431 : memref<80x128xf32, #tpu.memory_space<vmem>>) dst(%dma_wait3A_437 : memref<10000x128xf32, #tpu.memory_space<vmem_shared>>)
        %dma_start3A_438 = arith.constant 0 : i32
        %dma_start3A_439 = arith.constant 0 : i32
        %dma_start3A_440 = arith.constant 0 : i32
        %dma_start3A_441 = tpu.memref_slice %arg10[%dma_start3A_438, %dma_start3A_439, %dma_start3A_440] : memref<2x80x128xf32, #tpu.memory_space<vmem>> -> memref<1x80x128xf32, #tpu.memory_space<vmem>>
        %dma_start3A_442 = tpu.memref_squeeze %dma_start3A_441 : memref<1x80x128xf32, #tpu.memory_space<vmem>> -> memref<80x128xf32, #tpu.memory_space<vmem>>
        %dma_start3A_443 = arith.constant 320 : i32
        %dma_start3A_444 = tpu.memref_slice %arg8[%dma_start3A_443] : memref<800xi32, #tpu.memory_space<vmem>> -> memref<80xi32, #tpu.memory_space<vmem>>
        %dma_start3A_445 = arith.constant 0 : i32
        %dma_start3A_446 = arith.constant 0 : i32
        %dma_start3A_447 = tpu.memref_slice %arg2[%dma_start3A_445, %dma_start3A_446] : memref<10000x128xf32, #tpu.memory_space<hbm>> -> memref<10000x128xf32, #tpu.memory_space<hbm>>
        tpu.enqueue_indirect_dma source(%dma_start3A_447 : memref<10000x128xf32, #tpu.memory_space<hbm>>) target(%dma_start3A_442 : memref<80x128xf32, #tpu.memory_space<vmem>>) offsets(%dma_start3A_444 : memref<80xi32, #tpu.memory_space<vmem>>) semaphore(%arg12 : memref<!tpu.dma_semaphore, #tpu.memory_space<semaphore_mem>>)
        %mul3A_448 = arith.constant 10 : i32
        %mul3A_449 = arith.muli %scan3A_110, %mul3A_448 : i32
        %add3A_450 = arith.constant 4 : i32
        %add3A_451 = arith.addi %mul3A_449, %add3A_450 : i32
        %mul3A_452 = arith.constant 250 : i32
        %mul3A_453 = arith.muli %arg1, %mul3A_452 : i32
        %add3A_454 = arith.addi %mul3A_453, %add3A_451 : i32
        %mul3A_455 = arith.constant 80 : i32
        %mul3A_456 = arith.muli %add3A_454, %mul3A_455 : i32
        %multiple_of3A_457 = tpu.assume_multiple %mul3A_456, 80 : i32
        %dma_start3A_458 = arith.constant 0 : i32
        %dma_start3A_459 = arith.constant 0 : i32
        %dma_start3A_460 = tpu.memref_slice %arg9[%dma_start3A_458, %dma_start3A_459] : memref<2x80xi32, #tpu.memory_space<vmem>> -> memref<1x80xi32, #tpu.memory_space<vmem>>
        %dma_start3A_461 = tpu.memref_squeeze %dma_start3A_460 : memref<1x80xi32, #tpu.memory_space<vmem>> -> memref<80xi32, #tpu.memory_space<vmem>>
        %dma_start3A_462 = tpu.memref_slice %arg4[%multiple_of3A_457] : memref<320000xi32, #tpu.memory_space<hbm>> -> memref<80xi32, #tpu.memory_space<hbm>>
        %dma_start3A_463 = arith.constant 0 : i32
        %dma_start3A_464 = tpu.memref_slice %arg9[%dma_start3A_458, %dma_start3A_463] : memref<2x80xi32, #tpu.memory_space<vmem>> -> memref<1x80xi32, #tpu.memory_space<vmem>>
        %dma_start3A_465 = tpu.memref_squeeze %dma_start3A_464 : memref<1x80xi32, #tpu.memory_space<vmem>> -> memref<80xi32, #tpu.memory_space<vmem>>
        %dma_start3A_466 = tpu.memref_slice %arg4[%multiple_of3A_457] : memref<320000xi32, #tpu.memory_space<hbm>> -> memref<80xi32, #tpu.memory_space<hbm>>
        tpu.enqueue_dma source(%dma_start3A_466 : memref<80xi32, #tpu.memory_space<hbm>>) target(%dma_start3A_465 : memref<80xi32, #tpu.memory_space<vmem>>) target_semaphore(%arg16 : memref<!tpu.dma_semaphore, #tpu.memory_space<semaphore_mem>>)
        %dma_wait3A_467 = arith.constant 0 : i32
        %dma_wait3A_468 = arith.constant 0 : i32
        %dma_wait3A_469 = arith.constant 0 : i32
        %dma_wait3A_470 = tpu.memref_slice %arg10[%dma_wait3A_467, %dma_wait3A_468, %dma_wait3A_469] : memref<2x80x128xf32, #tpu.memory_space<vmem>> -> memref<1x80x128xf32, #tpu.memory_space<vmem>>
        %dma_wait3A_471 = tpu.memref_squeeze %dma_wait3A_470 : memref<1x80x128xf32, #tpu.memory_space<vmem>> -> memref<80x128xf32, #tpu.memory_space<vmem>>
        %dma_wait3A_472 = arith.constant 320 : i32
        %dma_wait3A_473 = tpu.memref_slice %arg8[%dma_wait3A_472] : memref<800xi32, #tpu.memory_space<vmem>> -> memref<80xi32, #tpu.memory_space<vmem>>
        %dma_wait3A_474 = arith.constant 0 : i32
        %dma_wait3A_475 = arith.constant 0 : i32
        %dma_wait3A_476 = tpu.memref_slice %arg2[%dma_wait3A_474, %dma_wait3A_475] : memref<10000x128xf32, #tpu.memory_space<hbm>> -> memref<10000x128xf32, #tpu.memory_space<hbm>>
        tpu.wait_indirect_dma semaphore(%arg12 : memref<!tpu.dma_semaphore, #tpu.memory_space<semaphore_mem>>) src(%dma_wait3A_476 : memref<10000x128xf32, #tpu.memory_space<hbm>>) dst(%dma_wait3A_471 : memref<80x128xf32, #tpu.memory_space<vmem>>)
        %mul3A_477 = arith.constant 10 : i32
        %mul3A_478 = arith.muli %scan3A_110, %mul3A_477 : i32
        %add3A_479 = arith.constant 4 : i32
        %add3A_480 = arith.addi %mul3A_478, %add3A_479 : i32
        %mul3A_481 = arith.constant 250 : i32
        %mul3A_482 = arith.muli %arg1, %mul3A_481 : i32
        %add3A_483 = arith.addi %mul3A_482, %add3A_480 : i32
        %mul3A_484 = arith.constant 80 : i32
        %mul3A_485 = arith.muli %add3A_483, %mul3A_484 : i32
        %multiple_of3A_486 = tpu.assume_multiple %mul3A_485, 80 : i32
        %dma_wait3A_487 = arith.constant 0 : i32
        %dma_wait3A_488 = arith.constant 0 : i32
        %dma_wait3A_489 = tpu.memref_slice %arg9[%dma_wait3A_487, %dma_wait3A_488] : memref<2x80xi32, #tpu.memory_space<vmem>> -> memref<1x80xi32, #tpu.memory_space<vmem>>
        %dma_wait3A_490 = tpu.memref_squeeze %dma_wait3A_489 : memref<1x80xi32, #tpu.memory_space<vmem>> -> memref<80xi32, #tpu.memory_space<vmem>>
        %dma_wait3A_491 = tpu.memref_slice %arg4[%multiple_of3A_486] : memref<320000xi32, #tpu.memory_space<hbm>> -> memref<80xi32, #tpu.memory_space<hbm>>
        %dma_wait3A_492 = arith.constant 0 : i32
        %dma_wait3A_493 = tpu.memref_slice %arg9[%dma_wait3A_487, %dma_wait3A_492] : memref<2x80xi32, #tpu.memory_space<vmem>> -> memref<1x80xi32, #tpu.memory_space<vmem>>
        %dma_wait3A_494 = tpu.memref_squeeze %dma_wait3A_493 : memref<1x80xi32, #tpu.memory_space<vmem>> -> memref<80xi32, #tpu.memory_space<vmem>>
        %dma_wait3A_495 = tpu.memref_slice %arg4[%multiple_of3A_486] : memref<320000xi32, #tpu.memory_space<hbm>> -> memref<80xi32, #tpu.memory_space<hbm>>
        tpu.wait_dma2 semaphore(%arg16 : memref<!tpu.dma_semaphore, #tpu.memory_space<semaphore_mem>>) src(%dma_wait3A_495 : memref<80xi32, #tpu.memory_space<hbm>>) dst(%dma_wait3A_494 : memref<80xi32, #tpu.memory_space<vmem>>)
        %dma_start3A_496 = arith.constant 0 : i32
        %dma_start3A_497 = arith.constant 0 : i32
        %dma_start3A_498 = arith.constant 0 : i32
        %dma_start3A_499 = arith.constant 0 : i32
        %dma_start3A_500 = tpu.memref_slice %arg10[%dma_start3A_496, %dma_start3A_498, %dma_start3A_499] : memref<2x80x128xf32, #tpu.memory_space<vmem>> -> memref<1x80x128xf32, #tpu.memory_space<vmem>>
        %dma_start3A_501 = tpu.memref_squeeze %dma_start3A_500 : memref<1x80x128xf32, #tpu.memory_space<vmem>> -> memref<80x128xf32, #tpu.memory_space<vmem>>
        %dma_start3A_502 = arith.constant 0 : i32
        %dma_start3A_503 = tpu.memref_slice %arg9[%dma_start3A_497, %dma_start3A_502] : memref<2x80xi32, #tpu.memory_space<vmem>> -> memref<1x80xi32, #tpu.memory_space<vmem>>
        %dma_start3A_504 = tpu.memref_squeeze %dma_start3A_503 : memref<1x80xi32, #tpu.memory_space<vmem>> -> memref<80xi32, #tpu.memory_space<vmem>>
        %dma_start3A_505 = arith.constant 0 : i32
        %dma_start3A_506 = arith.constant 0 : i32
        %dma_start3A_507 = tpu.memref_slice %arg11[%dma_start3A_505, %dma_start3A_506] : memref<10000x128xf32, #tpu.memory_space<vmem_shared>> -> memref<10000x128xf32, #tpu.memory_space<vmem_shared>>
        tpu.enqueue_indirect_dma source(%dma_start3A_501 : memref<80x128xf32, #tpu.memory_space<vmem>>) target(%dma_start3A_507 : memref<10000x128xf32, #tpu.memory_space<vmem_shared>>) offsets(%dma_start3A_504 : memref<80xi32, #tpu.memory_space<vmem>>) semaphore(%arg14 : memref<!tpu.dma_semaphore, #tpu.memory_space<semaphore_mem>>) {add = true}
        %dma_wait3A_508 = arith.constant 1 : i32
        %dma_wait3A_509 = arith.constant 1 : i32
        %dma_wait3A_510 = arith.constant 0 : i32
        %dma_wait3A_511 = arith.constant 0 : i32
        %dma_wait3A_512 = tpu.memref_slice %arg10[%dma_wait3A_508, %dma_wait3A_510, %dma_wait3A_511] : memref<2x80x128xf32, #tpu.memory_space<vmem>> -> memref<1x80x128xf32, #tpu.memory_space<vmem>>
        %dma_wait3A_513 = tpu.memref_squeeze %dma_wait3A_512 : memref<1x80x128xf32, #tpu.memory_space<vmem>> -> memref<80x128xf32, #tpu.memory_space<vmem>>
        %dma_wait3A_514 = arith.constant 0 : i32
        %dma_wait3A_515 = tpu.memref_slice %arg9[%dma_wait3A_509, %dma_wait3A_514] : memref<2x80xi32, #tpu.memory_space<vmem>> -> memref<1x80xi32, #tpu.memory_space<vmem>>
        %dma_wait3A_516 = tpu.memref_squeeze %dma_wait3A_515 : memref<1x80xi32, #tpu.memory_space<vmem>> -> memref<80xi32, #tpu.memory_space<vmem>>
        %dma_wait3A_517 = arith.constant 0 : i32
        %dma_wait3A_518 = arith.constant 0 : i32
        %dma_wait3A_519 = tpu.memref_slice %arg11[%dma_wait3A_517, %dma_wait3A_518] : memref<10000x128xf32, #tpu.memory_space<vmem_shared>> -> memref<10000x128xf32, #tpu.memory_space<vmem_shared>>
        tpu.wait_indirect_dma semaphore(%arg15 : memref<!tpu.dma_semaphore, #tpu.memory_space<semaphore_mem>>) src(%dma_wait3A_513 : memref<80x128xf32, #tpu.memory_space<vmem>>) dst(%dma_wait3A_519 : memref<10000x128xf32, #tpu.memory_space<vmem_shared>>)
        %dma_start3A_520 = arith.constant 1 : i32
        %dma_start3A_521 = arith.constant 0 : i32
        %dma_start3A_522 = arith.constant 0 : i32
        %dma_start3A_523 = tpu.memref_slice %arg10[%dma_start3A_520, %dma_start3A_521, %dma_start3A_522] : memref<2x80x128xf32, #tpu.memory_space<vmem>> -> memref<1x80x128xf32, #tpu.memory_space<vmem>>
        %dma_start3A_524 = tpu.memref_squeeze %dma_start3A_523 : memref<1x80x128xf32, #tpu.memory_space<vmem>> -> memref<80x128xf32, #tpu.memory_space<vmem>>
        %dma_start3A_525 = arith.constant 400 : i32
        %dma_start3A_526 = tpu.memref_slice %arg8[%dma_start3A_525] : memref<800xi32, #tpu.memory_space<vmem>> -> memref<80xi32, #tpu.memory_space<vmem>>
        %dma_start3A_527 = arith.constant 0 : i32
        %dma_start3A_528 = arith.constant 0 : i32
        %dma_start3A_529 = tpu.memref_slice %arg2[%dma_start3A_527, %dma_start3A_528] : memref<10000x128xf32, #tpu.memory_space<hbm>> -> memref<10000x128xf32, #tpu.memory_space<hbm>>
        tpu.enqueue_indirect_dma source(%dma_start3A_529 : memref<10000x128xf32, #tpu.memory_space<hbm>>) target(%dma_start3A_524 : memref<80x128xf32, #tpu.memory_space<vmem>>) offsets(%dma_start3A_526 : memref<80xi32, #tpu.memory_space<vmem>>) semaphore(%arg13 : memref<!tpu.dma_semaphore, #tpu.memory_space<semaphore_mem>>)
        %mul3A_530 = arith.constant 10 : i32
        %mul3A_531 = arith.muli %scan3A_110, %mul3A_530 : i32
        %add3A_532 = arith.constant 5 : i32
        %add3A_533 = arith.addi %mul3A_531, %add3A_532 : i32
        %mul3A_534 = arith.constant 250 : i32
        %mul3A_535 = arith.muli %arg1, %mul3A_534 : i32
        %add3A_536 = arith.addi %mul3A_535, %add3A_533 : i32
        %mul3A_537 = arith.constant 80 : i32
        %mul3A_538 = arith.muli %add3A_536, %mul3A_537 : i32
        %multiple_of3A_539 = tpu.assume_multiple %mul3A_538, 80 : i32
        %dma_start3A_540 = arith.constant 1 : i32
        %dma_start3A_541 = arith.constant 0 : i32
        %dma_start3A_542 = tpu.memref_slice %arg9[%dma_start3A_540, %dma_start3A_541] : memref<2x80xi32, #tpu.memory_space<vmem>> -> memref<1x80xi32, #tpu.memory_space<vmem>>
        %dma_start3A_543 = tpu.memref_squeeze %dma_start3A_542 : memref<1x80xi32, #tpu.memory_space<vmem>> -> memref<80xi32, #tpu.memory_space<vmem>>
        %dma_start3A_544 = tpu.memref_slice %arg4[%multiple_of3A_539] : memref<320000xi32, #tpu.memory_space<hbm>> -> memref<80xi32, #tpu.memory_space<hbm>>
        %dma_start3A_545 = arith.constant 0 : i32
        %dma_start3A_546 = tpu.memref_slice %arg9[%dma_start3A_540, %dma_start3A_545] : memref<2x80xi32, #tpu.memory_space<vmem>> -> memref<1x80xi32, #tpu.memory_space<vmem>>
        %dma_start3A_547 = tpu.memref_squeeze %dma_start3A_546 : memref<1x80xi32, #tpu.memory_space<vmem>> -> memref<80xi32, #tpu.memory_space<vmem>>
        %dma_start3A_548 = tpu.memref_slice %arg4[%multiple_of3A_539] : memref<320000xi32, #tpu.memory_space<hbm>> -> memref<80xi32, #tpu.memory_space<hbm>>
        tpu.enqueue_dma source(%dma_start3A_548 : memref<80xi32, #tpu.memory_space<hbm>>) target(%dma_start3A_547 : memref<80xi32, #tpu.memory_space<vmem>>) target_semaphore(%arg17 : memref<!tpu.dma_semaphore, #tpu.memory_space<semaphore_mem>>)
        %dma_wait3A_549 = arith.constant 1 : i32
        %dma_wait3A_550 = arith.constant 0 : i32
        %dma_wait3A_551 = arith.constant 0 : i32
        %dma_wait3A_552 = tpu.memref_slice %arg10[%dma_wait3A_549, %dma_wait3A_550, %dma_wait3A_551] : memref<2x80x128xf32, #tpu.memory_space<vmem>> -> memref<1x80x128xf32, #tpu.memory_space<vmem>>
        %dma_wait3A_553 = tpu.memref_squeeze %dma_wait3A_552 : memref<1x80x128xf32, #tpu.memory_space<vmem>> -> memref<80x128xf32, #tpu.memory_space<vmem>>
        %dma_wait3A_554 = arith.constant 400 : i32
        %dma_wait3A_555 = tpu.memref_slice %arg8[%dma_wait3A_554] : memref<800xi32, #tpu.memory_space<vmem>> -> memref<80xi32, #tpu.memory_space<vmem>>
        %dma_wait3A_556 = arith.constant 0 : i32
        %dma_wait3A_557 = arith.constant 0 : i32
        %dma_wait3A_558 = tpu.memref_slice %arg2[%dma_wait3A_556, %dma_wait3A_557] : memref<10000x128xf32, #tpu.memory_space<hbm>> -> memref<10000x128xf32, #tpu.memory_space<hbm>>
        tpu.wait_indirect_dma semaphore(%arg13 : memref<!tpu.dma_semaphore, #tpu.memory_space<semaphore_mem>>) src(%dma_wait3A_558 : memref<10000x128xf32, #tpu.memory_space<hbm>>) dst(%dma_wait3A_553 : memref<80x128xf32, #tpu.memory_space<vmem>>)
        %mul3A_559 = arith.constant 10 : i32
        %mul3A_560 = arith.muli %scan3A_110, %mul3A_559 : i32
        %add3A_561 = arith.constant 5 : i32
        %add3A_562 = arith.addi %mul3A_560, %add3A_561 : i32
        %mul3A_563 = arith.constant 250 : i32
        %mul3A_564 = arith.muli %arg1, %mul3A_563 : i32
        %add3A_565 = arith.addi %mul3A_564, %add3A_562 : i32
        %mul3A_566 = arith.constant 80 : i32
        %mul3A_567 = arith.muli %add3A_565, %mul3A_566 : i32
        %multiple_of3A_568 = tpu.assume_multiple %mul3A_567, 80 : i32
        %dma_wait3A_569 = arith.constant 1 : i32
        %dma_wait3A_570 = arith.constant 0 : i32
        %dma_wait3A_571 = tpu.memref_slice %arg9[%dma_wait3A_569, %dma_wait3A_570] : memref<2x80xi32, #tpu.memory_space<vmem>> -> memref<1x80xi32, #tpu.memory_space<vmem>>
        %dma_wait3A_572 = tpu.memref_squeeze %dma_wait3A_571 : memref<1x80xi32, #tpu.memory_space<vmem>> -> memref<80xi32, #tpu.memory_space<vmem>>
        %dma_wait3A_573 = tpu.memref_slice %arg4[%multiple_of3A_568] : memref<320000xi32, #tpu.memory_space<hbm>> -> memref<80xi32, #tpu.memory_space<hbm>>
        %dma_wait3A_574 = arith.constant 0 : i32
        %dma_wait3A_575 = tpu.memref_slice %arg9[%dma_wait3A_569, %dma_wait3A_574] : memref<2x80xi32, #tpu.memory_space<vmem>> -> memref<1x80xi32, #tpu.memory_space<vmem>>
        %dma_wait3A_576 = tpu.memref_squeeze %dma_wait3A_575 : memref<1x80xi32, #tpu.memory_space<vmem>> -> memref<80xi32, #tpu.memory_space<vmem>>
        %dma_wait3A_577 = tpu.memref_slice %arg4[%multiple_of3A_568] : memref<320000xi32, #tpu.memory_space<hbm>> -> memref<80xi32, #tpu.memory_space<hbm>>
        tpu.wait_dma2 semaphore(%arg17 : memref<!tpu.dma_semaphore, #tpu.memory_space<semaphore_mem>>) src(%dma_wait3A_577 : memref<80xi32, #tpu.memory_space<hbm>>) dst(%dma_wait3A_576 : memref<80xi32, #tpu.memory_space<vmem>>)
        %dma_start3A_578 = arith.constant 1 : i32
        %dma_start3A_579 = arith.constant 1 : i32
        %dma_start3A_580 = arith.constant 0 : i32
        %dma_start3A_581 = arith.constant 0 : i32
        %dma_start3A_582 = tpu.memref_slice %arg10[%dma_start3A_578, %dma_start3A_580, %dma_start3A_581] : memref<2x80x128xf32, #tpu.memory_space<vmem>> -> memref<1x80x128xf32, #tpu.memory_space<vmem>>
        %dma_start3A_583 = tpu.memref_squeeze %dma_start3A_582 : memref<1x80x128xf32, #tpu.memory_space<vmem>> -> memref<80x128xf32, #tpu.memory_space<vmem>>
        %dma_start3A_584 = arith.constant 0 : i32
        %dma_start3A_585 = tpu.memref_slice %arg9[%dma_start3A_579, %dma_start3A_584] : memref<2x80xi32, #tpu.memory_space<vmem>> -> memref<1x80xi32, #tpu.memory_space<vmem>>
        %dma_start3A_586 = tpu.memref_squeeze %dma_start3A_585 : memref<1x80xi32, #tpu.memory_space<vmem>> -> memref<80xi32, #tpu.memory_space<vmem>>
        %dma_start3A_587 = arith.constant 0 : i32
        %dma_start3A_588 = arith.constant 0 : i32
        %dma_start3A_589 = tpu.memref_slice %arg11[%dma_start3A_587, %dma_start3A_588] : memref<10000x128xf32, #tpu.memory_space<vmem_shared>> -> memref<10000x128xf32, #tpu.memory_space<vmem_shared>>
        tpu.enqueue_indirect_dma source(%dma_start3A_583 : memref<80x128xf32, #tpu.memory_space<vmem>>) target(%dma_start3A_589 : memref<10000x128xf32, #tpu.memory_space<vmem_shared>>) offsets(%dma_start3A_586 : memref<80xi32, #tpu.memory_space<vmem>>) semaphore(%arg15 : memref<!tpu.dma_semaphore, #tpu.memory_space<semaphore_mem>>) {add = true}
        %dma_wait3A_590 = arith.constant 0 : i32
        %dma_wait3A_591 = arith.constant 0 : i32
        %dma_wait3A_592 = arith.constant 0 : i32
        %dma_wait3A_593 = arith.constant 0 : i32
        %dma_wait3A_594 = tpu.memref_slice %arg10[%dma_wait3A_590, %dma_wait3A_592, %dma_wait3A_593] : memref<2x80x128xf32, #tpu.memory_space<vmem>> -> memref<1x80x128xf32, #tpu.memory_space<vmem>>
        %dma_wait3A_595 = tpu.memref_squeeze %dma_wait3A_594 : memref<1x80x128xf32, #tpu.memory_space<vmem>> -> memref<80x128xf32, #tpu.memory_space<vmem>>
        %dma_wait3A_596 = arith.constant 0 : i32
        %dma_wait3A_597 = tpu.memref_slice %arg9[%dma_wait3A_591, %dma_wait3A_596] : memref<2x80xi32, #tpu.memory_space<vmem>> -> memref<1x80xi32, #tpu.memory_space<vmem>>
        %dma_wait3A_598 = tpu.memref_squeeze %dma_wait3A_597 : memref<1x80xi32, #tpu.memory_space<vmem>> -> memref<80xi32, #tpu.memory_space<vmem>>
        %dma_wait3A_599 = arith.constant 0 : i32
        %dma_wait3A_600 = arith.constant 0 : i32
        %dma_wait3A_601 = tpu.memref_slice %arg11[%dma_wait3A_599, %dma_wait3A_600] : memref<10000x128xf32, #tpu.memory_space<vmem_shared>> -> memref<10000x128xf32, #tpu.memory_space<vmem_shared>>
        tpu.wait_indirect_dma semaphore(%arg14 : memref<!tpu.dma_semaphore, #tpu.memory_space<semaphore_mem>>) src(%dma_wait3A_595 : memref<80x128xf32, #tpu.memory_space<vmem>>) dst(%dma_wait3A_601 : memref<10000x128xf32, #tpu.memory_space<vmem_shared>>)
        %dma_start3A_602 = arith.constant 0 : i32
        %dma_start3A_603 = arith.constant 0 : i32
        %dma_start3A_604 = arith.constant 0 : i32
        %dma_start3A_605 = tpu.memref_slice %arg10[%dma_start3A_602, %dma_start3A_603, %dma_start3A_604] : memref<2x80x128xf32, #tpu.memory_space<vmem>> -> memref<1x80x128xf32, #tpu.memory_space<vmem>>
        %dma_start3A_606 = tpu.memref_squeeze %dma_start3A_605 : memref<1x80x128xf32, #tpu.memory_space<vmem>> -> memref<80x128xf32, #tpu.memory_space<vmem>>
        %dma_start3A_607 = arith.constant 480 : i32
        %dma_start3A_608 = tpu.memref_slice %arg8[%dma_start3A_607] : memref<800xi32, #tpu.memory_space<vmem>> -> memref<80xi32, #tpu.memory_space<vmem>>
        %dma_start3A_609 = arith.constant 0 : i32
        %dma_start3A_610 = arith.constant 0 : i32
        %dma_start3A_611 = tpu.memref_slice %arg2[%dma_start3A_609, %dma_start3A_610] : memref<10000x128xf32, #tpu.memory_space<hbm>> -> memref<10000x128xf32, #tpu.memory_space<hbm>>
        tpu.enqueue_indirect_dma source(%dma_start3A_611 : memref<10000x128xf32, #tpu.memory_space<hbm>>) target(%dma_start3A_606 : memref<80x128xf32, #tpu.memory_space<vmem>>) offsets(%dma_start3A_608 : memref<80xi32, #tpu.memory_space<vmem>>) semaphore(%arg12 : memref<!tpu.dma_semaphore, #tpu.memory_space<semaphore_mem>>)
        %mul3A_612 = arith.constant 10 : i32
        %mul3A_613 = arith.muli %scan3A_110, %mul3A_612 : i32
        %add3A_614 = arith.constant 6 : i32
        %add3A_615 = arith.addi %mul3A_613, %add3A_614 : i32
        %mul3A_616 = arith.constant 250 : i32
        %mul3A_617 = arith.muli %arg1, %mul3A_616 : i32
        %add3A_618 = arith.addi %mul3A_617, %add3A_615 : i32
        %mul3A_619 = arith.constant 80 : i32
        %mul3A_620 = arith.muli %add3A_618, %mul3A_619 : i32
        %multiple_of3A_621 = tpu.assume_multiple %mul3A_620, 80 : i32
        %dma_start3A_622 = arith.constant 0 : i32
        %dma_start3A_623 = arith.constant 0 : i32
        %dma_start3A_624 = tpu.memref_slice %arg9[%dma_start3A_622, %dma_start3A_623] : memref<2x80xi32, #tpu.memory_space<vmem>> -> memref<1x80xi32, #tpu.memory_space<vmem>>
        %dma_start3A_625 = tpu.memref_squeeze %dma_start3A_624 : memref<1x80xi32, #tpu.memory_space<vmem>> -> memref<80xi32, #tpu.memory_space<vmem>>
        %dma_start3A_626 = tpu.memref_slice %arg4[%multiple_of3A_621] : memref<320000xi32, #tpu.memory_space<hbm>> -> memref<80xi32, #tpu.memory_space<hbm>>
        %dma_start3A_627 = arith.constant 0 : i32
        %dma_start3A_628 = tpu.memref_slice %arg9[%dma_start3A_622, %dma_start3A_627] : memref<2x80xi32, #tpu.memory_space<vmem>> -> memref<1x80xi32, #tpu.memory_space<vmem>>
        %dma_start3A_629 = tpu.memref_squeeze %dma_start3A_628 : memref<1x80xi32, #tpu.memory_space<vmem>> -> memref<80xi32, #tpu.memory_space<vmem>>
        %dma_start3A_630 = tpu.memref_slice %arg4[%multiple_of3A_621] : memref<320000xi32, #tpu.memory_space<hbm>> -> memref<80xi32, #tpu.memory_space<hbm>>
        tpu.enqueue_dma source(%dma_start3A_630 : memref<80xi32, #tpu.memory_space<hbm>>) target(%dma_start3A_629 : memref<80xi32, #tpu.memory_space<vmem>>) target_semaphore(%arg16 : memref<!tpu.dma_semaphore, #tpu.memory_space<semaphore_mem>>)
        %dma_wait3A_631 = arith.constant 0 : i32
        %dma_wait3A_632 = arith.constant 0 : i32
        %dma_wait3A_633 = arith.constant 0 : i32
        %dma_wait3A_634 = tpu.memref_slice %arg10[%dma_wait3A_631, %dma_wait3A_632, %dma_wait3A_633] : memref<2x80x128xf32, #tpu.memory_space<vmem>> -> memref<1x80x128xf32, #tpu.memory_space<vmem>>
        %dma_wait3A_635 = tpu.memref_squeeze %dma_wait3A_634 : memref<1x80x128xf32, #tpu.memory_space<vmem>> -> memref<80x128xf32, #tpu.memory_space<vmem>>
        %dma_wait3A_636 = arith.constant 480 : i32
        %dma_wait3A_637 = tpu.memref_slice %arg8[%dma_wait3A_636] : memref<800xi32, #tpu.memory_space<vmem>> -> memref<80xi32, #tpu.memory_space<vmem>>
        %dma_wait3A_638 = arith.constant 0 : i32
        %dma_wait3A_639 = arith.constant 0 : i32
        %dma_wait3A_640 = tpu.memref_slice %arg2[%dma_wait3A_638, %dma_wait3A_639] : memref<10000x128xf32, #tpu.memory_space<hbm>> -> memref<10000x128xf32, #tpu.memory_space<hbm>>
        tpu.wait_indirect_dma semaphore(%arg12 : memref<!tpu.dma_semaphore, #tpu.memory_space<semaphore_mem>>) src(%dma_wait3A_640 : memref<10000x128xf32, #tpu.memory_space<hbm>>) dst(%dma_wait3A_635 : memref<80x128xf32, #tpu.memory_space<vmem>>)
        %mul3A_641 = arith.constant 10 : i32
        %mul3A_642 = arith.muli %scan3A_110, %mul3A_641 : i32
        %add3A_643 = arith.constant 6 : i32
        %add3A_644 = arith.addi %mul3A_642, %add3A_643 : i32
        %mul3A_645 = arith.constant 250 : i32
        %mul3A_646 = arith.muli %arg1, %mul3A_645 : i32
        %add3A_647 = arith.addi %mul3A_646, %add3A_644 : i32
        %mul3A_648 = arith.constant 80 : i32
        %mul3A_649 = arith.muli %add3A_647, %mul3A_648 : i32
        %multiple_of3A_650 = tpu.assume_multiple %mul3A_649, 80 : i32
        %dma_wait3A_651 = arith.constant 0 : i32
        %dma_wait3A_652 = arith.constant 0 : i32
        %dma_wait3A_653 = tpu.memref_slice %arg9[%dma_wait3A_651, %dma_wait3A_652] : memref<2x80xi32, #tpu.memory_space<vmem>> -> memref<1x80xi32, #tpu.memory_space<vmem>>
        %dma_wait3A_654 = tpu.memref_squeeze %dma_wait3A_653 : memref<1x80xi32, #tpu.memory_space<vmem>> -> memref<80xi32, #tpu.memory_space<vmem>>
        %dma_wait3A_655 = tpu.memref_slice %arg4[%multiple_of3A_650] : memref<320000xi32, #tpu.memory_space<hbm>> -> memref<80xi32, #tpu.memory_space<hbm>>
        %dma_wait3A_656 = arith.constant 0 : i32
        %dma_wait3A_657 = tpu.memref_slice %arg9[%dma_wait3A_651, %dma_wait3A_656] : memref<2x80xi32, #tpu.memory_space<vmem>> -> memref<1x80xi32, #tpu.memory_space<vmem>>
        %dma_wait3A_658 = tpu.memref_squeeze %dma_wait3A_657 : memref<1x80xi32, #tpu.memory_space<vmem>> -> memref<80xi32, #tpu.memory_space<vmem>>
        %dma_wait3A_659 = tpu.memref_slice %arg4[%multiple_of3A_650] : memref<320000xi32, #tpu.memory_space<hbm>> -> memref<80xi32, #tpu.memory_space<hbm>>
        tpu.wait_dma2 semaphore(%arg16 : memref<!tpu.dma_semaphore, #tpu.memory_space<semaphore_mem>>) src(%dma_wait3A_659 : memref<80xi32, #tpu.memory_space<hbm>>) dst(%dma_wait3A_658 : memref<80xi32, #tpu.memory_space<vmem>>)
        %dma_start3A_660 = arith.constant 0 : i32
        %dma_start3A_661 = arith.constant 0 : i32
        %dma_start3A_662 = arith.constant 0 : i32
        %dma_start3A_663 = arith.constant 0 : i32
        %dma_start3A_664 = tpu.memref_slice %arg10[%dma_start3A_660, %dma_start3A_662, %dma_start3A_663] : memref<2x80x128xf32, #tpu.memory_space<vmem>> -> memref<1x80x128xf32, #tpu.memory_space<vmem>>
        %dma_start3A_665 = tpu.memref_squeeze %dma_start3A_664 : memref<1x80x128xf32, #tpu.memory_space<vmem>> -> memref<80x128xf32, #tpu.memory_space<vmem>>
        %dma_start3A_666 = arith.constant 0 : i32
        %dma_start3A_667 = tpu.memref_slice %arg9[%dma_start3A_661, %dma_start3A_666] : memref<2x80xi32, #tpu.memory_space<vmem>> -> memref<1x80xi32, #tpu.memory_space<vmem>>
        %dma_start3A_668 = tpu.memref_squeeze %dma_start3A_667 : memref<1x80xi32, #tpu.memory_space<vmem>> -> memref<80xi32, #tpu.memory_space<vmem>>
        %dma_start3A_669 = arith.constant 0 : i32
        %dma_start3A_670 = arith.constant 0 : i32
        %dma_start3A_671 = tpu.memref_slice %arg11[%dma_start3A_669, %dma_start3A_670] : memref<10000x128xf32, #tpu.memory_space<vmem_shared>> -> memref<10000x128xf32, #tpu.memory_space<vmem_shared>>
        tpu.enqueue_indirect_dma source(%dma_start3A_665 : memref<80x128xf32, #tpu.memory_space<vmem>>) target(%dma_start3A_671 : memref<10000x128xf32, #tpu.memory_space<vmem_shared>>) offsets(%dma_start3A_668 : memref<80xi32, #tpu.memory_space<vmem>>) semaphore(%arg14 : memref<!tpu.dma_semaphore, #tpu.memory_space<semaphore_mem>>) {add = true}
        %dma_wait3A_672 = arith.constant 1 : i32
        %dma_wait3A_673 = arith.constant 1 : i32
        %dma_wait3A_674 = arith.constant 0 : i32
        %dma_wait3A_675 = arith.constant 0 : i32
        %dma_wait3A_676 = tpu.memref_slice %arg10[%dma_wait3A_672, %dma_wait3A_674, %dma_wait3A_675] : memref<2x80x128xf32, #tpu.memory_space<vmem>> -> memref<1x80x128xf32, #tpu.memory_space<vmem>>
        %dma_wait3A_677 = tpu.memref_squeeze %dma_wait3A_676 : memref<1x80x128xf32, #tpu.memory_space<vmem>> -> memref<80x128xf32, #tpu.memory_space<vmem>>
        %dma_wait3A_678 = arith.constant 0 : i32
        %dma_wait3A_679 = tpu.memref_slice %arg9[%dma_wait3A_673, %dma_wait3A_678] : memref<2x80xi32, #tpu.memory_space<vmem>> -> memref<1x80xi32, #tpu.memory_space<vmem>>
        %dma_wait3A_680 = tpu.memref_squeeze %dma_wait3A_679 : memref<1x80xi32, #tpu.memory_space<vmem>> -> memref<80xi32, #tpu.memory_space<vmem>>
        %dma_wait3A_681 = arith.constant 0 : i32
        %dma_wait3A_682 = arith.constant 0 : i32
        %dma_wait3A_683 = tpu.memref_slice %arg11[%dma_wait3A_681, %dma_wait3A_682] : memref<10000x128xf32, #tpu.memory_space<vmem_shared>> -> memref<10000x128xf32, #tpu.memory_space<vmem_shared>>
        tpu.wait_indirect_dma semaphore(%arg15 : memref<!tpu.dma_semaphore, #tpu.memory_space<semaphore_mem>>) src(%dma_wait3A_677 : memref<80x128xf32, #tpu.memory_space<vmem>>) dst(%dma_wait3A_683 : memref<10000x128xf32, #tpu.memory_space<vmem_shared>>)
        %dma_start3A_684 = arith.constant 1 : i32
        %dma_start3A_685 = arith.constant 0 : i32
        %dma_start3A_686 = arith.constant 0 : i32
        %dma_start3A_687 = tpu.memref_slice %arg10[%dma_start3A_684, %dma_start3A_685, %dma_start3A_686] : memref<2x80x128xf32, #tpu.memory_space<vmem>> -> memref<1x80x128xf32, #tpu.memory_space<vmem>>
        %dma_start3A_688 = tpu.memref_squeeze %dma_start3A_687 : memref<1x80x128xf32, #tpu.memory_space<vmem>> -> memref<80x128xf32, #tpu.memory_space<vmem>>
        %dma_start3A_689 = arith.constant 560 : i32
        %dma_start3A_690 = tpu.memref_slice %arg8[%dma_start3A_689] : memref<800xi32, #tpu.memory_space<vmem>> -> memref<80xi32, #tpu.memory_space<vmem>>
        %dma_start3A_691 = arith.constant 0 : i32
        %dma_start3A_692 = arith.constant 0 : i32
        %dma_start3A_693 = tpu.memref_slice %arg2[%dma_start3A_691, %dma_start3A_692] : memref<10000x128xf32, #tpu.memory_space<hbm>> -> memref<10000x128xf32, #tpu.memory_space<hbm>>
        tpu.enqueue_indirect_dma source(%dma_start3A_693 : memref<10000x128xf32, #tpu.memory_space<hbm>>) target(%dma_start3A_688 : memref<80x128xf32, #tpu.memory_space<vmem>>) offsets(%dma_start3A_690 : memref<80xi32, #tpu.memory_space<vmem>>) semaphore(%arg13 : memref<!tpu.dma_semaphore, #tpu.memory_space<semaphore_mem>>)
        %mul3A_694 = arith.constant 10 : i32
        %mul3A_695 = arith.muli %scan3A_110, %mul3A_694 : i32
        %add3A_696 = arith.constant 7 : i32
        %add3A_697 = arith.addi %mul3A_695, %add3A_696 : i32
        %mul3A_698 = arith.constant 250 : i32
        %mul3A_699 = arith.muli %arg1, %mul3A_698 : i32
        %add3A_700 = arith.addi %mul3A_699, %add3A_697 : i32
        %mul3A_701 = arith.constant 80 : i32
        %mul3A_702 = arith.muli %add3A_700, %mul3A_701 : i32
        %multiple_of3A_703 = tpu.assume_multiple %mul3A_702, 80 : i32
        %dma_start3A_704 = arith.constant 1 : i32
        %dma_start3A_705 = arith.constant 0 : i32
        %dma_start3A_706 = tpu.memref_slice %arg9[%dma_start3A_704, %dma_start3A_705] : memref<2x80xi32, #tpu.memory_space<vmem>> -> memref<1x80xi32, #tpu.memory_space<vmem>>
        %dma_start3A_707 = tpu.memref_squeeze %dma_start3A_706 : memref<1x80xi32, #tpu.memory_space<vmem>> -> memref<80xi32, #tpu.memory_space<vmem>>
        %dma_start3A_708 = tpu.memref_slice %arg4[%multiple_of3A_703] : memref<320000xi32, #tpu.memory_space<hbm>> -> memref<80xi32, #tpu.memory_space<hbm>>
        %dma_start3A_709 = arith.constant 0 : i32
        %dma_start3A_710 = tpu.memref_slice %arg9[%dma_start3A_704, %dma_start3A_709] : memref<2x80xi32, #tpu.memory_space<vmem>> -> memref<1x80xi32, #tpu.memory_space<vmem>>
        %dma_start3A_711 = tpu.memref_squeeze %dma_start3A_710 : memref<1x80xi32, #tpu.memory_space<vmem>> -> memref<80xi32, #tpu.memory_space<vmem>>
        %dma_start3A_712 = tpu.memref_slice %arg4[%multiple_of3A_703] : memref<320000xi32, #tpu.memory_space<hbm>> -> memref<80xi32, #tpu.memory_space<hbm>>
        tpu.enqueue_dma source(%dma_start3A_712 : memref<80xi32, #tpu.memory_space<hbm>>) target(%dma_start3A_711 : memref<80xi32, #tpu.memory_space<vmem>>) target_semaphore(%arg17 : memref<!tpu.dma_semaphore, #tpu.memory_space<semaphore_mem>>)
        %dma_wait3A_713 = arith.constant 1 : i32
        %dma_wait3A_714 = arith.constant 0 : i32
        %dma_wait3A_715 = arith.constant 0 : i32
        %dma_wait3A_716 = tpu.memref_slice %arg10[%dma_wait3A_713, %dma_wait3A_714, %dma_wait3A_715] : memref<2x80x128xf32, #tpu.memory_space<vmem>> -> memref<1x80x128xf32, #tpu.memory_space<vmem>>
        %dma_wait3A_717 = tpu.memref_squeeze %dma_wait3A_716 : memref<1x80x128xf32, #tpu.memory_space<vmem>> -> memref<80x128xf32, #tpu.memory_space<vmem>>
        %dma_wait3A_718 = arith.constant 560 : i32
        %dma_wait3A_719 = tpu.memref_slice %arg8[%dma_wait3A_718] : memref<800xi32, #tpu.memory_space<vmem>> -> memref<80xi32, #tpu.memory_space<vmem>>
        %dma_wait3A_720 = arith.constant 0 : i32
        %dma_wait3A_721 = arith.constant 0 : i32
        %dma_wait3A_722 = tpu.memref_slice %arg2[%dma_wait3A_720, %dma_wait3A_721] : memref<10000x128xf32, #tpu.memory_space<hbm>> -> memref<10000x128xf32, #tpu.memory_space<hbm>>
        tpu.wait_indirect_dma semaphore(%arg13 : memref<!tpu.dma_semaphore, #tpu.memory_space<semaphore_mem>>) src(%dma_wait3A_722 : memref<10000x128xf32, #tpu.memory_space<hbm>>) dst(%dma_wait3A_717 : memref<80x128xf32, #tpu.memory_space<vmem>>)
        %mul3A_723 = arith.constant 10 : i32
        %mul3A_724 = arith.muli %scan3A_110, %mul3A_723 : i32
        %add3A_725 = arith.constant 7 : i32
        %add3A_726 = arith.addi %mul3A_724, %add3A_725 : i32
        %mul3A_727 = arith.constant 250 : i32
        %mul3A_728 = arith.muli %arg1, %mul3A_727 : i32
        %add3A_729 = arith.addi %mul3A_728, %add3A_726 : i32
        %mul3A_730 = arith.constant 80 : i32
        %mul3A_731 = arith.muli %add3A_729, %mul3A_730 : i32
        %multiple_of3A_732 = tpu.assume_multiple %mul3A_731, 80 : i32
        %dma_wait3A_733 = arith.constant 1 : i32
        %dma_wait3A_734 = arith.constant 0 : i32
        %dma_wait3A_735 = tpu.memref_slice %arg9[%dma_wait3A_733, %dma_wait3A_734] : memref<2x80xi32, #tpu.memory_space<vmem>> -> memref<1x80xi32, #tpu.memory_space<vmem>>
        %dma_wait3A_736 = tpu.memref_squeeze %dma_wait3A_735 : memref<1x80xi32, #tpu.memory_space<vmem>> -> memref<80xi32, #tpu.memory_space<vmem>>
        %dma_wait3A_737 = tpu.memref_slice %arg4[%multiple_of3A_732] : memref<320000xi32, #tpu.memory_space<hbm>> -> memref<80xi32, #tpu.memory_space<hbm>>
        %dma_wait3A_738 = arith.constant 0 : i32
        %dma_wait3A_739 = tpu.memref_slice %arg9[%dma_wait3A_733, %dma_wait3A_738] : memref<2x80xi32, #tpu.memory_space<vmem>> -> memref<1x80xi32, #tpu.memory_space<vmem>>
        %dma_wait3A_740 = tpu.memref_squeeze %dma_wait3A_739 : memref<1x80xi32, #tpu.memory_space<vmem>> -> memref<80xi32, #tpu.memory_space<vmem>>
        %dma_wait3A_741 = tpu.memref_slice %arg4[%multiple_of3A_732] : memref<320000xi32, #tpu.memory_space<hbm>> -> memref<80xi32, #tpu.memory_space<hbm>>
        tpu.wait_dma2 semaphore(%arg17 : memref<!tpu.dma_semaphore, #tpu.memory_space<semaphore_mem>>) src(%dma_wait3A_741 : memref<80xi32, #tpu.memory_space<hbm>>) dst(%dma_wait3A_740 : memref<80xi32, #tpu.memory_space<vmem>>)
        %dma_start3A_742 = arith.constant 1 : i32
        %dma_start3A_743 = arith.constant 1 : i32
        %dma_start3A_744 = arith.constant 0 : i32
        %dma_start3A_745 = arith.constant 0 : i32
        %dma_start3A_746 = tpu.memref_slice %arg10[%dma_start3A_742, %dma_start3A_744, %dma_start3A_745] : memref<2x80x128xf32, #tpu.memory_space<vmem>> -> memref<1x80x128xf32, #tpu.memory_space<vmem>>
        %dma_start3A_747 = tpu.memref_squeeze %dma_start3A_746 : memref<1x80x128xf32, #tpu.memory_space<vmem>> -> memref<80x128xf32, #tpu.memory_space<vmem>>
        %dma_start3A_748 = arith.constant 0 : i32
        %dma_start3A_749 = tpu.memref_slice %arg9[%dma_start3A_743, %dma_start3A_748] : memref<2x80xi32, #tpu.memory_space<vmem>> -> memref<1x80xi32, #tpu.memory_space<vmem>>
        %dma_start3A_750 = tpu.memref_squeeze %dma_start3A_749 : memref<1x80xi32, #tpu.memory_space<vmem>> -> memref<80xi32, #tpu.memory_space<vmem>>
        %dma_start3A_751 = arith.constant 0 : i32
        %dma_start3A_752 = arith.constant 0 : i32
        %dma_start3A_753 = tpu.memref_slice %arg11[%dma_start3A_751, %dma_start3A_752] : memref<10000x128xf32, #tpu.memory_space<vmem_shared>> -> memref<10000x128xf32, #tpu.memory_space<vmem_shared>>
        tpu.enqueue_indirect_dma source(%dma_start3A_747 : memref<80x128xf32, #tpu.memory_space<vmem>>) target(%dma_start3A_753 : memref<10000x128xf32, #tpu.memory_space<vmem_shared>>) offsets(%dma_start3A_750 : memref<80xi32, #tpu.memory_space<vmem>>) semaphore(%arg15 : memref<!tpu.dma_semaphore, #tpu.memory_space<semaphore_mem>>) {add = true}
        %dma_wait3A_754 = arith.constant 0 : i32
        %dma_wait3A_755 = arith.constant 0 : i32
        %dma_wait3A_756 = arith.constant 0 : i32
        %dma_wait3A_757 = arith.constant 0 : i32
        %dma_wait3A_758 = tpu.memref_slice %arg10[%dma_wait3A_754, %dma_wait3A_756, %dma_wait3A_757] : memref<2x80x128xf32, #tpu.memory_space<vmem>> -> memref<1x80x128xf32, #tpu.memory_space<vmem>>
        %dma_wait3A_759 = tpu.memref_squeeze %dma_wait3A_758 : memref<1x80x128xf32, #tpu.memory_space<vmem>> -> memref<80x128xf32, #tpu.memory_space<vmem>>
        %dma_wait3A_760 = arith.constant 0 : i32
        %dma_wait3A_761 = tpu.memref_slice %arg9[%dma_wait3A_755, %dma_wait3A_760] : memref<2x80xi32, #tpu.memory_space<vmem>> -> memref<1x80xi32, #tpu.memory_space<vmem>>
        %dma_wait3A_762 = tpu.memref_squeeze %dma_wait3A_761 : memref<1x80xi32, #tpu.memory_space<vmem>> -> memref<80xi32, #tpu.memory_space<vmem>>
        %dma_wait3A_763 = arith.constant 0 : i32
        %dma_wait3A_764 = arith.constant 0 : i32
        %dma_wait3A_765 = tpu.memref_slice %arg11[%dma_wait3A_763, %dma_wait3A_764] : memref<10000x128xf32, #tpu.memory_space<vmem_shared>> -> memref<10000x128xf32, #tpu.memory_space<vmem_shared>>
        tpu.wait_indirect_dma semaphore(%arg14 : memref<!tpu.dma_semaphore, #tpu.memory_space<semaphore_mem>>) src(%dma_wait3A_759 : memref<80x128xf32, #tpu.memory_space<vmem>>) dst(%dma_wait3A_765 : memref<10000x128xf32, #tpu.memory_space<vmem_shared>>)
        %dma_start3A_766 = arith.constant 0 : i32
        %dma_start3A_767 = arith.constant 0 : i32
        %dma_start3A_768 = arith.constant 0 : i32
        %dma_start3A_769 = tpu.memref_slice %arg10[%dma_start3A_766, %dma_start3A_767, %dma_start3A_768] : memref<2x80x128xf32, #tpu.memory_space<vmem>> -> memref<1x80x128xf32, #tpu.memory_space<vmem>>
        %dma_start3A_770 = tpu.memref_squeeze %dma_start3A_769 : memref<1x80x128xf32, #tpu.memory_space<vmem>> -> memref<80x128xf32, #tpu.memory_space<vmem>>
        %dma_start3A_771 = arith.constant 640 : i32
        %dma_start3A_772 = tpu.memref_slice %arg8[%dma_start3A_771] : memref<800xi32, #tpu.memory_space<vmem>> -> memref<80xi32, #tpu.memory_space<vmem>>
        %dma_start3A_773 = arith.constant 0 : i32
        %dma_start3A_774 = arith.constant 0 : i32
        %dma_start3A_775 = tpu.memref_slice %arg2[%dma_start3A_773, %dma_start3A_774] : memref<10000x128xf32, #tpu.memory_space<hbm>> -> memref<10000x128xf32, #tpu.memory_space<hbm>>
        tpu.enqueue_indirect_dma source(%dma_start3A_775 : memref<10000x128xf32, #tpu.memory_space<hbm>>) target(%dma_start3A_770 : memref<80x128xf32, #tpu.memory_space<vmem>>) offsets(%dma_start3A_772 : memref<80xi32, #tpu.memory_space<vmem>>) semaphore(%arg12 : memref<!tpu.dma_semaphore, #tpu.memory_space<semaphore_mem>>)
        %mul3A_776 = arith.constant 10 : i32
        %mul3A_777 = arith.muli %scan3A_110, %mul3A_776 : i32
        %add3A_778 = arith.constant 8 : i32
        %add3A_779 = arith.addi %mul3A_777, %add3A_778 : i32
        %mul3A_780 = arith.constant 250 : i32
        %mul3A_781 = arith.muli %arg1, %mul3A_780 : i32
        %add3A_782 = arith.addi %mul3A_781, %add3A_779 : i32
        %mul3A_783 = arith.constant 80 : i32
        %mul3A_784 = arith.muli %add3A_782, %mul3A_783 : i32
        %multiple_of3A_785 = tpu.assume_multiple %mul3A_784, 80 : i32
        %dma_start3A_786 = arith.constant 0 : i32
        %dma_start3A_787 = arith.constant 0 : i32
        %dma_start3A_788 = tpu.memref_slice %arg9[%dma_start3A_786, %dma_start3A_787] : memref<2x80xi32, #tpu.memory_space<vmem>> -> memref<1x80xi32, #tpu.memory_space<vmem>>
        %dma_start3A_789 = tpu.memref_squeeze %dma_start3A_788 : memref<1x80xi32, #tpu.memory_space<vmem>> -> memref<80xi32, #tpu.memory_space<vmem>>
        %dma_start3A_790 = tpu.memref_slice %arg4[%multiple_of3A_785] : memref<320000xi32, #tpu.memory_space<hbm>> -> memref<80xi32, #tpu.memory_space<hbm>>
        %dma_start3A_791 = arith.constant 0 : i32
        %dma_start3A_792 = tpu.memref_slice %arg9[%dma_start3A_786, %dma_start3A_791] : memref<2x80xi32, #tpu.memory_space<vmem>> -> memref<1x80xi32, #tpu.memory_space<vmem>>
        %dma_start3A_793 = tpu.memref_squeeze %dma_start3A_792 : memref<1x80xi32, #tpu.memory_space<vmem>> -> memref<80xi32, #tpu.memory_space<vmem>>
        %dma_start3A_794 = tpu.memref_slice %arg4[%multiple_of3A_785] : memref<320000xi32, #tpu.memory_space<hbm>> -> memref<80xi32, #tpu.memory_space<hbm>>
        tpu.enqueue_dma source(%dma_start3A_794 : memref<80xi32, #tpu.memory_space<hbm>>) target(%dma_start3A_793 : memref<80xi32, #tpu.memory_space<vmem>>) target_semaphore(%arg16 : memref<!tpu.dma_semaphore, #tpu.memory_space<semaphore_mem>>)
        %dma_wait3A_795 = arith.constant 0 : i32
        %dma_wait3A_796 = arith.constant 0 : i32
        %dma_wait3A_797 = arith.constant 0 : i32
        %dma_wait3A_798 = tpu.memref_slice %arg10[%dma_wait3A_795, %dma_wait3A_796, %dma_wait3A_797] : memref<2x80x128xf32, #tpu.memory_space<vmem>> -> memref<1x80x128xf32, #tpu.memory_space<vmem>>
        %dma_wait3A_799 = tpu.memref_squeeze %dma_wait3A_798 : memref<1x80x128xf32, #tpu.memory_space<vmem>> -> memref<80x128xf32, #tpu.memory_space<vmem>>
        %dma_wait3A_800 = arith.constant 640 : i32
        %dma_wait3A_801 = tpu.memref_slice %arg8[%dma_wait3A_800] : memref<800xi32, #tpu.memory_space<vmem>> -> memref<80xi32, #tpu.memory_space<vmem>>
        %dma_wait3A_802 = arith.constant 0 : i32
        %dma_wait3A_803 = arith.constant 0 : i32
        %dma_wait3A_804 = tpu.memref_slice %arg2[%dma_wait3A_802, %dma_wait3A_803] : memref<10000x128xf32, #tpu.memory_space<hbm>> -> memref<10000x128xf32, #tpu.memory_space<hbm>>
        tpu.wait_indirect_dma semaphore(%arg12 : memref<!tpu.dma_semaphore, #tpu.memory_space<semaphore_mem>>) src(%dma_wait3A_804 : memref<10000x128xf32, #tpu.memory_space<hbm>>) dst(%dma_wait3A_799 : memref<80x128xf32, #tpu.memory_space<vmem>>)
        %mul3A_805 = arith.constant 10 : i32
        %mul3A_806 = arith.muli %scan3A_110, %mul3A_805 : i32
        %add3A_807 = arith.constant 8 : i32
        %add3A_808 = arith.addi %mul3A_806, %add3A_807 : i32
        %mul3A_809 = arith.constant 250 : i32
        %mul3A_810 = arith.muli %arg1, %mul3A_809 : i32
        %add3A_811 = arith.addi %mul3A_810, %add3A_808 : i32
        %mul3A_812 = arith.constant 80 : i32
        %mul3A_813 = arith.muli %add3A_811, %mul3A_812 : i32
        %multiple_of3A_814 = tpu.assume_multiple %mul3A_813, 80 : i32
        %dma_wait3A_815 = arith.constant 0 : i32
        %dma_wait3A_816 = arith.constant 0 : i32
        %dma_wait3A_817 = tpu.memref_slice %arg9[%dma_wait3A_815, %dma_wait3A_816] : memref<2x80xi32, #tpu.memory_space<vmem>> -> memref<1x80xi32, #tpu.memory_space<vmem>>
        %dma_wait3A_818 = tpu.memref_squeeze %dma_wait3A_817 : memref<1x80xi32, #tpu.memory_space<vmem>> -> memref<80xi32, #tpu.memory_space<vmem>>
        %dma_wait3A_819 = tpu.memref_slice %arg4[%multiple_of3A_814] : memref<320000xi32, #tpu.memory_space<hbm>> -> memref<80xi32, #tpu.memory_space<hbm>>
        %dma_wait3A_820 = arith.constant 0 : i32
        %dma_wait3A_821 = tpu.memref_slice %arg9[%dma_wait3A_815, %dma_wait3A_820] : memref<2x80xi32, #tpu.memory_space<vmem>> -> memref<1x80xi32, #tpu.memory_space<vmem>>
        %dma_wait3A_822 = tpu.memref_squeeze %dma_wait3A_821 : memref<1x80xi32, #tpu.memory_space<vmem>> -> memref<80xi32, #tpu.memory_space<vmem>>
        %dma_wait3A_823 = tpu.memref_slice %arg4[%multiple_of3A_814] : memref<320000xi32, #tpu.memory_space<hbm>> -> memref<80xi32, #tpu.memory_space<hbm>>
        tpu.wait_dma2 semaphore(%arg16 : memref<!tpu.dma_semaphore, #tpu.memory_space<semaphore_mem>>) src(%dma_wait3A_823 : memref<80xi32, #tpu.memory_space<hbm>>) dst(%dma_wait3A_822 : memref<80xi32, #tpu.memory_space<vmem>>)
        %dma_start3A_824 = arith.constant 0 : i32
        %dma_start3A_825 = arith.constant 0 : i32
        %dma_start3A_826 = arith.constant 0 : i32
        %dma_start3A_827 = arith.constant 0 : i32
        %dma_start3A_828 = tpu.memref_slice %arg10[%dma_start3A_824, %dma_start3A_826, %dma_start3A_827] : memref<2x80x128xf32, #tpu.memory_space<vmem>> -> memref<1x80x128xf32, #tpu.memory_space<vmem>>
        %dma_start3A_829 = tpu.memref_squeeze %dma_start3A_828 : memref<1x80x128xf32, #tpu.memory_space<vmem>> -> memref<80x128xf32, #tpu.memory_space<vmem>>
        %dma_start3A_830 = arith.constant 0 : i32
        %dma_start3A_831 = tpu.memref_slice %arg9[%dma_start3A_825, %dma_start3A_830] : memref<2x80xi32, #tpu.memory_space<vmem>> -> memref<1x80xi32, #tpu.memory_space<vmem>>
        %dma_start3A_832 = tpu.memref_squeeze %dma_start3A_831 : memref<1x80xi32, #tpu.memory_space<vmem>> -> memref<80xi32, #tpu.memory_space<vmem>>
        %dma_start3A_833 = arith.constant 0 : i32
        %dma_start3A_834 = arith.constant 0 : i32
        %dma_start3A_835 = tpu.memref_slice %arg11[%dma_start3A_833, %dma_start3A_834] : memref<10000x128xf32, #tpu.memory_space<vmem_shared>> -> memref<10000x128xf32, #tpu.memory_space<vmem_shared>>
        tpu.enqueue_indirect_dma source(%dma_start3A_829 : memref<80x128xf32, #tpu.memory_space<vmem>>) target(%dma_start3A_835 : memref<10000x128xf32, #tpu.memory_space<vmem_shared>>) offsets(%dma_start3A_832 : memref<80xi32, #tpu.memory_space<vmem>>) semaphore(%arg14 : memref<!tpu.dma_semaphore, #tpu.memory_space<semaphore_mem>>) {add = true}
        %dma_wait3A_836 = arith.constant 1 : i32
        %dma_wait3A_837 = arith.constant 1 : i32
        %dma_wait3A_838 = arith.constant 0 : i32
        %dma_wait3A_839 = arith.constant 0 : i32
        %dma_wait3A_840 = tpu.memref_slice %arg10[%dma_wait3A_836, %dma_wait3A_838, %dma_wait3A_839] : memref<2x80x128xf32, #tpu.memory_space<vmem>> -> memref<1x80x128xf32, #tpu.memory_space<vmem>>
        %dma_wait3A_841 = tpu.memref_squeeze %dma_wait3A_840 : memref<1x80x128xf32, #tpu.memory_space<vmem>> -> memref<80x128xf32, #tpu.memory_space<vmem>>
        %dma_wait3A_842 = arith.constant 0 : i32
        %dma_wait3A_843 = tpu.memref_slice %arg9[%dma_wait3A_837, %dma_wait3A_842] : memref<2x80xi32, #tpu.memory_space<vmem>> -> memref<1x80xi32, #tpu.memory_space<vmem>>
        %dma_wait3A_844 = tpu.memref_squeeze %dma_wait3A_843 : memref<1x80xi32, #tpu.memory_space<vmem>> -> memref<80xi32, #tpu.memory_space<vmem>>
        %dma_wait3A_845 = arith.constant 0 : i32
        %dma_wait3A_846 = arith.constant 0 : i32
        %dma_wait3A_847 = tpu.memref_slice %arg11[%dma_wait3A_845, %dma_wait3A_846] : memref<10000x128xf32, #tpu.memory_space<vmem_shared>> -> memref<10000x128xf32, #tpu.memory_space<vmem_shared>>
        tpu.wait_indirect_dma semaphore(%arg15 : memref<!tpu.dma_semaphore, #tpu.memory_space<semaphore_mem>>) src(%dma_wait3A_841 : memref<80x128xf32, #tpu.memory_space<vmem>>) dst(%dma_wait3A_847 : memref<10000x128xf32, #tpu.memory_space<vmem_shared>>)
        %dma_start3A_848 = arith.constant 1 : i32
        %dma_start3A_849 = arith.constant 0 : i32
        %dma_start3A_850 = arith.constant 0 : i32
        %dma_start3A_851 = tpu.memref_slice %arg10[%dma_start3A_848, %dma_start3A_849, %dma_start3A_850] : memref<2x80x128xf32, #tpu.memory_space<vmem>> -> memref<1x80x128xf32, #tpu.memory_space<vmem>>
        %dma_start3A_852 = tpu.memref_squeeze %dma_start3A_851 : memref<1x80x128xf32, #tpu.memory_space<vmem>> -> memref<80x128xf32, #tpu.memory_space<vmem>>
        %dma_start3A_853 = arith.constant 720 : i32
        %dma_start3A_854 = tpu.memref_slice %arg8[%dma_start3A_853] : memref<800xi32, #tpu.memory_space<vmem>> -> memref<80xi32, #tpu.memory_space<vmem>>
        %dma_start3A_855 = arith.constant 0 : i32
        %dma_start3A_856 = arith.constant 0 : i32
        %dma_start3A_857 = tpu.memref_slice %arg2[%dma_start3A_855, %dma_start3A_856] : memref<10000x128xf32, #tpu.memory_space<hbm>> -> memref<10000x128xf32, #tpu.memory_space<hbm>>
        tpu.enqueue_indirect_dma source(%dma_start3A_857 : memref<10000x128xf32, #tpu.memory_space<hbm>>) target(%dma_start3A_852 : memref<80x128xf32, #tpu.memory_space<vmem>>) offsets(%dma_start3A_854 : memref<80xi32, #tpu.memory_space<vmem>>) semaphore(%arg13 : memref<!tpu.dma_semaphore, #tpu.memory_space<semaphore_mem>>)
        %mul3A_858 = arith.constant 10 : i32
        %mul3A_859 = arith.muli %scan3A_110, %mul3A_858 : i32
        %add3A_860 = arith.constant 9 : i32
        %add3A_861 = arith.addi %mul3A_859, %add3A_860 : i32
        %mul3A_862 = arith.constant 250 : i32
        %mul3A_863 = arith.muli %arg1, %mul3A_862 : i32
        %add3A_864 = arith.addi %mul3A_863, %add3A_861 : i32
        %mul3A_865 = arith.constant 80 : i32
        %mul3A_866 = arith.muli %add3A_864, %mul3A_865 : i32
        %multiple_of3A_867 = tpu.assume_multiple %mul3A_866, 80 : i32
        %dma_start3A_868 = arith.constant 1 : i32
        %dma_start3A_869 = arith.constant 0 : i32
        %dma_start3A_870 = tpu.memref_slice %arg9[%dma_start3A_868, %dma_start3A_869] : memref<2x80xi32, #tpu.memory_space<vmem>> -> memref<1x80xi32, #tpu.memory_space<vmem>>
        %dma_start3A_871 = tpu.memref_squeeze %dma_start3A_870 : memref<1x80xi32, #tpu.memory_space<vmem>> -> memref<80xi32, #tpu.memory_space<vmem>>
        %dma_start3A_872 = tpu.memref_slice %arg4[%multiple_of3A_867] : memref<320000xi32, #tpu.memory_space<hbm>> -> memref<80xi32, #tpu.memory_space<hbm>>
        %dma_start3A_873 = arith.constant 0 : i32
        %dma_start3A_874 = tpu.memref_slice %arg9[%dma_start3A_868, %dma_start3A_873] : memref<2x80xi32, #tpu.memory_space<vmem>> -> memref<1x80xi32, #tpu.memory_space<vmem>>
        %dma_start3A_875 = tpu.memref_squeeze %dma_start3A_874 : memref<1x80xi32, #tpu.memory_space<vmem>> -> memref<80xi32, #tpu.memory_space<vmem>>
        %dma_start3A_876 = tpu.memref_slice %arg4[%multiple_of3A_867] : memref<320000xi32, #tpu.memory_space<hbm>> -> memref<80xi32, #tpu.memory_space<hbm>>
        tpu.enqueue_dma source(%dma_start3A_876 : memref<80xi32, #tpu.memory_space<hbm>>) target(%dma_start3A_875 : memref<80xi32, #tpu.memory_space<vmem>>) target_semaphore(%arg17 : memref<!tpu.dma_semaphore, #tpu.memory_space<semaphore_mem>>)
        %dma_wait3A_877 = arith.constant 1 : i32
        %dma_wait3A_878 = arith.constant 0 : i32
        %dma_wait3A_879 = arith.constant 0 : i32
        %dma_wait3A_880 = tpu.memref_slice %arg10[%dma_wait3A_877, %dma_wait3A_878, %dma_wait3A_879] : memref<2x80x128xf32, #tpu.memory_space<vmem>> -> memref<1x80x128xf32, #tpu.memory_space<vmem>>
        %dma_wait3A_881 = tpu.memref_squeeze %dma_wait3A_880 : memref<1x80x128xf32, #tpu.memory_space<vmem>> -> memref<80x128xf32, #tpu.memory_space<vmem>>
        %dma_wait3A_882 = arith.constant 720 : i32
        %dma_wait3A_883 = tpu.memref_slice %arg8[%dma_wait3A_882] : memref<800xi32, #tpu.memory_space<vmem>> -> memref<80xi32, #tpu.memory_space<vmem>>
        %dma_wait3A_884 = arith.constant 0 : i32
        %dma_wait3A_885 = arith.constant 0 : i32
        %dma_wait3A_886 = tpu.memref_slice %arg2[%dma_wait3A_884, %dma_wait3A_885] : memref<10000x128xf32, #tpu.memory_space<hbm>> -> memref<10000x128xf32, #tpu.memory_space<hbm>>
        tpu.wait_indirect_dma semaphore(%arg13 : memref<!tpu.dma_semaphore, #tpu.memory_space<semaphore_mem>>) src(%dma_wait3A_886 : memref<10000x128xf32, #tpu.memory_space<hbm>>) dst(%dma_wait3A_881 : memref<80x128xf32, #tpu.memory_space<vmem>>)
        %mul3A_887 = arith.constant 10 : i32
        %mul3A_888 = arith.muli %scan3A_110, %mul3A_887 : i32
        %add3A_889 = arith.constant 9 : i32
        %add3A_890 = arith.addi %mul3A_888, %add3A_889 : i32
        %mul3A_891 = arith.constant 250 : i32
        %mul3A_892 = arith.muli %arg1, %mul3A_891 : i32
        %add3A_893 = arith.addi %mul3A_892, %add3A_890 : i32
        %mul3A_894 = arith.constant 80 : i32
        %mul3A_895 = arith.muli %add3A_893, %mul3A_894 : i32
        %multiple_of3A_896 = tpu.assume_multiple %mul3A_895, 80 : i32
        %dma_wait3A_897 = arith.constant 1 : i32
        %dma_wait3A_898 = arith.constant 0 : i32
        %dma_wait3A_899 = tpu.memref_slice %arg9[%dma_wait3A_897, %dma_wait3A_898] : memref<2x80xi32, #tpu.memory_space<vmem>> -> memref<1x80xi32, #tpu.memory_space<vmem>>
        %dma_wait3A_900 = tpu.memref_squeeze %dma_wait3A_899 : memref<1x80xi32, #tpu.memory_space<vmem>> -> memref<80xi32, #tpu.memory_space<vmem>>
        %dma_wait3A_901 = tpu.memref_slice %arg4[%multiple_of3A_896] : memref<320000xi32, #tpu.memory_space<hbm>> -> memref<80xi32, #tpu.memory_space<hbm>>
        %dma_wait3A_902 = arith.constant 0 : i32
        %dma_wait3A_903 = tpu.memref_slice %arg9[%dma_wait3A_897, %dma_wait3A_902] : memref<2x80xi32, #tpu.memory_space<vmem>> -> memref<1x80xi32, #tpu.memory_space<vmem>>
        %dma_wait3A_904 = tpu.memref_squeeze %dma_wait3A_903 : memref<1x80xi32, #tpu.memory_space<vmem>> -> memref<80xi32, #tpu.memory_space<vmem>>
        %dma_wait3A_905 = tpu.memref_slice %arg4[%multiple_of3A_896] : memref<320000xi32, #tpu.memory_space<hbm>> -> memref<80xi32, #tpu.memory_space<hbm>>
        tpu.wait_dma2 semaphore(%arg17 : memref<!tpu.dma_semaphore, #tpu.memory_space<semaphore_mem>>) src(%dma_wait3A_905 : memref<80xi32, #tpu.memory_space<hbm>>) dst(%dma_wait3A_904 : memref<80xi32, #tpu.memory_space<vmem>>)
        %dma_start3A_906 = arith.constant 1 : i32
        %dma_start3A_907 = arith.constant 1 : i32
        %dma_start3A_908 = arith.constant 0 : i32
        %dma_start3A_909 = arith.constant 0 : i32
        %dma_start3A_910 = tpu.memref_slice %arg10[%dma_start3A_906, %dma_start3A_908, %dma_start3A_909] : memref<2x80x128xf32, #tpu.memory_space<vmem>> -> memref<1x80x128xf32, #tpu.memory_space<vmem>>
        %dma_start3A_911 = tpu.memref_squeeze %dma_start3A_910 : memref<1x80x128xf32, #tpu.memory_space<vmem>> -> memref<80x128xf32, #tpu.memory_space<vmem>>
        %dma_start3A_912 = arith.constant 0 : i32
        %dma_start3A_913 = tpu.memref_slice %arg9[%dma_start3A_907, %dma_start3A_912] : memref<2x80xi32, #tpu.memory_space<vmem>> -> memref<1x80xi32, #tpu.memory_space<vmem>>
        %dma_start3A_914 = tpu.memref_squeeze %dma_start3A_913 : memref<1x80xi32, #tpu.memory_space<vmem>> -> memref<80xi32, #tpu.memory_space<vmem>>
        %dma_start3A_915 = arith.constant 0 : i32
        %dma_start3A_916 = arith.constant 0 : i32
        %dma_start3A_917 = tpu.memref_slice %arg11[%dma_start3A_915, %dma_start3A_916] : memref<10000x128xf32, #tpu.memory_space<vmem_shared>> -> memref<10000x128xf32, #tpu.memory_space<vmem_shared>>
        tpu.enqueue_indirect_dma source(%dma_start3A_911 : memref<80x128xf32, #tpu.memory_space<vmem>>) target(%dma_start3A_917 : memref<10000x128xf32, #tpu.memory_space<vmem_shared>>) offsets(%dma_start3A_914 : memref<80xi32, #tpu.memory_space<vmem>>) semaphore(%arg15 : memref<!tpu.dma_semaphore, #tpu.memory_space<semaphore_mem>>) {add = true}
        %dma_wait3A_918 = arith.constant 0 : i32
        %dma_wait3A_919 = arith.constant 0 : i32
        %dma_wait3A_920 = arith.constant 0 : i32
        %dma_wait3A_921 = arith.constant 0 : i32
        %dma_wait3A_922 = tpu.memref_slice %arg10[%dma_wait3A_918, %dma_wait3A_920, %dma_wait3A_921] : memref<2x80x128xf32, #tpu.memory_space<vmem>> -> memref<1x80x128xf32, #tpu.memory_space<vmem>>
        %dma_wait3A_923 = tpu.memref_squeeze %dma_wait3A_922 : memref<1x80x128xf32, #tpu.memory_space<vmem>> -> memref<80x128xf32, #tpu.memory_space<vmem>>
        %dma_wait3A_924 = arith.constant 0 : i32
        %dma_wait3A_925 = tpu.memref_slice %arg9[%dma_wait3A_919, %dma_wait3A_924] : memref<2x80xi32, #tpu.memory_space<vmem>> -> memref<1x80xi32, #tpu.memory_space<vmem>>
        %dma_wait3A_926 = tpu.memref_squeeze %dma_wait3A_925 : memref<1x80xi32, #tpu.memory_space<vmem>> -> memref<80xi32, #tpu.memory_space<vmem>>
        %dma_wait3A_927 = arith.constant 0 : i32
        %dma_wait3A_928 = arith.constant 0 : i32
        %dma_wait3A_929 = tpu.memref_slice %arg11[%dma_wait3A_927, %dma_wait3A_928] : memref<10000x128xf32, #tpu.memory_space<vmem_shared>> -> memref<10000x128xf32, #tpu.memory_space<vmem_shared>>
        tpu.wait_indirect_dma semaphore(%arg14 : memref<!tpu.dma_semaphore, #tpu.memory_space<semaphore_mem>>) src(%dma_wait3A_923 : memref<80x128xf32, #tpu.memory_space<vmem>>) dst(%dma_wait3A_929 : memref<10000x128xf32, #tpu.memory_space<vmem_shared>>)
      }
      %scan3A_98 = arith.constant 25 : i32
      %dma_wait3A = arith.constant 1 : i32
      %dma_wait3A_99 = arith.constant 1 : i32
      %dma_wait3A_100 = arith.constant 0 : i32
      %dma_wait3A_101 = arith.constant 0 : i32
      %dma_wait3A_102 = tpu.memref_slice %arg10[%dma_wait3A, %dma_wait3A_100, %dma_wait3A_101] : memref<2x80x128xf32, #tpu.memory_space<vmem>> -> memref<1x80x128xf32, #tpu.memory_space<vmem>>
      %dma_wait3A_103 = tpu.memref_squeeze %dma_wait3A_102 : memref<1x80x128xf32, #tpu.memory_space<vmem>> -> memref<80x128xf32, #tpu.memory_space<vmem>>
      %dma_wait3A_104 = arith.constant 0 : i32
      %dma_wait3A_105 = tpu.memref_slice %arg9[%dma_wait3A_99, %dma_wait3A_104] : memref<2x80xi32, #tpu.memory_space<vmem>> -> memref<1x80xi32, #tpu.memory_space<vmem>>
      %dma_wait3A_106 = tpu.memref_squeeze %dma_wait3A_105 : memref<1x80xi32, #tpu.memory_space<vmem>> -> memref<80xi32, #tpu.memory_space<vmem>>
      %dma_wait3A_107 = arith.constant 0 : i32
      %dma_wait3A_108 = arith.constant 0 : i32
      %dma_wait3A_109 = tpu.memref_slice %arg11[%dma_wait3A_107, %dma_wait3A_108] : memref<10000x128xf32, #tpu.memory_space<vmem_shared>> -> memref<10000x128xf32, #tpu.memory_space<vmem_shared>>
      tpu.wait_indirect_dma semaphore(%arg15 : memref<!tpu.dma_semaphore, #tpu.memory_space<semaphore_mem>>) src(%dma_wait3A_103 : memref<80x128xf32, #tpu.memory_space<vmem>>) dst(%dma_wait3A_109 : memref<10000x128xf32, #tpu.memory_space<vmem_shared>>)
    } else {
    }
    %eq3A_35 = arith.constant 1 : i32
    %eq3A_36 = arith.cmpi eq, %arg0, %eq3A_35 : i32
    %convert_element_type3A_37 = arith.extui %eq3A_36 : i1 to i32
    %cond3A_38 = arith.constant 0 : i32
    %cond3A_39 = arith.cmpi ne, %convert_element_type3A_37, %cond3A_38 : i32
    scf.if %cond3A_39 {
      %run_scoped3A_94 = arith.constant 0 : i32
      "tpu.region"() ({
        %run_scoped3A_116 = tpu.sem_alloc : memref<!tpu.dma_semaphore, #tpu.memory_space<semaphore_mem>>
        %dma_start3A = arith.constant 0 : i32
        %dma_start3A_117 = arith.constant 0 : i32
        %dma_start3A_118 = tpu.memref_slice %arg10[%run_scoped3A_94, %dma_start3A, %dma_start3A_117] : memref<2x80x128xf32, #tpu.memory_space<vmem>> -> memref<1x80x128xf32, #tpu.memory_space<vmem>>
        %dma_start3A_119 = tpu.memref_squeeze %dma_start3A_118 : memref<1x80x128xf32, #tpu.memory_space<vmem>> -> memref<80x128xf32, #tpu.memory_space<vmem>>
        %dma_start3A_120 = arith.constant 0 : i32
        %dma_start3A_121 = arith.constant 0 : i32
        %dma_start3A_122 = tpu.memref_slice %arg10[%run_scoped3A_94, %dma_start3A_120, %dma_start3A_121] : memref<2x80x128xf32, #tpu.memory_space<vmem>> -> memref<1x80x128xf32, #tpu.memory_space<vmem>>
        %dma_start3A_123 = tpu.memref_squeeze %dma_start3A_122 : memref<1x80x128xf32, #tpu.memory_space<vmem>> -> memref<80x128xf32, #tpu.memory_space<vmem>>
        tpu.enqueue_dma source(%arg6 : memref<80x128xf32, #tpu.memory_space<hbm>>) target(%dma_start3A_123 : memref<80x128xf32, #tpu.memory_space<vmem>>) target_semaphore(%run_scoped3A_116 : memref<!tpu.dma_semaphore, #tpu.memory_space<semaphore_mem>>)
        %dma_wait3A = arith.constant 0 : i32
        %dma_wait3A_124 = arith.constant 0 : i32
        %dma_wait3A_125 = tpu.memref_slice %arg10[%run_scoped3A_94, %dma_wait3A, %dma_wait3A_124] : memref<2x80x128xf32, #tpu.memory_space<vmem>> -> memref<1x80x128xf32, #tpu.memory_space<vmem>>
        %dma_wait3A_126 = tpu.memref_squeeze %dma_wait3A_125 : memref<1x80x128xf32, #tpu.memory_space<vmem>> -> memref<80x128xf32, #tpu.memory_space<vmem>>
        %dma_wait3A_127 = arith.constant 0 : i32
        %dma_wait3A_128 = arith.constant 0 : i32
        %dma_wait3A_129 = tpu.memref_slice %arg10[%run_scoped3A_94, %dma_wait3A_127, %dma_wait3A_128] : memref<2x80x128xf32, #tpu.memory_space<vmem>> -> memref<1x80x128xf32, #tpu.memory_space<vmem>>
        %dma_wait3A_130 = tpu.memref_squeeze %dma_wait3A_129 : memref<1x80x128xf32, #tpu.memory_space<vmem>> -> memref<80x128xf32, #tpu.memory_space<vmem>>
        tpu.wait_dma2 semaphore(%run_scoped3A_116 : memref<!tpu.dma_semaphore, #tpu.memory_space<semaphore_mem>>) src(%arg6 : memref<80x128xf32, #tpu.memory_space<hbm>>) dst(%dma_wait3A_130 : memref<80x128xf32, #tpu.memory_space<vmem>>)
        tpu.yield
      }) : () -> ()
      %mul3A_95 = arith.constant 250 : i32
      %mul3A_96 = arith.muli %arg1, %mul3A_95 : i32
      %add3A_97 = arith.constant 0 : i32
      %add3A_98 = arith.addi %mul3A_96, %add3A_97 : i32
      %mul3A_99 = arith.constant 80 : i32
      %mul3A_100 = arith.muli %add3A_98, %mul3A_99 : i32
      %multiple_of3A_101 = tpu.assume_multiple %mul3A_100, 80 : i32
      %run_scoped3A_102 = arith.constant 0 : i32
      "tpu.region"() ({
        %run_scoped3A_116 = tpu.sem_alloc : memref<!tpu.dma_semaphore, #tpu.memory_space<semaphore_mem>>
        %dma_start3A = arith.constant 0 : i32
        %dma_start3A_117 = tpu.memref_slice %arg9[%run_scoped3A_102, %dma_start3A] : memref<2x80xi32, #tpu.memory_space<vmem>> -> memref<1x80xi32, #tpu.memory_space<vmem>>
        %dma_start3A_118 = tpu.memref_squeeze %dma_start3A_117 : memref<1x80xi32, #tpu.memory_space<vmem>> -> memref<80xi32, #tpu.memory_space<vmem>>
        %dma_start3A_119 = tpu.memref_slice %arg4[%multiple_of3A_101] : memref<320000xi32, #tpu.memory_space<hbm>> -> memref<80xi32, #tpu.memory_space<hbm>>
        %dma_start3A_120 = arith.constant 0 : i32
        %dma_start3A_121 = tpu.memref_slice %arg9[%run_scoped3A_102, %dma_start3A_120] : memref<2x80xi32, #tpu.memory_space<vmem>> -> memref<1x80xi32, #tpu.memory_space<vmem>>
        %dma_start3A_122 = tpu.memref_squeeze %dma_start3A_121 : memref<1x80xi32, #tpu.memory_space<vmem>> -> memref<80xi32, #tpu.memory_space<vmem>>
        %dma_start3A_123 = tpu.memref_slice %arg4[%multiple_of3A_101] : memref<320000xi32, #tpu.memory_space<hbm>> -> memref<80xi32, #tpu.memory_space<hbm>>
        tpu.enqueue_dma source(%dma_start3A_123 : memref<80xi32, #tpu.memory_space<hbm>>) target(%dma_start3A_122 : memref<80xi32, #tpu.memory_space<vmem>>) target_semaphore(%run_scoped3A_116 : memref<!tpu.dma_semaphore, #tpu.memory_space<semaphore_mem>>)
        %dma_wait3A = arith.constant 0 : i32
        %dma_wait3A_124 = tpu.memref_slice %arg9[%run_scoped3A_102, %dma_wait3A] : memref<2x80xi32, #tpu.memory_space<vmem>> -> memref<1x80xi32, #tpu.memory_space<vmem>>
        %dma_wait3A_125 = tpu.memref_squeeze %dma_wait3A_124 : memref<1x80xi32, #tpu.memory_space<vmem>> -> memref<80xi32, #tpu.memory_space<vmem>>
        %dma_wait3A_126 = tpu.memref_slice %arg4[%multiple_of3A_101] : memref<320000xi32, #tpu.memory_space<hbm>> -> memref<80xi32, #tpu.memory_space<hbm>>
        %dma_wait3A_127 = arith.constant 0 : i32
        %dma_wait3A_128 = tpu.memref_slice %arg9[%run_scoped3A_102, %dma_wait3A_127] : memref<2x80xi32, #tpu.memory_space<vmem>> -> memref<1x80xi32, #tpu.memory_space<vmem>>
        %dma_wait3A_129 = tpu.memref_squeeze %dma_wait3A_128 : memref<1x80xi32, #tpu.memory_space<vmem>> -> memref<80xi32, #tpu.memory_space<vmem>>
        %dma_wait3A_130 = tpu.memref_slice %arg4[%multiple_of3A_101] : memref<320000xi32, #tpu.memory_space<hbm>> -> memref<80xi32, #tpu.memory_space<hbm>>
        tpu.wait_dma2 semaphore(%run_scoped3A_116 : memref<!tpu.dma_semaphore, #tpu.memory_space<semaphore_mem>>) src(%dma_wait3A_130 : memref<80xi32, #tpu.memory_space<hbm>>) dst(%dma_wait3A_129 : memref<80xi32, #tpu.memory_space<vmem>>)
        tpu.yield
      }) : () -> ()
      %mul3A_103 = arith.constant 250 : i32
      %mul3A_104 = arith.muli %arg1, %mul3A_103 : i32
      %add3A_105 = arith.constant 1 : i32
      %add3A_106 = arith.addi %mul3A_104, %add3A_105 : i32
      %mul3A_107 = arith.constant 80 : i32
      %mul3A_108 = arith.muli %add3A_106, %mul3A_107 : i32
      %multiple_of3A_109 = tpu.assume_multiple %mul3A_108, 80 : i32
      %run_scoped3A_110 = arith.constant 1 : i32
      "tpu.region"() ({
        %run_scoped3A_116 = tpu.sem_alloc : memref<!tpu.dma_semaphore, #tpu.memory_space<semaphore_mem>>
        %dma_start3A = arith.constant 0 : i32
        %dma_start3A_117 = tpu.memref_slice %arg9[%run_scoped3A_110, %dma_start3A] : memref<2x80xi32, #tpu.memory_space<vmem>> -> memref<1x80xi32, #tpu.memory_space<vmem>>
        %dma_start3A_118 = tpu.memref_squeeze %dma_start3A_117 : memref<1x80xi32, #tpu.memory_space<vmem>> -> memref<80xi32, #tpu.memory_space<vmem>>
        %dma_start3A_119 = tpu.memref_slice %arg4[%multiple_of3A_109] : memref<320000xi32, #tpu.memory_space<hbm>> -> memref<80xi32, #tpu.memory_space<hbm>>
        %dma_start3A_120 = arith.constant 0 : i32
        %dma_start3A_121 = tpu.memref_slice %arg9[%run_scoped3A_110, %dma_start3A_120] : memref<2x80xi32, #tpu.memory_space<vmem>> -> memref<1x80xi32, #tpu.memory_space<vmem>>
        %dma_start3A_122 = tpu.memref_squeeze %dma_start3A_121 : memref<1x80xi32, #tpu.memory_space<vmem>> -> memref<80xi32, #tpu.memory_space<vmem>>
        %dma_start3A_123 = tpu.memref_slice %arg4[%multiple_of3A_109] : memref<320000xi32, #tpu.memory_space<hbm>> -> memref<80xi32, #tpu.memory_space<hbm>>
        tpu.enqueue_dma source(%dma_start3A_123 : memref<80xi32, #tpu.memory_space<hbm>>) target(%dma_start3A_122 : memref<80xi32, #tpu.memory_space<vmem>>) target_semaphore(%run_scoped3A_116 : memref<!tpu.dma_semaphore, #tpu.memory_space<semaphore_mem>>)
        %dma_wait3A = arith.constant 0 : i32
        %dma_wait3A_124 = tpu.memref_slice %arg9[%run_scoped3A_110, %dma_wait3A] : memref<2x80xi32, #tpu.memory_space<vmem>> -> memref<1x80xi32, #tpu.memory_space<vmem>>
        %dma_wait3A_125 = tpu.memref_squeeze %dma_wait3A_124 : memref<1x80xi32, #tpu.memory_space<vmem>> -> memref<80xi32, #tpu.memory_space<vmem>>
        %dma_wait3A_126 = tpu.memref_slice %arg4[%multiple_of3A_109] : memref<320000xi32, #tpu.memory_space<hbm>> -> memref<80xi32, #tpu.memory_space<hbm>>
        %dma_wait3A_127 = arith.constant 0 : i32
        %dma_wait3A_128 = tpu.memref_slice %arg9[%run_scoped3A_110, %dma_wait3A_127] : memref<2x80xi32, #tpu.memory_space<vmem>> -> memref<1x80xi32, #tpu.memory_space<vmem>>
        %dma_wait3A_129 = tpu.memref_squeeze %dma_wait3A_128 : memref<1x80xi32, #tpu.memory_space<vmem>> -> memref<80xi32, #tpu.memory_space<vmem>>
        %dma_wait3A_130 = tpu.memref_slice %arg4[%multiple_of3A_109] : memref<320000xi32, #tpu.memory_space<hbm>> -> memref<80xi32, #tpu.memory_space<hbm>>
        tpu.wait_dma2 semaphore(%run_scoped3A_116 : memref<!tpu.dma_semaphore, #tpu.memory_space<semaphore_mem>>) src(%dma_wait3A_130 : memref<80xi32, #tpu.memory_space<hbm>>) dst(%dma_wait3A_129 : memref<80xi32, #tpu.memory_space<vmem>>)
        tpu.yield
      }) : () -> ()
      %scan3A = arith.constant 0 : i32
      %scan3A_111 = arith.constant 0 : i32
      %scan3A_112 = arith.constant 125 : i32
      %scan3A_113 = arith.addi %scan3A_111, %scan3A_112 : i32
      %scan3A_114 = arith.constant 1 : i32
      scf.for %scan3A_116 = %scan3A_111 to %scan3A_113 step %scan3A_114  : i32 {
        %mul3A_117 = arith.constant 2 : i32
        %mul3A_118 = arith.muli %mul3A_117, %scan3A_116 : i32
        %dma_start3A = arith.constant 0 : i32
        %dma_start3A_119 = arith.constant 0 : i32
        %dma_start3A_120 = arith.constant 0 : i32
        %dma_start3A_121 = arith.constant 0 : i32
        %dma_start3A_122 = tpu.memref_slice %arg10[%dma_start3A, %dma_start3A_120, %dma_start3A_121] : memref<2x80x128xf32, #tpu.memory_space<vmem>> -> memref<1x80x128xf32, #tpu.memory_space<vmem>>
        %dma_start3A_123 = tpu.memref_squeeze %dma_start3A_122 : memref<1x80x128xf32, #tpu.memory_space<vmem>> -> memref<80x128xf32, #tpu.memory_space<vmem>>
        %dma_start3A_124 = arith.constant 0 : i32
        %dma_start3A_125 = tpu.memref_slice %arg9[%dma_start3A_119, %dma_start3A_124] : memref<2x80xi32, #tpu.memory_space<vmem>> -> memref<1x80xi32, #tpu.memory_space<vmem>>
        %dma_start3A_126 = tpu.memref_squeeze %dma_start3A_125 : memref<1x80xi32, #tpu.memory_space<vmem>> -> memref<80xi32, #tpu.memory_space<vmem>>
        %dma_start3A_127 = arith.constant 0 : i32
        %dma_start3A_128 = arith.constant 0 : i32
        %dma_start3A_129 = tpu.memref_slice %arg11[%dma_start3A_127, %dma_start3A_128] : memref<10000x128xf32, #tpu.memory_space<vmem_shared>> -> memref<10000x128xf32, #tpu.memory_space<vmem_shared>>
        tpu.enqueue_indirect_dma source(%dma_start3A_123 : memref<80x128xf32, #tpu.memory_space<vmem>>) target(%dma_start3A_129 : memref<10000x128xf32, #tpu.memory_space<vmem_shared>>) offsets(%dma_start3A_126 : memref<80xi32, #tpu.memory_space<vmem>>) semaphore(%arg14 : memref<!tpu.dma_semaphore, #tpu.memory_space<semaphore_mem>>) {add = true}
        %dma_start3A_130 = arith.constant 0 : i32
        %dma_start3A_131 = arith.constant 1 : i32
        %dma_start3A_132 = arith.constant 0 : i32
        %dma_start3A_133 = arith.constant 0 : i32
        %dma_start3A_134 = tpu.memref_slice %arg10[%dma_start3A_130, %dma_start3A_132, %dma_start3A_133] : memref<2x80x128xf32, #tpu.memory_space<vmem>> -> memref<1x80x128xf32, #tpu.memory_space<vmem>>
        %dma_start3A_135 = tpu.memref_squeeze %dma_start3A_134 : memref<1x80x128xf32, #tpu.memory_space<vmem>> -> memref<80x128xf32, #tpu.memory_space<vmem>>
        %dma_start3A_136 = arith.constant 0 : i32
        %dma_start3A_137 = tpu.memref_slice %arg9[%dma_start3A_131, %dma_start3A_136] : memref<2x80xi32, #tpu.memory_space<vmem>> -> memref<1x80xi32, #tpu.memory_space<vmem>>
        %dma_start3A_138 = tpu.memref_squeeze %dma_start3A_137 : memref<1x80xi32, #tpu.memory_space<vmem>> -> memref<80xi32, #tpu.memory_space<vmem>>
        %dma_start3A_139 = arith.constant 0 : i32
        %dma_start3A_140 = arith.constant 0 : i32
        %dma_start3A_141 = tpu.memref_slice %arg11[%dma_start3A_139, %dma_start3A_140] : memref<10000x128xf32, #tpu.memory_space<vmem_shared>> -> memref<10000x128xf32, #tpu.memory_space<vmem_shared>>
        tpu.enqueue_indirect_dma source(%dma_start3A_135 : memref<80x128xf32, #tpu.memory_space<vmem>>) target(%dma_start3A_141 : memref<10000x128xf32, #tpu.memory_space<vmem_shared>>) offsets(%dma_start3A_138 : memref<80xi32, #tpu.memory_space<vmem>>) semaphore(%arg15 : memref<!tpu.dma_semaphore, #tpu.memory_space<semaphore_mem>>) {add = true}
        %dma_wait3A = arith.constant 0 : i32
        %dma_wait3A_142 = arith.constant 0 : i32
        %dma_wait3A_143 = arith.constant 0 : i32
        %dma_wait3A_144 = arith.constant 0 : i32
        %dma_wait3A_145 = tpu.memref_slice %arg10[%dma_wait3A, %dma_wait3A_143, %dma_wait3A_144] : memref<2x80x128xf32, #tpu.memory_space<vmem>> -> memref<1x80x128xf32, #tpu.memory_space<vmem>>
        %dma_wait3A_146 = tpu.memref_squeeze %dma_wait3A_145 : memref<1x80x128xf32, #tpu.memory_space<vmem>> -> memref<80x128xf32, #tpu.memory_space<vmem>>
        %dma_wait3A_147 = arith.constant 0 : i32
        %dma_wait3A_148 = tpu.memref_slice %arg9[%dma_wait3A_142, %dma_wait3A_147] : memref<2x80xi32, #tpu.memory_space<vmem>> -> memref<1x80xi32, #tpu.memory_space<vmem>>
        %dma_wait3A_149 = tpu.memref_squeeze %dma_wait3A_148 : memref<1x80xi32, #tpu.memory_space<vmem>> -> memref<80xi32, #tpu.memory_space<vmem>>
        %dma_wait3A_150 = arith.constant 0 : i32
        %dma_wait3A_151 = arith.constant 0 : i32
        %dma_wait3A_152 = tpu.memref_slice %arg11[%dma_wait3A_150, %dma_wait3A_151] : memref<10000x128xf32, #tpu.memory_space<vmem_shared>> -> memref<10000x128xf32, #tpu.memory_space<vmem_shared>>
        tpu.wait_indirect_dma semaphore(%arg14 : memref<!tpu.dma_semaphore, #tpu.memory_space<semaphore_mem>>) src(%dma_wait3A_146 : memref<80x128xf32, #tpu.memory_space<vmem>>) dst(%dma_wait3A_152 : memref<10000x128xf32, #tpu.memory_space<vmem_shared>>)
        %add3A_153 = arith.constant 2 : i32
        %add3A_154 = arith.addi %mul3A_118, %add3A_153 : i32
        %lt3A = arith.constant 250 : i32
        %lt3A_155 = arith.cmpi slt, %add3A_154, %lt3A : i32
        %convert_element_type3A_156 = arith.extui %lt3A_155 : i1 to i32
        %cond3A_157 = arith.constant 0 : i32
        %cond3A_158 = arith.cmpi ne, %convert_element_type3A_156, %cond3A_157 : i32
        scf.if %cond3A_158 {
          %add3A_178 = arith.constant 2 : i32
          %add3A_179 = arith.addi %mul3A_118, %add3A_178 : i32
          %mul3A_180 = arith.constant 250 : i32
          %mul3A_181 = arith.muli %arg1, %mul3A_180 : i32
          %add3A_182 = arith.addi %mul3A_181, %add3A_179 : i32
          %mul3A_183 = arith.constant 80 : i32
          %mul3A_184 = arith.muli %add3A_182, %mul3A_183 : i32
          %multiple_of3A_185 = tpu.assume_multiple %mul3A_184, 80 : i32
          %run_scoped3A_186 = arith.constant 0 : i32
          "tpu.region"() ({
            %run_scoped3A_187 = tpu.sem_alloc : memref<!tpu.dma_semaphore, #tpu.memory_space<semaphore_mem>>
            %dma_start3A_188 = arith.constant 0 : i32
            %dma_start3A_189 = tpu.memref_slice %arg9[%run_scoped3A_186, %dma_start3A_188] : memref<2x80xi32, #tpu.memory_space<vmem>> -> memref<1x80xi32, #tpu.memory_space<vmem>>
            %dma_start3A_190 = tpu.memref_squeeze %dma_start3A_189 : memref<1x80xi32, #tpu.memory_space<vmem>> -> memref<80xi32, #tpu.memory_space<vmem>>
            %dma_start3A_191 = tpu.memref_slice %arg4[%multiple_of3A_185] : memref<320000xi32, #tpu.memory_space<hbm>> -> memref<80xi32, #tpu.memory_space<hbm>>
            %dma_start3A_192 = arith.constant 0 : i32
            %dma_start3A_193 = tpu.memref_slice %arg9[%run_scoped3A_186, %dma_start3A_192] : memref<2x80xi32, #tpu.memory_space<vmem>> -> memref<1x80xi32, #tpu.memory_space<vmem>>
            %dma_start3A_194 = tpu.memref_squeeze %dma_start3A_193 : memref<1x80xi32, #tpu.memory_space<vmem>> -> memref<80xi32, #tpu.memory_space<vmem>>
            %dma_start3A_195 = tpu.memref_slice %arg4[%multiple_of3A_185] : memref<320000xi32, #tpu.memory_space<hbm>> -> memref<80xi32, #tpu.memory_space<hbm>>
            tpu.enqueue_dma source(%dma_start3A_195 : memref<80xi32, #tpu.memory_space<hbm>>) target(%dma_start3A_194 : memref<80xi32, #tpu.memory_space<vmem>>) target_semaphore(%run_scoped3A_187 : memref<!tpu.dma_semaphore, #tpu.memory_space<semaphore_mem>>)
            %dma_wait3A_196 = arith.constant 0 : i32
            %dma_wait3A_197 = tpu.memref_slice %arg9[%run_scoped3A_186, %dma_wait3A_196] : memref<2x80xi32, #tpu.memory_space<vmem>> -> memref<1x80xi32, #tpu.memory_space<vmem>>
            %dma_wait3A_198 = tpu.memref_squeeze %dma_wait3A_197 : memref<1x80xi32, #tpu.memory_space<vmem>> -> memref<80xi32, #tpu.memory_space<vmem>>
            %dma_wait3A_199 = tpu.memref_slice %arg4[%multiple_of3A_185] : memref<320000xi32, #tpu.memory_space<hbm>> -> memref<80xi32, #tpu.memory_space<hbm>>
            %dma_wait3A_200 = arith.constant 0 : i32
            %dma_wait3A_201 = tpu.memref_slice %arg9[%run_scoped3A_186, %dma_wait3A_200] : memref<2x80xi32, #tpu.memory_space<vmem>> -> memref<1x80xi32, #tpu.memory_space<vmem>>
            %dma_wait3A_202 = tpu.memref_squeeze %dma_wait3A_201 : memref<1x80xi32, #tpu.memory_space<vmem>> -> memref<80xi32, #tpu.memory_space<vmem>>
            %dma_wait3A_203 = tpu.memref_slice %arg4[%multiple_of3A_185] : memref<320000xi32, #tpu.memory_space<hbm>> -> memref<80xi32, #tpu.memory_space<hbm>>
            tpu.wait_dma2 semaphore(%run_scoped3A_187 : memref<!tpu.dma_semaphore, #tpu.memory_space<semaphore_mem>>) src(%dma_wait3A_203 : memref<80xi32, #tpu.memory_space<hbm>>) dst(%dma_wait3A_202 : memref<80xi32, #tpu.memory_space<vmem>>)
            tpu.yield
          }) : () -> ()
        } else {
        }
        %dma_wait3A_159 = arith.constant 0 : i32
        %dma_wait3A_160 = arith.constant 1 : i32
        %dma_wait3A_161 = arith.constant 0 : i32
        %dma_wait3A_162 = arith.constant 0 : i32
        %dma_wait3A_163 = tpu.memref_slice %arg10[%dma_wait3A_159, %dma_wait3A_161, %dma_wait3A_162] : memref<2x80x128xf32, #tpu.memory_space<vmem>> -> memref<1x80x128xf32, #tpu.memory_space<vmem>>
        %dma_wait3A_164 = tpu.memref_squeeze %dma_wait3A_163 : memref<1x80x128xf32, #tpu.memory_space<vmem>> -> memref<80x128xf32, #tpu.memory_space<vmem>>
        %dma_wait3A_165 = arith.constant 0 : i32
        %dma_wait3A_166 = tpu.memref_slice %arg9[%dma_wait3A_160, %dma_wait3A_165] : memref<2x80xi32, #tpu.memory_space<vmem>> -> memref<1x80xi32, #tpu.memory_space<vmem>>
        %dma_wait3A_167 = tpu.memref_squeeze %dma_wait3A_166 : memref<1x80xi32, #tpu.memory_space<vmem>> -> memref<80xi32, #tpu.memory_space<vmem>>
        %dma_wait3A_168 = arith.constant 0 : i32
        %dma_wait3A_169 = arith.constant 0 : i32
        %dma_wait3A_170 = tpu.memref_slice %arg11[%dma_wait3A_168, %dma_wait3A_169] : memref<10000x128xf32, #tpu.memory_space<vmem_shared>> -> memref<10000x128xf32, #tpu.memory_space<vmem_shared>>
        tpu.wait_indirect_dma semaphore(%arg15 : memref<!tpu.dma_semaphore, #tpu.memory_space<semaphore_mem>>) src(%dma_wait3A_164 : memref<80x128xf32, #tpu.memory_space<vmem>>) dst(%dma_wait3A_170 : memref<10000x128xf32, #tpu.memory_space<vmem_shared>>)
        %add3A_171 = arith.constant 3 : i32
        %add3A_172 = arith.addi %mul3A_118, %add3A_171 : i32
        %lt3A_173 = arith.constant 250 : i32
        %lt3A_174 = arith.cmpi slt, %add3A_172, %lt3A_173 : i32
        %convert_element_type3A_175 = arith.extui %lt3A_174 : i1 to i32
        %cond3A_176 = arith.constant 0 : i32
        %cond3A_177 = arith.cmpi ne, %convert_element_type3A_175, %cond3A_176 : i32
        scf.if %cond3A_177 {
          %add3A_178 = arith.constant 3 : i32
          %add3A_179 = arith.addi %mul3A_118, %add3A_178 : i32
          %mul3A_180 = arith.constant 250 : i32
          %mul3A_181 = arith.muli %arg1, %mul3A_180 : i32
          %add3A_182 = arith.addi %mul3A_181, %add3A_179 : i32
          %mul3A_183 = arith.constant 80 : i32
          %mul3A_184 = arith.muli %add3A_182, %mul3A_183 : i32
          %multiple_of3A_185 = tpu.assume_multiple %mul3A_184, 80 : i32
          %run_scoped3A_186 = arith.constant 1 : i32
          "tpu.region"() ({
            %run_scoped3A_187 = tpu.sem_alloc : memref<!tpu.dma_semaphore, #tpu.memory_space<semaphore_mem>>
            %dma_start3A_188 = arith.constant 0 : i32
            %dma_start3A_189 = tpu.memref_slice %arg9[%run_scoped3A_186, %dma_start3A_188] : memref<2x80xi32, #tpu.memory_space<vmem>> -> memref<1x80xi32, #tpu.memory_space<vmem>>
            %dma_start3A_190 = tpu.memref_squeeze %dma_start3A_189 : memref<1x80xi32, #tpu.memory_space<vmem>> -> memref<80xi32, #tpu.memory_space<vmem>>
            %dma_start3A_191 = tpu.memref_slice %arg4[%multiple_of3A_185] : memref<320000xi32, #tpu.memory_space<hbm>> -> memref<80xi32, #tpu.memory_space<hbm>>
            %dma_start3A_192 = arith.constant 0 : i32
            %dma_start3A_193 = tpu.memref_slice %arg9[%run_scoped3A_186, %dma_start3A_192] : memref<2x80xi32, #tpu.memory_space<vmem>> -> memref<1x80xi32, #tpu.memory_space<vmem>>
            %dma_start3A_194 = tpu.memref_squeeze %dma_start3A_193 : memref<1x80xi32, #tpu.memory_space<vmem>> -> memref<80xi32, #tpu.memory_space<vmem>>
            %dma_start3A_195 = tpu.memref_slice %arg4[%multiple_of3A_185] : memref<320000xi32, #tpu.memory_space<hbm>> -> memref<80xi32, #tpu.memory_space<hbm>>
            tpu.enqueue_dma source(%dma_start3A_195 : memref<80xi32, #tpu.memory_space<hbm>>) target(%dma_start3A_194 : memref<80xi32, #tpu.memory_space<vmem>>) target_semaphore(%run_scoped3A_187 : memref<!tpu.dma_semaphore, #tpu.memory_space<semaphore_mem>>)
            %dma_wait3A_196 = arith.constant 0 : i32
            %dma_wait3A_197 = tpu.memref_slice %arg9[%run_scoped3A_186, %dma_wait3A_196] : memref<2x80xi32, #tpu.memory_space<vmem>> -> memref<1x80xi32, #tpu.memory_space<vmem>>
            %dma_wait3A_198 = tpu.memref_squeeze %dma_wait3A_197 : memref<1x80xi32, #tpu.memory_space<vmem>> -> memref<80xi32, #tpu.memory_space<vmem>>
            %dma_wait3A_199 = tpu.memref_slice %arg4[%multiple_of3A_185] : memref<320000xi32, #tpu.memory_space<hbm>> -> memref<80xi32, #tpu.memory_space<hbm>>
            %dma_wait3A_200 = arith.constant 0 : i32
            %dma_wait3A_201 = tpu.memref_slice %arg9[%run_scoped3A_186, %dma_wait3A_200] : memref<2x80xi32, #tpu.memory_space<vmem>> -> memref<1x80xi32, #tpu.memory_space<vmem>>
            %dma_wait3A_202 = tpu.memref_squeeze %dma_wait3A_201 : memref<1x80xi32, #tpu.memory_space<vmem>> -> memref<80xi32, #tpu.memory_space<vmem>>
            %dma_wait3A_203 = tpu.memref_slice %arg4[%multiple_of3A_185] : memref<320000xi32, #tpu.memory_space<hbm>> -> memref<80xi32, #tpu.memory_space<hbm>>
            tpu.wait_dma2 semaphore(%run_scoped3A_187 : memref<!tpu.dma_semaphore, #tpu.memory_space<semaphore_mem>>) src(%dma_wait3A_203 : memref<80xi32, #tpu.memory_space<hbm>>) dst(%dma_wait3A_202 : memref<80xi32, #tpu.memory_space<vmem>>)
            tpu.yield
          }) : () -> ()
        } else {
        }
      }
      %scan3A_115 = arith.constant 125 : i32
    } else {
    }
    %barrier3A_40 = arith.constant 0 : index
    tpu.barrier barrier_id(%barrier3A_40)
    %add3A_41 = arith.constant 0 : i32
    %add3A_42 = arith.addi %multiple_of3A, %add3A_41 : i32
    %run_scoped3A_43 = arith.constant 0 : i32
    "tpu.region"() ({
      %run_scoped3A_94 = tpu.sem_alloc : memref<!tpu.dma_semaphore, #tpu.memory_space<semaphore_mem>>
      %dma_start3A = arith.constant 0 : i32
      %dma_start3A_95 = arith.constant 0 : i32
      %dma_start3A_96 = tpu.memref_slice %arg10[%run_scoped3A_43, %dma_start3A, %dma_start3A_95] : memref<2x80x128xf32, #tpu.memory_space<vmem>> -> memref<1x80x128xf32, #tpu.memory_space<vmem>>
      %dma_start3A_97 = tpu.memref_squeeze %dma_start3A_96 : memref<1x80x128xf32, #tpu.memory_space<vmem>> -> memref<80x128xf32, #tpu.memory_space<vmem>>
      %dma_start3A_98 = arith.constant 0 : i32
      %dma_start3A_99 = arith.constant 0 : i32
      %dma_start3A_100 = tpu.memref_slice %dma_start3A_97[%dma_start3A_98, %dma_start3A_99] : memref<80x128xf32, #tpu.memory_space<vmem>> -> memref<80x128xf32, #tpu.memory_space<vmem>>
      %dma_start3A_101 = arith.constant 0 : i32
      %dma_start3A_102 = tpu.memref_slice %arg11[%add3A_42, %dma_start3A_101] : memref<10000x128xf32, #tpu.memory_space<vmem_shared>> -> memref<80x128xf32, #tpu.memory_space<vmem_shared>>
      %dma_start3A_103 = arith.constant 0 : i32
      %dma_start3A_104 = arith.constant 0 : i32
      %dma_start3A_105 = tpu.memref_slice %arg10[%run_scoped3A_43, %dma_start3A_103, %dma_start3A_104] : memref<2x80x128xf32, #tpu.memory_space<vmem>> -> memref<1x80x128xf32, #tpu.memory_space<vmem>>
      %dma_start3A_106 = tpu.memref_squeeze %dma_start3A_105 : memref<1x80x128xf32, #tpu.memory_space<vmem>> -> memref<80x128xf32, #tpu.memory_space<vmem>>
      %dma_start3A_107 = arith.constant 0 : i32
      %dma_start3A_108 = arith.constant 0 : i32
      %dma_start3A_109 = tpu.memref_slice %dma_start3A_106[%dma_start3A_107, %dma_start3A_108] : memref<80x128xf32, #tpu.memory_space<vmem>> -> memref<80x128xf32, #tpu.memory_space<vmem>>
      %dma_start3A_110 = arith.constant 0 : i32
      %dma_start3A_111 = tpu.memref_slice %arg11[%add3A_42, %dma_start3A_110] : memref<10000x128xf32, #tpu.memory_space<vmem_shared>> -> memref<80x128xf32, #tpu.memory_space<vmem_shared>>
      tpu.enqueue_dma source(%dma_start3A_111 : memref<80x128xf32, #tpu.memory_space<vmem_shared>>) target(%dma_start3A_109 : memref<80x128xf32, #tpu.memory_space<vmem>>) target_semaphore(%run_scoped3A_94 : memref<!tpu.dma_semaphore, #tpu.memory_space<semaphore_mem>>)
      %dma_wait3A = arith.constant 0 : i32
      %dma_wait3A_112 = arith.constant 0 : i32
      %dma_wait3A_113 = tpu.memref_slice %arg10[%run_scoped3A_43, %dma_wait3A, %dma_wait3A_112] : memref<2x80x128xf32, #tpu.memory_space<vmem>> -> memref<1x80x128xf32, #tpu.memory_space<vmem>>
      %dma_wait3A_114 = tpu.memref_squeeze %dma_wait3A_113 : memref<1x80x128xf32, #tpu.memory_space<vmem>> -> memref<80x128xf32, #tpu.memory_space<vmem>>
      %dma_wait3A_115 = arith.constant 0 : i32
      %dma_wait3A_116 = arith.constant 0 : i32
      %dma_wait3A_117 = tpu.memref_slice %dma_wait3A_114[%dma_wait3A_115, %dma_wait3A_116] : memref<80x128xf32, #tpu.memory_space<vmem>> -> memref<80x128xf32, #tpu.memory_space<vmem>>
      %dma_wait3A_118 = arith.constant 0 : i32
      %dma_wait3A_119 = tpu.memref_slice %arg11[%add3A_42, %dma_wait3A_118] : memref<10000x128xf32, #tpu.memory_space<vmem_shared>> -> memref<80x128xf32, #tpu.memory_space<vmem_shared>>
      %dma_wait3A_120 = arith.constant 0 : i32
      %dma_wait3A_121 = arith.constant 0 : i32
      %dma_wait3A_122 = tpu.memref_slice %arg10[%run_scoped3A_43, %dma_wait3A_120, %dma_wait3A_121] : memref<2x80x128xf32, #tpu.memory_space<vmem>> -> memref<1x80x128xf32, #tpu.memory_space<vmem>>
      %dma_wait3A_123 = tpu.memref_squeeze %dma_wait3A_122 : memref<1x80x128xf32, #tpu.memory_space<vmem>> -> memref<80x128xf32, #tpu.memory_space<vmem>>
      %dma_wait3A_124 = arith.constant 0 : i32
      %dma_wait3A_125 = arith.constant 0 : i32
      %dma_wait3A_126 = tpu.memref_slice %dma_wait3A_123[%dma_wait3A_124, %dma_wait3A_125] : memref<80x128xf32, #tpu.memory_space<vmem>> -> memref<80x128xf32, #tpu.memory_space<vmem>>
      %dma_wait3A_127 = arith.constant 0 : i32
      %dma_wait3A_128 = tpu.memref_slice %arg11[%add3A_42, %dma_wait3A_127] : memref<10000x128xf32, #tpu.memory_space<vmem_shared>> -> memref<80x128xf32, #tpu.memory_space<vmem_shared>>
      tpu.wait_dma2 semaphore(%run_scoped3A_94 : memref<!tpu.dma_semaphore, #tpu.memory_space<semaphore_mem>>) src(%dma_wait3A_128 : memref<80x128xf32, #tpu.memory_space<vmem_shared>>) dst(%dma_wait3A_126 : memref<80x128xf32, #tpu.memory_space<vmem>>)
      tpu.yield
    }) : () -> ()
    %add3A_44 = arith.constant 0 : i32
    %add3A_45 = arith.addi %multiple_of3A_3, %add3A_44 : i32
    %run_scoped3A_46 = arith.constant 0 : i32
    "tpu.region"() ({
      %run_scoped3A_94 = tpu.sem_alloc : memref<!tpu.dma_semaphore, #tpu.memory_space<semaphore_mem>>
      %dma_start3A = arith.constant 0 : i32
      %dma_start3A_95 = arith.constant 0 : i32
      %dma_start3A_96 = tpu.memref_slice %arg10[%run_scoped3A_46, %dma_start3A, %dma_start3A_95] : memref<2x80x128xf32, #tpu.memory_space<vmem>> -> memref<1x80x128xf32, #tpu.memory_space<vmem>>
      %dma_start3A_97 = tpu.memref_squeeze %dma_start3A_96 : memref<1x80x128xf32, #tpu.memory_space<vmem>> -> memref<80x128xf32, #tpu.memory_space<vmem>>
      %dma_start3A_98 = arith.constant 0 : i32
      %dma_start3A_99 = arith.constant 0 : i32
      %dma_start3A_100 = tpu.memref_slice %dma_start3A_97[%dma_start3A_98, %dma_start3A_99] : memref<80x128xf32, #tpu.memory_space<vmem>> -> memref<80x128xf32, #tpu.memory_space<vmem>>
      %dma_start3A_101 = arith.constant 0 : i32
      %dma_start3A_102 = tpu.memref_slice %arg7[%add3A_45, %dma_start3A_101] : memref<20000x128xf32, #tpu.memory_space<hbm>> -> memref<80x128xf32, #tpu.memory_space<hbm>>
      %dma_start3A_103 = arith.constant 0 : i32
      %dma_start3A_104 = tpu.memref_slice %arg7[%add3A_45, %dma_start3A_103] : memref<20000x128xf32, #tpu.memory_space<hbm>> -> memref<80x128xf32, #tpu.memory_space<hbm>>
      %dma_start3A_105 = arith.constant 0 : i32
      %dma_start3A_106 = arith.constant 0 : i32
      %dma_start3A_107 = tpu.memref_slice %arg10[%run_scoped3A_46, %dma_start3A_105, %dma_start3A_106] : memref<2x80x128xf32, #tpu.memory_space<vmem>> -> memref<1x80x128xf32, #tpu.memory_space<vmem>>
      %dma_start3A_108 = tpu.memref_squeeze %dma_start3A_107 : memref<1x80x128xf32, #tpu.memory_space<vmem>> -> memref<80x128xf32, #tpu.memory_space<vmem>>
      %dma_start3A_109 = arith.constant 0 : i32
      %dma_start3A_110 = arith.constant 0 : i32
      %dma_start3A_111 = tpu.memref_slice %dma_start3A_108[%dma_start3A_109, %dma_start3A_110] : memref<80x128xf32, #tpu.memory_space<vmem>> -> memref<80x128xf32, #tpu.memory_space<vmem>>
      tpu.enqueue_dma source(%dma_start3A_111 : memref<80x128xf32, #tpu.memory_space<vmem>>) target(%dma_start3A_104 : memref<80x128xf32, #tpu.memory_space<hbm>>) target_semaphore(%run_scoped3A_94 : memref<!tpu.dma_semaphore, #tpu.memory_space<semaphore_mem>>)
      %dma_wait3A = arith.constant 0 : i32
      %dma_wait3A_112 = arith.constant 0 : i32
      %dma_wait3A_113 = tpu.memref_slice %arg10[%run_scoped3A_46, %dma_wait3A, %dma_wait3A_112] : memref<2x80x128xf32, #tpu.memory_space<vmem>> -> memref<1x80x128xf32, #tpu.memory_space<vmem>>
      %dma_wait3A_114 = tpu.memref_squeeze %dma_wait3A_113 : memref<1x80x128xf32, #tpu.memory_space<vmem>> -> memref<80x128xf32, #tpu.memory_space<vmem>>
      %dma_wait3A_115 = arith.constant 0 : i32
      %dma_wait3A_116 = arith.constant 0 : i32
      %dma_wait3A_117 = tpu.memref_slice %dma_wait3A_114[%dma_wait3A_115, %dma_wait3A_116] : memref<80x128xf32, #tpu.memory_space<vmem>> -> memref<80x128xf32, #tpu.memory_space<vmem>>
      %dma_wait3A_118 = arith.constant 0 : i32
      %dma_wait3A_119 = tpu.memref_slice %arg7[%add3A_45, %dma_wait3A_118] : memref<20000x128xf32, #tpu.memory_space<hbm>> -> memref<80x128xf32, #tpu.memory_space<hbm>>
      %dma_wait3A_120 = arith.constant 0 : i32
      %dma_wait3A_121 = tpu.memref_slice %arg7[%add3A_45, %dma_wait3A_120] : memref<20000x128xf32, #tpu.memory_space<hbm>> -> memref<80x128xf32, #tpu.memory_space<hbm>>
      %dma_wait3A_122 = arith.constant 0 : i32
      %dma_wait3A_123 = arith.constant 0 : i32
      %dma_wait3A_124 = tpu.memref_slice %arg10[%run_scoped3A_46, %dma_wait3A_122, %dma_wait3A_123] : memref<2x80x128xf32, #tpu.memory_space<vmem>> -> memref<1x80x128xf32, #tpu.memory_space<vmem>>
      %dma_wait3A_125 = tpu.memref_squeeze %dma_wait3A_124 : memref<1x80x128xf32, #tpu.memory_space<vmem>> -> memref<80x128xf32, #tpu.memory_space<vmem>>
      %dma_wait3A_126 = arith.constant 0 : i32
      %dma_wait3A_127 = arith.constant 0 : i32
      %dma_wait3A_128 = tpu.memref_slice %dma_wait3A_125[%dma_wait3A_126, %dma_wait3A_127] : memref<80x128xf32, #tpu.memory_space<vmem>> -> memref<80x128xf32, #tpu.memory_space<vmem>>
      tpu.wait_dma2 semaphore(%run_scoped3A_94 : memref<!tpu.dma_semaphore, #tpu.memory_space<semaphore_mem>>) src(%dma_wait3A_128 : memref<80x128xf32, #tpu.memory_space<vmem>>) dst(%dma_wait3A_121 : memref<80x128xf32, #tpu.memory_space<hbm>>)
      tpu.yield
    }) : () -> ()
    %add3A_47 = arith.constant 80 : i32
    %add3A_48 = arith.addi %multiple_of3A, %add3A_47 : i32
    %run_scoped3A_49 = arith.constant 0 : i32
    "tpu.region"() ({
      %run_scoped3A_94 = tpu.sem_alloc : memref<!tpu.dma_semaphore, #tpu.memory_space<semaphore_mem>>
      %dma_start3A = arith.constant 0 : i32
      %dma_start3A_95 = arith.constant 0 : i32
      %dma_start3A_96 = tpu.memref_slice %arg10[%run_scoped3A_49, %dma_start3A, %dma_start3A_95] : memref<2x80x128xf32, #tpu.memory_space<vmem>> -> memref<1x80x128xf32, #tpu.memory_space<vmem>>
      %dma_start3A_97 = tpu.memref_squeeze %dma_start3A_96 : memref<1x80x128xf32, #tpu.memory_space<vmem>> -> memref<80x128xf32, #tpu.memory_space<vmem>>
      %dma_start3A_98 = arith.constant 0 : i32
      %dma_start3A_99 = arith.constant 0 : i32
      %dma_start3A_100 = tpu.memref_slice %dma_start3A_97[%dma_start3A_98, %dma_start3A_99] : memref<80x128xf32, #tpu.memory_space<vmem>> -> memref<80x128xf32, #tpu.memory_space<vmem>>
      %dma_start3A_101 = arith.constant 0 : i32
      %dma_start3A_102 = tpu.memref_slice %arg11[%add3A_48, %dma_start3A_101] : memref<10000x128xf32, #tpu.memory_space<vmem_shared>> -> memref<80x128xf32, #tpu.memory_space<vmem_shared>>
      %dma_start3A_103 = arith.constant 0 : i32
      %dma_start3A_104 = arith.constant 0 : i32
      %dma_start3A_105 = tpu.memref_slice %arg10[%run_scoped3A_49, %dma_start3A_103, %dma_start3A_104] : memref<2x80x128xf32, #tpu.memory_space<vmem>> -> memref<1x80x128xf32, #tpu.memory_space<vmem>>
      %dma_start3A_106 = tpu.memref_squeeze %dma_start3A_105 : memref<1x80x128xf32, #tpu.memory_space<vmem>> -> memref<80x128xf32, #tpu.memory_space<vmem>>
      %dma_start3A_107 = arith.constant 0 : i32
      %dma_start3A_108 = arith.constant 0 : i32
      %dma_start3A_109 = tpu.memref_slice %dma_start3A_106[%dma_start3A_107, %dma_start3A_108] : memref<80x128xf32, #tpu.memory_space<vmem>> -> memref<80x128xf32, #tpu.memory_space<vmem>>
      %dma_start3A_110 = arith.constant 0 : i32
      %dma_start3A_111 = tpu.memref_slice %arg11[%add3A_48, %dma_start3A_110] : memref<10000x128xf32, #tpu.memory_space<vmem_shared>> -> memref<80x128xf32, #tpu.memory_space<vmem_shared>>
      tpu.enqueue_dma source(%dma_start3A_111 : memref<80x128xf32, #tpu.memory_space<vmem_shared>>) target(%dma_start3A_109 : memref<80x128xf32, #tpu.memory_space<vmem>>) target_semaphore(%run_scoped3A_94 : memref<!tpu.dma_semaphore, #tpu.memory_space<semaphore_mem>>)
      %dma_wait3A = arith.constant 0 : i32
      %dma_wait3A_112 = arith.constant 0 : i32
      %dma_wait3A_113 = tpu.memref_slice %arg10[%run_scoped3A_49, %dma_wait3A, %dma_wait3A_112] : memref<2x80x128xf32, #tpu.memory_space<vmem>> -> memref<1x80x128xf32, #tpu.memory_space<vmem>>
      %dma_wait3A_114 = tpu.memref_squeeze %dma_wait3A_113 : memref<1x80x128xf32, #tpu.memory_space<vmem>> -> memref<80x128xf32, #tpu.memory_space<vmem>>
      %dma_wait3A_115 = arith.constant 0 : i32
      %dma_wait3A_116 = arith.constant 0 : i32
      %dma_wait3A_117 = tpu.memref_slice %dma_wait3A_114[%dma_wait3A_115, %dma_wait3A_116] : memref<80x128xf32, #tpu.memory_space<vmem>> -> memref<80x128xf32, #tpu.memory_space<vmem>>
      %dma_wait3A_118 = arith.constant 0 : i32
      %dma_wait3A_119 = tpu.memref_slice %arg11[%add3A_48, %dma_wait3A_118] : memref<10000x128xf32, #tpu.memory_space<vmem_shared>> -> memref<80x128xf32, #tpu.memory_space<vmem_shared>>
      %dma_wait3A_120 = arith.constant 0 : i32
      %dma_wait3A_121 = arith.constant 0 : i32
      %dma_wait3A_122 = tpu.memref_slice %arg10[%run_scoped3A_49, %dma_wait3A_120, %dma_wait3A_121] : memref<2x80x128xf32, #tpu.memory_space<vmem>> -> memref<1x80x128xf32, #tpu.memory_space<vmem>>
      %dma_wait3A_123 = tpu.memref_squeeze %dma_wait3A_122 : memref<1x80x128xf32, #tpu.memory_space<vmem>> -> memref<80x128xf32, #tpu.memory_space<vmem>>
      %dma_wait3A_124 = arith.constant 0 : i32
      %dma_wait3A_125 = arith.constant 0 : i32
      %dma_wait3A_126 = tpu.memref_slice %dma_wait3A_123[%dma_wait3A_124, %dma_wait3A_125] : memref<80x128xf32, #tpu.memory_space<vmem>> -> memref<80x128xf32, #tpu.memory_space<vmem>>
      %dma_wait3A_127 = arith.constant 0 : i32
      %dma_wait3A_128 = tpu.memref_slice %arg11[%add3A_48, %dma_wait3A_127] : memref<10000x128xf32, #tpu.memory_space<vmem_shared>> -> memref<80x128xf32, #tpu.memory_space<vmem_shared>>
      tpu.wait_dma2 semaphore(%run_scoped3A_94 : memref<!tpu.dma_semaphore, #tpu.memory_space<semaphore_mem>>) src(%dma_wait3A_128 : memref<80x128xf32, #tpu.memory_space<vmem_shared>>) dst(%dma_wait3A_126 : memref<80x128xf32, #tpu.memory_space<vmem>>)
      tpu.yield
    }) : () -> ()
    %add3A_50 = arith.constant 80 : i32
    %add3A_51 = arith.addi %multiple_of3A_3, %add3A_50 : i32
    %run_scoped3A_52 = arith.constant 0 : i32
    "tpu.region"() ({
      %run_scoped3A_94 = tpu.sem_alloc : memref<!tpu.dma_semaphore, #tpu.memory_space<semaphore_mem>>
      %dma_start3A = arith.constant 0 : i32
      %dma_start3A_95 = arith.constant 0 : i32
      %dma_start3A_96 = tpu.memref_slice %arg10[%run_scoped3A_52, %dma_start3A, %dma_start3A_95] : memref<2x80x128xf32, #tpu.memory_space<vmem>> -> memref<1x80x128xf32, #tpu.memory_space<vmem>>
      %dma_start3A_97 = tpu.memref_squeeze %dma_start3A_96 : memref<1x80x128xf32, #tpu.memory_space<vmem>> -> memref<80x128xf32, #tpu.memory_space<vmem>>
      %dma_start3A_98 = arith.constant 0 : i32
      %dma_start3A_99 = arith.constant 0 : i32
      %dma_start3A_100 = tpu.memref_slice %dma_start3A_97[%dma_start3A_98, %dma_start3A_99] : memref<80x128xf32, #tpu.memory_space<vmem>> -> memref<80x128xf32, #tpu.memory_space<vmem>>
      %dma_start3A_101 = arith.constant 0 : i32
      %dma_start3A_102 = tpu.memref_slice %arg7[%add3A_51, %dma_start3A_101] : memref<20000x128xf32, #tpu.memory_space<hbm>> -> memref<80x128xf32, #tpu.memory_space<hbm>>
      %dma_start3A_103 = arith.constant 0 : i32
      %dma_start3A_104 = tpu.memref_slice %arg7[%add3A_51, %dma_start3A_103] : memref<20000x128xf32, #tpu.memory_space<hbm>> -> memref<80x128xf32, #tpu.memory_space<hbm>>
      %dma_start3A_105 = arith.constant 0 : i32
      %dma_start3A_106 = arith.constant 0 : i32
      %dma_start3A_107 = tpu.memref_slice %arg10[%run_scoped3A_52, %dma_start3A_105, %dma_start3A_106] : memref<2x80x128xf32, #tpu.memory_space<vmem>> -> memref<1x80x128xf32, #tpu.memory_space<vmem>>
      %dma_start3A_108 = tpu.memref_squeeze %dma_start3A_107 : memref<1x80x128xf32, #tpu.memory_space<vmem>> -> memref<80x128xf32, #tpu.memory_space<vmem>>
      %dma_start3A_109 = arith.constant 0 : i32
      %dma_start3A_110 = arith.constant 0 : i32
      %dma_start3A_111 = tpu.memref_slice %dma_start3A_108[%dma_start3A_109, %dma_start3A_110] : memref<80x128xf32, #tpu.memory_space<vmem>> -> memref<80x128xf32, #tpu.memory_space<vmem>>
      tpu.enqueue_dma source(%dma_start3A_111 : memref<80x128xf32, #tpu.memory_space<vmem>>) target(%dma_start3A_104 : memref<80x128xf32, #tpu.memory_space<hbm>>) target_semaphore(%run_scoped3A_94 : memref<!tpu.dma_semaphore, #tpu.memory_space<semaphore_mem>>)
      %dma_wait3A = arith.constant 0 : i32
      %dma_wait3A_112 = arith.constant 0 : i32
      %dma_wait3A_113 = tpu.memref_slice %arg10[%run_scoped3A_52, %dma_wait3A, %dma_wait3A_112] : memref<2x80x128xf32, #tpu.memory_space<vmem>> -> memref<1x80x128xf32, #tpu.memory_space<vmem>>
      %dma_wait3A_114 = tpu.memref_squeeze %dma_wait3A_113 : memref<1x80x128xf32, #tpu.memory_space<vmem>> -> memref<80x128xf32, #tpu.memory_space<vmem>>
      %dma_wait3A_115 = arith.constant 0 : i32
      %dma_wait3A_116 = arith.constant 0 : i32
      %dma_wait3A_117 = tpu.memref_slice %dma_wait3A_114[%dma_wait3A_115, %dma_wait3A_116] : memref<80x128xf32, #tpu.memory_space<vmem>> -> memref<80x128xf32, #tpu.memory_space<vmem>>
      %dma_wait3A_118 = arith.constant 0 : i32
      %dma_wait3A_119 = tpu.memref_slice %arg7[%add3A_51, %dma_wait3A_118] : memref<20000x128xf32, #tpu.memory_space<hbm>> -> memref<80x128xf32, #tpu.memory_space<hbm>>
      %dma_wait3A_120 = arith.constant 0 : i32
      %dma_wait3A_121 = tpu.memref_slice %arg7[%add3A_51, %dma_wait3A_120] : memref<20000x128xf32, #tpu.memory_space<hbm>> -> memref<80x128xf32, #tpu.memory_space<hbm>>
      %dma_wait3A_122 = arith.constant 0 : i32
      %dma_wait3A_123 = arith.constant 0 : i32
      %dma_wait3A_124 = tpu.memref_slice %arg10[%run_scoped3A_52, %dma_wait3A_122, %dma_wait3A_123] : memref<2x80x128xf32, #tpu.memory_space<vmem>> -> memref<1x80x128xf32, #tpu.memory_space<vmem>>
      %dma_wait3A_125 = tpu.memref_squeeze %dma_wait3A_124 : memref<1x80x128xf32, #tpu.memory_space<vmem>> -> memref<80x128xf32, #tpu.memory_space<vmem>>
      %dma_wait3A_126 = arith.constant 0 : i32
      %dma_wait3A_127 = arith.constant 0 : i32
      %dma_wait3A_128 = tpu.memref_slice %dma_wait3A_125[%dma_wait3A_126, %dma_wait3A_127] : memref<80x128xf32, #tpu.memory_space<vmem>> -> memref<80x128xf32, #tpu.memory_space<vmem>>
      tpu.wait_dma2 semaphore(%run_scoped3A_94 : memref<!tpu.dma_semaphore, #tpu.memory_space<semaphore_mem>>) src(%dma_wait3A_128 : memref<80x128xf32, #tpu.memory_space<vmem>>) dst(%dma_wait3A_121 : memref<80x128xf32, #tpu.memory_space<hbm>>)
      tpu.yield
    }) : () -> ()
    %add3A_53 = arith.constant 160 : i32
    %add3A_54 = arith.addi %multiple_of3A, %add3A_53 : i32
    %run_scoped3A_55 = arith.constant 0 : i32
    "tpu.region"() ({
      %run_scoped3A_94 = tpu.sem_alloc : memref<!tpu.dma_semaphore, #tpu.memory_space<semaphore_mem>>
      %dma_start3A = arith.constant 0 : i32
      %dma_start3A_95 = arith.constant 0 : i32
      %dma_start3A_96 = tpu.memref_slice %arg10[%run_scoped3A_55, %dma_start3A, %dma_start3A_95] : memref<2x80x128xf32, #tpu.memory_space<vmem>> -> memref<1x80x128xf32, #tpu.memory_space<vmem>>
      %dma_start3A_97 = tpu.memref_squeeze %dma_start3A_96 : memref<1x80x128xf32, #tpu.memory_space<vmem>> -> memref<80x128xf32, #tpu.memory_space<vmem>>
      %dma_start3A_98 = arith.constant 0 : i32
      %dma_start3A_99 = arith.constant 0 : i32
      %dma_start3A_100 = tpu.memref_slice %dma_start3A_97[%dma_start3A_98, %dma_start3A_99] : memref<80x128xf32, #tpu.memory_space<vmem>> -> memref<80x128xf32, #tpu.memory_space<vmem>>
      %dma_start3A_101 = arith.constant 0 : i32
      %dma_start3A_102 = tpu.memref_slice %arg11[%add3A_54, %dma_start3A_101] : memref<10000x128xf32, #tpu.memory_space<vmem_shared>> -> memref<80x128xf32, #tpu.memory_space<vmem_shared>>
      %dma_start3A_103 = arith.constant 0 : i32
      %dma_start3A_104 = arith.constant 0 : i32
      %dma_start3A_105 = tpu.memref_slice %arg10[%run_scoped3A_55, %dma_start3A_103, %dma_start3A_104] : memref<2x80x128xf32, #tpu.memory_space<vmem>> -> memref<1x80x128xf32, #tpu.memory_space<vmem>>
      %dma_start3A_106 = tpu.memref_squeeze %dma_start3A_105 : memref<1x80x128xf32, #tpu.memory_space<vmem>> -> memref<80x128xf32, #tpu.memory_space<vmem>>
      %dma_start3A_107 = arith.constant 0 : i32
      %dma_start3A_108 = arith.constant 0 : i32
      %dma_start3A_109 = tpu.memref_slice %dma_start3A_106[%dma_start3A_107, %dma_start3A_108] : memref<80x128xf32, #tpu.memory_space<vmem>> -> memref<80x128xf32, #tpu.memory_space<vmem>>
      %dma_start3A_110 = arith.constant 0 : i32
      %dma_start3A_111 = tpu.memref_slice %arg11[%add3A_54, %dma_start3A_110] : memref<10000x128xf32, #tpu.memory_space<vmem_shared>> -> memref<80x128xf32, #tpu.memory_space<vmem_shared>>
      tpu.enqueue_dma source(%dma_start3A_111 : memref<80x128xf32, #tpu.memory_space<vmem_shared>>) target(%dma_start3A_109 : memref<80x128xf32, #tpu.memory_space<vmem>>) target_semaphore(%run_scoped3A_94 : memref<!tpu.dma_semaphore, #tpu.memory_space<semaphore_mem>>)
      %dma_wait3A = arith.constant 0 : i32
      %dma_wait3A_112 = arith.constant 0 : i32
      %dma_wait3A_113 = tpu.memref_slice %arg10[%run_scoped3A_55, %dma_wait3A, %dma_wait3A_112] : memref<2x80x128xf32, #tpu.memory_space<vmem>> -> memref<1x80x128xf32, #tpu.memory_space<vmem>>
      %dma_wait3A_114 = tpu.memref_squeeze %dma_wait3A_113 : memref<1x80x128xf32, #tpu.memory_space<vmem>> -> memref<80x128xf32, #tpu.memory_space<vmem>>
      %dma_wait3A_115 = arith.constant 0 : i32
      %dma_wait3A_116 = arith.constant 0 : i32
      %dma_wait3A_117 = tpu.memref_slice %dma_wait3A_114[%dma_wait3A_115, %dma_wait3A_116] : memref<80x128xf32, #tpu.memory_space<vmem>> -> memref<80x128xf32, #tpu.memory_space<vmem>>
      %dma_wait3A_118 = arith.constant 0 : i32
      %dma_wait3A_119 = tpu.memref_slice %arg11[%add3A_54, %dma_wait3A_118] : memref<10000x128xf32, #tpu.memory_space<vmem_shared>> -> memref<80x128xf32, #tpu.memory_space<vmem_shared>>
      %dma_wait3A_120 = arith.constant 0 : i32
      %dma_wait3A_121 = arith.constant 0 : i32
      %dma_wait3A_122 = tpu.memref_slice %arg10[%run_scoped3A_55, %dma_wait3A_120, %dma_wait3A_121] : memref<2x80x128xf32, #tpu.memory_space<vmem>> -> memref<1x80x128xf32, #tpu.memory_space<vmem>>
      %dma_wait3A_123 = tpu.memref_squeeze %dma_wait3A_122 : memref<1x80x128xf32, #tpu.memory_space<vmem>> -> memref<80x128xf32, #tpu.memory_space<vmem>>
      %dma_wait3A_124 = arith.constant 0 : i32
      %dma_wait3A_125 = arith.constant 0 : i32
      %dma_wait3A_126 = tpu.memref_slice %dma_wait3A_123[%dma_wait3A_124, %dma_wait3A_125] : memref<80x128xf32, #tpu.memory_space<vmem>> -> memref<80x128xf32, #tpu.memory_space<vmem>>
      %dma_wait3A_127 = arith.constant 0 : i32
      %dma_wait3A_128 = tpu.memref_slice %arg11[%add3A_54, %dma_wait3A_127] : memref<10000x128xf32, #tpu.memory_space<vmem_shared>> -> memref<80x128xf32, #tpu.memory_space<vmem_shared>>
      tpu.wait_dma2 semaphore(%run_scoped3A_94 : memref<!tpu.dma_semaphore, #tpu.memory_space<semaphore_mem>>) src(%dma_wait3A_128 : memref<80x128xf32, #tpu.memory_space<vmem_shared>>) dst(%dma_wait3A_126 : memref<80x128xf32, #tpu.memory_space<vmem>>)
      tpu.yield
    }) : () -> ()
    %add3A_56 = arith.constant 160 : i32
    %add3A_57 = arith.addi %multiple_of3A_3, %add3A_56 : i32
    %run_scoped3A_58 = arith.constant 0 : i32
    "tpu.region"() ({
      %run_scoped3A_94 = tpu.sem_alloc : memref<!tpu.dma_semaphore, #tpu.memory_space<semaphore_mem>>
      %dma_start3A = arith.constant 0 : i32
      %dma_start3A_95 = arith.constant 0 : i32
      %dma_start3A_96 = tpu.memref_slice %arg10[%run_scoped3A_58, %dma_start3A, %dma_start3A_95] : memref<2x80x128xf32, #tpu.memory_space<vmem>> -> memref<1x80x128xf32, #tpu.memory_space<vmem>>
      %dma_start3A_97 = tpu.memref_squeeze %dma_start3A_96 : memref<1x80x128xf32, #tpu.memory_space<vmem>> -> memref<80x128xf32, #tpu.memory_space<vmem>>
      %dma_start3A_98 = arith.constant 0 : i32
      %dma_start3A_99 = arith.constant 0 : i32
      %dma_start3A_100 = tpu.memref_slice %dma_start3A_97[%dma_start3A_98, %dma_start3A_99] : memref<80x128xf32, #tpu.memory_space<vmem>> -> memref<80x128xf32, #tpu.memory_space<vmem>>
      %dma_start3A_101 = arith.constant 0 : i32
      %dma_start3A_102 = tpu.memref_slice %arg7[%add3A_57, %dma_start3A_101] : memref<20000x128xf32, #tpu.memory_space<hbm>> -> memref<80x128xf32, #tpu.memory_space<hbm>>
      %dma_start3A_103 = arith.constant 0 : i32
      %dma_start3A_104 = tpu.memref_slice %arg7[%add3A_57, %dma_start3A_103] : memref<20000x128xf32, #tpu.memory_space<hbm>> -> memref<80x128xf32, #tpu.memory_space<hbm>>
      %dma_start3A_105 = arith.constant 0 : i32
      %dma_start3A_106 = arith.constant 0 : i32
      %dma_start3A_107 = tpu.memref_slice %arg10[%run_scoped3A_58, %dma_start3A_105, %dma_start3A_106] : memref<2x80x128xf32, #tpu.memory_space<vmem>> -> memref<1x80x128xf32, #tpu.memory_space<vmem>>
      %dma_start3A_108 = tpu.memref_squeeze %dma_start3A_107 : memref<1x80x128xf32, #tpu.memory_space<vmem>> -> memref<80x128xf32, #tpu.memory_space<vmem>>
      %dma_start3A_109 = arith.constant 0 : i32
      %dma_start3A_110 = arith.constant 0 : i32
      %dma_start3A_111 = tpu.memref_slice %dma_start3A_108[%dma_start3A_109, %dma_start3A_110] : memref<80x128xf32, #tpu.memory_space<vmem>> -> memref<80x128xf32, #tpu.memory_space<vmem>>
      tpu.enqueue_dma source(%dma_start3A_111 : memref<80x128xf32, #tpu.memory_space<vmem>>) target(%dma_start3A_104 : memref<80x128xf32, #tpu.memory_space<hbm>>) target_semaphore(%run_scoped3A_94 : memref<!tpu.dma_semaphore, #tpu.memory_space<semaphore_mem>>)
      %dma_wait3A = arith.constant 0 : i32
      %dma_wait3A_112 = arith.constant 0 : i32
      %dma_wait3A_113 = tpu.memref_slice %arg10[%run_scoped3A_58, %dma_wait3A, %dma_wait3A_112] : memref<2x80x128xf32, #tpu.memory_space<vmem>> -> memref<1x80x128xf32, #tpu.memory_space<vmem>>
      %dma_wait3A_114 = tpu.memref_squeeze %dma_wait3A_113 : memref<1x80x128xf32, #tpu.memory_space<vmem>> -> memref<80x128xf32, #tpu.memory_space<vmem>>
      %dma_wait3A_115 = arith.constant 0 : i32
      %dma_wait3A_116 = arith.constant 0 : i32
      %dma_wait3A_117 = tpu.memref_slice %dma_wait3A_114[%dma_wait3A_115, %dma_wait3A_116] : memref<80x128xf32, #tpu.memory_space<vmem>> -> memref<80x128xf32, #tpu.memory_space<vmem>>
      %dma_wait3A_118 = arith.constant 0 : i32
      %dma_wait3A_119 = tpu.memref_slice %arg7[%add3A_57, %dma_wait3A_118] : memref<20000x128xf32, #tpu.memory_space<hbm>> -> memref<80x128xf32, #tpu.memory_space<hbm>>
      %dma_wait3A_120 = arith.constant 0 : i32
      %dma_wait3A_121 = tpu.memref_slice %arg7[%add3A_57, %dma_wait3A_120] : memref<20000x128xf32, #tpu.memory_space<hbm>> -> memref<80x128xf32, #tpu.memory_space<hbm>>
      %dma_wait3A_122 = arith.constant 0 : i32
      %dma_wait3A_123 = arith.constant 0 : i32
      %dma_wait3A_124 = tpu.memref_slice %arg10[%run_scoped3A_58, %dma_wait3A_122, %dma_wait3A_123] : memref<2x80x128xf32, #tpu.memory_space<vmem>> -> memref<1x80x128xf32, #tpu.memory_space<vmem>>
      %dma_wait3A_125 = tpu.memref_squeeze %dma_wait3A_124 : memref<1x80x128xf32, #tpu.memory_space<vmem>> -> memref<80x128xf32, #tpu.memory_space<vmem>>
      %dma_wait3A_126 = arith.constant 0 : i32
      %dma_wait3A_127 = arith.constant 0 : i32
      %dma_wait3A_128 = tpu.memref_slice %dma_wait3A_125[%dma_wait3A_126, %dma_wait3A_127] : memref<80x128xf32, #tpu.memory_space<vmem>> -> memref<80x128xf32, #tpu.memory_space<vmem>>
      tpu.wait_dma2 semaphore(%run_scoped3A_94 : memref<!tpu.dma_semaphore, #tpu.memory_space<semaphore_mem>>) src(%dma_wait3A_128 : memref<80x128xf32, #tpu.memory_space<vmem>>) dst(%dma_wait3A_121 : memref<80x128xf32, #tpu.memory_space<hbm>>)
      tpu.yield
    }) : () -> ()
    %add3A_59 = arith.constant 240 : i32
    %add3A_60 = arith.addi %multiple_of3A, %add3A_59 : i32
    %run_scoped3A_61 = arith.constant 0 : i32
    "tpu.region"() ({
      %run_scoped3A_94 = tpu.sem_alloc : memref<!tpu.dma_semaphore, #tpu.memory_space<semaphore_mem>>
      %dma_start3A = arith.constant 0 : i32
      %dma_start3A_95 = arith.constant 0 : i32
      %dma_start3A_96 = tpu.memref_slice %arg10[%run_scoped3A_61, %dma_start3A, %dma_start3A_95] : memref<2x80x128xf32, #tpu.memory_space<vmem>> -> memref<1x80x128xf32, #tpu.memory_space<vmem>>
      %dma_start3A_97 = tpu.memref_squeeze %dma_start3A_96 : memref<1x80x128xf32, #tpu.memory_space<vmem>> -> memref<80x128xf32, #tpu.memory_space<vmem>>
      %dma_start3A_98 = arith.constant 0 : i32
      %dma_start3A_99 = arith.constant 0 : i32
      %dma_start3A_100 = tpu.memref_slice %dma_start3A_97[%dma_start3A_98, %dma_start3A_99] : memref<80x128xf32, #tpu.memory_space<vmem>> -> memref<80x128xf32, #tpu.memory_space<vmem>>
      %dma_start3A_101 = arith.constant 0 : i32
      %dma_start3A_102 = tpu.memref_slice %arg11[%add3A_60, %dma_start3A_101] : memref<10000x128xf32, #tpu.memory_space<vmem_shared>> -> memref<80x128xf32, #tpu.memory_space<vmem_shared>>
      %dma_start3A_103 = arith.constant 0 : i32
      %dma_start3A_104 = arith.constant 0 : i32
      %dma_start3A_105 = tpu.memref_slice %arg10[%run_scoped3A_61, %dma_start3A_103, %dma_start3A_104] : memref<2x80x128xf32, #tpu.memory_space<vmem>> -> memref<1x80x128xf32, #tpu.memory_space<vmem>>
      %dma_start3A_106 = tpu.memref_squeeze %dma_start3A_105 : memref<1x80x128xf32, #tpu.memory_space<vmem>> -> memref<80x128xf32, #tpu.memory_space<vmem>>
      %dma_start3A_107 = arith.constant 0 : i32
      %dma_start3A_108 = arith.constant 0 : i32
      %dma_start3A_109 = tpu.memref_slice %dma_start3A_106[%dma_start3A_107, %dma_start3A_108] : memref<80x128xf32, #tpu.memory_space<vmem>> -> memref<80x128xf32, #tpu.memory_space<vmem>>
      %dma_start3A_110 = arith.constant 0 : i32
      %dma_start3A_111 = tpu.memref_slice %arg11[%add3A_60, %dma_start3A_110] : memref<10000x128xf32, #tpu.memory_space<vmem_shared>> -> memref<80x128xf32, #tpu.memory_space<vmem_shared>>
      tpu.enqueue_dma source(%dma_start3A_111 : memref<80x128xf32, #tpu.memory_space<vmem_shared>>) target(%dma_start3A_109 : memref<80x128xf32, #tpu.memory_space<vmem>>) target_semaphore(%run_scoped3A_94 : memref<!tpu.dma_semaphore, #tpu.memory_space<semaphore_mem>>)
      %dma_wait3A = arith.constant 0 : i32
      %dma_wait3A_112 = arith.constant 0 : i32
      %dma_wait3A_113 = tpu.memref_slice %arg10[%run_scoped3A_61, %dma_wait3A, %dma_wait3A_112] : memref<2x80x128xf32, #tpu.memory_space<vmem>> -> memref<1x80x128xf32, #tpu.memory_space<vmem>>
      %dma_wait3A_114 = tpu.memref_squeeze %dma_wait3A_113 : memref<1x80x128xf32, #tpu.memory_space<vmem>> -> memref<80x128xf32, #tpu.memory_space<vmem>>
      %dma_wait3A_115 = arith.constant 0 : i32
      %dma_wait3A_116 = arith.constant 0 : i32
      %dma_wait3A_117 = tpu.memref_slice %dma_wait3A_114[%dma_wait3A_115, %dma_wait3A_116] : memref<80x128xf32, #tpu.memory_space<vmem>> -> memref<80x128xf32, #tpu.memory_space<vmem>>
      %dma_wait3A_118 = arith.constant 0 : i32
      %dma_wait3A_119 = tpu.memref_slice %arg11[%add3A_60, %dma_wait3A_118] : memref<10000x128xf32, #tpu.memory_space<vmem_shared>> -> memref<80x128xf32, #tpu.memory_space<vmem_shared>>
      %dma_wait3A_120 = arith.constant 0 : i32
      %dma_wait3A_121 = arith.constant 0 : i32
      %dma_wait3A_122 = tpu.memref_slice %arg10[%run_scoped3A_61, %dma_wait3A_120, %dma_wait3A_121] : memref<2x80x128xf32, #tpu.memory_space<vmem>> -> memref<1x80x128xf32, #tpu.memory_space<vmem>>
      %dma_wait3A_123 = tpu.memref_squeeze %dma_wait3A_122 : memref<1x80x128xf32, #tpu.memory_space<vmem>> -> memref<80x128xf32, #tpu.memory_space<vmem>>
      %dma_wait3A_124 = arith.constant 0 : i32
      %dma_wait3A_125 = arith.constant 0 : i32
      %dma_wait3A_126 = tpu.memref_slice %dma_wait3A_123[%dma_wait3A_124, %dma_wait3A_125] : memref<80x128xf32, #tpu.memory_space<vmem>> -> memref<80x128xf32, #tpu.memory_space<vmem>>
      %dma_wait3A_127 = arith.constant 0 : i32
      %dma_wait3A_128 = tpu.memref_slice %arg11[%add3A_60, %dma_wait3A_127] : memref<10000x128xf32, #tpu.memory_space<vmem_shared>> -> memref<80x128xf32, #tpu.memory_space<vmem_shared>>
      tpu.wait_dma2 semaphore(%run_scoped3A_94 : memref<!tpu.dma_semaphore, #tpu.memory_space<semaphore_mem>>) src(%dma_wait3A_128 : memref<80x128xf32, #tpu.memory_space<vmem_shared>>) dst(%dma_wait3A_126 : memref<80x128xf32, #tpu.memory_space<vmem>>)
      tpu.yield
    }) : () -> ()
    %add3A_62 = arith.constant 240 : i32
    %add3A_63 = arith.addi %multiple_of3A_3, %add3A_62 : i32
    %run_scoped3A_64 = arith.constant 0 : i32
    "tpu.region"() ({
      %run_scoped3A_94 = tpu.sem_alloc : memref<!tpu.dma_semaphore, #tpu.memory_space<semaphore_mem>>
      %dma_start3A = arith.constant 0 : i32
      %dma_start3A_95 = arith.constant 0 : i32
      %dma_start3A_96 = tpu.memref_slice %arg10[%run_scoped3A_64, %dma_start3A, %dma_start3A_95] : memref<2x80x128xf32, #tpu.memory_space<vmem>> -> memref<1x80x128xf32, #tpu.memory_space<vmem>>
      %dma_start3A_97 = tpu.memref_squeeze %dma_start3A_96 : memref<1x80x128xf32, #tpu.memory_space<vmem>> -> memref<80x128xf32, #tpu.memory_space<vmem>>
      %dma_start3A_98 = arith.constant 0 : i32
      %dma_start3A_99 = arith.constant 0 : i32
      %dma_start3A_100 = tpu.memref_slice %dma_start3A_97[%dma_start3A_98, %dma_start3A_99] : memref<80x128xf32, #tpu.memory_space<vmem>> -> memref<80x128xf32, #tpu.memory_space<vmem>>
      %dma_start3A_101 = arith.constant 0 : i32
      %dma_start3A_102 = tpu.memref_slice %arg7[%add3A_63, %dma_start3A_101] : memref<20000x128xf32, #tpu.memory_space<hbm>> -> memref<80x128xf32, #tpu.memory_space<hbm>>
      %dma_start3A_103 = arith.constant 0 : i32
      %dma_start3A_104 = tpu.memref_slice %arg7[%add3A_63, %dma_start3A_103] : memref<20000x128xf32, #tpu.memory_space<hbm>> -> memref<80x128xf32, #tpu.memory_space<hbm>>
      %dma_start3A_105 = arith.constant 0 : i32
      %dma_start3A_106 = arith.constant 0 : i32
      %dma_start3A_107 = tpu.memref_slice %arg10[%run_scoped3A_64, %dma_start3A_105, %dma_start3A_106] : memref<2x80x128xf32, #tpu.memory_space<vmem>> -> memref<1x80x128xf32, #tpu.memory_space<vmem>>
      %dma_start3A_108 = tpu.memref_squeeze %dma_start3A_107 : memref<1x80x128xf32, #tpu.memory_space<vmem>> -> memref<80x128xf32, #tpu.memory_space<vmem>>
      %dma_start3A_109 = arith.constant 0 : i32
      %dma_start3A_110 = arith.constant 0 : i32
      %dma_start3A_111 = tpu.memref_slice %dma_start3A_108[%dma_start3A_109, %dma_start3A_110] : memref<80x128xf32, #tpu.memory_space<vmem>> -> memref<80x128xf32, #tpu.memory_space<vmem>>
      tpu.enqueue_dma source(%dma_start3A_111 : memref<80x128xf32, #tpu.memory_space<vmem>>) target(%dma_start3A_104 : memref<80x128xf32, #tpu.memory_space<hbm>>) target_semaphore(%run_scoped3A_94 : memref<!tpu.dma_semaphore, #tpu.memory_space<semaphore_mem>>)
      %dma_wait3A = arith.constant 0 : i32
      %dma_wait3A_112 = arith.constant 0 : i32
      %dma_wait3A_113 = tpu.memref_slice %arg10[%run_scoped3A_64, %dma_wait3A, %dma_wait3A_112] : memref<2x80x128xf32, #tpu.memory_space<vmem>> -> memref<1x80x128xf32, #tpu.memory_space<vmem>>
      %dma_wait3A_114 = tpu.memref_squeeze %dma_wait3A_113 : memref<1x80x128xf32, #tpu.memory_space<vmem>> -> memref<80x128xf32, #tpu.memory_space<vmem>>
      %dma_wait3A_115 = arith.constant 0 : i32
      %dma_wait3A_116 = arith.constant 0 : i32
      %dma_wait3A_117 = tpu.memref_slice %dma_wait3A_114[%dma_wait3A_115, %dma_wait3A_116] : memref<80x128xf32, #tpu.memory_space<vmem>> -> memref<80x128xf32, #tpu.memory_space<vmem>>
      %dma_wait3A_118 = arith.constant 0 : i32
      %dma_wait3A_119 = tpu.memref_slice %arg7[%add3A_63, %dma_wait3A_118] : memref<20000x128xf32, #tpu.memory_space<hbm>> -> memref<80x128xf32, #tpu.memory_space<hbm>>
      %dma_wait3A_120 = arith.constant 0 : i32
      %dma_wait3A_121 = tpu.memref_slice %arg7[%add3A_63, %dma_wait3A_120] : memref<20000x128xf32, #tpu.memory_space<hbm>> -> memref<80x128xf32, #tpu.memory_space<hbm>>
      %dma_wait3A_122 = arith.constant 0 : i32
      %dma_wait3A_123 = arith.constant 0 : i32
      %dma_wait3A_124 = tpu.memref_slice %arg10[%run_scoped3A_64, %dma_wait3A_122, %dma_wait3A_123] : memref<2x80x128xf32, #tpu.memory_space<vmem>> -> memref<1x80x128xf32, #tpu.memory_space<vmem>>
      %dma_wait3A_125 = tpu.memref_squeeze %dma_wait3A_124 : memref<1x80x128xf32, #tpu.memory_space<vmem>> -> memref<80x128xf32, #tpu.memory_space<vmem>>
      %dma_wait3A_126 = arith.constant 0 : i32
      %dma_wait3A_127 = arith.constant 0 : i32
      %dma_wait3A_128 = tpu.memref_slice %dma_wait3A_125[%dma_wait3A_126, %dma_wait3A_127] : memref<80x128xf32, #tpu.memory_space<vmem>> -> memref<80x128xf32, #tpu.memory_space<vmem>>
      tpu.wait_dma2 semaphore(%run_scoped3A_94 : memref<!tpu.dma_semaphore, #tpu.memory_space<semaphore_mem>>) src(%dma_wait3A_128 : memref<80x128xf32, #tpu.memory_space<vmem>>) dst(%dma_wait3A_121 : memref<80x128xf32, #tpu.memory_space<hbm>>)
      tpu.yield
    }) : () -> ()
    %add3A_65 = arith.constant 320 : i32
    %add3A_66 = arith.addi %multiple_of3A, %add3A_65 : i32
    %run_scoped3A_67 = arith.constant 0 : i32
    "tpu.region"() ({
      %run_scoped3A_94 = tpu.sem_alloc : memref<!tpu.dma_semaphore, #tpu.memory_space<semaphore_mem>>
      %dma_start3A = arith.constant 0 : i32
      %dma_start3A_95 = arith.constant 0 : i32
      %dma_start3A_96 = tpu.memref_slice %arg10[%run_scoped3A_67, %dma_start3A, %dma_start3A_95] : memref<2x80x128xf32, #tpu.memory_space<vmem>> -> memref<1x80x128xf32, #tpu.memory_space<vmem>>
      %dma_start3A_97 = tpu.memref_squeeze %dma_start3A_96 : memref<1x80x128xf32, #tpu.memory_space<vmem>> -> memref<80x128xf32, #tpu.memory_space<vmem>>
      %dma_start3A_98 = arith.constant 0 : i32
      %dma_start3A_99 = arith.constant 0 : i32
      %dma_start3A_100 = tpu.memref_slice %dma_start3A_97[%dma_start3A_98, %dma_start3A_99] : memref<80x128xf32, #tpu.memory_space<vmem>> -> memref<80x128xf32, #tpu.memory_space<vmem>>
      %dma_start3A_101 = arith.constant 0 : i32
      %dma_start3A_102 = tpu.memref_slice %arg11[%add3A_66, %dma_start3A_101] : memref<10000x128xf32, #tpu.memory_space<vmem_shared>> -> memref<80x128xf32, #tpu.memory_space<vmem_shared>>
      %dma_start3A_103 = arith.constant 0 : i32
      %dma_start3A_104 = arith.constant 0 : i32
      %dma_start3A_105 = tpu.memref_slice %arg10[%run_scoped3A_67, %dma_start3A_103, %dma_start3A_104] : memref<2x80x128xf32, #tpu.memory_space<vmem>> -> memref<1x80x128xf32, #tpu.memory_space<vmem>>
      %dma_start3A_106 = tpu.memref_squeeze %dma_start3A_105 : memref<1x80x128xf32, #tpu.memory_space<vmem>> -> memref<80x128xf32, #tpu.memory_space<vmem>>
      %dma_start3A_107 = arith.constant 0 : i32
      %dma_start3A_108 = arith.constant 0 : i32
      %dma_start3A_109 = tpu.memref_slice %dma_start3A_106[%dma_start3A_107, %dma_start3A_108] : memref<80x128xf32, #tpu.memory_space<vmem>> -> memref<80x128xf32, #tpu.memory_space<vmem>>
      %dma_start3A_110 = arith.constant 0 : i32
      %dma_start3A_111 = tpu.memref_slice %arg11[%add3A_66, %dma_start3A_110] : memref<10000x128xf32, #tpu.memory_space<vmem_shared>> -> memref<80x128xf32, #tpu.memory_space<vmem_shared>>
      tpu.enqueue_dma source(%dma_start3A_111 : memref<80x128xf32, #tpu.memory_space<vmem_shared>>) target(%dma_start3A_109 : memref<80x128xf32, #tpu.memory_space<vmem>>) target_semaphore(%run_scoped3A_94 : memref<!tpu.dma_semaphore, #tpu.memory_space<semaphore_mem>>)
      %dma_wait3A = arith.constant 0 : i32
      %dma_wait3A_112 = arith.constant 0 : i32
      %dma_wait3A_113 = tpu.memref_slice %arg10[%run_scoped3A_67, %dma_wait3A, %dma_wait3A_112] : memref<2x80x128xf32, #tpu.memory_space<vmem>> -> memref<1x80x128xf32, #tpu.memory_space<vmem>>
      %dma_wait3A_114 = tpu.memref_squeeze %dma_wait3A_113 : memref<1x80x128xf32, #tpu.memory_space<vmem>> -> memref<80x128xf32, #tpu.memory_space<vmem>>
      %dma_wait3A_115 = arith.constant 0 : i32
      %dma_wait3A_116 = arith.constant 0 : i32
      %dma_wait3A_117 = tpu.memref_slice %dma_wait3A_114[%dma_wait3A_115, %dma_wait3A_116] : memref<80x128xf32, #tpu.memory_space<vmem>> -> memref<80x128xf32, #tpu.memory_space<vmem>>
      %dma_wait3A_118 = arith.constant 0 : i32
      %dma_wait3A_119 = tpu.memref_slice %arg11[%add3A_66, %dma_wait3A_118] : memref<10000x128xf32, #tpu.memory_space<vmem_shared>> -> memref<80x128xf32, #tpu.memory_space<vmem_shared>>
      %dma_wait3A_120 = arith.constant 0 : i32
      %dma_wait3A_121 = arith.constant 0 : i32
      %dma_wait3A_122 = tpu.memref_slice %arg10[%run_scoped3A_67, %dma_wait3A_120, %dma_wait3A_121] : memref<2x80x128xf32, #tpu.memory_space<vmem>> -> memref<1x80x128xf32, #tpu.memory_space<vmem>>
      %dma_wait3A_123 = tpu.memref_squeeze %dma_wait3A_122 : memref<1x80x128xf32, #tpu.memory_space<vmem>> -> memref<80x128xf32, #tpu.memory_space<vmem>>
      %dma_wait3A_124 = arith.constant 0 : i32
      %dma_wait3A_125 = arith.constant 0 : i32
      %dma_wait3A_126 = tpu.memref_slice %dma_wait3A_123[%dma_wait3A_124, %dma_wait3A_125] : memref<80x128xf32, #tpu.memory_space<vmem>> -> memref<80x128xf32, #tpu.memory_space<vmem>>
      %dma_wait3A_127 = arith.constant 0 : i32
      %dma_wait3A_128 = tpu.memref_slice %arg11[%add3A_66, %dma_wait3A_127] : memref<10000x128xf32, #tpu.memory_space<vmem_shared>> -> memref<80x128xf32, #tpu.memory_space<vmem_shared>>
      tpu.wait_dma2 semaphore(%run_scoped3A_94 : memref<!tpu.dma_semaphore, #tpu.memory_space<semaphore_mem>>) src(%dma_wait3A_128 : memref<80x128xf32, #tpu.memory_space<vmem_shared>>) dst(%dma_wait3A_126 : memref<80x128xf32, #tpu.memory_space<vmem>>)
      tpu.yield
    }) : () -> ()
    %add3A_68 = arith.constant 320 : i32
    %add3A_69 = arith.addi %multiple_of3A_3, %add3A_68 : i32
    %run_scoped3A_70 = arith.constant 0 : i32
    "tpu.region"() ({
      %run_scoped3A_94 = tpu.sem_alloc : memref<!tpu.dma_semaphore, #tpu.memory_space<semaphore_mem>>
      %dma_start3A = arith.constant 0 : i32
      %dma_start3A_95 = arith.constant 0 : i32
      %dma_start3A_96 = tpu.memref_slice %arg10[%run_scoped3A_70, %dma_start3A, %dma_start3A_95] : memref<2x80x128xf32, #tpu.memory_space<vmem>> -> memref<1x80x128xf32, #tpu.memory_space<vmem>>
      %dma_start3A_97 = tpu.memref_squeeze %dma_start3A_96 : memref<1x80x128xf32, #tpu.memory_space<vmem>> -> memref<80x128xf32, #tpu.memory_space<vmem>>
      %dma_start3A_98 = arith.constant 0 : i32
      %dma_start3A_99 = arith.constant 0 : i32
      %dma_start3A_100 = tpu.memref_slice %dma_start3A_97[%dma_start3A_98, %dma_start3A_99] : memref<80x128xf32, #tpu.memory_space<vmem>> -> memref<80x128xf32, #tpu.memory_space<vmem>>
      %dma_start3A_101 = arith.constant 0 : i32
      %dma_start3A_102 = tpu.memref_slice %arg7[%add3A_69, %dma_start3A_101] : memref<20000x128xf32, #tpu.memory_space<hbm>> -> memref<80x128xf32, #tpu.memory_space<hbm>>
      %dma_start3A_103 = arith.constant 0 : i32
      %dma_start3A_104 = tpu.memref_slice %arg7[%add3A_69, %dma_start3A_103] : memref<20000x128xf32, #tpu.memory_space<hbm>> -> memref<80x128xf32, #tpu.memory_space<hbm>>
      %dma_start3A_105 = arith.constant 0 : i32
      %dma_start3A_106 = arith.constant 0 : i32
      %dma_start3A_107 = tpu.memref_slice %arg10[%run_scoped3A_70, %dma_start3A_105, %dma_start3A_106] : memref<2x80x128xf32, #tpu.memory_space<vmem>> -> memref<1x80x128xf32, #tpu.memory_space<vmem>>
      %dma_start3A_108 = tpu.memref_squeeze %dma_start3A_107 : memref<1x80x128xf32, #tpu.memory_space<vmem>> -> memref<80x128xf32, #tpu.memory_space<vmem>>
      %dma_start3A_109 = arith.constant 0 : i32
      %dma_start3A_110 = arith.constant 0 : i32
      %dma_start3A_111 = tpu.memref_slice %dma_start3A_108[%dma_start3A_109, %dma_start3A_110] : memref<80x128xf32, #tpu.memory_space<vmem>> -> memref<80x128xf32, #tpu.memory_space<vmem>>
      tpu.enqueue_dma source(%dma_start3A_111 : memref<80x128xf32, #tpu.memory_space<vmem>>) target(%dma_start3A_104 : memref<80x128xf32, #tpu.memory_space<hbm>>) target_semaphore(%run_scoped3A_94 : memref<!tpu.dma_semaphore, #tpu.memory_space<semaphore_mem>>)
      %dma_wait3A = arith.constant 0 : i32
      %dma_wait3A_112 = arith.constant 0 : i32
      %dma_wait3A_113 = tpu.memref_slice %arg10[%run_scoped3A_70, %dma_wait3A, %dma_wait3A_112] : memref<2x80x128xf32, #tpu.memory_space<vmem>> -> memref<1x80x128xf32, #tpu.memory_space<vmem>>
      %dma_wait3A_114 = tpu.memref_squeeze %dma_wait3A_113 : memref<1x80x128xf32, #tpu.memory_space<vmem>> -> memref<80x128xf32, #tpu.memory_space<vmem>>
      %dma_wait3A_115 = arith.constant 0 : i32
      %dma_wait3A_116 = arith.constant 0 : i32
      %dma_wait3A_117 = tpu.memref_slice %dma_wait3A_114[%dma_wait3A_115, %dma_wait3A_116] : memref<80x128xf32, #tpu.memory_space<vmem>> -> memref<80x128xf32, #tpu.memory_space<vmem>>
      %dma_wait3A_118 = arith.constant 0 : i32
      %dma_wait3A_119 = tpu.memref_slice %arg7[%add3A_69, %dma_wait3A_118] : memref<20000x128xf32, #tpu.memory_space<hbm>> -> memref<80x128xf32, #tpu.memory_space<hbm>>
      %dma_wait3A_120 = arith.constant 0 : i32
      %dma_wait3A_121 = tpu.memref_slice %arg7[%add3A_69, %dma_wait3A_120] : memref<20000x128xf32, #tpu.memory_space<hbm>> -> memref<80x128xf32, #tpu.memory_space<hbm>>
      %dma_wait3A_122 = arith.constant 0 : i32
      %dma_wait3A_123 = arith.constant 0 : i32
      %dma_wait3A_124 = tpu.memref_slice %arg10[%run_scoped3A_70, %dma_wait3A_122, %dma_wait3A_123] : memref<2x80x128xf32, #tpu.memory_space<vmem>> -> memref<1x80x128xf32, #tpu.memory_space<vmem>>
      %dma_wait3A_125 = tpu.memref_squeeze %dma_wait3A_124 : memref<1x80x128xf32, #tpu.memory_space<vmem>> -> memref<80x128xf32, #tpu.memory_space<vmem>>
      %dma_wait3A_126 = arith.constant 0 : i32
      %dma_wait3A_127 = arith.constant 0 : i32
      %dma_wait3A_128 = tpu.memref_slice %dma_wait3A_125[%dma_wait3A_126, %dma_wait3A_127] : memref<80x128xf32, #tpu.memory_space<vmem>> -> memref<80x128xf32, #tpu.memory_space<vmem>>
      tpu.wait_dma2 semaphore(%run_scoped3A_94 : memref<!tpu.dma_semaphore, #tpu.memory_space<semaphore_mem>>) src(%dma_wait3A_128 : memref<80x128xf32, #tpu.memory_space<vmem>>) dst(%dma_wait3A_121 : memref<80x128xf32, #tpu.memory_space<hbm>>)
      tpu.yield
    }) : () -> ()
    %add3A_71 = arith.constant 400 : i32
    %add3A_72 = arith.addi %multiple_of3A, %add3A_71 : i32
    %run_scoped3A_73 = arith.constant 0 : i32
    "tpu.region"() ({
      %run_scoped3A_94 = tpu.sem_alloc : memref<!tpu.dma_semaphore, #tpu.memory_space<semaphore_mem>>
      %dma_start3A = arith.constant 0 : i32
      %dma_start3A_95 = arith.constant 0 : i32
      %dma_start3A_96 = tpu.memref_slice %arg10[%run_scoped3A_73, %dma_start3A, %dma_start3A_95] : memref<2x80x128xf32, #tpu.memory_space<vmem>> -> memref<1x80x128xf32, #tpu.memory_space<vmem>>
      %dma_start3A_97 = tpu.memref_squeeze %dma_start3A_96 : memref<1x80x128xf32, #tpu.memory_space<vmem>> -> memref<80x128xf32, #tpu.memory_space<vmem>>
      %dma_start3A_98 = arith.constant 0 : i32
      %dma_start3A_99 = arith.constant 0 : i32
      %dma_start3A_100 = tpu.memref_slice %dma_start3A_97[%dma_start3A_98, %dma_start3A_99] : memref<80x128xf32, #tpu.memory_space<vmem>> -> memref<80x128xf32, #tpu.memory_space<vmem>>
      %dma_start3A_101 = arith.constant 0 : i32
      %dma_start3A_102 = tpu.memref_slice %arg11[%add3A_72, %dma_start3A_101] : memref<10000x128xf32, #tpu.memory_space<vmem_shared>> -> memref<80x128xf32, #tpu.memory_space<vmem_shared>>
      %dma_start3A_103 = arith.constant 0 : i32
      %dma_start3A_104 = arith.constant 0 : i32
      %dma_start3A_105 = tpu.memref_slice %arg10[%run_scoped3A_73, %dma_start3A_103, %dma_start3A_104] : memref<2x80x128xf32, #tpu.memory_space<vmem>> -> memref<1x80x128xf32, #tpu.memory_space<vmem>>
      %dma_start3A_106 = tpu.memref_squeeze %dma_start3A_105 : memref<1x80x128xf32, #tpu.memory_space<vmem>> -> memref<80x128xf32, #tpu.memory_space<vmem>>
      %dma_start3A_107 = arith.constant 0 : i32
      %dma_start3A_108 = arith.constant 0 : i32
      %dma_start3A_109 = tpu.memref_slice %dma_start3A_106[%dma_start3A_107, %dma_start3A_108] : memref<80x128xf32, #tpu.memory_space<vmem>> -> memref<80x128xf32, #tpu.memory_space<vmem>>
      %dma_start3A_110 = arith.constant 0 : i32
      %dma_start3A_111 = tpu.memref_slice %arg11[%add3A_72, %dma_start3A_110] : memref<10000x128xf32, #tpu.memory_space<vmem_shared>> -> memref<80x128xf32, #tpu.memory_space<vmem_shared>>
      tpu.enqueue_dma source(%dma_start3A_111 : memref<80x128xf32, #tpu.memory_space<vmem_shared>>) target(%dma_start3A_109 : memref<80x128xf32, #tpu.memory_space<vmem>>) target_semaphore(%run_scoped3A_94 : memref<!tpu.dma_semaphore, #tpu.memory_space<semaphore_mem>>)
      %dma_wait3A = arith.constant 0 : i32
      %dma_wait3A_112 = arith.constant 0 : i32
      %dma_wait3A_113 = tpu.memref_slice %arg10[%run_scoped3A_73, %dma_wait3A, %dma_wait3A_112] : memref<2x80x128xf32, #tpu.memory_space<vmem>> -> memref<1x80x128xf32, #tpu.memory_space<vmem>>
      %dma_wait3A_114 = tpu.memref_squeeze %dma_wait3A_113 : memref<1x80x128xf32, #tpu.memory_space<vmem>> -> memref<80x128xf32, #tpu.memory_space<vmem>>
      %dma_wait3A_115 = arith.constant 0 : i32
      %dma_wait3A_116 = arith.constant 0 : i32
      %dma_wait3A_117 = tpu.memref_slice %dma_wait3A_114[%dma_wait3A_115, %dma_wait3A_116] : memref<80x128xf32, #tpu.memory_space<vmem>> -> memref<80x128xf32, #tpu.memory_space<vmem>>
      %dma_wait3A_118 = arith.constant 0 : i32
      %dma_wait3A_119 = tpu.memref_slice %arg11[%add3A_72, %dma_wait3A_118] : memref<10000x128xf32, #tpu.memory_space<vmem_shared>> -> memref<80x128xf32, #tpu.memory_space<vmem_shared>>
      %dma_wait3A_120 = arith.constant 0 : i32
      %dma_wait3A_121 = arith.constant 0 : i32
      %dma_wait3A_122 = tpu.memref_slice %arg10[%run_scoped3A_73, %dma_wait3A_120, %dma_wait3A_121] : memref<2x80x128xf32, #tpu.memory_space<vmem>> -> memref<1x80x128xf32, #tpu.memory_space<vmem>>
      %dma_wait3A_123 = tpu.memref_squeeze %dma_wait3A_122 : memref<1x80x128xf32, #tpu.memory_space<vmem>> -> memref<80x128xf32, #tpu.memory_space<vmem>>
      %dma_wait3A_124 = arith.constant 0 : i32
      %dma_wait3A_125 = arith.constant 0 : i32
      %dma_wait3A_126 = tpu.memref_slice %dma_wait3A_123[%dma_wait3A_124, %dma_wait3A_125] : memref<80x128xf32, #tpu.memory_space<vmem>> -> memref<80x128xf32, #tpu.memory_space<vmem>>
      %dma_wait3A_127 = arith.constant 0 : i32
      %dma_wait3A_128 = tpu.memref_slice %arg11[%add3A_72, %dma_wait3A_127] : memref<10000x128xf32, #tpu.memory_space<vmem_shared>> -> memref<80x128xf32, #tpu.memory_space<vmem_shared>>
      tpu.wait_dma2 semaphore(%run_scoped3A_94 : memref<!tpu.dma_semaphore, #tpu.memory_space<semaphore_mem>>) src(%dma_wait3A_128 : memref<80x128xf32, #tpu.memory_space<vmem_shared>>) dst(%dma_wait3A_126 : memref<80x128xf32, #tpu.memory_space<vmem>>)
      tpu.yield
    }) : () -> ()
    %add3A_74 = arith.constant 400 : i32
    %add3A_75 = arith.addi %multiple_of3A_3, %add3A_74 : i32
    %run_scoped3A_76 = arith.constant 0 : i32
    "tpu.region"() ({
      %run_scoped3A_94 = tpu.sem_alloc : memref<!tpu.dma_semaphore, #tpu.memory_space<semaphore_mem>>
      %dma_start3A = arith.constant 0 : i32
      %dma_start3A_95 = arith.constant 0 : i32
      %dma_start3A_96 = tpu.memref_slice %arg10[%run_scoped3A_76, %dma_start3A, %dma_start3A_95] : memref<2x80x128xf32, #tpu.memory_space<vmem>> -> memref<1x80x128xf32, #tpu.memory_space<vmem>>
      %dma_start3A_97 = tpu.memref_squeeze %dma_start3A_96 : memref<1x80x128xf32, #tpu.memory_space<vmem>> -> memref<80x128xf32, #tpu.memory_space<vmem>>
      %dma_start3A_98 = arith.constant 0 : i32
      %dma_start3A_99 = arith.constant 0 : i32
      %dma_start3A_100 = tpu.memref_slice %dma_start3A_97[%dma_start3A_98, %dma_start3A_99] : memref<80x128xf32, #tpu.memory_space<vmem>> -> memref<80x128xf32, #tpu.memory_space<vmem>>
      %dma_start3A_101 = arith.constant 0 : i32
      %dma_start3A_102 = tpu.memref_slice %arg7[%add3A_75, %dma_start3A_101] : memref<20000x128xf32, #tpu.memory_space<hbm>> -> memref<80x128xf32, #tpu.memory_space<hbm>>
      %dma_start3A_103 = arith.constant 0 : i32
      %dma_start3A_104 = tpu.memref_slice %arg7[%add3A_75, %dma_start3A_103] : memref<20000x128xf32, #tpu.memory_space<hbm>> -> memref<80x128xf32, #tpu.memory_space<hbm>>
      %dma_start3A_105 = arith.constant 0 : i32
      %dma_start3A_106 = arith.constant 0 : i32
      %dma_start3A_107 = tpu.memref_slice %arg10[%run_scoped3A_76, %dma_start3A_105, %dma_start3A_106] : memref<2x80x128xf32, #tpu.memory_space<vmem>> -> memref<1x80x128xf32, #tpu.memory_space<vmem>>
      %dma_start3A_108 = tpu.memref_squeeze %dma_start3A_107 : memref<1x80x128xf32, #tpu.memory_space<vmem>> -> memref<80x128xf32, #tpu.memory_space<vmem>>
      %dma_start3A_109 = arith.constant 0 : i32
      %dma_start3A_110 = arith.constant 0 : i32
      %dma_start3A_111 = tpu.memref_slice %dma_start3A_108[%dma_start3A_109, %dma_start3A_110] : memref<80x128xf32, #tpu.memory_space<vmem>> -> memref<80x128xf32, #tpu.memory_space<vmem>>
      tpu.enqueue_dma source(%dma_start3A_111 : memref<80x128xf32, #tpu.memory_space<vmem>>) target(%dma_start3A_104 : memref<80x128xf32, #tpu.memory_space<hbm>>) target_semaphore(%run_scoped3A_94 : memref<!tpu.dma_semaphore, #tpu.memory_space<semaphore_mem>>)
      %dma_wait3A = arith.constant 0 : i32
      %dma_wait3A_112 = arith.constant 0 : i32
      %dma_wait3A_113 = tpu.memref_slice %arg10[%run_scoped3A_76, %dma_wait3A, %dma_wait3A_112] : memref<2x80x128xf32, #tpu.memory_space<vmem>> -> memref<1x80x128xf32, #tpu.memory_space<vmem>>
      %dma_wait3A_114 = tpu.memref_squeeze %dma_wait3A_113 : memref<1x80x128xf32, #tpu.memory_space<vmem>> -> memref<80x128xf32, #tpu.memory_space<vmem>>
      %dma_wait3A_115 = arith.constant 0 : i32
      %dma_wait3A_116 = arith.constant 0 : i32
      %dma_wait3A_117 = tpu.memref_slice %dma_wait3A_114[%dma_wait3A_115, %dma_wait3A_116] : memref<80x128xf32, #tpu.memory_space<vmem>> -> memref<80x128xf32, #tpu.memory_space<vmem>>
      %dma_wait3A_118 = arith.constant 0 : i32
      %dma_wait3A_119 = tpu.memref_slice %arg7[%add3A_75, %dma_wait3A_118] : memref<20000x128xf32, #tpu.memory_space<hbm>> -> memref<80x128xf32, #tpu.memory_space<hbm>>
      %dma_wait3A_120 = arith.constant 0 : i32
      %dma_wait3A_121 = tpu.memref_slice %arg7[%add3A_75, %dma_wait3A_120] : memref<20000x128xf32, #tpu.memory_space<hbm>> -> memref<80x128xf32, #tpu.memory_space<hbm>>
      %dma_wait3A_122 = arith.constant 0 : i32
      %dma_wait3A_123 = arith.constant 0 : i32
      %dma_wait3A_124 = tpu.memref_slice %arg10[%run_scoped3A_76, %dma_wait3A_122, %dma_wait3A_123] : memref<2x80x128xf32, #tpu.memory_space<vmem>> -> memref<1x80x128xf32, #tpu.memory_space<vmem>>
      %dma_wait3A_125 = tpu.memref_squeeze %dma_wait3A_124 : memref<1x80x128xf32, #tpu.memory_space<vmem>> -> memref<80x128xf32, #tpu.memory_space<vmem>>
      %dma_wait3A_126 = arith.constant 0 : i32
      %dma_wait3A_127 = arith.constant 0 : i32
      %dma_wait3A_128 = tpu.memref_slice %dma_wait3A_125[%dma_wait3A_126, %dma_wait3A_127] : memref<80x128xf32, #tpu.memory_space<vmem>> -> memref<80x128xf32, #tpu.memory_space<vmem>>
      tpu.wait_dma2 semaphore(%run_scoped3A_94 : memref<!tpu.dma_semaphore, #tpu.memory_space<semaphore_mem>>) src(%dma_wait3A_128 : memref<80x128xf32, #tpu.memory_space<vmem>>) dst(%dma_wait3A_121 : memref<80x128xf32, #tpu.memory_space<hbm>>)
      tpu.yield
    }) : () -> ()
    %add3A_77 = arith.constant 480 : i32
    %add3A_78 = arith.addi %multiple_of3A, %add3A_77 : i32
    %run_scoped3A_79 = arith.constant 0 : i32
    "tpu.region"() ({
      %run_scoped3A_94 = tpu.sem_alloc : memref<!tpu.dma_semaphore, #tpu.memory_space<semaphore_mem>>
      %dma_start3A = arith.constant 0 : i32
      %dma_start3A_95 = arith.constant 0 : i32
      %dma_start3A_96 = tpu.memref_slice %arg10[%run_scoped3A_79, %dma_start3A, %dma_start3A_95] : memref<2x80x128xf32, #tpu.memory_space<vmem>> -> memref<1x80x128xf32, #tpu.memory_space<vmem>>
      %dma_start3A_97 = tpu.memref_squeeze %dma_start3A_96 : memref<1x80x128xf32, #tpu.memory_space<vmem>> -> memref<80x128xf32, #tpu.memory_space<vmem>>
      %dma_start3A_98 = arith.constant 0 : i32
      %dma_start3A_99 = arith.constant 0 : i32
      %dma_start3A_100 = tpu.memref_slice %dma_start3A_97[%dma_start3A_98, %dma_start3A_99] : memref<80x128xf32, #tpu.memory_space<vmem>> -> memref<80x128xf32, #tpu.memory_space<vmem>>
      %dma_start3A_101 = arith.constant 0 : i32
      %dma_start3A_102 = tpu.memref_slice %arg11[%add3A_78, %dma_start3A_101] : memref<10000x128xf32, #tpu.memory_space<vmem_shared>> -> memref<80x128xf32, #tpu.memory_space<vmem_shared>>
      %dma_start3A_103 = arith.constant 0 : i32
      %dma_start3A_104 = arith.constant 0 : i32
      %dma_start3A_105 = tpu.memref_slice %arg10[%run_scoped3A_79, %dma_start3A_103, %dma_start3A_104] : memref<2x80x128xf32, #tpu.memory_space<vmem>> -> memref<1x80x128xf32, #tpu.memory_space<vmem>>
      %dma_start3A_106 = tpu.memref_squeeze %dma_start3A_105 : memref<1x80x128xf32, #tpu.memory_space<vmem>> -> memref<80x128xf32, #tpu.memory_space<vmem>>
      %dma_start3A_107 = arith.constant 0 : i32
      %dma_start3A_108 = arith.constant 0 : i32
      %dma_start3A_109 = tpu.memref_slice %dma_start3A_106[%dma_start3A_107, %dma_start3A_108] : memref<80x128xf32, #tpu.memory_space<vmem>> -> memref<80x128xf32, #tpu.memory_space<vmem>>
      %dma_start3A_110 = arith.constant 0 : i32
      %dma_start3A_111 = tpu.memref_slice %arg11[%add3A_78, %dma_start3A_110] : memref<10000x128xf32, #tpu.memory_space<vmem_shared>> -> memref<80x128xf32, #tpu.memory_space<vmem_shared>>
      tpu.enqueue_dma source(%dma_start3A_111 : memref<80x128xf32, #tpu.memory_space<vmem_shared>>) target(%dma_start3A_109 : memref<80x128xf32, #tpu.memory_space<vmem>>) target_semaphore(%run_scoped3A_94 : memref<!tpu.dma_semaphore, #tpu.memory_space<semaphore_mem>>)
      %dma_wait3A = arith.constant 0 : i32
      %dma_wait3A_112 = arith.constant 0 : i32
      %dma_wait3A_113 = tpu.memref_slice %arg10[%run_scoped3A_79, %dma_wait3A, %dma_wait3A_112] : memref<2x80x128xf32, #tpu.memory_space<vmem>> -> memref<1x80x128xf32, #tpu.memory_space<vmem>>
      %dma_wait3A_114 = tpu.memref_squeeze %dma_wait3A_113 : memref<1x80x128xf32, #tpu.memory_space<vmem>> -> memref<80x128xf32, #tpu.memory_space<vmem>>
      %dma_wait3A_115 = arith.constant 0 : i32
      %dma_wait3A_116 = arith.constant 0 : i32
      %dma_wait3A_117 = tpu.memref_slice %dma_wait3A_114[%dma_wait3A_115, %dma_wait3A_116] : memref<80x128xf32, #tpu.memory_space<vmem>> -> memref<80x128xf32, #tpu.memory_space<vmem>>
      %dma_wait3A_118 = arith.constant 0 : i32
      %dma_wait3A_119 = tpu.memref_slice %arg11[%add3A_78, %dma_wait3A_118] : memref<10000x128xf32, #tpu.memory_space<vmem_shared>> -> memref<80x128xf32, #tpu.memory_space<vmem_shared>>
      %dma_wait3A_120 = arith.constant 0 : i32
      %dma_wait3A_121 = arith.constant 0 : i32
      %dma_wait3A_122 = tpu.memref_slice %arg10[%run_scoped3A_79, %dma_wait3A_120, %dma_wait3A_121] : memref<2x80x128xf32, #tpu.memory_space<vmem>> -> memref<1x80x128xf32, #tpu.memory_space<vmem>>
      %dma_wait3A_123 = tpu.memref_squeeze %dma_wait3A_122 : memref<1x80x128xf32, #tpu.memory_space<vmem>> -> memref<80x128xf32, #tpu.memory_space<vmem>>
      %dma_wait3A_124 = arith.constant 0 : i32
      %dma_wait3A_125 = arith.constant 0 : i32
      %dma_wait3A_126 = tpu.memref_slice %dma_wait3A_123[%dma_wait3A_124, %dma_wait3A_125] : memref<80x128xf32, #tpu.memory_space<vmem>> -> memref<80x128xf32, #tpu.memory_space<vmem>>
      %dma_wait3A_127 = arith.constant 0 : i32
      %dma_wait3A_128 = tpu.memref_slice %arg11[%add3A_78, %dma_wait3A_127] : memref<10000x128xf32, #tpu.memory_space<vmem_shared>> -> memref<80x128xf32, #tpu.memory_space<vmem_shared>>
      tpu.wait_dma2 semaphore(%run_scoped3A_94 : memref<!tpu.dma_semaphore, #tpu.memory_space<semaphore_mem>>) src(%dma_wait3A_128 : memref<80x128xf32, #tpu.memory_space<vmem_shared>>) dst(%dma_wait3A_126 : memref<80x128xf32, #tpu.memory_space<vmem>>)
      tpu.yield
    }) : () -> ()
    %add3A_80 = arith.constant 480 : i32
    %add3A_81 = arith.addi %multiple_of3A_3, %add3A_80 : i32
    %run_scoped3A_82 = arith.constant 0 : i32
    "tpu.region"() ({
      %run_scoped3A_94 = tpu.sem_alloc : memref<!tpu.dma_semaphore, #tpu.memory_space<semaphore_mem>>
      %dma_start3A = arith.constant 0 : i32
      %dma_start3A_95 = arith.constant 0 : i32
      %dma_start3A_96 = tpu.memref_slice %arg10[%run_scoped3A_82, %dma_start3A, %dma_start3A_95] : memref<2x80x128xf32, #tpu.memory_space<vmem>> -> memref<1x80x128xf32, #tpu.memory_space<vmem>>
      %dma_start3A_97 = tpu.memref_squeeze %dma_start3A_96 : memref<1x80x128xf32, #tpu.memory_space<vmem>> -> memref<80x128xf32, #tpu.memory_space<vmem>>
      %dma_start3A_98 = arith.constant 0 : i32
      %dma_start3A_99 = arith.constant 0 : i32
      %dma_start3A_100 = tpu.memref_slice %dma_start3A_97[%dma_start3A_98, %dma_start3A_99] : memref<80x128xf32, #tpu.memory_space<vmem>> -> memref<80x128xf32, #tpu.memory_space<vmem>>
      %dma_start3A_101 = arith.constant 0 : i32
      %dma_start3A_102 = tpu.memref_slice %arg7[%add3A_81, %dma_start3A_101] : memref<20000x128xf32, #tpu.memory_space<hbm>> -> memref<80x128xf32, #tpu.memory_space<hbm>>
      %dma_start3A_103 = arith.constant 0 : i32
      %dma_start3A_104 = tpu.memref_slice %arg7[%add3A_81, %dma_start3A_103] : memref<20000x128xf32, #tpu.memory_space<hbm>> -> memref<80x128xf32, #tpu.memory_space<hbm>>
      %dma_start3A_105 = arith.constant 0 : i32
      %dma_start3A_106 = arith.constant 0 : i32
      %dma_start3A_107 = tpu.memref_slice %arg10[%run_scoped3A_82, %dma_start3A_105, %dma_start3A_106] : memref<2x80x128xf32, #tpu.memory_space<vmem>> -> memref<1x80x128xf32, #tpu.memory_space<vmem>>
      %dma_start3A_108 = tpu.memref_squeeze %dma_start3A_107 : memref<1x80x128xf32, #tpu.memory_space<vmem>> -> memref<80x128xf32, #tpu.memory_space<vmem>>
      %dma_start3A_109 = arith.constant 0 : i32
      %dma_start3A_110 = arith.constant 0 : i32
      %dma_start3A_111 = tpu.memref_slice %dma_start3A_108[%dma_start3A_109, %dma_start3A_110] : memref<80x128xf32, #tpu.memory_space<vmem>> -> memref<80x128xf32, #tpu.memory_space<vmem>>
      tpu.enqueue_dma source(%dma_start3A_111 : memref<80x128xf32, #tpu.memory_space<vmem>>) target(%dma_start3A_104 : memref<80x128xf32, #tpu.memory_space<hbm>>) target_semaphore(%run_scoped3A_94 : memref<!tpu.dma_semaphore, #tpu.memory_space<semaphore_mem>>)
      %dma_wait3A = arith.constant 0 : i32
      %dma_wait3A_112 = arith.constant 0 : i32
      %dma_wait3A_113 = tpu.memref_slice %arg10[%run_scoped3A_82, %dma_wait3A, %dma_wait3A_112] : memref<2x80x128xf32, #tpu.memory_space<vmem>> -> memref<1x80x128xf32, #tpu.memory_space<vmem>>
      %dma_wait3A_114 = tpu.memref_squeeze %dma_wait3A_113 : memref<1x80x128xf32, #tpu.memory_space<vmem>> -> memref<80x128xf32, #tpu.memory_space<vmem>>
      %dma_wait3A_115 = arith.constant 0 : i32
      %dma_wait3A_116 = arith.constant 0 : i32
      %dma_wait3A_117 = tpu.memref_slice %dma_wait3A_114[%dma_wait3A_115, %dma_wait3A_116] : memref<80x128xf32, #tpu.memory_space<vmem>> -> memref<80x128xf32, #tpu.memory_space<vmem>>
      %dma_wait3A_118 = arith.constant 0 : i32
      %dma_wait3A_119 = tpu.memref_slice %arg7[%add3A_81, %dma_wait3A_118] : memref<20000x128xf32, #tpu.memory_space<hbm>> -> memref<80x128xf32, #tpu.memory_space<hbm>>
      %dma_wait3A_120 = arith.constant 0 : i32
      %dma_wait3A_121 = tpu.memref_slice %arg7[%add3A_81, %dma_wait3A_120] : memref<20000x128xf32, #tpu.memory_space<hbm>> -> memref<80x128xf32, #tpu.memory_space<hbm>>
      %dma_wait3A_122 = arith.constant 0 : i32
      %dma_wait3A_123 = arith.constant 0 : i32
      %dma_wait3A_124 = tpu.memref_slice %arg10[%run_scoped3A_82, %dma_wait3A_122, %dma_wait3A_123] : memref<2x80x128xf32, #tpu.memory_space<vmem>> -> memref<1x80x128xf32, #tpu.memory_space<vmem>>
      %dma_wait3A_125 = tpu.memref_squeeze %dma_wait3A_124 : memref<1x80x128xf32, #tpu.memory_space<vmem>> -> memref<80x128xf32, #tpu.memory_space<vmem>>
      %dma_wait3A_126 = arith.constant 0 : i32
      %dma_wait3A_127 = arith.constant 0 : i32
      %dma_wait3A_128 = tpu.memref_slice %dma_wait3A_125[%dma_wait3A_126, %dma_wait3A_127] : memref<80x128xf32, #tpu.memory_space<vmem>> -> memref<80x128xf32, #tpu.memory_space<vmem>>
      tpu.wait_dma2 semaphore(%run_scoped3A_94 : memref<!tpu.dma_semaphore, #tpu.memory_space<semaphore_mem>>) src(%dma_wait3A_128 : memref<80x128xf32, #tpu.memory_space<vmem>>) dst(%dma_wait3A_121 : memref<80x128xf32, #tpu.memory_space<hbm>>)
      tpu.yield
    }) : () -> ()
    %add3A_83 = arith.constant 560 : i32
    %add3A_84 = arith.addi %multiple_of3A, %add3A_83 : i32
    %run_scoped3A_85 = arith.constant 0 : i32
    "tpu.region"() ({
      %run_scoped3A_94 = tpu.sem_alloc : memref<!tpu.dma_semaphore, #tpu.memory_space<semaphore_mem>>
      %dma_start3A = arith.constant 0 : i32
      %dma_start3A_95 = arith.constant 0 : i32
      %dma_start3A_96 = tpu.memref_slice %arg10[%run_scoped3A_85, %dma_start3A, %dma_start3A_95] : memref<2x80x128xf32, #tpu.memory_space<vmem>> -> memref<1x80x128xf32, #tpu.memory_space<vmem>>
      %dma_start3A_97 = tpu.memref_squeeze %dma_start3A_96 : memref<1x80x128xf32, #tpu.memory_space<vmem>> -> memref<80x128xf32, #tpu.memory_space<vmem>>
      %dma_start3A_98 = arith.constant 0 : i32
      %dma_start3A_99 = arith.constant 0 : i32
      %dma_start3A_100 = tpu.memref_slice %dma_start3A_97[%dma_start3A_98, %dma_start3A_99] : memref<80x128xf32, #tpu.memory_space<vmem>> -> memref<64x128xf32, #tpu.memory_space<vmem>>
      %dma_start3A_101 = arith.constant 0 : i32
      %dma_start3A_102 = tpu.memref_slice %arg11[%add3A_84, %dma_start3A_101] : memref<10000x128xf32, #tpu.memory_space<vmem_shared>> -> memref<64x128xf32, #tpu.memory_space<vmem_shared>>
      %dma_start3A_103 = arith.constant 0 : i32
      %dma_start3A_104 = arith.constant 0 : i32
      %dma_start3A_105 = tpu.memref_slice %arg10[%run_scoped3A_85, %dma_start3A_103, %dma_start3A_104] : memref<2x80x128xf32, #tpu.memory_space<vmem>> -> memref<1x80x128xf32, #tpu.memory_space<vmem>>
      %dma_start3A_106 = tpu.memref_squeeze %dma_start3A_105 : memref<1x80x128xf32, #tpu.memory_space<vmem>> -> memref<80x128xf32, #tpu.memory_space<vmem>>
      %dma_start3A_107 = arith.constant 0 : i32
      %dma_start3A_108 = arith.constant 0 : i32
      %dma_start3A_109 = tpu.memref_slice %dma_start3A_106[%dma_start3A_107, %dma_start3A_108] : memref<80x128xf32, #tpu.memory_space<vmem>> -> memref<64x128xf32, #tpu.memory_space<vmem>>
      %dma_start3A_110 = arith.constant 0 : i32
      %dma_start3A_111 = tpu.memref_slice %arg11[%add3A_84, %dma_start3A_110] : memref<10000x128xf32, #tpu.memory_space<vmem_shared>> -> memref<64x128xf32, #tpu.memory_space<vmem_shared>>
      tpu.enqueue_dma source(%dma_start3A_111 : memref<64x128xf32, #tpu.memory_space<vmem_shared>>) target(%dma_start3A_109 : memref<64x128xf32, #tpu.memory_space<vmem>>) target_semaphore(%run_scoped3A_94 : memref<!tpu.dma_semaphore, #tpu.memory_space<semaphore_mem>>)
      %dma_wait3A = arith.constant 0 : i32
      %dma_wait3A_112 = arith.constant 0 : i32
      %dma_wait3A_113 = tpu.memref_slice %arg10[%run_scoped3A_85, %dma_wait3A, %dma_wait3A_112] : memref<2x80x128xf32, #tpu.memory_space<vmem>> -> memref<1x80x128xf32, #tpu.memory_space<vmem>>
      %dma_wait3A_114 = tpu.memref_squeeze %dma_wait3A_113 : memref<1x80x128xf32, #tpu.memory_space<vmem>> -> memref<80x128xf32, #tpu.memory_space<vmem>>
      %dma_wait3A_115 = arith.constant 0 : i32
      %dma_wait3A_116 = arith.constant 0 : i32
      %dma_wait3A_117 = tpu.memref_slice %dma_wait3A_114[%dma_wait3A_115, %dma_wait3A_116] : memref<80x128xf32, #tpu.memory_space<vmem>> -> memref<64x128xf32, #tpu.memory_space<vmem>>
      %dma_wait3A_118 = arith.constant 0 : i32
      %dma_wait3A_119 = tpu.memref_slice %arg11[%add3A_84, %dma_wait3A_118] : memref<10000x128xf32, #tpu.memory_space<vmem_shared>> -> memref<64x128xf32, #tpu.memory_space<vmem_shared>>
      %dma_wait3A_120 = arith.constant 0 : i32
      %dma_wait3A_121 = arith.constant 0 : i32
      %dma_wait3A_122 = tpu.memref_slice %arg10[%run_scoped3A_85, %dma_wait3A_120, %dma_wait3A_121] : memref<2x80x128xf32, #tpu.memory_space<vmem>> -> memref<1x80x128xf32, #tpu.memory_space<vmem>>
      %dma_wait3A_123 = tpu.memref_squeeze %dma_wait3A_122 : memref<1x80x128xf32, #tpu.memory_space<vmem>> -> memref<80x128xf32, #tpu.memory_space<vmem>>
      %dma_wait3A_124 = arith.constant 0 : i32
      %dma_wait3A_125 = arith.constant 0 : i32
      %dma_wait3A_126 = tpu.memref_slice %dma_wait3A_123[%dma_wait3A_124, %dma_wait3A_125] : memref<80x128xf32, #tpu.memory_space<vmem>> -> memref<64x128xf32, #tpu.memory_space<vmem>>
      %dma_wait3A_127 = arith.constant 0 : i32
      %dma_wait3A_128 = tpu.memref_slice %arg11[%add3A_84, %dma_wait3A_127] : memref<10000x128xf32, #tpu.memory_space<vmem_shared>> -> memref<64x128xf32, #tpu.memory_space<vmem_shared>>
      tpu.wait_dma2 semaphore(%run_scoped3A_94 : memref<!tpu.dma_semaphore, #tpu.memory_space<semaphore_mem>>) src(%dma_wait3A_128 : memref<64x128xf32, #tpu.memory_space<vmem_shared>>) dst(%dma_wait3A_126 : memref<64x128xf32, #tpu.memory_space<vmem>>)
      tpu.yield
    }) : () -> ()
    %add3A_86 = arith.constant 560 : i32
    %add3A_87 = arith.addi %multiple_of3A_3, %add3A_86 : i32
    %run_scoped3A_88 = arith.constant 0 : i32
    "tpu.region"() ({
      %run_scoped3A_94 = tpu.sem_alloc : memref<!tpu.dma_semaphore, #tpu.memory_space<semaphore_mem>>
      %dma_start3A = arith.constant 0 : i32
      %dma_start3A_95 = arith.constant 0 : i32
      %dma_start3A_96 = tpu.memref_slice %arg10[%run_scoped3A_88, %dma_start3A, %dma_start3A_95] : memref<2x80x128xf32, #tpu.memory_space<vmem>> -> memref<1x80x128xf32, #tpu.memory_space<vmem>>
      %dma_start3A_97 = tpu.memref_squeeze %dma_start3A_96 : memref<1x80x128xf32, #tpu.memory_space<vmem>> -> memref<80x128xf32, #tpu.memory_space<vmem>>
      %dma_start3A_98 = arith.constant 0 : i32
      %dma_start3A_99 = arith.constant 0 : i32
      %dma_start3A_100 = tpu.memref_slice %dma_start3A_97[%dma_start3A_98, %dma_start3A_99] : memref<80x128xf32, #tpu.memory_space<vmem>> -> memref<64x128xf32, #tpu.memory_space<vmem>>
      %dma_start3A_101 = arith.constant 0 : i32
      %dma_start3A_102 = tpu.memref_slice %arg7[%add3A_87, %dma_start3A_101] : memref<20000x128xf32, #tpu.memory_space<hbm>> -> memref<64x128xf32, #tpu.memory_space<hbm>>
      %dma_start3A_103 = arith.constant 0 : i32
      %dma_start3A_104 = tpu.memref_slice %arg7[%add3A_87, %dma_start3A_103] : memref<20000x128xf32, #tpu.memory_space<hbm>> -> memref<64x128xf32, #tpu.memory_space<hbm>>
      %dma_start3A_105 = arith.constant 0 : i32
      %dma_start3A_106 = arith.constant 0 : i32
      %dma_start3A_107 = tpu.memref_slice %arg10[%run_scoped3A_88, %dma_start3A_105, %dma_start3A_106] : memref<2x80x128xf32, #tpu.memory_space<vmem>> -> memref<1x80x128xf32, #tpu.memory_space<vmem>>
      %dma_start3A_108 = tpu.memref_squeeze %dma_start3A_107 : memref<1x80x128xf32, #tpu.memory_space<vmem>> -> memref<80x128xf32, #tpu.memory_space<vmem>>
      %dma_start3A_109 = arith.constant 0 : i32
      %dma_start3A_110 = arith.constant 0 : i32
      %dma_start3A_111 = tpu.memref_slice %dma_start3A_108[%dma_start3A_109, %dma_start3A_110] : memref<80x128xf32, #tpu.memory_space<vmem>> -> memref<64x128xf32, #tpu.memory_space<vmem>>
      tpu.enqueue_dma source(%dma_start3A_111 : memref<64x128xf32, #tpu.memory_space<vmem>>) target(%dma_start3A_104 : memref<64x128xf32, #tpu.memory_space<hbm>>) target_semaphore(%run_scoped3A_94 : memref<!tpu.dma_semaphore, #tpu.memory_space<semaphore_mem>>)
      %dma_wait3A = arith.constant 0 : i32
      %dma_wait3A_112 = arith.constant 0 : i32
      %dma_wait3A_113 = tpu.memref_slice %arg10[%run_scoped3A_88, %dma_wait3A, %dma_wait3A_112] : memref<2x80x128xf32, #tpu.memory_space<vmem>> -> memref<1x80x128xf32, #tpu.memory_space<vmem>>
      %dma_wait3A_114 = tpu.memref_squeeze %dma_wait3A_113 : memref<1x80x128xf32, #tpu.memory_space<vmem>> -> memref<80x128xf32, #tpu.memory_space<vmem>>
      %dma_wait3A_115 = arith.constant 0 : i32
      %dma_wait3A_116 = arith.constant 0 : i32
      %dma_wait3A_117 = tpu.memref_slice %dma_wait3A_114[%dma_wait3A_115, %dma_wait3A_116] : memref<80x128xf32, #tpu.memory_space<vmem>> -> memref<64x128xf32, #tpu.memory_space<vmem>>
      %dma_wait3A_118 = arith.constant 0 : i32
      %dma_wait3A_119 = tpu.memref_slice %arg7[%add3A_87, %dma_wait3A_118] : memref<20000x128xf32, #tpu.memory_space<hbm>> -> memref<64x128xf32, #tpu.memory_space<hbm>>
      %dma_wait3A_120 = arith.constant 0 : i32
      %dma_wait3A_121 = tpu.memref_slice %arg7[%add3A_87, %dma_wait3A_120] : memref<20000x128xf32, #tpu.memory_space<hbm>> -> memref<64x128xf32, #tpu.memory_space<hbm>>
      %dma_wait3A_122 = arith.constant 0 : i32
      %dma_wait3A_123 = arith.constant 0 : i32
      %dma_wait3A_124 = tpu.memref_slice %arg10[%run_scoped3A_88, %dma_wait3A_122, %dma_wait3A_123] : memref<2x80x128xf32, #tpu.memory_space<vmem>> -> memref<1x80x128xf32, #tpu.memory_space<vmem>>
      %dma_wait3A_125 = tpu.memref_squeeze %dma_wait3A_124 : memref<1x80x128xf32, #tpu.memory_space<vmem>> -> memref<80x128xf32, #tpu.memory_space<vmem>>
      %dma_wait3A_126 = arith.constant 0 : i32
      %dma_wait3A_127 = arith.constant 0 : i32
      %dma_wait3A_128 = tpu.memref_slice %dma_wait3A_125[%dma_wait3A_126, %dma_wait3A_127] : memref<80x128xf32, #tpu.memory_space<vmem>> -> memref<64x128xf32, #tpu.memory_space<vmem>>
      tpu.wait_dma2 semaphore(%run_scoped3A_94 : memref<!tpu.dma_semaphore, #tpu.memory_space<semaphore_mem>>) src(%dma_wait3A_128 : memref<64x128xf32, #tpu.memory_space<vmem>>) dst(%dma_wait3A_121 : memref<64x128xf32, #tpu.memory_space<hbm>>)
      tpu.yield
    }) : () -> ()
    %eq3A_89 = arith.constant 15 : i32
    %eq3A_90 = arith.cmpi eq, %arg1, %eq3A_89 : i32
    %convert_element_type3A_91 = arith.extui %eq3A_90 : i1 to i32
    %cond3A_92 = arith.constant 0 : i32
    %cond3A_93 = arith.cmpi ne, %convert_element_type3A_91, %cond3A_92 : i32
    scf.if %cond3A_93 {
      %mul3A_94 = arith.constant 10000 : i32
      %mul3A_95 = arith.muli %arg0, %mul3A_94 : i32
      %add3A_96 = arith.constant 9984 : i32
      %add3A_97 = arith.addi %mul3A_95, %add3A_96 : i32
      %multiple_of3A_98 = tpu.assume_multiple %add3A_97, 8 : i32
      %run_scoped3A_99 = arith.constant 0 : i32
      "tpu.region"() ({
        %run_scoped3A_101 = tpu.sem_alloc : memref<!tpu.dma_semaphore, #tpu.memory_space<semaphore_mem>>
        %dma_start3A = arith.constant 0 : i32
        %dma_start3A_102 = arith.constant 0 : i32
        %dma_start3A_103 = tpu.memref_slice %arg10[%run_scoped3A_99, %dma_start3A, %dma_start3A_102] : memref<2x80x128xf32, #tpu.memory_space<vmem>> -> memref<1x80x128xf32, #tpu.memory_space<vmem>>
        %dma_start3A_104 = tpu.memref_squeeze %dma_start3A_103 : memref<1x80x128xf32, #tpu.memory_space<vmem>> -> memref<80x128xf32, #tpu.memory_space<vmem>>
        %dma_start3A_105 = arith.constant 0 : i32
        %dma_start3A_106 = arith.constant 0 : i32
        %dma_start3A_107 = tpu.memref_slice %dma_start3A_104[%dma_start3A_105, %dma_start3A_106] : memref<80x128xf32, #tpu.memory_space<vmem>> -> memref<16x128xf32, #tpu.memory_space<vmem>>
        %dma_start3A_108 = arith.constant 9984 : i32
        %dma_start3A_109 = arith.constant 0 : i32
        %dma_start3A_110 = tpu.memref_slice %arg11[%dma_start3A_108, %dma_start3A_109] : memref<10000x128xf32, #tpu.memory_space<vmem_shared>> -> memref<16x128xf32, #tpu.memory_space<vmem_shared>>
        %dma_start3A_111 = arith.constant 0 : i32
        %dma_start3A_112 = arith.constant 0 : i32
        %dma_start3A_113 = tpu.memref_slice %arg10[%run_scoped3A_99, %dma_start3A_111, %dma_start3A_112] : memref<2x80x128xf32, #tpu.memory_space<vmem>> -> memref<1x80x128xf32, #tpu.memory_space<vmem>>
        %dma_start3A_114 = tpu.memref_squeeze %dma_start3A_113 : memref<1x80x128xf32, #tpu.memory_space<vmem>> -> memref<80x128xf32, #tpu.memory_space<vmem>>
        %dma_start3A_115 = arith.constant 0 : i32
        %dma_start3A_116 = arith.constant 0 : i32
        %dma_start3A_117 = tpu.memref_slice %dma_start3A_114[%dma_start3A_115, %dma_start3A_116] : memref<80x128xf32, #tpu.memory_space<vmem>> -> memref<16x128xf32, #tpu.memory_space<vmem>>
        %dma_start3A_118 = arith.constant 9984 : i32
        %dma_start3A_119 = arith.constant 0 : i32
        %dma_start3A_120 = tpu.memref_slice %arg11[%dma_start3A_118, %dma_start3A_119] : memref<10000x128xf32, #tpu.memory_space<vmem_shared>> -> memref<16x128xf32, #tpu.memory_space<vmem_shared>>
        tpu.enqueue_dma source(%dma_start3A_120 : memref<16x128xf32, #tpu.memory_space<vmem_shared>>) target(%dma_start3A_117 : memref<16x128xf32, #tpu.memory_space<vmem>>) target_semaphore(%run_scoped3A_101 : memref<!tpu.dma_semaphore, #tpu.memory_space<semaphore_mem>>)
        %dma_wait3A = arith.constant 0 : i32
        %dma_wait3A_121 = arith.constant 0 : i32
        %dma_wait3A_122 = tpu.memref_slice %arg10[%run_scoped3A_99, %dma_wait3A, %dma_wait3A_121] : memref<2x80x128xf32, #tpu.memory_space<vmem>> -> memref<1x80x128xf32, #tpu.memory_space<vmem>>
        %dma_wait3A_123 = tpu.memref_squeeze %dma_wait3A_122 : memref<1x80x128xf32, #tpu.memory_space<vmem>> -> memref<80x128xf32, #tpu.memory_space<vmem>>
        %dma_wait3A_124 = arith.constant 0 : i32
        %dma_wait3A_125 = arith.constant 0 : i32
        %dma_wait3A_126 = tpu.memref_slice %dma_wait3A_123[%dma_wait3A_124, %dma_wait3A_125] : memref<80x128xf32, #tpu.memory_space<vmem>> -> memref<16x128xf32, #tpu.memory_space<vmem>>
        %dma_wait3A_127 = arith.constant 9984 : i32
        %dma_wait3A_128 = arith.constant 0 : i32
        %dma_wait3A_129 = tpu.memref_slice %arg11[%dma_wait3A_127, %dma_wait3A_128] : memref<10000x128xf32, #tpu.memory_space<vmem_shared>> -> memref<16x128xf32, #tpu.memory_space<vmem_shared>>
        %dma_wait3A_130 = arith.constant 0 : i32
        %dma_wait3A_131 = arith.constant 0 : i32
        %dma_wait3A_132 = tpu.memref_slice %arg10[%run_scoped3A_99, %dma_wait3A_130, %dma_wait3A_131] : memref<2x80x128xf32, #tpu.memory_space<vmem>> -> memref<1x80x128xf32, #tpu.memory_space<vmem>>
        %dma_wait3A_133 = tpu.memref_squeeze %dma_wait3A_132 : memref<1x80x128xf32, #tpu.memory_space<vmem>> -> memref<80x128xf32, #tpu.memory_space<vmem>>
        %dma_wait3A_134 = arith.constant 0 : i32
        %dma_wait3A_135 = arith.constant 0 : i32
        %dma_wait3A_136 = tpu.memref_slice %dma_wait3A_133[%dma_wait3A_134, %dma_wait3A_135] : memref<80x128xf32, #tpu.memory_space<vmem>> -> memref<16x128xf32, #tpu.memory_space<vmem>>
        %dma_wait3A_137 = arith.constant 9984 : i32
        %dma_wait3A_138 = arith.constant 0 : i32
        %dma_wait3A_139 = tpu.memref_slice %arg11[%dma_wait3A_137, %dma_wait3A_138] : memref<10000x128xf32, #tpu.memory_space<vmem_shared>> -> memref<16x128xf32, #tpu.memory_space<vmem_shared>>
        tpu.wait_dma2 semaphore(%run_scoped3A_101 : memref<!tpu.dma_semaphore, #tpu.memory_space<semaphore_mem>>) src(%dma_wait3A_139 : memref<16x128xf32, #tpu.memory_space<vmem_shared>>) dst(%dma_wait3A_136 : memref<16x128xf32, #tpu.memory_space<vmem>>)
        tpu.yield
      }) : () -> ()
      %run_scoped3A_100 = arith.constant 0 : i32
      "tpu.region"() ({
        %run_scoped3A_101 = tpu.sem_alloc : memref<!tpu.dma_semaphore, #tpu.memory_space<semaphore_mem>>
        %dma_start3A = arith.constant 0 : i32
        %dma_start3A_102 = arith.constant 0 : i32
        %dma_start3A_103 = tpu.memref_slice %arg10[%run_scoped3A_100, %dma_start3A, %dma_start3A_102] : memref<2x80x128xf32, #tpu.memory_space<vmem>> -> memref<1x80x128xf32, #tpu.memory_space<vmem>>
        %dma_start3A_104 = tpu.memref_squeeze %dma_start3A_103 : memref<1x80x128xf32, #tpu.memory_space<vmem>> -> memref<80x128xf32, #tpu.memory_space<vmem>>
        %dma_start3A_105 = arith.constant 0 : i32
        %dma_start3A_106 = arith.constant 0 : i32
        %dma_start3A_107 = tpu.memref_slice %dma_start3A_104[%dma_start3A_105, %dma_start3A_106] : memref<80x128xf32, #tpu.memory_space<vmem>> -> memref<16x128xf32, #tpu.memory_space<vmem>>
        %dma_start3A_108 = arith.constant 0 : i32
        %dma_start3A_109 = tpu.memref_slice %arg7[%multiple_of3A_98, %dma_start3A_108] : memref<20000x128xf32, #tpu.memory_space<hbm>> -> memref<16x128xf32, #tpu.memory_space<hbm>>
        %dma_start3A_110 = arith.constant 0 : i32
        %dma_start3A_111 = tpu.memref_slice %arg7[%multiple_of3A_98, %dma_start3A_110] : memref<20000x128xf32, #tpu.memory_space<hbm>> -> memref<16x128xf32, #tpu.memory_space<hbm>>
        %dma_start3A_112 = arith.constant 0 : i32
        %dma_start3A_113 = arith.constant 0 : i32
        %dma_start3A_114 = tpu.memref_slice %arg10[%run_scoped3A_100, %dma_start3A_112, %dma_start3A_113] : memref<2x80x128xf32, #tpu.memory_space<vmem>> -> memref<1x80x128xf32, #tpu.memory_space<vmem>>
        %dma_start3A_115 = tpu.memref_squeeze %dma_start3A_114 : memref<1x80x128xf32, #tpu.memory_space<vmem>> -> memref<80x128xf32, #tpu.memory_space<vmem>>
        %dma_start3A_116 = arith.constant 0 : i32
        %dma_start3A_117 = arith.constant 0 : i32
        %dma_start3A_118 = tpu.memref_slice %dma_start3A_115[%dma_start3A_116, %dma_start3A_117] : memref<80x128xf32, #tpu.memory_space<vmem>> -> memref<16x128xf32, #tpu.memory_space<vmem>>
        tpu.enqueue_dma source(%dma_start3A_118 : memref<16x128xf32, #tpu.memory_space<vmem>>) target(%dma_start3A_111 : memref<16x128xf32, #tpu.memory_space<hbm>>) target_semaphore(%run_scoped3A_101 : memref<!tpu.dma_semaphore, #tpu.memory_space<semaphore_mem>>)
        %dma_wait3A = arith.constant 0 : i32
        %dma_wait3A_119 = arith.constant 0 : i32
        %dma_wait3A_120 = tpu.memref_slice %arg10[%run_scoped3A_100, %dma_wait3A, %dma_wait3A_119] : memref<2x80x128xf32, #tpu.memory_space<vmem>> -> memref<1x80x128xf32, #tpu.memory_space<vmem>>
        %dma_wait3A_121 = tpu.memref_squeeze %dma_wait3A_120 : memref<1x80x128xf32, #tpu.memory_space<vmem>> -> memref<80x128xf32, #tpu.memory_space<vmem>>
        %dma_wait3A_122 = arith.constant 0 : i32
        %dma_wait3A_123 = arith.constant 0 : i32
        %dma_wait3A_124 = tpu.memref_slice %dma_wait3A_121[%dma_wait3A_122, %dma_wait3A_123] : memref<80x128xf32, #tpu.memory_space<vmem>> -> memref<16x128xf32, #tpu.memory_space<vmem>>
        %dma_wait3A_125 = arith.constant 0 : i32
        %dma_wait3A_126 = tpu.memref_slice %arg7[%multiple_of3A_98, %dma_wait3A_125] : memref<20000x128xf32, #tpu.memory_space<hbm>> -> memref<16x128xf32, #tpu.memory_space<hbm>>
        %dma_wait3A_127 = arith.constant 0 : i32
        %dma_wait3A_128 = tpu.memref_slice %arg7[%multiple_of3A_98, %dma_wait3A_127] : memref<20000x128xf32, #tpu.memory_space<hbm>> -> memref<16x128xf32, #tpu.memory_space<hbm>>
        %dma_wait3A_129 = arith.constant 0 : i32
        %dma_wait3A_130 = arith.constant 0 : i32
        %dma_wait3A_131 = tpu.memref_slice %arg10[%run_scoped3A_100, %dma_wait3A_129, %dma_wait3A_130] : memref<2x80x128xf32, #tpu.memory_space<vmem>> -> memref<1x80x128xf32, #tpu.memory_space<vmem>>
        %dma_wait3A_132 = tpu.memref_squeeze %dma_wait3A_131 : memref<1x80x128xf32, #tpu.memory_space<vmem>> -> memref<80x128xf32, #tpu.memory_space<vmem>>
        %dma_wait3A_133 = arith.constant 0 : i32
        %dma_wait3A_134 = arith.constant 0 : i32
        %dma_wait3A_135 = tpu.memref_slice %dma_wait3A_132[%dma_wait3A_133, %dma_wait3A_134] : memref<80x128xf32, #tpu.memory_space<vmem>> -> memref<16x128xf32, #tpu.memory_space<vmem>>
        tpu.wait_dma2 semaphore(%run_scoped3A_101 : memref<!tpu.dma_semaphore, #tpu.memory_space<semaphore_mem>>) src(%dma_wait3A_135 : memref<16x128xf32, #tpu.memory_space<vmem>>) dst(%dma_wait3A_128 : memref<16x128xf32, #tpu.memory_space<hbm>>)
        tpu.yield
      }) : () -> ()
    } else {
    }
    return
  }
}

module attributes {stable_mosaic.version = 14 : i64} {
  func.func @_tc_body(%arg0: i32, %arg1: memref<1000x128xf32, #tpu.memory_space<vmem>>, %arg2: memref<1000x128xf32, #tpu.memory_space<vmem>>, %arg3: memref<1000x128xf32, #tpu.memory_space<vmem>>, %arg4: memref<1x1x1000xi32, #tpu.memory_space<vmem>>, %arg5: memref<128x128xf32, #tpu.memory_space<vmem>>, %arg6: memref<128x128xf32, #tpu.memory_space<vmem>>, %arg7: memref<1x128xf32, #tpu.memory_space<vmem>>, %arg8: memref<512x1024xf32, #tpu.memory_space<vmem>>, %arg9: memref<1024x128xf32, #tpu.memory_space<vmem>>, %arg10: memref<1x128xf32, #tpu.memory_space<vmem>>, %arg11: memref<256x128xf32, #tpu.memory_space<vmem>>, %arg12: memref<1x128xf32, #tpu.memory_space<vmem>>, %arg13: memref<128x1xf32, #tpu.memory_space<vmem>>, %arg14: memref<1x1xf32, #tpu.memory_space<vmem>>, %arg15: memref<512x1xf32, #tpu.memory_space<vmem>>, %arg16: memref<512x128xf32, #tpu.memory_space<vmem>>, %arg17: memref<512x128xf32, #tpu.memory_space<vmem>>) attributes {dimension_semantics = [#tpu.dimension_semantics<arbitrary>], iteration_bounds = array<i64: 10>, scalar_prefetch = 0 : i64, scratch_operands = 2 : i64, tpu.core_type = #tpu.core_type<tc>, window_params = [{transform_indices = @transform_0, window_bounds = array<i64: 1000, 128>}, {transform_indices = @transform_1, window_bounds = array<i64: 1000, 128>}, {transform_indices = @transform_2, window_bounds = array<i64: 1000, 128>}, {transform_indices = @transform_3, window_bounds = array<i64: 1, 1, 1000>}, {pipeline_mode = #tpu.pipeline_mode<synchronous>, transform_indices = @transform_4, window_bounds = array<i64: 128, 128>}, {pipeline_mode = #tpu.pipeline_mode<synchronous>, transform_indices = @transform_5, window_bounds = array<i64: 128, 128>}, {pipeline_mode = #tpu.pipeline_mode<synchronous>, transform_indices = @transform_6, window_bounds = array<i64: 1, 128>}, {pipeline_mode = #tpu.pipeline_mode<synchronous>, transform_indices = @transform_7, window_bounds = array<i64: 512, 1024>}, {pipeline_mode = #tpu.pipeline_mode<synchronous>, transform_indices = @transform_8, window_bounds = array<i64: 1024, 128>}, {pipeline_mode = #tpu.pipeline_mode<synchronous>, transform_indices = @transform_9, window_bounds = array<i64: 1, 128>}, {pipeline_mode = #tpu.pipeline_mode<synchronous>, transform_indices = @transform_10, window_bounds = array<i64: 256, 128>}, {pipeline_mode = #tpu.pipeline_mode<synchronous>, transform_indices = @transform_11, window_bounds = array<i64: 1, 128>}, {pipeline_mode = #tpu.pipeline_mode<synchronous>, transform_indices = @transform_12, window_bounds = array<i64: 128, 1>}, {pipeline_mode = #tpu.pipeline_mode<synchronous>, transform_indices = @transform_13, window_bounds = array<i64: 1, 1>}, {pipeline_mode = #tpu.pipeline_mode<synchronous>, transform_indices = @transform_14, window_bounds = array<i64: 512, 1>}]} {
    %eq3A = arith.constant 0 : i32
    %eq3A_0 = arith.cmpi eq, %arg0, %eq3A : i32
    %convert_element_type3A = arith.extui %eq3A_0 : i1 to i32
    %cond3A = arith.constant 0 : i32
    %cond3A_1 = arith.cmpi ne, %convert_element_type3A, %cond3A : i32
    scf.if %cond3A_1 {
      %broadcast_in_dim3A_60 = arith.constant 0.000000e+00 : f32
      %broadcast_in_dim3A_61 = vector.broadcast %broadcast_in_dim3A_60 : f32 to vector<512x128xf32>
      %swap3A_62 = arith.constant 0 : index
      %swap3A_63 = arith.constant 0 : index
      %swap3A_64 = vector.load %arg16[%swap3A_62, %swap3A_63] : memref<512x128xf32, #tpu.memory_space<vmem>>, vector<512x128xf32>
      tpu.vector_store %arg16[%swap3A_62, %swap3A_63], %broadcast_in_dim3A_61 {strides = array<i32>} : memref<512x128xf32, #tpu.memory_space<vmem>>, vector<512x128xf32>,
      %broadcast_in_dim3A_65 = arith.constant 0.000000e+00 : f32
      %broadcast_in_dim3A_66 = vector.broadcast %broadcast_in_dim3A_65 : f32 to vector<512x128xf32>
      %swap3A_67 = arith.constant 0 : index
      %swap3A_68 = arith.constant 0 : index
      %swap3A_69 = vector.load %arg17[%swap3A_67, %swap3A_68] : memref<512x128xf32, #tpu.memory_space<vmem>>, vector<512x128xf32>
      tpu.vector_store %arg17[%swap3A_67, %swap3A_68], %broadcast_in_dim3A_66 {strides = array<i32>} : memref<512x128xf32, #tpu.memory_space<vmem>>, vector<512x128xf32>,
    } else {
    }
    %get3A = arith.constant 0 : index
    %get3A_2 = arith.constant 0 : index
    %get3A_3 = vector.load %arg1[%get3A, %get3A_2] : memref<1000x128xf32, #tpu.memory_space<vmem>>, vector<1000x128xf32>
    %get3A_4 = arith.constant 0 : index
    %get3A_5 = arith.constant 0 : index
    %get3A_6 = vector.load %arg2[%get3A_4, %get3A_5] : memref<1000x128xf32, #tpu.memory_space<vmem>>, vector<1000x128xf32>
    %slice3A = vector.extract_strided_slice %get3A_6 {offsets = [0, 0], sizes = [1000, 1], strides = [1, 1]} : vector<1000x128xf32> to vector<1000x1xf32>
    %max3A = arith.constant 1.000000e+00 : f32
    %max3A_7 = vector.broadcast %max3A : f32 to vector<1000x1xf32>
    %max3A_8 = arith.maximumf %slice3A, %max3A_7 : vector<1000x1xf32>
    %div3A = vector.broadcast %max3A_8 : vector<1000x1xf32> to vector<1000x128xf32>
    %div3A_9 = arith.divf %get3A_3, %div3A : vector<1000x128xf32>
    %get3A_10 = arith.constant 0 : index
    %get3A_11 = arith.constant 0 : index
    %get3A_12 = vector.load %arg5[%get3A_10, %get3A_11] : memref<128x128xf32, #tpu.memory_space<vmem>>, vector<128x128xf32>
    %dot_general3A = arith.constant dense<0.000000e+00> : vector<1000x128xf32>
    %dot_general3A_13 = tpu.matmul %div3A_9, %get3A_12, %dot_general3A {dimension_numbers = #tpu.dot_dimension_numbers<[1], [0], [0], [1], [0, 0, 1, 1], [], []>, transpose_lhs_hint = false} : vector<1000x128xf32>, vector<128x128xf32>, vector<1000x128xf32> -> vector<1000x128xf32>
    %get3A_14 = arith.constant 0 : index
    %get3A_15 = arith.constant 0 : index
    %get3A_16 = vector.load %arg3[%get3A_14, %get3A_15] : memref<1000x128xf32, #tpu.memory_space<vmem>>, vector<1000x128xf32>
    %get3A_17 = arith.constant 0 : index
    %get3A_18 = arith.constant 0 : index
    %get3A_19 = vector.load %arg6[%get3A_17, %get3A_18] : memref<128x128xf32, #tpu.memory_space<vmem>>, vector<128x128xf32>
    %dot_general3A_20 = arith.constant dense<0.000000e+00> : vector<1000x128xf32>
    %dot_general3A_21 = tpu.matmul %get3A_16, %get3A_19, %dot_general3A_20 {dimension_numbers = #tpu.dot_dimension_numbers<[1], [0], [0], [1], [0, 0, 1, 1], [], []>, transpose_lhs_hint = false} : vector<1000x128xf32>, vector<128x128xf32>, vector<1000x128xf32> -> vector<1000x128xf32>
    %add3A = arith.addf %dot_general3A_13, %dot_general3A_21 : vector<1000x128xf32>
    %get3A_22 = arith.constant 0 : index
    %get3A_23 = arith.constant 0 : index
    %get3A_24 = vector.load %arg7[%get3A_22, %get3A_23] : memref<1x128xf32, #tpu.memory_space<vmem>>, vector<1x128xf32>
    %add3A_25 = vector.broadcast %get3A_24 : vector<1x128xf32> to vector<1000x128xf32>
    %add3A_26 = arith.addf %add3A, %add3A_25 : vector<1000x128xf32>
    %max3A_27 = arith.constant 0.000000e+00 : f32
    %max3A_28 = vector.broadcast %max3A_27 : f32 to vector<1000x128xf32>
    %max3A_29 = arith.maximumf %add3A_26, %max3A_28 : vector<1000x128xf32>
    %get3A_30 = arith.constant 0 : index
    %get3A_31 = arith.constant 0 : index
    %get3A_32 = arith.constant 0 : index
    %get3A_33 = vector.load %arg4[%get3A_30, %get3A_31, %get3A_32] : memref<1x1x1000xi32, #tpu.memory_space<vmem>>, vector<1x1x1000xi32>
    %reshape3A = vector.shape_cast %get3A_33 : vector<1x1x1000xi32> to vector<1x1000xi32>
    %iota3A = tpu.iota {dimensions = array<i32: 0>} : vector<512x1000xi32>
    %eq3A_34 = vector.broadcast %reshape3A : vector<1x1000xi32> to vector<512x1000xi32>
    %eq3A_35 = arith.cmpi eq, %iota3A, %eq3A_34 : vector<512x1000xi32>
    %convert_element_type3A_36 = arith.extui %eq3A_35 : vector<512x1000xi1> to vector<512x1000xi32>
    %convert_element_type3A_37 = arith.sitofp %convert_element_type3A_36 : vector<512x1000xi32> to vector<512x1000xf32>
    %get3A_38 = arith.constant 0 : index
    %get3A_39 = arith.constant 0 : index
    %get3A_40 = vector.load %arg16[%get3A_38, %get3A_39] : memref<512x128xf32, #tpu.memory_space<vmem>>, vector<512x128xf32>
    %dot_general3A_41 = arith.constant dense<0.000000e+00> : vector<512x128xf32>
    %dot_general3A_42 = tpu.matmul %convert_element_type3A_37, %max3A_29, %dot_general3A_41 {dimension_numbers = #tpu.dot_dimension_numbers<[1], [0], [0], [1], [0, 0, 1, 1], [], []>, transpose_lhs_hint = false} : vector<512x1000xf32>, vector<1000x128xf32>, vector<512x128xf32> -> vector<512x128xf32>
    %add3A_43 = arith.addf %get3A_40, %dot_general3A_42 : vector<512x128xf32>
    %swap3A = arith.constant 0 : index
    %swap3A_44 = arith.constant 0 : index
    %swap3A_45 = vector.load %arg16[%swap3A, %swap3A_44] : memref<512x128xf32, #tpu.memory_space<vmem>>, vector<512x128xf32>
    tpu.vector_store %arg16[%swap3A, %swap3A_44], %add3A_43 {strides = array<i32>} : memref<512x128xf32, #tpu.memory_space<vmem>>, vector<512x128xf32>,
    %get3A_46 = arith.constant 0 : index
    %get3A_47 = arith.constant 0 : index
    %get3A_48 = vector.load %arg17[%get3A_46, %get3A_47] : memref<512x128xf32, #tpu.memory_space<vmem>>, vector<512x128xf32>
    %reduce_sum3A = arith.constant dense<0.000000e+00> : vector<512xf32>
    %reduce_sum3A_49 = vector.multi_reduction <add>, %convert_element_type3A_37, %reduce_sum3A [1] : vector<512x1000xf32> to vector<512xf32>
    %broadcast_in_dim3A = vector.shape_cast %reduce_sum3A_49 : vector<512xf32> to vector<512x1xf32>
    %add3A_50 = vector.broadcast %broadcast_in_dim3A : vector<512x1xf32> to vector<512x128xf32>
    %add3A_51 = arith.addf %get3A_48, %add3A_50 : vector<512x128xf32>
    %swap3A_52 = arith.constant 0 : index
    %swap3A_53 = arith.constant 0 : index
    %swap3A_54 = vector.load %arg17[%swap3A_52, %swap3A_53] : memref<512x128xf32, #tpu.memory_space<vmem>>, vector<512x128xf32>
    tpu.vector_store %arg17[%swap3A_52, %swap3A_53], %add3A_51 {strides = array<i32>} : memref<512x128xf32, #tpu.memory_space<vmem>>, vector<512x128xf32>,
    %eq3A_55 = arith.constant 9 : i32
    %eq3A_56 = arith.cmpi eq, %arg0, %eq3A_55 : i32
    %convert_element_type3A_57 = arith.extui %eq3A_56 : i1 to i32
    %cond3A_58 = arith.constant 0 : i32
    %cond3A_59 = arith.cmpi ne, %convert_element_type3A_57, %cond3A_58 : i32
    scf.if %cond3A_59 {
      %get3A_60 = arith.constant 0 : index
      %get3A_61 = arith.constant 0 : index
      %get3A_62 = vector.load %arg16[%get3A_60, %get3A_61] : memref<512x128xf32, #tpu.memory_space<vmem>>, vector<512x128xf32>
      %get3A_63 = arith.constant 0 : index
      %get3A_64 = arith.constant 0 : index
      %get3A_65 = vector.load %arg17[%get3A_63, %get3A_64] : memref<512x128xf32, #tpu.memory_space<vmem>>, vector<512x128xf32>
      %slice3A_66 = vector.extract_strided_slice %get3A_65 {offsets = [0, 0], sizes = [512, 1], strides = [1, 1]} : vector<512x128xf32> to vector<512x1xf32>
      %max3A_67 = arith.constant 1.000000e+00 : f32
      %max3A_68 = vector.broadcast %max3A_67 : f32 to vector<512x1xf32>
      %max3A_69 = arith.maximumf %slice3A_66, %max3A_68 : vector<512x1xf32>
      %div3A_70 = vector.broadcast %max3A_69 : vector<512x1xf32> to vector<512x128xf32>
      %div3A_71 = arith.divf %get3A_62, %div3A_70 : vector<512x128xf32>
      %get3A_72 = arith.constant 0 : index
      %get3A_73 = arith.constant 0 : index
      %get3A_74 = vector.load %arg8[%get3A_72, %get3A_73] : memref<512x1024xf32, #tpu.memory_space<vmem>>, vector<512x1024xf32>
      %get3A_75 = arith.constant 0 : index
      %get3A_76 = arith.constant 0 : index
      %get3A_77 = vector.load %arg9[%get3A_75, %get3A_76] : memref<1024x128xf32, #tpu.memory_space<vmem>>, vector<1024x128xf32>
      %dot_general3A_78 = arith.constant dense<0.000000e+00> : vector<512x128xf32>
      %dot_general3A_79 = tpu.matmul %get3A_74, %get3A_77, %dot_general3A_78 {dimension_numbers = #tpu.dot_dimension_numbers<[1], [0], [0], [1], [0, 0, 1, 1], [], []>, transpose_lhs_hint = false} : vector<512x1024xf32>, vector<1024x128xf32>, vector<512x128xf32> -> vector<512x128xf32>
      %get3A_80 = arith.constant 0 : index
      %get3A_81 = arith.constant 0 : index
      %get3A_82 = vector.load %arg10[%get3A_80, %get3A_81] : memref<1x128xf32, #tpu.memory_space<vmem>>, vector<1x128xf32>
      %add3A_83 = vector.broadcast %get3A_82 : vector<1x128xf32> to vector<512x128xf32>
      %add3A_84 = arith.addf %dot_general3A_79, %add3A_83 : vector<512x128xf32>
      %concatenate3A = tpu.concatenate %div3A_71, %add3A_84 in 1 : vector<512x128xf32>, vector<512x128xf32> -> vector<512x256xf32>
      %get3A_85 = arith.constant 0 : index
      %get3A_86 = arith.constant 0 : index
      %get3A_87 = vector.load %arg11[%get3A_85, %get3A_86] : memref<256x128xf32, #tpu.memory_space<vmem>>, vector<256x128xf32>
      %dot_general3A_88 = arith.constant dense<0.000000e+00> : vector<512x128xf32>
      %dot_general3A_89 = tpu.matmul %concatenate3A, %get3A_87, %dot_general3A_88 {dimension_numbers = #tpu.dot_dimension_numbers<[1], [0], [0], [1], [0, 0, 1, 1], [], []>, transpose_lhs_hint = false} : vector<512x256xf32>, vector<256x128xf32>, vector<512x128xf32> -> vector<512x128xf32>
      %get3A_90 = arith.constant 0 : index
      %get3A_91 = arith.constant 0 : index
      %get3A_92 = vector.load %arg12[%get3A_90, %get3A_91] : memref<1x128xf32, #tpu.memory_space<vmem>>, vector<1x128xf32>
      %add3A_93 = vector.broadcast %get3A_92 : vector<1x128xf32> to vector<512x128xf32>
      %add3A_94 = arith.addf %dot_general3A_89, %add3A_93 : vector<512x128xf32>
      %max3A_95 = arith.constant 0.000000e+00 : f32
      %max3A_96 = vector.broadcast %max3A_95 : f32 to vector<512x128xf32>
      %max3A_97 = arith.maximumf %add3A_94, %max3A_96 : vector<512x128xf32>
      %get3A_98 = arith.constant 0 : index
      %get3A_99 = arith.constant 0 : index
      %get3A_100 = vector.load %arg13[%get3A_98, %get3A_99] : memref<128x1xf32, #tpu.memory_space<vmem>>, vector<128x1xf32>
      %dot_general3A_101 = arith.constant dense<0.000000e+00> : vector<512x1xf32>
      %dot_general3A_102 = tpu.matmul %max3A_97, %get3A_100, %dot_general3A_101 {dimension_numbers = #tpu.dot_dimension_numbers<[1], [0], [0], [1], [0, 0, 1, 1], [], []>, transpose_lhs_hint = false} : vector<512x128xf32>, vector<128x1xf32>, vector<512x1xf32> -> vector<512x1xf32>
      %get3A_103 = arith.constant 0 : index
      %get3A_104 = arith.constant 0 : index
      %get3A_105 = vector.load %arg14[%get3A_103, %get3A_104] : memref<1x1xf32, #tpu.memory_space<vmem>>, vector<1x1xf32>
      %add3A_106 = vector.broadcast %get3A_105 : vector<1x1xf32> to vector<512x1xf32>
      %add3A_107 = arith.addf %dot_general3A_102, %add3A_106 : vector<512x1xf32>
      %swap3A_108 = arith.constant 0 : index
      %swap3A_109 = arith.constant 0 : index
      %swap3A_110 = vector.load %arg15[%swap3A_108, %swap3A_109] : memref<512x1xf32, #tpu.memory_space<vmem>>, vector<512x1xf32>
      tpu.vector_store %arg15[%swap3A_108, %swap3A_109], %add3A_107 {strides = array<i32>} : memref<512x1xf32, #tpu.memory_space<vmem>>, vector<512x1xf32>,
    } else {
    }
    return
  }
  func.func @transform_0(%arg0: i32) -> (i32, i32) {
    %c0_i32 = arith.constant 0 : i32
    %c0_i32_0 = arith.constant 0 : i32
    return %arg0, %c0_i32 : i32, i32
  }
  func.func @transform_1(%arg0: i32) -> (i32, i32) {
    %add3A = arith.constant 10 : i32
    %add3A_0 = arith.addi %arg0, %add3A : i32
    %c0_i32 = arith.constant 0 : i32
    %c0_i32_1 = arith.constant 0 : i32
    return %add3A_0, %c0_i32 : i32, i32
  }
  func.func @transform_2(%arg0: i32) -> (i32, i32) {
    %c0_i32 = arith.constant 0 : i32
    %c0_i32_0 = arith.constant 0 : i32
    return %arg0, %c0_i32 : i32, i32
  }
  func.func @transform_3(%arg0: i32) -> (i32, i32, i32) {
    %c0_i32 = arith.constant 0 : i32
    %c0_i32_0 = arith.constant 0 : i32
    %c0_i32_1 = arith.constant 0 : i32
    return %arg0, %c0_i32, %c0_i32_0 : i32, i32, i32
  }
  func.func @transform_4(%arg0: i32) -> (i32, i32) {
    %c0_i32 = arith.constant 0 : i32
    %c0_i32_0 = arith.constant 0 : i32
    %c0_i32_1 = arith.constant 0 : i32
    return %c0_i32, %c0_i32_0 : i32, i32
  }
  func.func @transform_5(%arg0: i32) -> (i32, i32) {
    %c0_i32 = arith.constant 0 : i32
    %c0_i32_0 = arith.constant 0 : i32
    %c0_i32_1 = arith.constant 0 : i32
    return %c0_i32, %c0_i32_0 : i32, i32
  }
  func.func @transform_6(%arg0: i32) -> (i32, i32) {
    %c0_i32 = arith.constant 0 : i32
    %c0_i32_0 = arith.constant 0 : i32
    %c0_i32_1 = arith.constant 0 : i32
    return %c0_i32, %c0_i32_0 : i32, i32
  }
  func.func @transform_7(%arg0: i32) -> (i32, i32) {
    %c0_i32 = arith.constant 0 : i32
    %c0_i32_0 = arith.constant 0 : i32
    %c0_i32_1 = arith.constant 0 : i32
    return %c0_i32, %c0_i32_0 : i32, i32
  }
  func.func @transform_8(%arg0: i32) -> (i32, i32) {
    %c0_i32 = arith.constant 0 : i32
    %c0_i32_0 = arith.constant 0 : i32
    %c0_i32_1 = arith.constant 0 : i32
    return %c0_i32, %c0_i32_0 : i32, i32
  }
  func.func @transform_9(%arg0: i32) -> (i32, i32) {
    %c0_i32 = arith.constant 0 : i32
    %c0_i32_0 = arith.constant 0 : i32
    %c0_i32_1 = arith.constant 0 : i32
    return %c0_i32, %c0_i32_0 : i32, i32
  }
  func.func @transform_10(%arg0: i32) -> (i32, i32) {
    %c0_i32 = arith.constant 0 : i32
    %c0_i32_0 = arith.constant 0 : i32
    %c0_i32_1 = arith.constant 0 : i32
    return %c0_i32, %c0_i32_0 : i32, i32
  }
  func.func @transform_11(%arg0: i32) -> (i32, i32) {
    %c0_i32 = arith.constant 0 : i32
    %c0_i32_0 = arith.constant 0 : i32
    %c0_i32_1 = arith.constant 0 : i32
    return %c0_i32, %c0_i32_0 : i32, i32
  }
  func.func @transform_12(%arg0: i32) -> (i32, i32) {
    %c0_i32 = arith.constant 0 : i32
    %c0_i32_0 = arith.constant 0 : i32
    %c0_i32_1 = arith.constant 0 : i32
    return %c0_i32, %c0_i32_0 : i32, i32
  }
  func.func @transform_13(%arg0: i32) -> (i32, i32) {
    %c0_i32 = arith.constant 0 : i32
    %c0_i32_0 = arith.constant 0 : i32
    %c0_i32_1 = arith.constant 0 : i32
    return %c0_i32, %c0_i32_0 : i32, i32
  }
  func.func @transform_14(%arg0: i32) -> (i32, i32) {
    %c0_i32 = arith.constant 0 : i32
    %c0_i32_0 = arith.constant 0 : i32
    %c0_i32_1 = arith.constant 0 : i32
    return %c0_i32, %c0_i32_0 : i32, i32
  }
}

</mosaic_0001>

<sc_bundles>
// kernel: kernel.4.cloned.1.call-start
scs
__scs_entry_jumppad:
0x0: {  	(pc) =	sbr.rel $0x88, $3  }
0x1: {  	(tag) =	ssettag $0x0;
	lr =	simm.s32 $0x1  }
0x2: {  	[smem:$0x3F94] =	sst lr;
	_ =	strace $0xD0000000  }
0x3: {  	_ = 	snop  }
0x4: {  	_ = 	snop  }
0x5: {  	_ = 	snop  }
0x6: {  	_ = 	snop  }
0x7: {  	_ = 	snop  }
__scs_overlays_trampoline_lowered:
0x8: {  	[smem:$0x3FA3] =	sst s0  }
0x9: {  	[smem:$0x3FA4] =	sst s1  }
0xa: {  	[smem:$0x3FA5] =	sst s2  }
0xb: {  	[smem:$0x3FA6] =	sst s3  }
0xc: {  	[smem:$0x3FA7] =	sst s4  }
0xd: {  	[smem:$0x3FA8] =	sst s5  }
0xe: {  	[smem:$0x3FA9] =	sst s6  }
0xf: {  	[smem:$0x3FAA] =	sst s7  }
0x10: {  	[smem:$0x3FAB] =	sst s8  }
0x11: {  	[smem:$0x3FAC] =	sst s9;
	s0 =	simm.s32 @!p0 $0x0  }
0x12: {  	s1 =	sld [smem:$0x3F92];
	s0 =	simm.s32 @p0 $0x1  }
0x13: {  	[smem:$0x3FAD] =	sst s0;
	s0 =	simm.s32 @!p1 $0x0  }
0x14: {  	s2 =	sld [smem:$0x3F91];
	s0 =	simm.s32 @p1 $0x1  }
0x15: {  	[smem:$0x3FAE] =	sst s0;
	s0 =	simm.s32 @!p2 $0x0  }
0x16: {  	s3 =	sld [smem:$0x3FDB];
	s0 =	simm.s32 @p2 $0x1  }
0x17: {  	s4 =	simm.s32 $0x1BF5;
	[smem:$0x3FB0] =	sst s0  }
0x18: {  	s0 =	sld [smem:$0x3F93];
	_ =	swait.ge [sflag:s4], $0x0  }
0x19: {  	s7 =	sld [smem:$0x3F94]  }
0x1a: {  	s8 =	sadd.s32 $0xFFFFE003, lr  }
0x1b: {  	s9 =	sadd.s32 $0xFFFFFEF7, lr;
	s5 =	simm.s32 $0xFFFFFFFF;
	p2 =	slt.u32 s8, $0xFFFFF086  }
0x1c: {  	p1 =	slt.u32 s9, $0xF7A;
	s5 =	simm.s32 @!p2 $0x0  }
0x1d: {  	s5 =	simm.s32 @p1 $0x1;
	p0 =	seq.s32 s7, s2  }
0x1e: {  	s7 =	smul.u32 @!p0 $0xF7A, s2;
	p2 =	seq.s32 @!p0 s5, $0x0  }
0x1f: {  	s9 =	smul.u32 $0xF7A, s1;
	s8 =	simm.s32 @!p0 $0x1BF5;
	p2 =	por !p2, p0  }
0x20: {  	[sflag:s8] =	ssyncset.s32 @!p0 $0xFFFFF086;
	s6 =	sadd.s32 @!p0 s3, s7;
	s7 =	simm.s32 @!p0 $0x108  }
0x21: {  	s3 =	sadd.s32 s3, s9;
	s6 =	sadd.s32 @!p0 $0x88, s6;
	s7 =	simm.s32 @p2 $0x1082  }
0x22: {  	[simem:s7], [sflag:s8] =	dma.local @!p0 [hbm:s6], $0xF7A  }
0x23: {  	s9 =	sor.u32 $0xD0000000, s2;
	s6 =	simm.s32 $0x108;
	_ =	swait.ge @!p0 [sflag:s8], $0x0  }
0x24: {  	s3 =	sadd.s32 $0x88, s3;
	s6 =	simm.s32 @!p1 $0x1082;
	[sflag:s4] =	ssyncset.s32 $0xFFFFF086  }
0x25: {  	[simem:s6], [sflag:s4] =	dma.local [hbm:s3], $0xF7A  }
0x26: {  	[smem:$0x3F94] =	sst s1;
	(tag) =	ssettag s2;
	_ =	strace s9  }
0x27: {  	s1 =	sld [smem:$0x3FA4]  }
0x28: {  	s2 =	sld [smem:$0x3FA5]  }
0x29: {  	s4 =	sld [smem:$0x3FA7]  }
0x2a: {  	p0 =	seq.s32 s5, $0x0;
	s5 =	sld [smem:$0x3FA8]  }
0x2b: {  	s6 =	sld [smem:$0x3FA9]  }
0x2c: {  	s7 =	sld [smem:$0x3FAA]  }
0x2d: {  	s3 =	simm.s32 $0x108;
	s8 =	sld [smem:$0x3FAB]  }
0x2e: {  	s3 =	simm.s32 @!p0 $0x1082;
	s9 =	sld [smem:$0x3FAC]  }
0x2f: {  	lr =	sadd.s32 s0, s3;
	s0 =	sld [smem:$0x3FA3]  }
0x30: {  	s3 =	sld [smem:$0x3FA6]  }
0x31: {  	[smem:$0x3FAF] =	sst s10  }
0x32: {  	s10 =	sld [smem:$0x3FAD];
	_ =	sdelay $0x3  }
0x33: {  	p0 =	seq.s32 s10, $0x1;
	s10 =	sld [smem:$0x3FAF];
	_ =	sdelay $0x3  }
0x34: {  	[smem:$0x3FAF] =	sst s10  }
0x35: {  	s10 =	sld [smem:$0x3FAE];
	_ =	sdelay $0x3  }
0x36: {  	p1 =	seq.s32 s10, $0x1;
	s10 =	sld [smem:$0x3FAF];
	_ =	sdelay $0x3  }
0x37: {  	[smem:$0x3FAF] =	sst s10  }
0x38: {  	s10 =	sld [smem:$0x3FB0]  }
0x39: {  	_ = 	snop;
	(pc) =	sbr.ind lr, $3  }
0x3a: {  	_ = 	snop  }
0x3b: {  	_ = 	snop  }
0x3c: {  	p2 =	seq.s32 s10, $0x1;
	s10 =	sld [smem:$0x3FAF]  }
0x3d: {  	_ =	shalt  }
0x3e: {  	_ =	shalt  }
0x3f: {  	_ =	shalt  }
0x40: {  	_ =	shalt  }
0x41: {  	_ =	shalt  }
0x42: {  	_ =	shalt  }
0x43: {  	_ =	shalt  }
0x44: {  	_ =	shalt  }
0x45: {  	_ =	shalt  }
0x46: {  	_ =	shalt  }
0x47: {  	_ =	shalt  }
0x48: {  	_ =	shalt  }
0x49: {  	_ =	shalt  }
0x4a: {  	_ =	shalt  }
0x4b: {  	_ =	shalt  }
0x4c: {  	_ =	shalt  }
0x4d: {  	_ =	shalt  }
0x4e: {  	_ =	shalt  }
0x4f: {  	_ =	shalt  }
0x50: {  	_ =	shalt  }
0x51: {  	_ =	shalt  }
0x52: {  	_ =	shalt  }
0x53: {  	_ =	shalt  }
0x54: {  	_ =	shalt  }
0x55: {  	_ =	shalt  }
0x56: {  	_ =	shalt  }
0x57: {  	_ =	shalt  }
0x58: {  	_ =	shalt  }
0x59: {  	_ =	shalt  }
0x5a: {  	_ =	shalt  }
0x5b: {  	_ =	shalt  }
0x5c: {  	_ =	shalt  }
0x5d: {  	_ =	shalt  }
0x5e: {  	_ =	shalt  }
0x5f: {  	_ =	shalt  }
0x60: {  	_ =	shalt  }
0x61: {  	_ =	shalt  }
0x62: {  	_ =	shalt  }
0x63: {  	_ =	shalt  }
0x64: {  	_ =	shalt  }
0x65: {  	_ =	shalt  }
0x66: {  	_ =	shalt  }
0x67: {  	_ =	shalt  }
0x68: {  	_ =	shalt  }
0x69: {  	_ =	shalt  }
0x6a: {  	_ =	shalt  }
0x6b: {  	_ =	shalt  }
0x6c: {  	_ =	shalt  }
0x6d: {  	_ =	shalt  }
0x6e: {  	_ =	shalt  }
0x6f: {  	_ =	shalt  }
0x70: {  	_ =	shalt  }
0x71: {  	_ =	shalt  }
0x72: {  	_ =	shalt  }
0x73: {  	_ =	shalt  }
0x74: {  	_ =	shalt  }
0x75: {  	_ =	shalt  }
0x76: {  	_ =	shalt  }
0x77: {  	_ =	shalt  }
0x78: {  	_ =	shalt  }
0x79: {  	_ =	shalt  }
0x7a: {  	_ =	shalt  }
0x7b: {  	_ =	shalt  }
0x7c: {  	_ =	shalt  }
0x7d: {  	_ =	shalt  }
0x7e: {  	_ =	shalt  }
0x7f: {  	_ =	shalt  }
0x80: {  	_ =	shalt  }
0x81: {  	_ =	shalt  }
0x82: {  	_ =	shalt  }
0x83: {  	_ =	shalt  }
0x84: {  	_ =	shalt  }
0x85: {  	_ =	shalt  }
0x86: {  	_ =	shalt  }
0x87: {  	_ =	shalt  }
.Lfunc_end0:
.L_simem_size_0:
called_computation_lowered:
.L_overlay_start_0:
0x88: {  	s2 =	sld [smem:$0x3FD9]  }
0x89: {  	s3 =	sld [smem:$0x3FFE];
	_ =	sdelay $0x1  }
0x8a: {  	s1 =	srdreg.scid  }
0x8b: {  	s0 =	sand.u32 $0x1, s1  }
0x8c: {  	s17 =	sshll.u32 s0, $0xA;
	s2 =	sadd.s32 s3, s2  }
0x8d: {  	s2 =	sadd.s32 s2, s17  }
0x8e: {  	[smem:$0x3FBB] =	sst s2  }
0x8f: {  	_ = 	snop  }
0x90: {  	s2 =	sld [smem:$0x3FC9];
	(tm) =	ssettm $0x1  }
0x91: {  	s18 =	sld [smem:$0x3FFB];
	_ =	sdelay $0x3  }
0x92: {  	_ =	strace s18  }
0x93: {  	s3 =	sld [smem:$0x3FFC];
	_ =	sdelay $0x3  }
0x94: {  	_ =	strace s3  }
0x95: {  	s3 =	sld [smem:$0x3FFD];
	_ =	sdelay $0x3  }
0x96: {  	_ =	strace s3  }
0x97: {  	_ =	strace $0x8FFFFFFF  }
0x98: {  	s19 =	sld [smem:$0x3FDB];
	_ =	sdelay $0x1  }
0x99: {  	s4 =	simm.s32 $_scs_section_size  }
0x9a: {  	s5 =	simm.s32 $_size__tile_overlayer_lowered;
	s6 =	simm.s32 $_tile_overlayer_lowered  }
0x9b: {  	s22 =	simm.s32 $0x1BFF;
	s21 =	sshll.u32 s6, $0x1;
	s3 =	sadd.s32 s4, s19  }
0x9c: {  	s7 =	simm.s32 $0x0;
	s20 =	sshll.u32 s5, $0x1;
	s5 =	sadd.s32 s21, s3  }
0x9d: {  	[timem:s7], [sflag:s22] =	dma.local [hbm:s5], s20  }
0x9e: {  	_ =	swait.ge [sflag:s22], s20  }
0x9f: {  	s4 =	ssub.s32 $0x0, s20;
	[sflag:s22] =	ssyncset.done $0x0  }
0xa0: {  	[sflag:s22] =	ssyncadd.s32 s4;
	_ =	sdelay $0x1  }
0xa1: {  	s23 =	simm.s32 $0x1B8B  }
0xa2: {  	_ =	swait.ge [sflag:s23], $0x1  }
0xa3: {  	[sflag:s23] =	ssyncset.done $0x0  }
0xa4: {  	s25 =	simm.s32 $0x1B8E;
	s24 =	sld [smem:$0x3FFE];
	[sflag:s23] =	ssyncadd.s32 $0xFFFFFFFF  }
0xa5: {  	s26 =	simm.s32 $execute0_lowered;
	[smem:$0x3FD2] =	sst s25  }
0xa6: {  	s5 =	sshll.u32 s26, $0x1;
	_ =	strace $0x80000046;
	[dreg:$0x1] =	wrdreg $0xFFFFFFFF  }
0xa7: {  	s28 =	simm.s32 $_size_execute0_lowered;
	s3 =	sadd.s32 s3, s5;
	[dreg:$0x0] =	wrdreg $0x0  }
0xa8: {  	s5 =	sshll.u32 s28, $0x1;
	[dreg:$0x2] =	wrdreg s3  }
0xa9: {  	[dreg:$0x3] =	wrdreg s5  }
0xaa: {  	[dreg:$0x4] =	wrdreg $0xC0  }
0xab: {  	_ =	task [dreg:s7], $0x5FFFF  }
0xac: {  	[dreg:$0x1] =	wrdreg $0xFFFFFFFF  }
0xad: {  	[dreg:$0x0] =	wrdreg $0x60  }
0xae: {  	[dreg:$0x2] =	wrdreg s2  }
0xaf: {  	[dreg:$0x3] =	wrdreg s24  }
0xb0: {  	[dreg:$0x4] =	wrdreg $0x54800  }
0xb1: {  	[dreg:$0x5] =	wrdreg $0x9  }
0xb2: {  	_ =	task.clear_ibuf [dreg:s7], $0x6FFFF;
	_ =	strace $0x90000046  }
0xb3: {  	s29 =	simm.s32 $0x9;
	_ =	strace $0x80000048  }
0xb4: {  	_ =	swait.ge [sflag:s29], $0x1  }
0xb5: {  	[sflag:s29] =	ssyncadd.s32 $0xFFFFFFFF  }
0xb6: {  	_ =	strace $0x90000048  }
0xb7: {  	_ =	sfence  }
0xb8: {  	s30 =	sld [smem:$0x0];
	_ =	sdelay $0x2  }
0xb9: {  	s31 =	sshll.u32 s1, $0xD;
	s1 =	sshrl.u32 s1, $0x2  }
0xba: {  	s3 =	sand.u32 $0x4000, s31;
	s1 =	sadd.s32 s1, s30  }
0xbb: {  	s0 =	sor.u32 s3, s0;
	s1 =	sshll.u32 s1, $0x11  }
0xbc: {  	s0 =	sor.u32 s1, s0  }
0xbd: {  	s0 =	sadd.s32 $0x8F2B, s0  }
0xbe: {  	[sflag:s0] =	ssyncadd.remote.s32 $0x1  }
0xbf: {  	_ =	sfence.sel $0xFFFF  }
0xc0: {  	[dreg:$0x0] =	wrdreg $0xFFFFFFFF;
	(pc) =	sbr.abs _section_cstart, $3  }
0xc1: {  	[dreg:$0x1] =	wrdreg $0xFFFFFFFF  }
0xc2: {  	_ =	task.clear_ibuf [dreg:s7], $0x2FFFF;
	_ =	strace $0x9FFFFFFF  }
0xc3: {  	(tm) =	ssettm $0x7FFFFFFF  }
tec
execute0_lowered:
.L_overlay_start_1:
0x0: {  	(tag) =	ssettag $0x1  }
0x1: {  	s2 =	rddreg [dreg:$0x0]  }
0x2: {  	s0 =	rddreg [dreg:$0x1]  }
0x3: {  	s3 =	rddreg [dreg:$0x2]  }
0x4: {  	s19 =	stileid.u32;
	s4 =	simm.s32 $0x0;
	s25 =	srdreg.scid  }
0x5: {  	s29 =	simm.s32 $0x480;
	s30 =	simm.s32 $0x7;
	s1 =	smul.u32 $0x9C4, s19  }
0x6: {  	s31 =	simm.s32 $0x380;
	[smem:$0x7FF] =	sst s4;
	s8 =	smul.u32 $0x4E000, s19  }
0x7: {  	s6 =	sadd.s32 $0x1A00, s0;
	s7 =	sadd.s32 $0x15C00, s0;
	s10 =	smul.u32 $0x270, s19  }
0x8: {  	s9 =	sadd.s32 $0x15600, s0;
	s26 =	sand.u32 $0x1, s25;
	s17 =	smul.u32 $0x4E20, s19  }
0x9: {  	p1 =	sne.s32 s19, $0xF;
	_ =	strace $0x80000047;
	[dreg:$0xa] =	wrdreg s7  }
0xa: {  	s19 =	simm.s32 $0x1;
	[dreg:$0xb] =	wrdreg s9;
	s12 =	smul.u32 $0x2710, s26  }
0xb: {  	s11 =	ssub.s32 $0x2, s26;
	p0 =	seq.s32 s26, $0x1;
	s25 =	smul.u32 $0x138800, s26  }
0xc: {  	s26 =	simm.s32 $0xA0;
	s9 =	simm.s32 $0xF0;
	s5 =	sadd.s32 s1, s0  }
0xd: {  	s18 =	sshrl.u32 s8, $0x2;
	s0 =	sadd.s32 $0x16200, s0;
	[dreg:$0x5] =	wrdreg s26  }
0xe: {  	s20 =	sshrl.u32 s11, $0x1;
	[dreg:$0x6] =	wrdreg s9;
	s7 =	sadd.s32 s18, s3  }
0xf: {  	s17 =	sshrl.u32 s17, $0x3;
	s24 =	sadd.s32 $0xB800, s5;
	[dreg:$0xd] =	wrdreg s7  }
0x10: {  	s18 =	sadd.s32 $0x138000, s3;
	s17 =	sadd.s32 s6, s17;
	[dreg:$0x4] =	wrdreg s24  }
0x11: {  	s8 =	ssub.s32 s11, s20;
	s21 =	sadd.s32 $0xA, s17;
	[dreg:$0x10] =	wrdreg s18  }
0x12: {  	s16 =	sadd.s32 s10, s12;
	s17 =	simm.s32 $0x140;
	[dreg:$0x12] =	wrdreg s21  }
0x13: {  	s5 =	sshrl.u32 s25, $0x3;
	s24 =	smax.u32 s8, $0x1;
	[dreg:$0x7] =	wrdreg s17  }
0x14: {  	s10 =	sadd.s32 $0x2800, s7;
	s15 =	sadd.s32 $0x5000, s7;
	[dreg:$0x1a] =	wrdreg s24  }
0x15: {  	s11 =	sadd.s32 $0x7800, s7;
	s14 =	sadd.s32 $0xF000, s7;
	[dreg:$0xc] =	wrdreg s10  }
0x16: {  	s12 =	sadd.s32 $0xA000, s7;
	s28 =	sadd.s32 $0x11800, s7;
	[dreg:$0xe] =	wrdreg s14  }
0x17: {  	s20 =	sshll.u32 s16, $0x4;
	s16 =	sadd.s32 s6, s1;
	[dreg:$0xf] =	wrdreg s28  }
0x18: {  	s6 =	sadd.s32 s0, s20;
	s20 =	simm.s32 $0x190;
	[dreg:$0x11] =	wrdreg s15  }
0x19: {  	s13 =	sadd.s32 $0xC800, s7;
	s1 =	simm.s32 $0x50;
	[dreg:$0x8] =	wrdreg s20  }
0x1a: {  	s0 =	sadd.s32 s0, s5;
	s22 =	sadd.s32 $0x500, s6;
	[dreg:$0x13] =	wrdreg s6  }
0x1b: {  	s17 =	simm.s32 $0x8;
	s23 =	sadd.s32 $0xA00, s6;
	[dreg:$0x14] =	wrdreg s22  }
0x1c: {  	s5 =	simm.s32 $0x4;
	s7 =	sadd.s32 $0xF00, s6;
	[dreg:$0x15] =	wrdreg s23  }
0x1d: {  	s24 =	simm.s32 $0x230;
	s21 =	sadd.s32 $0x1400, s6;
	[dreg:$0x16] =	wrdreg s7  }
0x1e: {  	s0 =	sadd.s32 $0x27000, s0;
	s25 =	sadd.s32 $0x1E00, s6;
	[dreg:$0x17] =	wrdreg s21  }
0x1f: {  	s26 =	sadd.s32 $0x2300, s6;
	s20 =	simm.s32 $0x5;
	[dreg:$0x19] =	wrdreg s0  }
.Ltmp0:
0x20: {  	s22 =	simm.s32 $0x1E0;
	[dreg:$0x1b] =	wrdreg s25;
	(pc) =	sbr.rel .LBB2_1-.Ltmp0, $4  }
0x21: {  	s23 =	sadd.s32 $0x1900, s6;
	[dreg:$0x1c] =	wrdreg s26;
	s0 =	simm.s32 $0x400  }
0x22: {  	s6 =	simm.s32 $0x3;
	s21 =	simm.s32 $0x2C80;
	s25 =	simm.s32 $0x280  }
0x23: {  	s26 =	simm.s32 $0x2D0;
	s7 =	simm.s32 $0x0;
	[dreg:$0x9] =	wrdreg s22  }
0x24: {  	[dreg:$0x18] =	wrdreg s23;
	s22 =	simm.s32 $0x2;
	s23 =	simm.s32 $0x6  }
.LBB2_7:
0x25: {  	[sflag:s30] =	ssyncadd.s32 $0xFFFFFFB0  }
0x26: {  	[spmem:s3] =	stream.indirect.scatter.add.f32 [tilespmem:s29], [sflag:$0x3], $0x80, s31, s1, $0xb8;
	[tilespmem:$0x18D00] =	vst v63  }
0x27: {  	_ = 	snop  }
0x28: {  	[spmem:s3] =	stream.indirect.scatter.add.f32 [tilespmem:s29], [sflag:$0x4], $0x80, s0, s1, $0xb8;
	[tilespmem:$0x18D00] =	vst v63  }
0x29: {  	_ =	swait.ge [sflag:s6], $0x2800  }
0x2a: {  	s10 =	rddreg [dreg:$0x11]  }
0x2b: {  	s28 =	rddreg [dreg:$0xe]  }
0x2c: {  	s7 =	smov.u32 s12;
	[sflag:s6] =	ssyncset.done $0x0;
	s18 =	rddreg [dreg:$0xf]  }
0x2d: {  	s12 =	smov.u32 s14;
	s13 =	rddreg [dreg:$0x10];
	[sflag:s6] =	ssyncadd.s32 $0xFFFFD800  }
.LBB2_8:
0x2e: {  	_ =	swait.ge [sflag:s5], $0x2800  }
0x2f: {  	[sflag:s5] =	ssyncset.done $0x0  }
0x30: {  	[sflag:s5] =	ssyncadd.s32 $0xFFFFD800  }
0x31: {  	[bflag:$0x0] =	sbarrier.arrive $0xFFFF  }
0x32: {  	s8 =	rddreg [dreg:$0xd]  }
0x33: {  	[tilespmem:s29], [sflag:$0x7] =	stream.linear.gather [spmem:s8], $0x2800, $0x38;
	[tilespmem:$0x18D00] =	vst v63  }
0x34: {  	_ =	swait.ge [sflag:s30], $0x2800  }
0x35: {  	[sflag:s30] =	ssyncset.done $0x0  }
0x36: {  	s14 =	rddreg [dreg:$0x13];
	[sflag:s30] =	ssyncadd.s32 $0xFFFFD800  }
0x37: {  	[hbm4b:s14+s4] =	stream.linear.scatter [tilespmem:s29], [sflag:$0x7], $0x2800, $0x38;
	[tilespmem:$0x18D00] =	vst v63  }
0x38: {  	_ =	swait.ge [sflag:s30], $0x2800  }
0x39: {  	[sflag:s30] =	ssyncset.done $0x0  }
0x3a: {  	[sflag:s30] =	ssyncadd.s32 $0xFFFFD800  }
0x3b: {  	[tilespmem:s29], [sflag:$0x7] =	stream.linear.gather [spmem:s7], $0x2800, $0x38;
	[tilespmem:$0x18D00] =	vst v63  }
0x3c: {  	_ =	swait.ge [sflag:s30], $0x2800  }
0x3d: {  	[sflag:s30] =	ssyncset.done $0x0  }
0x3e: {  	s7 =	rddreg [dreg:$0x14];
	[sflag:s30] =	ssyncadd.s32 $0xFFFFD800  }
0x3f: {  	[hbm4b:s7+s4] =	stream.linear.scatter [tilespmem:s29], [sflag:$0x7], $0x2800, $0x38;
	[tilespmem:$0x18D00] =	vst v63  }
0x40: {  	_ =	swait.ge [sflag:s30], $0x2800  }
0x41: {  	[sflag:s30] =	ssyncset.done $0x0  }
0x42: {  	[sflag:s30] =	ssyncadd.s32 $0xFFFFD800  }
0x43: {  	[tilespmem:s29], [sflag:$0x7] =	stream.linear.gather [spmem:s10], $0x2800, $0x38;
	[tilespmem:$0x18D00] =	vst v63  }
0x44: {  	_ =	swait.ge [sflag:s30], $0x2800  }
0x45: {  	[sflag:s30] =	ssyncset.done $0x0  }
0x46: {  	s9 =	rddreg [dreg:$0x15];
	[sflag:s30] =	ssyncadd.s32 $0xFFFFD800  }
0x47: {  	[hbm4b:s9+s4] =	stream.linear.scatter [tilespmem:s29], [sflag:$0x7], $0x2800, $0x38;
	[tilespmem:$0x18D00] =	vst v63  }
0x48: {  	_ =	swait.ge [sflag:s30], $0x2800  }
0x49: {  	[sflag:s30] =	ssyncset.done $0x0  }
0x4a: {  	[sflag:s30] =	ssyncadd.s32 $0xFFFFD800  }
0x4b: {  	[tilespmem:s29], [sflag:$0x7] =	stream.linear.gather [spmem:s11], $0x2800, $0x38;
	[tilespmem:$0x18D00] =	vst v63  }
0x4c: {  	_ =	swait.ge [sflag:s30], $0x2800  }
0x4d: {  	[sflag:s30] =	ssyncset.done $0x0  }
0x4e: {  	s14 =	rddreg [dreg:$0x16];
	[sflag:s30] =	ssyncadd.s32 $0xFFFFD800  }
0x4f: {  	[hbm4b:s14+s4] =	stream.linear.scatter [tilespmem:s29], [sflag:$0x7], $0x2800, $0x38;
	[tilespmem:$0x18D00] =	vst v63  }
0x50: {  	_ =	swait.ge [sflag:s30], $0x2800  }
0x51: {  	[sflag:s30] =	ssyncset.done $0x0  }
0x52: {  	[sflag:s30] =	ssyncadd.s32 $0xFFFFD800  }
0x53: {  	[tilespmem:s29], [sflag:$0x7] =	stream.linear.gather [spmem:s15], $0x2800, $0x38;
	[tilespmem:$0x18D00] =	vst v63  }
0x54: {  	_ =	swait.ge [sflag:s30], $0x2800  }
0x55: {  	[sflag:s30] =	ssyncset.done $0x0  }
0x56: {  	s7 =	rddreg [dreg:$0x17];
	[sflag:s30] =	ssyncadd.s32 $0xFFFFD800  }
0x57: {  	[hbm4b:s7+s4] =	stream.linear.scatter [tilespmem:s29], [sflag:$0x7], $0x2800, $0x38;
	[tilespmem:$0x18D00] =	vst v63  }
0x58: {  	_ =	swait.ge [sflag:s30], $0x2800  }
0x59: {  	[sflag:s30] =	ssyncset.done $0x0  }
0x5a: {  	[sflag:s30] =	ssyncadd.s32 $0xFFFFD800  }
0x5b: {  	[tilespmem:s29], [sflag:$0x7] =	stream.linear.gather [spmem:s12], $0x2800, $0x38;
	[tilespmem:$0x18D00] =	vst v63  }
0x5c: {  	_ =	swait.ge [sflag:s30], $0x2800  }
0x5d: {  	[sflag:s30] =	ssyncset.done $0x0  }
0x5e: {  	s9 =	rddreg [dreg:$0x18];
	[sflag:s30] =	ssyncadd.s32 $0xFFFFD800  }
0x5f: {  	[hbm4b:s9+s4] =	stream.linear.scatter [tilespmem:s29], [sflag:$0x7], $0x2800, $0x38;
	[tilespmem:$0x18D00] =	vst v63  }
0x60: {  	_ =	swait.ge [sflag:s30], $0x2800  }
0x61: {  	[sflag:s30] =	ssyncset.done $0x0  }
0x62: {  	[sflag:s30] =	ssyncadd.s32 $0xFFFFD800  }
0x63: {  	[tilespmem:s29], [sflag:$0x7] =	stream.linear.gather [spmem:s28], $0x2800, $0x38;
	[tilespmem:$0x18D00] =	vst v63  }
0x64: {  	_ =	swait.ge [sflag:s30], $0x2800  }
0x65: {  	[sflag:s30] =	ssyncset.done $0x0  }
0x66: {  	s14 =	rddreg [dreg:$0x1b];
	[sflag:s30] =	ssyncadd.s32 $0xFFFFD800  }
0x67: {  	[hbm4b:s14+s4] =	stream.linear.scatter [tilespmem:s29], [sflag:$0x7], $0x2800, $0x38;
	[tilespmem:$0x18D00] =	vst v63  }
0x68: {  	_ =	swait.ge [sflag:s30], $0x2800  }
0x69: {  	[sflag:s30] =	ssyncset.done $0x0  }
0x6a: {  	[sflag:s30] =	ssyncadd.s32 $0xFFFFD800  }
0x6b: {  	[tilespmem:s29], [sflag:$0x7] =	stream.linear.gather [spmem:s18], $0x2000, $0x38;
	[tilespmem:$0x18D00] =	vst v63  }
0x6c: {  	_ =	swait.ge [sflag:s30], $0x2000  }
0x6d: {  	[sflag:s30] =	ssyncset.done $0x0  }
0x6e: {  	s7 =	rddreg [dreg:$0x1c];
	[sflag:s30] =	ssyncadd.s32 $0xFFFFE000  }
0x6f: {  	[hbm4b:s7+s4] =	stream.linear.scatter [tilespmem:s29], [sflag:$0x7], $0x2000, $0x38;
	[tilespmem:$0x18D00] =	vst v63  }
0x70: {  	_ =	swait.ge [sflag:s30], $0x2000  }
0x71: {  	s8 =	simm.s32 @!p1 $0x480;
	[sflag:s30] =	ssyncset.done $0x0  }
0x72: {  	s9 =	simm.s32 @!p1 $0x7;
	s14 =	smov.u32 s28;
	[sflag:s30] =	ssyncadd.s32 $0xFFFFE000  }
0x73: {  	[tilespmem:s8], [sflag:$0x7] =	stream.linear.gather @!p1 [spmem:s13], $0x800, $0x38;
	[tilespmem:$0x18D00] =	vst v63  }
0x74: {  	s28 =	smov.u32 s18;
	s18 =	smov.u32 s13;
	_ =	swait.ge @!p1 [sflag:s9], $0x800  }
0x75: {  	s7 =	smov.u32 s10;
	s10 =	simm.s32 @!p1 $0x0;
	[sflag:s9] =	ssyncset.done @!p1 $0x0  }
0x76: {  	s13 =	smov.u32 s12;
	s12 =	rddreg [dreg:$0x19];
	[sflag:s9] =	ssyncadd.s32 @!p1 $0xFFFFF800  }
0x77: {  	[hbm4b:s12+s10] =	stream.linear.scatter @!p1 [tilespmem:s8], [sflag:$0x7], $0x800, $0x38;
	[tilespmem:$0x18D00] =	vst v63  }
0x78: {  	_ =	swait.ge @!p1 [sflag:s9], $0x800  }
0x79: {  	s12 =	smov.u32 s15;
	s8 =	rddreg [dreg:$0x1d]  }
0x7a: {  	s15 =	smov.u32 s7;
	s10 =	rddreg [dreg:$0x1a];
	s7 =	sadd.s32 $0x1, s8  }
0x7b: {  	p2 =	sne.s32 s7, s10  }
.Ltmp1:
0x7c: {  	_ = 	snop;
	(pc) =	sbr.rel @!p2 .LBB2_9-.Ltmp1, $3  }
0x7d: {  	_ =	sdelay $0x1  }
0x7e: {  	[sflag:s9] =	ssyncset.done @!p1 $0x0  }
0x7f: {  	[sflag:s9] =	ssyncadd.s32 @!p1 $0xFFFFF800;
	s10 =	rddreg [dreg:$0xc]  }
.LBB2_1:
0x80: {  	[dreg:$0x1d] =	wrdreg s7  }
0x81: {  	s8 =	rddreg [dreg:$0xa]  }
0x82: {  	[tilespmem:s29], [sflag:$0x7] =	stream.linear.gather [hbm4b:s8+s4], $0x2800, $0x38;
	[tilespmem:$0x18D00] =	vst v63  }
0x83: {  	_ =	swait.ge [sflag:s30], $0x2800  }
0x84: {  	[sflag:s30] =	ssyncset.done $0x0  }
0x85: {  	s9 =	rddreg [dreg:$0xd];
	[sflag:s30] =	ssyncadd.s32 $0xFFFFD800  }
0x86: {  	[spmem:s9] =	stream.linear.scatter [tilespmem:s29], [sflag:$0x7], $0x2800, $0x38;
	[tilespmem:$0x18D00] =	vst v63  }
0x87: {  	_ =	swait.ge [sflag:s30], $0x2800  }
0x88: {  	[sflag:s30] =	ssyncset.done $0x0  }
0x89: {  	[sflag:s30] =	ssyncadd.s32 $0xFFFFD800  }
0x8a: {  	[spmem:s10] =	stream.linear.scatter [tilespmem:s29], [sflag:$0x7], $0x2800, $0x38;
	[tilespmem:$0x18D00] =	vst v63  }
0x8b: {  	_ =	swait.ge [sflag:s30], $0x2800  }
0x8c: {  	[sflag:s30] =	ssyncset.done $0x0  }
0x8d: {  	[sflag:s30] =	ssyncadd.s32 $0xFFFFD800  }
0x8e: {  	[spmem:s15] =	stream.linear.scatter [tilespmem:s29], [sflag:$0x7], $0x2800, $0x38;
	[tilespmem:$0x18D00] =	vst v63  }
0x8f: {  	_ =	swait.ge [sflag:s30], $0x2800  }
0x90: {  	[sflag:s30] =	ssyncset.done $0x0  }
0x91: {  	[sflag:s30] =	ssyncadd.s32 $0xFFFFD800  }
0x92: {  	[spmem:s11] =	stream.linear.scatter [tilespmem:s29], [sflag:$0x7], $0x2800, $0x38;
	[tilespmem:$0x18D00] =	vst v63  }
0x93: {  	_ =	swait.ge [sflag:s30], $0x2800  }
0x94: {  	[sflag:s30] =	ssyncset.done $0x0  }
0x95: {  	[sflag:s30] =	ssyncadd.s32 $0xFFFFD800  }
0x96: {  	[spmem:s12] =	stream.linear.scatter [tilespmem:s29], [sflag:$0x7], $0x2800, $0x38;
	[tilespmem:$0x18D00] =	vst v63  }
0x97: {  	_ =	swait.ge [sflag:s30], $0x2800  }
0x98: {  	[sflag:s30] =	ssyncset.done $0x0  }
0x99: {  	[sflag:s30] =	ssyncadd.s32 $0xFFFFD800  }
0x9a: {  	[spmem:s13] =	stream.linear.scatter [tilespmem:s29], [sflag:$0x7], $0x2800, $0x38;
	[tilespmem:$0x18D00] =	vst v63  }
0x9b: {  	_ =	swait.ge [sflag:s30], $0x2800  }
0x9c: {  	[sflag:s30] =	ssyncset.done $0x0  }
0x9d: {  	[sflag:s30] =	ssyncadd.s32 $0xFFFFD800  }
0x9e: {  	[spmem:s14] =	stream.linear.scatter [tilespmem:s29], [sflag:$0x7], $0x2800, $0x38;
	[tilespmem:$0x18D00] =	vst v63  }
0x9f: {  	_ =	swait.ge [sflag:s30], $0x2800  }
0xa0: {  	[sflag:s30] =	ssyncset.done $0x0  }
0xa1: {  	[sflag:s30] =	ssyncadd.s32 $0xFFFFD800  }
0xa2: {  	[spmem:s28] =	stream.linear.scatter [tilespmem:s29], [sflag:$0x7], $0x2000, $0x38;
	[tilespmem:$0x18D00] =	vst v63  }
0xa3: {  	_ =	swait.ge [sflag:s30], $0x2000  }
0xa4: {  	[sflag:s30] =	ssyncset.done $0x0  }
0xa5: {  	s8 =	simm.s32 @!p1 $0x480;
	[sflag:s30] =	ssyncadd.s32 $0xFFFFE000  }
0xa6: {  	[spmem:s18] =	stream.linear.scatter @!p1 [tilespmem:s8], [sflag:$0x7], $0x800, $0x38;
	[tilespmem:$0x18D00] =	vst v63  }
0xa7: {  	s8 =	simm.s32 @!p1 $0x7  }
.Ltmp2:
0xa8: {  	_ =	swait.ge @!p1 [sflag:s8], $0x800;
	(pc) =	sbr.rel @!p0 .LBB2_2-.Ltmp2, $4  }
0xa9: {  	[sflag:s8] =	ssyncset.done @!p1 $0x0  }
0xaa: {  	[sflag:s8] =	ssyncadd.s32 @!p1 $0xFFFFF800  }
0xab: {  	[bflag:$0x0] =	sbarrier.arrive $0xFFFF  }
0xac: {  	s15 =	smov.u32 s12;
	s12 =	smov.u32 s13  }
0xad: {  	s8 =	rddreg [dreg:$0xb]  }
0xae: {  	[tilespmem:s29], [sflag:$0x7] =	stream.linear.gather [hbm4b:s8+s4], $0x2800, $0x38;
	[tilespmem:$0x18D00] =	vst v63  }
0xaf: {  	_ =	swait.ge [sflag:s30], $0x2800  }
0xb0: {  	[sflag:s30] =	ssyncset.done $0x0  }
0xb1: {  	[sflag:s30] =	ssyncadd.s32 $0xFFFFD800  }
0xb2: {  	[tilespmem:s31], [sflag:$0x7] =	stream.linear.gather [hbm4b:s16+s4], $0x50, $0x38;
	[tilespmem:$0x18D00] =	vst v63  }
0xb3: {  	_ =	swait.ge [sflag:s30], $0x50  }
0xb4: {  	[sflag:s30] =	ssyncset.done $0x0  }
0xb5: {  	s7 =	rddreg [dreg:$0x12];
	[sflag:s30] =	ssyncadd.s32 $0xFFFFFFB0  }
0xb6: {  	[tilespmem:s0], [sflag:$0x7] =	stream.linear.gather [hbm4b:s7+s4], $0x50, $0x38;
	[tilespmem:$0x18D00] =	vst v63  }
0xb7: {  	_ =	swait.ge [sflag:s30], $0x50  }
0xb8: {  	[sflag:s30] =	ssyncset.done $0x0  }
0xb9: {  	[sflag:s30] =	ssyncadd.s32 $0xFFFFFFB0  }
0xba: {  	[spmem:s3] =	stream.indirect.scatter.add.f32 [tilespmem:s29], [sflag:$0x3], $0x80, s31, s1, $0xb8;
	[tilespmem:$0x18D00] =	vst v63  }
0xbb: {  	_ = 	snop  }
0xbc: {  	[spmem:s3] =	stream.indirect.scatter.add.f32 [tilespmem:s29], [sflag:$0x4], $0x80, s0, s1, $0xb8;
	[tilespmem:$0x18D00] =	vst v63  }
0xbd: {  	_ =	swait.ge [sflag:s6], $0x2800  }
0xbe: {  	s28 =	sadd.s32 $0xFFFFF650, s16;
	[sflag:s6] =	ssyncset.done $0x0  }
0xbf: {  	s9 =	sadd.s32 $0x9C4, s28;
	[sflag:s6] =	ssyncadd.s32 $0xFFFFD800  }
0xc0: {  	[tilespmem:s31], [sflag:$0x8] =	stream.linear.gather [hbm4b:s9+s4], $0x50, $0x38;
	[tilespmem:$0x18D00] =	vst v63  }
0xc1: {  	_ =	swait.ge [sflag:s17], $0x50  }
0xc2: {  	[sflag:s17] =	ssyncset.done $0x0  }
0xc3: {  	[sflag:s17] =	ssyncadd.s32 $0xFFFFFFB0  }
0xc4: {  	_ =	swait.ge [sflag:s5], $0x2800  }
0xc5: {  	[sflag:s5] =	ssyncset.done $0x0  }
0xc6: {  	s8 =	sadd.s32 $0x9CE, s28;
	[sflag:s5] =	ssyncadd.s32 $0xFFFFD800  }
0xc7: {  	[tilespmem:s0], [sflag:$0x7] =	stream.linear.gather [hbm4b:s8+s4], $0x50, $0x38;
	[tilespmem:$0x18D00] =	vst v63  }
0xc8: {  	s14 =	smov.u32 s12;
	_ =	swait.ge [sflag:s30], $0x50  }
0xc9: {  	s12 =	smov.u32 s10;
	s8 =	simm.s32 $0xFFFFF664;
	[sflag:s30] =	ssyncset.done $0x0  }
.LBB2_6:
0xca: {  	p2 =	sne.s32 s8, $0xFFFFFFEC  }
0xcb: {  	[sflag:s30] =	ssyncadd.s32 $0xFFFFFFB0;
	s9 =	smov.u32 s8;
	s8 =	sadd.s32 $0x14, s8  }
0xcc: {  	[spmem:s3] =	stream.indirect.scatter.add.f32 [tilespmem:s29], [sflag:$0x3], $0x80, s31, s1, $0xb8;
	[tilespmem:$0x18D00] =	vst v63  }
0xcd: {  	_ = 	snop  }
0xce: {  	[spmem:s3] =	stream.indirect.scatter.add.f32 [tilespmem:s29], [sflag:$0x4], $0x80, s0, s1, $0xb8;
	[tilespmem:$0x18D00] =	vst v63  }
0xcf: {  	_ =	swait.ge [sflag:s6], $0x2800  }
0xd0: {  	s9 =	sadd.s32 s9, s16;
	[sflag:s6] =	ssyncset.done $0x0  }
0xd1: {  	s10 =	sadd.s32 $0x9C4, s9;
	[sflag:s6] =	ssyncadd.s32 $0xFFFFD800  }
0xd2: {  	[tilespmem:s31], [sflag:$0x8] =	stream.linear.gather [hbm4b:s10+s4], $0x50, $0x38;
	[tilespmem:$0x18D00] =	vst v63  }
0xd3: {  	_ =	swait.ge [sflag:s17], $0x50  }
0xd4: {  	[sflag:s17] =	ssyncset.done $0x0  }
0xd5: {  	[sflag:s17] =	ssyncadd.s32 $0xFFFFFFB0  }
0xd6: {  	_ =	swait.ge [sflag:s5], $0x2800  }
.Ltmp3:
0xd7: {  	[sflag:s5] =	ssyncset.done $0x0;
	(pc) =	sbr.rel @p2 .LBB2_6-.Ltmp3, $4  }
0xd8: {  	s9 =	sadd.s32 $0x9CE, s9;
	[sflag:s5] =	ssyncadd.s32 $0xFFFFD800  }
0xd9: {  	[tilespmem:s0], [sflag:$0x7] =	stream.linear.gather [hbm4b:s9+s4], $0x50, $0x38;
	[tilespmem:$0x18D00] =	vst v63  }
0xda: {  	_ =	swait.ge [sflag:s30], $0x50  }
0xdb: {  	[sflag:s30] =	ssyncset.done $0x0  }
.Ltmp4:
0xdc: {  	_ = 	snop;
	(pc) =	sbr.rel .LBB2_7-.Ltmp4, $1  }
0xdd: {  	_ =	sdelay $0x3  }
.LBB2_2:
0xde: {  	s8 =	rddreg [dreg:$0x4]  }
0xdf: {  	s8 =	sadd.s32 $0x0, s8  }
0xe0: {  	[tilespmem:s4], [sflag:$0x7] =	stream.linear.gather [hbm4b:s8+s4], $0x320, $0x38;
	[tilespmem:$0x18D00] =	vst v63  }
0xe1: {  	_ =	swait.ge [sflag:s30], $0x320  }
0xe2: {  	[sflag:s30] =	ssyncset.done $0x0  }
0xe3: {  	s8 =	sadd.s32 $0x0, s16;
	[sflag:s30] =	ssyncadd.s32 $0xFFFFFCE0  }
0xe4: {  	[tilespmem:s31], [sflag:$0x5] =	stream.linear.gather [hbm4b:s8+s4], $0x50, $0x38;
	[tilespmem:$0x18D00] =	vst v63  }
0xe5: {  	_ = 	snop  }
0xe6: {  	[tilespmem:s29], [sflag:$0x1] =	stream.indirect.gather [hbm4b:s2+s1], $0x80, s4, s1, $0xb8;
	[tilespmem:$0x18D00] =	vst v63  }
0xe7: {  	_ =	swait.ge [sflag:s19], $0x2800  }
0xe8: {  	[sflag:s19] =	ssyncset.done $0x0  }
0xe9: {  	[sflag:s19] =	ssyncadd.s32 $0xFFFFD800  }
0xea: {  	_ =	swait.ge [sflag:s20], $0x50  }
0xeb: {  	p2 =	por $0x1, $0x1;
	[sflag:s20] =	ssyncset.done $0x0  }
0xec: {  	s9 =	simm.s32 @!p2 $0x4;
	[sflag:s20] =	ssyncadd.s32 $0xFFFFFFB0  }
0xed: {  	[spmem:s3] =	stream.indirect.scatter.add.f32 [tilespmem:s29], [sflag:$0x3], $0x80, s31, s1, $0xb8;
	[tilespmem:$0x18D00] =	vst v63  }
0xee: {  	_ =	swait.ge @!p2 [sflag:s9], $0x2800  }
0xef: {  	[sflag:s9] =	ssyncset.done @!p2 $0x0  }
0xf0: {  	[sflag:s9] =	ssyncadd.s32 @!p2 $0xFFFFD800  }
0xf1: {  	[tilespmem:s21], [sflag:$0x2] =	stream.indirect.gather [hbm4b:s2+s1], $0x80, s1, s1, $0xb8;
	[tilespmem:$0x18D00] =	vst v63  }
0xf2: {  	s28 =	sadd.s32 $0xA, s8  }
0xf3: {  	[tilespmem:s0], [sflag:$0x6] =	stream.linear.gather [hbm4b:s28+s4], $0x50, $0x38;
	[tilespmem:$0x18D00] =	vst v63  }
0xf4: {  	_ =	swait.ge [sflag:s22], $0x2800  }
0xf5: {  	[sflag:s22] =	ssyncset.done $0x0  }
0xf6: {  	[sflag:s22] =	ssyncadd.s32 $0xFFFFD800  }
0xf7: {  	_ =	swait.ge [sflag:s23], $0x50  }
0xf8: {  	[sflag:s23] =	ssyncset.done $0x0  }
0xf9: {  	[sflag:s23] =	ssyncadd.s32 $0xFFFFFFB0  }
0xfa: {  	[spmem:s3] =	stream.indirect.scatter.add.f32 [tilespmem:s21], [sflag:$0x4], $0x80, s0, s1, $0xb8;
	[tilespmem:$0x18D00] =	vst v63  }
0xfb: {  	_ =	swait.ge [sflag:s6], $0x2800  }
0xfc: {  	[sflag:s6] =	ssyncset.done $0x0  }
0xfd: {  	s7 =	rddreg [dreg:$0x5];
	[sflag:s6] =	ssyncadd.s32 $0xFFFFD800  }
0xfe: {  	[tilespmem:s29], [sflag:$0x1] =	stream.indirect.gather [hbm4b:s2+s1], $0x80, s7, s1, $0xb8;
	[tilespmem:$0x18D00] =	vst v63  }
0xff: {  	s10 =	sadd.s32 $0x14, s8  }
0x100: {  	[tilespmem:s31], [sflag:$0x5] =	stream.linear.gather [hbm4b:s10+s4], $0x50, $0x38;
	[tilespmem:$0x18D00] =	vst v63  }
0x101: {  	_ =	swait.ge [sflag:s19], $0x2800  }
0x102: {  	[sflag:s19] =	ssyncset.done $0x0  }
0x103: {  	[sflag:s19] =	ssyncadd.s32 $0xFFFFD800  }
0x104: {  	_ =	swait.ge [sflag:s20], $0x50  }
0x105: {  	[sflag:s20] =	ssyncset.done $0x0  }
0x106: {  	[sflag:s20] =	ssyncadd.s32 $0xFFFFFFB0  }
0x107: {  	[spmem:s3] =	stream.indirect.scatter.add.f32 [tilespmem:s29], [sflag:$0x3], $0x80, s31, s1, $0xb8;
	[tilespmem:$0x18D00] =	vst v63  }
0x108: {  	_ =	swait.ge [sflag:s5], $0x2800  }
0x109: {  	[sflag:s5] =	ssyncset.done $0x0  }
0x10a: {  	s13 =	rddreg [dreg:$0x6];
	[sflag:s5] =	ssyncadd.s32 $0xFFFFD800  }
0x10b: {  	[tilespmem:s21], [sflag:$0x2] =	stream.indirect.gather [hbm4b:s2+s1], $0x80, s13, s1, $0xb8;
	[tilespmem:$0x18D00] =	vst v63  }
0x10c: {  	s14 =	sadd.s32 $0x1E, s8  }
0x10d: {  	[tilespmem:s0], [sflag:$0x6] =	stream.linear.gather [hbm4b:s14+s4], $0x50, $0x38;
	[tilespmem:$0x18D00] =	vst v63  }
0x10e: {  	_ =	swait.ge [sflag:s22], $0x2800  }
0x10f: {  	[sflag:s22] =	ssyncset.done $0x0  }
0x110: {  	[sflag:s22] =	ssyncadd.s32 $0xFFFFD800  }
0x111: {  	_ =	swait.ge [sflag:s23], $0x50  }
0x112: {  	[sflag:s23] =	ssyncset.done $0x0  }
0x113: {  	[sflag:s23] =	ssyncadd.s32 $0xFFFFFFB0  }
0x114: {  	[spmem:s3] =	stream.indirect.scatter.add.f32 [tilespmem:s21], [sflag:$0x4], $0x80, s0, s1, $0xb8;
	[tilespmem:$0x18D00] =	vst v63  }
0x115: {  	_ =	swait.ge [sflag:s6], $0x2800  }
0x116: {  	[sflag:s6] =	ssyncset.done $0x0  }
0x117: {  	s18 =	rddreg [dreg:$0x7];
	[sflag:s6] =	ssyncadd.s32 $0xFFFFD800  }
0x118: {  	[tilespmem:s29], [sflag:$0x1] =	stream.indirect.gather [hbm4b:s2+s1], $0x80, s18, s1, $0xb8;
	[tilespmem:$0x18D00] =	vst v63  }
0x119: {  	s28 =	sadd.s32 $0x28, s8  }
0x11a: {  	[tilespmem:s31], [sflag:$0x5] =	stream.linear.gather [hbm4b:s28+s4], $0x50, $0x38;
	[tilespmem:$0x18D00] =	vst v63  }
0x11b: {  	_ =	swait.ge [sflag:s19], $0x2800  }
0x11c: {  	[sflag:s19] =	ssyncset.done $0x0  }
0x11d: {  	[sflag:s19] =	ssyncadd.s32 $0xFFFFD800  }
0x11e: {  	_ =	swait.ge [sflag:s20], $0x50  }
0x11f: {  	[sflag:s20] =	ssyncset.done $0x0  }
0x120: {  	[sflag:s20] =	ssyncadd.s32 $0xFFFFFFB0  }
0x121: {  	[spmem:s3] =	stream.indirect.scatter.add.f32 [tilespmem:s29], [sflag:$0x3], $0x80, s31, s1, $0xb8;
	[tilespmem:$0x18D00] =	vst v63  }
0x122: {  	_ =	swait.ge [sflag:s5], $0x2800  }
0x123: {  	[sflag:s5] =	ssyncset.done $0x0  }
0x124: {  	s7 =	rddreg [dreg:$0x8];
	[sflag:s5] =	ssyncadd.s32 $0xFFFFD800  }
0x125: {  	[tilespmem:s21], [sflag:$0x2] =	stream.indirect.gather [hbm4b:s2+s1], $0x80, s7, s1, $0xb8;
	[tilespmem:$0x18D00] =	vst v63  }
0x126: {  	s10 =	sadd.s32 $0x32, s8  }
0x127: {  	[tilespmem:s0], [sflag:$0x6] =	stream.linear.gather [hbm4b:s10+s4], $0x50, $0x38;
	[tilespmem:$0x18D00] =	vst v63  }
0x128: {  	_ =	swait.ge [sflag:s22], $0x2800  }
0x129: {  	[sflag:s22] =	ssyncset.done $0x0  }
0x12a: {  	[sflag:s22] =	ssyncadd.s32 $0xFFFFD800  }
0x12b: {  	_ =	swait.ge [sflag:s23], $0x50  }
0x12c: {  	[sflag:s23] =	ssyncset.done $0x0  }
0x12d: {  	[sflag:s23] =	ssyncadd.s32 $0xFFFFFFB0  }
0x12e: {  	[spmem:s3] =	stream.indirect.scatter.add.f32 [tilespmem:s21], [sflag:$0x4], $0x80, s0, s1, $0xb8;
	[tilespmem:$0x18D00] =	vst v63  }
0x12f: {  	_ =	swait.ge [sflag:s6], $0x2800  }
0x130: {  	[sflag:s6] =	ssyncset.done $0x0  }
0x131: {  	s13 =	rddreg [dreg:$0x9];
	[sflag:s6] =	ssyncadd.s32 $0xFFFFD800  }
0x132: {  	[tilespmem:s29], [sflag:$0x1] =	stream.indirect.gather [hbm4b:s2+s1], $0x80, s13, s1, $0xb8;
	[tilespmem:$0x18D00] =	vst v63  }
0x133: {  	s14 =	sadd.s32 $0x3C, s8  }
0x134: {  	[tilespmem:s31], [sflag:$0x5] =	stream.linear.gather [hbm4b:s14+s4], $0x50, $0x38;
	[tilespmem:$0x18D00] =	vst v63  }
0x135: {  	_ =	swait.ge [sflag:s19], $0x2800  }
0x136: {  	[sflag:s19] =	ssyncset.done $0x0  }
0x137: {  	[sflag:s19] =	ssyncadd.s32 $0xFFFFD800  }
0x138: {  	_ =	swait.ge [sflag:s20], $0x50  }
0x139: {  	[sflag:s20] =	ssyncset.done $0x0  }
0x13a: {  	[sflag:s20] =	ssyncadd.s32 $0xFFFFFFB0  }
0x13b: {  	[spmem:s3] =	stream.indirect.scatter.add.f32 [tilespmem:s29], [sflag:$0x3], $0x80, s31, s1, $0xb8;
	[tilespmem:$0x18D00] =	vst v63  }
0x13c: {  	_ =	swait.ge [sflag:s5], $0x2800  }
0x13d: {  	[sflag:s5] =	ssyncset.done $0x0  }
0x13e: {  	[sflag:s5] =	ssyncadd.s32 $0xFFFFD800  }
0x13f: {  	[tilespmem:s21], [sflag:$0x2] =	stream.indirect.gather [hbm4b:s2+s1], $0x80, s24, s1, $0xb8;
	[tilespmem:$0x18D00] =	vst v63  }
0x140: {  	s18 =	sadd.s32 $0x46, s8  }
0x141: {  	[tilespmem:s0], [sflag:$0x6] =	stream.linear.gather [hbm4b:s18+s4], $0x50, $0x38;
	[tilespmem:$0x18D00] =	vst v63  }
0x142: {  	_ =	swait.ge [sflag:s22], $0x2800  }
0x143: {  	[sflag:s22] =	ssyncset.done $0x0  }
0x144: {  	[sflag:s22] =	ssyncadd.s32 $0xFFFFD800  }
0x145: {  	_ =	swait.ge [sflag:s23], $0x50  }
0x146: {  	[sflag:s23] =	ssyncset.done $0x0  }
0x147: {  	[sflag:s23] =	ssyncadd.s32 $0xFFFFFFB0  }
0x148: {  	[spmem:s3] =	stream.indirect.scatter.add.f32 [tilespmem:s21], [sflag:$0x4], $0x80, s0, s1, $0xb8;
	[tilespmem:$0x18D00] =	vst v63  }
0x149: {  	_ =	swait.ge [sflag:s6], $0x2800  }
0x14a: {  	[sflag:s6] =	ssyncset.done $0x0  }
0x14b: {  	[sflag:s6] =	ssyncadd.s32 $0xFFFFD800  }
0x14c: {  	[tilespmem:s29], [sflag:$0x1] =	stream.indirect.gather [hbm4b:s2+s1], $0x80, s25, s1, $0xb8;
	[tilespmem:$0x18D00] =	vst v63  }
0x14d: {  	s28 =	sadd.s32 $0x50, s8  }
0x14e: {  	[tilespmem:s31], [sflag:$0x5] =	stream.linear.gather [hbm4b:s28+s4], $0x50, $0x38;
	[tilespmem:$0x18D00] =	vst v63  }
0x14f: {  	_ =	swait.ge [sflag:s19], $0x2800  }
0x150: {  	[sflag:s19] =	ssyncset.done $0x0  }
0x151: {  	[sflag:s19] =	ssyncadd.s32 $0xFFFFD800  }
0x152: {  	_ =	swait.ge [sflag:s20], $0x50  }
0x153: {  	[sflag:s20] =	ssyncset.done $0x0  }
0x154: {  	[sflag:s20] =	ssyncadd.s32 $0xFFFFFFB0  }
0x155: {  	[spmem:s3] =	stream.indirect.scatter.add.f32 [tilespmem:s29], [sflag:$0x3], $0x80, s31, s1, $0xb8;
	[tilespmem:$0x18D00] =	vst v63  }
0x156: {  	_ =	swait.ge [sflag:s5], $0x2800  }
0x157: {  	[sflag:s5] =	ssyncset.done $0x0  }
0x158: {  	[sflag:s5] =	ssyncadd.s32 $0xFFFFD800  }
0x159: {  	[tilespmem:s21], [sflag:$0x2] =	stream.indirect.gather [hbm4b:s2+s1], $0x80, s26, s1, $0xb8;
	[tilespmem:$0x18D00] =	vst v63  }
0x15a: {  	s8 =	sadd.s32 $0x5A, s8  }
0x15b: {  	[tilespmem:s0], [sflag:$0x6] =	stream.linear.gather [hbm4b:s8+s4], $0x50, $0x38;
	[tilespmem:$0x18D00] =	vst v63  }
0x15c: {  	_ =	swait.ge [sflag:s22], $0x2800  }
0x15d: {  	[sflag:s22] =	ssyncset.done $0x0  }
0x15e: {  	[sflag:s22] =	ssyncadd.s32 $0xFFFFD800  }
0x15f: {  	_ =	swait.ge [sflag:s23], $0x50  }
0x160: {  	[sflag:s23] =	ssyncset.done $0x0  }
0x161: {  	[sflag:s23] =	ssyncadd.s32 $0xFFFFFFB0  }
0x162: {  	[spmem:s3] =	stream.indirect.scatter.add.f32 [tilespmem:s21], [sflag:$0x4], $0x80, s0, s1, $0xb8;
	[tilespmem:$0x18D00] =	vst v63  }
0x163: {  	s18 =	simm.s32 $0x64;
	s8 =	simm.s32 $0xC8;
	_ =	swait.ge [sflag:s6], $0x2800  }
.LBB2_3:
0x164: {  	s9 =	rddreg [dreg:$0x4];
	[sflag:s6] =	ssyncset.done $0x0  }
0x165: {  	[sflag:s6] =	ssyncadd.s32 $0xFFFFD800;
	s9 =	sadd.s32 s18, s9  }
0x166: {  	[tilespmem:s4], [sflag:$0x7] =	stream.linear.gather [hbm4b:s9+s4], $0x320, $0x38;
	[tilespmem:$0x18D00] =	vst v63  }
0x167: {  	_ =	swait.ge [sflag:s30], $0x320  }
0x168: {  	[sflag:s30] =	ssyncset.done $0x0  }
0x169: {  	s9 =	sadd.s32 s18, s16;
	[sflag:s30] =	ssyncadd.s32 $0xFFFFFCE0  }
0x16a: {  	[tilespmem:s31], [sflag:$0x5] =	stream.linear.gather [hbm4b:s9+s4], $0x50, $0x38;
	[tilespmem:$0x18D00] =	vst v63  }
0x16b: {  	_ = 	snop  }
0x16c: {  	[tilespmem:s29], [sflag:$0x1] =	stream.indirect.gather [hbm4b:s2+s1], $0x80, s4, s1, $0xb8;
	[tilespmem:$0x18D00] =	vst v63  }
0x16d: {  	_ =	swait.ge [sflag:s19], $0x2800  }
0x16e: {  	[sflag:s19] =	ssyncset.done $0x0  }
0x16f: {  	[sflag:s19] =	ssyncadd.s32 $0xFFFFD800  }
0x170: {  	_ =	swait.ge [sflag:s20], $0x50  }
0x171: {  	s10 =	smov.u32 s8;
	p3 =	seq.s32 s18, $0x0;
	[sflag:s20] =	ssyncset.done $0x0  }
0x172: {  	s18 =	smov.u32 s10;
	s10 =	simm.s32 @!p3 $0x4;
	[sflag:s20] =	ssyncadd.s32 $0xFFFFFFB0  }
0x173: {  	[spmem:s3] =	stream.indirect.scatter.add.f32 [tilespmem:s29], [sflag:$0x3], $0x80, s31, s1, $0xb8;
	[tilespmem:$0x18D00] =	vst v63  }
0x174: {  	_ =	swait.ge @!p3 [sflag:s10], $0x2800  }
0x175: {  	[sflag:s10] =	ssyncset.done @!p3 $0x0  }
0x176: {  	[sflag:s10] =	ssyncadd.s32 @!p3 $0xFFFFD800  }
0x177: {  	[tilespmem:s21], [sflag:$0x2] =	stream.indirect.gather [hbm4b:s2+s1], $0x80, s1, s1, $0xb8;
	[tilespmem:$0x18D00] =	vst v63  }
0x178: {  	s28 =	sadd.s32 $0xA, s9  }
0x179: {  	[tilespmem:s0], [sflag:$0x6] =	stream.linear.gather [hbm4b:s28+s4], $0x50, $0x38;
	[tilespmem:$0x18D00] =	vst v63  }
0x17a: {  	_ =	swait.ge [sflag:s22], $0x2800  }
0x17b: {  	[sflag:s22] =	ssyncset.done $0x0  }
0x17c: {  	[sflag:s22] =	ssyncadd.s32 $0xFFFFD800  }
0x17d: {  	_ =	swait.ge [sflag:s23], $0x50  }
0x17e: {  	[sflag:s23] =	ssyncset.done $0x0  }
0x17f: {  	[sflag:s23] =	ssyncadd.s32 $0xFFFFFFB0  }
0x180: {  	[spmem:s3] =	stream.indirect.scatter.add.f32 [tilespmem:s21], [sflag:$0x4], $0x80, s0, s1, $0xb8;
	[tilespmem:$0x18D00] =	vst v63  }
0x181: {  	_ =	swait.ge [sflag:s6], $0x2800  }
0x182: {  	[sflag:s6] =	ssyncset.done $0x0  }
0x183: {  	s7 =	rddreg [dreg:$0x5];
	[sflag:s6] =	ssyncadd.s32 $0xFFFFD800  }
0x184: {  	[tilespmem:s29], [sflag:$0x1] =	stream.indirect.gather [hbm4b:s2+s1], $0x80, s7, s1, $0xb8;
	[tilespmem:$0x18D00] =	vst v63  }
0x185: {  	s13 =	sadd.s32 $0x14, s9  }
0x186: {  	[tilespmem:s31], [sflag:$0x5] =	stream.linear.gather [hbm4b:s13+s4], $0x50, $0x38;
	[tilespmem:$0x18D00] =	vst v63  }
0x187: {  	_ =	swait.ge [sflag:s19], $0x2800  }
0x188: {  	[sflag:s19] =	ssyncset.done $0x0  }
0x189: {  	[sflag:s19] =	ssyncadd.s32 $0xFFFFD800  }
0x18a: {  	_ =	swait.ge [sflag:s20], $0x50  }
0x18b: {  	[sflag:s20] =	ssyncset.done $0x0  }
0x18c: {  	[sflag:s20] =	ssyncadd.s32 $0xFFFFFFB0  }
0x18d: {  	[spmem:s3] =	stream.indirect.scatter.add.f32 [tilespmem:s29], [sflag:$0x3], $0x80, s31, s1, $0xb8;
	[tilespmem:$0x18D00] =	vst v63  }
0x18e: {  	_ =	swait.ge [sflag:s5], $0x2800  }
0x18f: {  	[sflag:s5] =	ssyncset.done $0x0  }
0x190: {  	s14 =	rddreg [dreg:$0x6];
	[sflag:s5] =	ssyncadd.s32 $0xFFFFD800  }
0x191: {  	[tilespmem:s21], [sflag:$0x2] =	stream.indirect.gather [hbm4b:s2+s1], $0x80, s14, s1, $0xb8;
	[tilespmem:$0x18D00] =	vst v63  }
0x192: {  	s28 =	sadd.s32 $0x1E, s9  }
0x193: {  	[tilespmem:s0], [sflag:$0x6] =	stream.linear.gather [hbm4b:s28+s4], $0x50, $0x38;
	[tilespmem:$0x18D00] =	vst v63  }
0x194: {  	_ =	swait.ge [sflag:s22], $0x2800  }
0x195: {  	[sflag:s22] =	ssyncset.done $0x0  }
0x196: {  	[sflag:s22] =	ssyncadd.s32 $0xFFFFD800  }
0x197: {  	_ =	swait.ge [sflag:s23], $0x50  }
0x198: {  	[sflag:s23] =	ssyncset.done $0x0  }
0x199: {  	[sflag:s23] =	ssyncadd.s32 $0xFFFFFFB0  }
0x19a: {  	[spmem:s3] =	stream.indirect.scatter.add.f32 [tilespmem:s21], [sflag:$0x4], $0x80, s0, s1, $0xb8;
	[tilespmem:$0x18D00] =	vst v63  }
0x19b: {  	_ =	swait.ge [sflag:s6], $0x2800  }
0x19c: {  	[sflag:s6] =	ssyncset.done $0x0  }
0x19d: {  	s7 =	rddreg [dreg:$0x7];
	[sflag:s6] =	ssyncadd.s32 $0xFFFFD800  }
0x19e: {  	[tilespmem:s29], [sflag:$0x1] =	stream.indirect.gather [hbm4b:s2+s1], $0x80, s7, s1, $0xb8;
	[tilespmem:$0x18D00] =	vst v63  }
0x19f: {  	s13 =	sadd.s32 $0x28, s9  }
0x1a0: {  	[tilespmem:s31], [sflag:$0x5] =	stream.linear.gather [hbm4b:s13+s4], $0x50, $0x38;
	[tilespmem:$0x18D00] =	vst v63  }
0x1a1: {  	_ =	swait.ge [sflag:s19], $0x2800  }
0x1a2: {  	[sflag:s19] =	ssyncset.done $0x0  }
0x1a3: {  	[sflag:s19] =	ssyncadd.s32 $0xFFFFD800  }
0x1a4: {  	_ =	swait.ge [sflag:s20], $0x50  }
0x1a5: {  	[sflag:s20] =	ssyncset.done $0x0  }
0x1a6: {  	[sflag:s20] =	ssyncadd.s32 $0xFFFFFFB0  }
0x1a7: {  	[spmem:s3] =	stream.indirect.scatter.add.f32 [tilespmem:s29], [sflag:$0x3], $0x80, s31, s1, $0xb8;
	[tilespmem:$0x18D00] =	vst v63  }
0x1a8: {  	_ =	swait.ge [sflag:s5], $0x2800  }
0x1a9: {  	[sflag:s5] =	ssyncset.done $0x0  }
0x1aa: {  	s14 =	rddreg [dreg:$0x8];
	[sflag:s5] =	ssyncadd.s32 $0xFFFFD800  }
0x1ab: {  	[tilespmem:s21], [sflag:$0x2] =	stream.indirect.gather [hbm4b:s2+s1], $0x80, s14, s1, $0xb8;
	[tilespmem:$0x18D00] =	vst v63  }
0x1ac: {  	s28 =	sadd.s32 $0x32, s9  }
0x1ad: {  	[tilespmem:s0], [sflag:$0x6] =	stream.linear.gather [hbm4b:s28+s4], $0x50, $0x38;
	[tilespmem:$0x18D00] =	vst v63  }
0x1ae: {  	_ =	swait.ge [sflag:s22], $0x2800  }
0x1af: {  	[sflag:s22] =	ssyncset.done $0x0  }
0x1b0: {  	[sflag:s22] =	ssyncadd.s32 $0xFFFFD800  }
0x1b1: {  	_ =	swait.ge [sflag:s23], $0x50  }
0x1b2: {  	[sflag:s23] =	ssyncset.done $0x0  }
0x1b3: {  	[sflag:s23] =	ssyncadd.s32 $0xFFFFFFB0  }
0x1b4: {  	[spmem:s3] =	stream.indirect.scatter.add.f32 [tilespmem:s21], [sflag:$0x4], $0x80, s0, s1, $0xb8;
	[tilespmem:$0x18D00] =	vst v63  }
0x1b5: {  	_ =	swait.ge [sflag:s6], $0x2800  }
0x1b6: {  	[sflag:s6] =	ssyncset.done $0x0  }
0x1b7: {  	s7 =	rddreg [dreg:$0x9];
	[sflag:s6] =	ssyncadd.s32 $0xFFFFD800  }
0x1b8: {  	[tilespmem:s29], [sflag:$0x1] =	stream.indirect.gather [hbm4b:s2+s1], $0x80, s7, s1, $0xb8;
	[tilespmem:$0x18D00] =	vst v63  }
0x1b9: {  	s13 =	sadd.s32 $0x3C, s9  }
0x1ba: {  	[tilespmem:s31], [sflag:$0x5] =	stream.linear.gather [hbm4b:s13+s4], $0x50, $0x38;
	[tilespmem:$0x18D00] =	vst v63  }
0x1bb: {  	_ =	swait.ge [sflag:s19], $0x2800  }
0x1bc: {  	[sflag:s19] =	ssyncset.done $0x0  }
0x1bd: {  	[sflag:s19] =	ssyncadd.s32 $0xFFFFD800  }
0x1be: {  	_ =	swait.ge [sflag:s20], $0x50  }
0x1bf: {  	[sflag:s20] =	ssyncset.done $0x0  }
0x1c0: {  	[sflag:s20] =	ssyncadd.s32 $0xFFFFFFB0  }
0x1c1: {  	[spmem:s3] =	stream.indirect.scatter.add.f32 [tilespmem:s29], [sflag:$0x3], $0x80, s31, s1, $0xb8;
	[tilespmem:$0x18D00] =	vst v63  }
0x1c2: {  	_ =	swait.ge [sflag:s5], $0x2800  }
0x1c3: {  	[sflag:s5] =	ssyncset.done $0x0  }
0x1c4: {  	[sflag:s5] =	ssyncadd.s32 $0xFFFFD800  }
0x1c5: {  	[tilespmem:s21], [sflag:$0x2] =	stream.indirect.gather [hbm4b:s2+s1], $0x80, s24, s1, $0xb8;
	[tilespmem:$0x18D00] =	vst v63  }
0x1c6: {  	s14 =	sadd.s32 $0x46, s9  }
0x1c7: {  	[tilespmem:s0], [sflag:$0x6] =	stream.linear.gather [hbm4b:s14+s4], $0x50, $0x38;
	[tilespmem:$0x18D00] =	vst v63  }
0x1c8: {  	_ =	swait.ge [sflag:s22], $0x2800  }
0x1c9: {  	[sflag:s22] =	ssyncset.done $0x0  }
0x1ca: {  	[sflag:s22] =	ssyncadd.s32 $0xFFFFD800  }
0x1cb: {  	_ =	swait.ge [sflag:s23], $0x50  }
0x1cc: {  	[sflag:s23] =	ssyncset.done $0x0  }
0x1cd: {  	[sflag:s23] =	ssyncadd.s32 $0xFFFFFFB0  }
0x1ce: {  	[spmem:s3] =	stream.indirect.scatter.add.f32 [tilespmem:s21], [sflag:$0x4], $0x80, s0, s1, $0xb8;
	[tilespmem:$0x18D00] =	vst v63  }
0x1cf: {  	_ =	swait.ge [sflag:s6], $0x2800  }
0x1d0: {  	[sflag:s6] =	ssyncset.done $0x0  }
0x1d1: {  	[sflag:s6] =	ssyncadd.s32 $0xFFFFD800  }
0x1d2: {  	[tilespmem:s29], [sflag:$0x1] =	stream.indirect.gather [hbm4b:s2+s1], $0x80, s25, s1, $0xb8;
	[tilespmem:$0x18D00] =	vst v63  }
0x1d3: {  	s28 =	sadd.s32 $0x50, s9  }
0x1d4: {  	[tilespmem:s31], [sflag:$0x5] =	stream.linear.gather [hbm4b:s28+s4], $0x50, $0x38;
	[tilespmem:$0x18D00] =	vst v63  }
0x1d5: {  	_ =	swait.ge [sflag:s19], $0x2800  }
0x1d6: {  	[sflag:s19] =	ssyncset.done $0x0  }
0x1d7: {  	[sflag:s19] =	ssyncadd.s32 $0xFFFFD800  }
0x1d8: {  	_ =	swait.ge [sflag:s20], $0x50  }
0x1d9: {  	[sflag:s20] =	ssyncset.done $0x0  }
0x1da: {  	[sflag:s20] =	ssyncadd.s32 $0xFFFFFFB0  }
0x1db: {  	[spmem:s3] =	stream.indirect.scatter.add.f32 [tilespmem:s29], [sflag:$0x3], $0x80, s31, s1, $0xb8;
	[tilespmem:$0x18D00] =	vst v63  }
0x1dc: {  	_ =	swait.ge [sflag:s5], $0x2800  }
0x1dd: {  	[sflag:s5] =	ssyncset.done $0x0  }
0x1de: {  	[sflag:s5] =	ssyncadd.s32 $0xFFFFD800  }
0x1df: {  	[tilespmem:s21], [sflag:$0x2] =	stream.indirect.gather [hbm4b:s2+s1], $0x80, s26, s1, $0xb8;
	[tilespmem:$0x18D00] =	vst v63  }
0x1e0: {  	s9 =	sadd.s32 $0x5A, s9  }
0x1e1: {  	[tilespmem:s0], [sflag:$0x6] =	stream.linear.gather [hbm4b:s9+s4], $0x50, $0x38;
	[tilespmem:$0x18D00] =	vst v63  }
0x1e2: {  	_ =	swait.ge [sflag:s22], $0x2800  }
0x1e3: {  	s8 =	sadd.s32 $0x64, s8;
	[sflag:s22] =	ssyncset.done $0x0  }
0x1e4: {  	p2 =	seq.s32 s8, $0x9C4;
	[sflag:s22] =	ssyncadd.s32 $0xFFFFD800  }
.Ltmp5:
0x1e5: {  	_ =	swait.ge [sflag:s23], $0x50;
	(pc) =	sbr.rel @!p2 .LBB2_3-.Ltmp5, $4  }
0x1e6: {  	[sflag:s23] =	ssyncset.done $0x0  }
0x1e7: {  	[sflag:s23] =	ssyncadd.s32 $0xFFFFFFB0  }
0x1e8: {  	[spmem:s3] =	stream.indirect.scatter.add.f32 [tilespmem:s21], [sflag:$0x4], $0x80, s0, s1, $0xb8;
	[tilespmem:$0x18D00] =	vst v63  }
0x1e9: {  	_ =	swait.ge [sflag:s6], $0x2800  }
0x1ea: {  	s8 =	rddreg [dreg:$0x4];
	[sflag:s6] =	ssyncset.done $0x0  }
0x1eb: {  	[sflag:s6] =	ssyncadd.s32 $0xFFFFD800;
	s8 =	sadd.s32 s18, s8  }
0x1ec: {  	[tilespmem:s4], [sflag:$0x7] =	stream.linear.gather [hbm4b:s8+s4], $0x320, $0x38;
	[tilespmem:$0x18D00] =	vst v63  }
0x1ed: {  	_ =	swait.ge [sflag:s30], $0x320  }
0x1ee: {  	[sflag:s30] =	ssyncset.done $0x0  }
0x1ef: {  	s8 =	sadd.s32 s18, s16;
	[sflag:s30] =	ssyncadd.s32 $0xFFFFFCE0  }
0x1f0: {  	[tilespmem:s31], [sflag:$0x5] =	stream.linear.gather [hbm4b:s8+s4], $0x50, $0x38;
	[tilespmem:$0x18D00] =	vst v63  }
0x1f1: {  	_ = 	snop  }
0x1f2: {  	[tilespmem:s29], [sflag:$0x1] =	stream.indirect.gather [hbm4b:s2+s1], $0x80, s4, s1, $0xb8;
	[tilespmem:$0x18D00] =	vst v63  }
0x1f3: {  	_ =	swait.ge [sflag:s19], $0x2800  }
0x1f4: {  	[sflag:s19] =	ssyncset.done $0x0  }
0x1f5: {  	[sflag:s19] =	ssyncadd.s32 $0xFFFFD800  }
0x1f6: {  	_ =	swait.ge [sflag:s20], $0x50  }
0x1f7: {  	p2 =	seq.s32 s18, $0x0;
	[sflag:s20] =	ssyncset.done $0x0  }
0x1f8: {  	s9 =	simm.s32 @!p2 $0x4;
	[sflag:s20] =	ssyncadd.s32 $0xFFFFFFB0  }
0x1f9: {  	[spmem:s3] =	stream.indirect.scatter.add.f32 [tilespmem:s29], [sflag:$0x3], $0x80, s31, s1, $0xb8;
	[tilespmem:$0x18D00] =	vst v63  }
0x1fa: {  	_ =	swait.ge @!p2 [sflag:s9], $0x2800  }
0x1fb: {  	[sflag:s9] =	ssyncset.done @!p2 $0x0  }
0x1fc: {  	[sflag:s9] =	ssyncadd.s32 @!p2 $0xFFFFD800  }
0x1fd: {  	[tilespmem:s21], [sflag:$0x2] =	stream.indirect.gather [hbm4b:s2+s1], $0x80, s1, s1, $0xb8;
	[tilespmem:$0x18D00] =	vst v63  }
0x1fe: {  	s13 =	sadd.s32 $0xA, s8  }
0x1ff: {  	[tilespmem:s0], [sflag:$0x6] =	stream.linear.gather [hbm4b:s13+s4], $0x50, $0x38;
	[tilespmem:$0x18D00] =	vst v63  }
0x200: {  	_ =	swait.ge [sflag:s22], $0x2800  }
0x201: {  	[sflag:s22] =	ssyncset.done $0x0  }
0x202: {  	[sflag:s22] =	ssyncadd.s32 $0xFFFFD800  }
0x203: {  	_ =	swait.ge [sflag:s23], $0x50  }
0x204: {  	[sflag:s23] =	ssyncset.done $0x0  }
0x205: {  	[sflag:s23] =	ssyncadd.s32 $0xFFFFFFB0  }
0x206: {  	[spmem:s3] =	stream.indirect.scatter.add.f32 [tilespmem:s21], [sflag:$0x4], $0x80, s0, s1, $0xb8;
	[tilespmem:$0x18D00] =	vst v63  }
0x207: {  	_ =	swait.ge [sflag:s6], $0x2800  }
0x208: {  	[sflag:s6] =	ssyncset.done $0x0  }
0x209: {  	s14 =	rddreg [dreg:$0x5];
	[sflag:s6] =	ssyncadd.s32 $0xFFFFD800  }
0x20a: {  	[tilespmem:s29], [sflag:$0x1] =	stream.indirect.gather [hbm4b:s2+s1], $0x80, s14, s1, $0xb8;
	[tilespmem:$0x18D00] =	vst v63  }
0x20b: {  	s18 =	sadd.s32 $0x14, s8  }
0x20c: {  	[tilespmem:s31], [sflag:$0x5] =	stream.linear.gather [hbm4b:s18+s4], $0x50, $0x38;
	[tilespmem:$0x18D00] =	vst v63  }
0x20d: {  	_ =	swait.ge [sflag:s19], $0x2800  }
0x20e: {  	[sflag:s19] =	ssyncset.done $0x0  }
0x20f: {  	[sflag:s19] =	ssyncadd.s32 $0xFFFFD800  }
0x210: {  	_ =	swait.ge [sflag:s20], $0x50  }
0x211: {  	[sflag:s20] =	ssyncset.done $0x0  }
0x212: {  	[sflag:s20] =	ssyncadd.s32 $0xFFFFFFB0  }
0x213: {  	[spmem:s3] =	stream.indirect.scatter.add.f32 [tilespmem:s29], [sflag:$0x3], $0x80, s31, s1, $0xb8;
	[tilespmem:$0x18D00] =	vst v63  }
0x214: {  	_ =	swait.ge [sflag:s5], $0x2800  }
0x215: {  	[sflag:s5] =	ssyncset.done $0x0  }
0x216: {  	s7 =	rddreg [dreg:$0x6];
	[sflag:s5] =	ssyncadd.s32 $0xFFFFD800  }
0x217: {  	[tilespmem:s21], [sflag:$0x2] =	stream.indirect.gather [hbm4b:s2+s1], $0x80, s7, s1, $0xb8;
	[tilespmem:$0x18D00] =	vst v63  }
0x218: {  	s10 =	sadd.s32 $0x1E, s8  }
0x219: {  	[tilespmem:s0], [sflag:$0x6] =	stream.linear.gather [hbm4b:s10+s4], $0x50, $0x38;
	[tilespmem:$0x18D00] =	vst v63  }
0x21a: {  	_ =	swait.ge [sflag:s22], $0x2800  }
0x21b: {  	[sflag:s22] =	ssyncset.done $0x0  }
0x21c: {  	[sflag:s22] =	ssyncadd.s32 $0xFFFFD800  }
0x21d: {  	_ =	swait.ge [sflag:s23], $0x50  }
0x21e: {  	[sflag:s23] =	ssyncset.done $0x0  }
0x21f: {  	[sflag:s23] =	ssyncadd.s32 $0xFFFFFFB0  }
0x220: {  	[spmem:s3] =	stream.indirect.scatter.add.f32 [tilespmem:s21], [sflag:$0x4], $0x80, s0, s1, $0xb8;
	[tilespmem:$0x18D00] =	vst v63  }
0x221: {  	_ =	swait.ge [sflag:s6], $0x2800  }
0x222: {  	[sflag:s6] =	ssyncset.done $0x0  }
0x223: {  	s13 =	rddreg [dreg:$0x7];
	[sflag:s6] =	ssyncadd.s32 $0xFFFFD800  }
0x224: {  	[tilespmem:s29], [sflag:$0x1] =	stream.indirect.gather [hbm4b:s2+s1], $0x80, s13, s1, $0xb8;
	[tilespmem:$0x18D00] =	vst v63  }
0x225: {  	s14 =	sadd.s32 $0x28, s8  }
0x226: {  	[tilespmem:s31], [sflag:$0x5] =	stream.linear.gather [hbm4b:s14+s4], $0x50, $0x38;
	[tilespmem:$0x18D00] =	vst v63  }
0x227: {  	_ =	swait.ge [sflag:s19], $0x2800  }
0x228: {  	[sflag:s19] =	ssyncset.done $0x0  }
0x229: {  	[sflag:s19] =	ssyncadd.s32 $0xFFFFD800  }
0x22a: {  	_ =	swait.ge [sflag:s20], $0x50  }
0x22b: {  	[sflag:s20] =	ssyncset.done $0x0  }
0x22c: {  	[sflag:s20] =	ssyncadd.s32 $0xFFFFFFB0  }
0x22d: {  	[spmem:s3] =	stream.indirect.scatter.add.f32 [tilespmem:s29], [sflag:$0x3], $0x80, s31, s1, $0xb8;
	[tilespmem:$0x18D00] =	vst v63  }
0x22e: {  	_ =	swait.ge [sflag:s5], $0x2800  }
0x22f: {  	[sflag:s5] =	ssyncset.done $0x0  }
0x230: {  	s18 =	rddreg [dreg:$0x8];
	[sflag:s5] =	ssyncadd.s32 $0xFFFFD800  }
0x231: {  	[tilespmem:s21], [sflag:$0x2] =	stream.indirect.gather [hbm4b:s2+s1], $0x80, s18, s1, $0xb8;
	[tilespmem:$0x18D00] =	vst v63  }
0x232: {  	s7 =	sadd.s32 $0x32, s8  }
0x233: {  	[tilespmem:s0], [sflag:$0x6] =	stream.linear.gather [hbm4b:s7+s4], $0x50, $0x38;
	[tilespmem:$0x18D00] =	vst v63  }
0x234: {  	_ =	swait.ge [sflag:s22], $0x2800  }
0x235: {  	[sflag:s22] =	ssyncset.done $0x0  }
0x236: {  	[sflag:s22] =	ssyncadd.s32 $0xFFFFD800  }
0x237: {  	_ =	swait.ge [sflag:s23], $0x50  }
0x238: {  	[sflag:s23] =	ssyncset.done $0x0  }
0x239: {  	[sflag:s23] =	ssyncadd.s32 $0xFFFFFFB0  }
0x23a: {  	[spmem:s3] =	stream.indirect.scatter.add.f32 [tilespmem:s21], [sflag:$0x4], $0x80, s0, s1, $0xb8;
	[tilespmem:$0x18D00] =	vst v63  }
0x23b: {  	_ =	swait.ge [sflag:s6], $0x2800  }
0x23c: {  	[sflag:s6] =	ssyncset.done $0x0  }
0x23d: {  	s10 =	rddreg [dreg:$0x9];
	[sflag:s6] =	ssyncadd.s32 $0xFFFFD800  }
0x23e: {  	[tilespmem:s29], [sflag:$0x1] =	stream.indirect.gather [hbm4b:s2+s1], $0x80, s10, s1, $0xb8;
	[tilespmem:$0x18D00] =	vst v63  }
0x23f: {  	s13 =	sadd.s32 $0x3C, s8  }
0x240: {  	[tilespmem:s31], [sflag:$0x5] =	stream.linear.gather [hbm4b:s13+s4], $0x50, $0x38;
	[tilespmem:$0x18D00] =	vst v63  }
0x241: {  	_ =	swait.ge [sflag:s19], $0x2800  }
0x242: {  	[sflag:s19] =	ssyncset.done $0x0  }
0x243: {  	[sflag:s19] =	ssyncadd.s32 $0xFFFFD800  }
0x244: {  	_ =	swait.ge [sflag:s20], $0x50  }
0x245: {  	[sflag:s20] =	ssyncset.done $0x0  }
0x246: {  	[sflag:s20] =	ssyncadd.s32 $0xFFFFFFB0  }
0x247: {  	[spmem:s3] =	stream.indirect.scatter.add.f32 [tilespmem:s29], [sflag:$0x3], $0x80, s31, s1, $0xb8;
	[tilespmem:$0x18D00] =	vst v63  }
0x248: {  	_ =	swait.ge [sflag:s5], $0x2800  }
0x249: {  	[sflag:s5] =	ssyncset.done $0x0  }
0x24a: {  	[sflag:s5] =	ssyncadd.s32 $0xFFFFD800  }
0x24b: {  	[tilespmem:s21], [sflag:$0x2] =	stream.indirect.gather [hbm4b:s2+s1], $0x80, s24, s1, $0xb8;
	[tilespmem:$0x18D00] =	vst v63  }
0x24c: {  	s14 =	sadd.s32 $0x46, s8  }
0x24d: {  	[tilespmem:s0], [sflag:$0x6] =	stream.linear.gather [hbm4b:s14+s4], $0x50, $0x38;
	[tilespmem:$0x18D00] =	vst v63  }
0x24e: {  	_ =	swait.ge [sflag:s22], $0x2800  }
0x24f: {  	[sflag:s22] =	ssyncset.done $0x0  }
0x250: {  	[sflag:s22] =	ssyncadd.s32 $0xFFFFD800  }
0x251: {  	_ =	swait.ge [sflag:s23], $0x50  }
0x252: {  	[sflag:s23] =	ssyncset.done $0x0  }
0x253: {  	[sflag:s23] =	ssyncadd.s32 $0xFFFFFFB0  }
0x254: {  	[spmem:s3] =	stream.indirect.scatter.add.f32 [tilespmem:s21], [sflag:$0x4], $0x80, s0, s1, $0xb8;
	[tilespmem:$0x18D00] =	vst v63  }
0x255: {  	_ =	swait.ge [sflag:s6], $0x2800  }
0x256: {  	[sflag:s6] =	ssyncset.done $0x0  }
0x257: {  	[sflag:s6] =	ssyncadd.s32 $0xFFFFD800  }
0x258: {  	[tilespmem:s29], [sflag:$0x1] =	stream.indirect.gather [hbm4b:s2+s1], $0x80, s25, s1, $0xb8;
	[tilespmem:$0x18D00] =	vst v63  }
0x259: {  	s18 =	sadd.s32 $0x50, s8  }
0x25a: {  	[tilespmem:s31], [sflag:$0x5] =	stream.linear.gather [hbm4b:s18+s4], $0x50, $0x38;
	[tilespmem:$0x18D00] =	vst v63  }
0x25b: {  	_ =	swait.ge [sflag:s19], $0x2800  }
0x25c: {  	[sflag:s19] =	ssyncset.done $0x0  }
0x25d: {  	[sflag:s19] =	ssyncadd.s32 $0xFFFFD800  }
0x25e: {  	_ =	swait.ge [sflag:s20], $0x50  }
0x25f: {  	[sflag:s20] =	ssyncset.done $0x0  }
0x260: {  	[sflag:s20] =	ssyncadd.s32 $0xFFFFFFB0  }
0x261: {  	[spmem:s3] =	stream.indirect.scatter.add.f32 [tilespmem:s29], [sflag:$0x3], $0x80, s31, s1, $0xb8;
	[tilespmem:$0x18D00] =	vst v63  }
0x262: {  	_ =	swait.ge [sflag:s5], $0x2800  }
0x263: {  	[sflag:s5] =	ssyncset.done $0x0  }
0x264: {  	[sflag:s5] =	ssyncadd.s32 $0xFFFFD800  }
0x265: {  	[tilespmem:s21], [sflag:$0x2] =	stream.indirect.gather [hbm4b:s2+s1], $0x80, s26, s1, $0xb8;
	[tilespmem:$0x18D00] =	vst v63  }
0x266: {  	s8 =	sadd.s32 $0x5A, s8  }
0x267: {  	[tilespmem:s0], [sflag:$0x6] =	stream.linear.gather [hbm4b:s8+s4], $0x50, $0x38;
	[tilespmem:$0x18D00] =	vst v63  }
0x268: {  	_ =	swait.ge [sflag:s22], $0x2800  }
0x269: {  	[sflag:s22] =	ssyncset.done $0x0  }
0x26a: {  	[sflag:s22] =	ssyncadd.s32 $0xFFFFD800  }
0x26b: {  	_ =	swait.ge [sflag:s23], $0x50  }
0x26c: {  	[sflag:s23] =	ssyncset.done $0x0  }
0x26d: {  	[sflag:s23] =	ssyncadd.s32 $0xFFFFFFB0  }
0x26e: {  	[spmem:s3] =	stream.indirect.scatter.add.f32 [tilespmem:s21], [sflag:$0x4], $0x80, s0, s1, $0xb8;
	[tilespmem:$0x18D00] =	vst v63  }
0x26f: {  	_ =	swait.ge [sflag:s6], $0x2800  }
.Ltmp6:
0x270: {  	s7 =	rddreg [dreg:$0xc];
	(pc) =	sbr.rel .LBB2_8-.Ltmp6, $4  }
0x271: {  	s10 =	rddreg [dreg:$0x11]  }
0x272: {  	s28 =	rddreg [dreg:$0xe]  }
0x273: {  	[sflag:s6] =	ssyncset.done $0x0;
	s18 =	rddreg [dreg:$0xf]  }
0x274: {  	s13 =	rddreg [dreg:$0x10];
	[sflag:s6] =	ssyncadd.s32 $0xFFFFD800  }
.LBB2_9:
0x275: {  	_ =	sfence.sel $0x180000  }
0x276: {  	[bflag:$0x0] =	sbarrier.arrive $0xFFFF  }
0x277: {  	_ =	strace $0x90000047  }
0x278: {  	s0 =	stileid.u32;
	[bflag:$0x2] =	sbarrier.arrive $0xFFFF  }
0x279: {  	p0 =	sne.s32 s0, $0x0;
	s0 =	rddreg [dreg:$0x3]  }
0x27a: {  	s0 =	sadd.s32 @!p0 $0x100000, s0  }
0x27b: {  	[sflag:s0] =	ssyncadd.tile.s32 @!p0 $0x1;
	_ =	shalt  }
.Lfunc_end2:
_tile_overlayer_lowered:
.L_overlay_start_2:
0x27c: {  	(tag) =	ssettag $0x2  }
0x27d: {  	s0 =	rddreg [dreg:$0x0];
	s2 =	stileid.u32  }
0x27e: {  	s1 =	rddreg [dreg:$0x1];
	p0 =	sne.s32 s2, $0x0  }
0x27f: {  	s3 =	rddreg [dreg:$0x2];
	[bflag:$0x3] =	sbarrier.arrive $0xFFFF;
	s2 =	simm.s32 @!p0 $0x1C07  }
0x280: {  	[timem:s3], [sflag:s2] =	dma.local @!p0 [hbm:s0], s1  }
0x281: {  	s0 =	simm.s32 @!p0 $0x7  }
0x282: {  	_ =	swait.ge @!p0 [sflag:s0], s1  }
0x283: {  	s1 =	ssub.s32 @!p0 $0x0, s1;
	[sflag:s0] =	ssyncset.done @!p0 $0x0  }
0x284: {  	[sflag:s0] =	ssyncadd.s32 @!p0 s1  }
0x285: {  	[bflag:$0x3] =	sbarrier.arrive $0xFFFF  }
0x286: {  	_ =	shalt  }

</sc_bundles>
